<compile_context>
chip_gen: v7x
topology: tpu7x:2x2x1
jax: 0.10.2.dev20260603
libtpu: 0.0.44.dev20260713+nightly
codegen_flags: <defaults>
</compile_context>

<pallas_src>
import functools

import jax
import jax.numpy as jnp
from jax import lax
from jax.experimental import pallas as pl
from jax.experimental.pallas import tpu as pltpu
from jax.experimental.pallas import tpu_sc as plsc

N = 50000
E = 800000
F_IN = 44
H = 128
B = 64
SF = 33

BLK = 1024
NBLK = 49
NP = NBLK * BLK
NSUB = 16
NCORE = 2
CHUNK = 128
SUP = 2
EP = 819200
ROWS_SUB = NP // NSUB
NSUP = EP // (CHUNK * SUP)
W = 64



@functools.cache
def _make_sc_agg(mode):
  mesh = plsc.VectorSubcoreMesh(core_axis_name="c", subcore_axis_name="s",
                                num_cores=NCORE, num_subcores=NSUB)
  nsup_w = NSUP // (NCORE * NSUB) if mode == "edges" else NSUP // NSUB

  @functools.partial(
      pl.kernel,
      out_type=jax.ShapeDtypeStruct((2, NP, W), jnp.bfloat16),
      mesh=mesh,
      compiler_params=pltpu.CompilerParams(use_tc_tiling_on_sc=False),
      scratch_types=[
          pltpu.VMEM_SHARED((NP, W), jnp.bfloat16),
          pltpu.VMEM((2, SUP, CHUNK), jnp.int32),
          pltpu.VMEM((2, SUP, CHUNK), jnp.int32),
          pltpu.VMEM((SUP, CHUNK, W), jnp.bfloat16),
          pltpu.VMEM((SUP, CHUNK, W), jnp.bfloat16),
          pltpu.SemaphoreType.DMA,
          pltpu.SemaphoreType.DMA,
          pltpu.SemaphoreType.DMA,
          pltpu.SemaphoreType.DMA,
          pltpu.SemaphoreType.DMA,
          pltpu.SemaphoreType.DMA,
      ],
  )
  def agg(esup_hbm, table_hbm, zeros_hbm, out_hbm,
          acc, idx_a, idx_b, rows_a, rows_b,
          gsem_a, gsem_b, isem_a, isem_b, ssem_a, ssem_b):
    cid = lax.axis_index("c")
    sid = lax.axis_index("s")
    row0 = sid * ROWS_SUB
    if mode == "edges":
      sup0 = (cid * NSUB + sid) * nsup_w
      table_p = table_hbm
    else:
      sup0 = sid * nsup_w
      table_p = table_hbm.at[cid]
    sup_end = sup0 + nsup_w

    pltpu.sync_copy(zeros_hbm, acc.at[pl.ds(row0, ROWS_SUB)])
    plsc.subcore_barrier()

    def fire_gathers(idx_v, rows_v, gsem):
      for b in range(SUP):
        pltpu.async_copy(table_p.at[idx_v.at[0, b]], rows_v.at[b], gsem)

    def drain_gather_fire_scatter(idx_v, rows_v, gsem, ssem):
      for b in range(SUP):
        pltpu.make_async_copy(
            table_p.at[idx_v.at[0, b]], rows_v.at[b], gsem).wait()
        pltpu.async_copy(rows_v.at[b], acc.at[idx_v.at[1, b]], ssem,
                         add=True)

    def drain_scatters(idx_v, rows_v, ssem):
      for b in range(SUP):
        pltpu.make_async_copy(rows_v.at[b], acc.at[idx_v.at[1, b]],
                              ssem).wait()

    def step(g, idx_c, rows_c, gsem_c, isem_c, ssem_c,
             idx_n, rows_n, gsem_n, isem_n, ssem_n):
      @pl.when(g + 1 < sup_end)
      def _():
        @pl.when(g > sup0)
        def _():
          drain_scatters(idx_n, rows_n, ssem_n)
        pltpu.make_async_copy(esup_hbm.at[g + 1], idx_n, isem_n).wait()
        fire_gathers(idx_n, rows_n, gsem_n)
      drain_gather_fire_scatter(idx_c, rows_c, gsem_c, ssem_c)
      @pl.when(g + 2 < sup_end)
      def _():
        pltpu.async_copy(esup_hbm.at[g + 2], idx_c, isem_c)

    pltpu.sync_copy(esup_hbm.at[sup0], idx_a)
    fire_gathers(idx_a, rows_a, gsem_a)
    pltpu.async_copy(esup_hbm.at[sup0 + 1], idx_b, isem_b)

    def body(gg, _):
      g0 = sup0 + 2 * gg
      step(g0, idx_a, rows_a, gsem_a, isem_a, ssem_a,
           idx_b, rows_b, gsem_b, isem_b, ssem_b)
      step(g0 + 1, idx_b, rows_b, gsem_b, isem_b, ssem_b,
           idx_a, rows_a, gsem_a, isem_a, ssem_a)
      return _

    lax.fori_loop(0, nsup_w // 2, body, None)
    drain_scatters(idx_a, rows_a, ssem_a)
    drain_scatters(idx_b, rows_b, ssem_b)
    plsc.subcore_barrier()
    pltpu.sync_copy(acc.at[pl.ds(row0, ROWS_SUB)],
                    out_hbm.at[cid].at[pl.ds(row0, ROWS_SUB)])

  return agg



def _xpanels_body(x_ref, o_ref):
  xb = x_ref[...].astype(jnp.bfloat16)
  ones = jnp.ones((BLK, 1), jnp.bfloat16)
  zeros = jnp.zeros((BLK, W - F_IN - 1), jnp.bfloat16)
  o_ref[...] = jnp.concatenate([xb, ones, zeros], axis=1)


def _xpanels(x):
  return pl.pallas_call(
      _xpanels_body,
      grid=(NBLK,),
      in_specs=[pl.BlockSpec((BLK, F_IN), lambda i: (i, 0))],
      out_specs=pl.BlockSpec((BLK, W), lambda i: (i, 0)),
      out_shape=jax.ShapeDtypeStruct((NP, W), jnp.bfloat16),
  )(x)


def _l1_body(agg_ref, x_ref, wl_ref, bl_ref, wr_ref, o_ref, d_ref):
  a = agg_ref[0].astype(jnp.float32) + agg_ref[1].astype(jnp.float32)
  deg = jnp.maximum(a[:, F_IN:F_IN + 1], 1.0)
  out = jnp.dot(a, wl_ref[...], preferred_element_type=jnp.float32)
  out = out / deg + bl_ref[...] + jnp.dot(
      x_ref[...], wr_ref[...], preferred_element_type=jnp.float32)
  nrm = jnp.sqrt(jnp.sum(out * out, axis=1, keepdims=True))
  out = jnp.maximum(out / jnp.maximum(nrm, 1e-12), 0.0).astype(jnp.bfloat16)
  for p in range(2):
    o_ref[p] = out[:, W * p:W * (p + 1)]
  d_ref[...] = deg


def _l1(agg1, x, wl1p, bl1, wr1t):
  return pl.pallas_call(
      _l1_body,
      grid=(NBLK,),
      in_specs=[
          pl.BlockSpec((2, BLK, W), lambda i: (0, i, 0)),
          pl.BlockSpec((BLK, F_IN), lambda i: (i, 0)),
          pl.BlockSpec((W, H), lambda i: (0, 0)),
          pl.BlockSpec((1, H), lambda i: (0, 0)),
          pl.BlockSpec((F_IN, H), lambda i: (0, 0)),
      ],
      out_specs=[
          pl.BlockSpec((2, BLK, W), lambda i: (0, i, 0)),
          pl.BlockSpec((BLK, 1), lambda i: (i, 0)),
      ],
      out_shape=[
          jax.ShapeDtypeStruct((2, NP, W), jnp.bfloat16),
          jax.ShapeDtypeStruct((NP, 1), jnp.float32),
      ],
  )(agg1, x, wl1p, bl1, wr1t)


def _l2r_body(agg_ref, hp_ref, d_ref, b_ref, wl_ref, bl_ref, wr_ref,
              data_ref, wsf_ref, bsf_ref, wf1_ref, bf1_ref,
              wf2_ref, bf2_ref, wp_ref, bp_ref, o_ref, acc_ref):
  i = pl.program_id(0)

  @pl.when(i == 0)
  def _():
    acc_ref[...] = jnp.full((B, H), -jnp.inf, jnp.float32)

  deg = d_ref[...]
  aggsum = jnp.zeros((BLK, H), jnp.float32)
  xsum = jnp.zeros((BLK, H), jnp.float32)
  for p in range(2):
    aggsum += jnp.dot(agg_ref[p].astype(jnp.float32),
                      wl_ref[W * p:W * (p + 1), :],
                      preferred_element_type=jnp.float32)
    xsum += jnp.dot(hp_ref[p].astype(jnp.float32),
                    wr_ref[W * p:W * (p + 1), :],
                    preferred_element_type=jnp.float32)
  out = aggsum / deg + bl_ref[...] + xsum
  nrm = jnp.sqrt(jnp.sum(out * out, axis=1, keepdims=True))
  hb = jnp.maximum(out / jnp.maximum(nrm, 1e-12), 0.0)

  bb = b_ref[...]
  lo = jnp.min(bb)
  hi = jnp.max(bb)
  for s in range(B):
    @pl.when(jnp.logical_and(lo <= s, s <= hi))
    def _():
      vals = jnp.where(bb == s, hb, -jnp.inf)
      acc_ref[s:s + 1] = jnp.maximum(acc_ref[s:s + 1],
                                     jnp.max(vals, axis=0, keepdims=True))

  @pl.when(i == NBLK - 1)
  def _():
    g = acc_ref[...]
    g = jnp.where(jnp.isfinite(g), g, 0.0)
    sfeat = jnp.maximum(
        jnp.dot(data_ref[...], wsf_ref[...],
                preferred_element_type=jnp.float32) + bsf_ref[...], 0.0)
    z = jnp.concatenate([g, sfeat], axis=1)
    z = jnp.maximum(
        jnp.dot(z, wf1_ref[...], preferred_element_type=jnp.float32)
        + bf1_ref[...], 0.0)
    z = jnp.maximum(
        jnp.dot(z, wf2_ref[...], preferred_element_type=jnp.float32)
        + bf2_ref[...], 0.0)
    o_ref[...] = jnp.dot(z, wp_ref[...],
                         preferred_element_type=jnp.float32) + bp_ref[...]


def _l2r(agg2, h1p, degv, batchp, wl2t, bl2, wr2t,
         data, wsft, bsf, wf1t, bf1, wf2t, bf2, wpt, bp):
  return pl.pallas_call(
      _l2r_body,
      grid=(NBLK,),
      in_specs=[
          pl.BlockSpec((2, BLK, W), lambda i: (0, i, 0)),
          pl.BlockSpec((2, BLK, W), lambda i: (0, i, 0)),
          pl.BlockSpec((BLK, 1), lambda i: (i, 0)),
          pl.BlockSpec((BLK, 1), lambda i: (i, 0)),
          pl.BlockSpec((H, H), lambda i: (0, 0)),
          pl.BlockSpec((1, H), lambda i: (0, 0)),
          pl.BlockSpec((H, H), lambda i: (0, 0)),
          pl.BlockSpec((B, SF), lambda i: (0, 0)),
          pl.BlockSpec((SF, H), lambda i: (0, 0)),
          pl.BlockSpec((1, H), lambda i: (0, 0)),
          pl.BlockSpec((2 * H, H), lambda i: (0, 0)),
          pl.BlockSpec((1, H), lambda i: (0, 0)),
          pl.BlockSpec((H, H), lambda i: (0, 0)),
          pl.BlockSpec((1, H), lambda i: (0, 0)),
          pl.BlockSpec((H, 1), lambda i: (0, 0)),
          pl.BlockSpec((1, 1), lambda i: (0, 0)),
      ],
      out_specs=pl.BlockSpec((B, 1), lambda i: (0, 0)),
      out_shape=jax.ShapeDtypeStruct((B, 1), jnp.float32),
      scratch_shapes=[pltpu.VMEM((B, H), jnp.float32)],
  )(agg2, h1p, degv, batchp, wl2t, bl2, wr2t,
    data, wsft, bsf, wf1t, bf1, wf2t, bf2, wpt, bp)



def kernel(x, edge_index, batch, data, Wl1, bl1, Wr1, Wl2, bl2, Wr2,
           Wsf, bsf, Wf1, bf1, Wf2, bf2, Wp, bp):
  src = edge_index[0]
  dst = edge_index[1]
  srcp = jnp.concatenate([src, jnp.zeros((EP - E,), jnp.int32)])
  dstp = jnp.concatenate([dst, jnp.full((EP - E,), N, jnp.int32)])
  esup = jnp.stack([srcp.reshape(NSUP, SUP, CHUNK),
                    dstp.reshape(NSUP, SUP, CHUNK)], axis=1)
  zeros_blk = jnp.zeros((ROWS_SUB, W), jnp.bfloat16)
  batchp = jnp.concatenate([batch, jnp.full((NP - N,), B, jnp.int32)])
  batchp = batchp.reshape(NP, 1)

  wl1p = jnp.pad(Wl1, ((0, 0), (0, W - F_IN))).T
  xc = _xpanels(x)
  agg1 = _make_sc_agg("edges")(esup, xc, zeros_blk)
  h1p, degv = _l1(agg1, x, wl1p, bl1.reshape(1, H), Wr1.T)
  agg2 = _make_sc_agg("cols")(esup, h1p, zeros_blk)
  return _l2r(agg2, h1p, degv, batchp, Wl2.T, bl2.reshape(1, H), Wr2.T,
              data, Wsf.T, bsf.reshape(1, H), Wf1.T, bf1.reshape(1, H),
              Wf2.T, bf2.reshape(1, H), Wp.T, bp.reshape(1, 1))

# --- scband reference (transcript-rebuilt; emitter-appended) ---
"""Pipeline reference for scband-graph-net-66262755442944 (READ-ONLY COPY).

The authoritative reference and input builder live on the scoring server;
editing this copy changes nothing except your own understanding.
"""

import jax, jax.numpy as jnp
import numpy as np

N = 50000
E = 800000
F_IN = 44
H = 128
FC = 128
B = 64
SF = 33

def _thomas(k, shape):
    s = 1.0 / np.sqrt(shape[-1])
    return jax.random.uniform(k, shape, minval=-s, maxval=s, dtype=jnp.float32)

def setup_inputs(seed: int = 0):
    key = jax.random.key(seed)
    ks = jax.random.split(key, 20)
    inp = {}
    inp["x"] = jax.random.normal(ks[0], (N, F_IN), dtype=jnp.float32)
    inp["edge_index"] = jax.random.randint(ks[1], (2, E), 0, N, dtype=jnp.int32)
    inp["batch"] = jnp.sort(jax.random.randint(ks[2], (N,), 0, B, dtype=jnp.int32))
    inp["data"] = jax.random.normal(ks[3], (B, SF), dtype=jnp.float32)
    inp["Wl1"] = _thomas(ks[4], (H, F_IN)); inp["bl1"] = _thomas(ks[5], (H,)); inp["Wr1"] = _thomas(ks[6], (H, F_IN))
    inp["Wl2"] = _thomas(ks[7], (H, H)); inp["bl2"] = _thomas(ks[8], (H,)); inp["Wr2"] = _thomas(ks[9], (H, H))
    inp["Wsf"] = _thomas(ks[10], (H, SF)); inp["bsf"] = _thomas(ks[11], (H,))
    inp["Wf1"] = _thomas(ks[12], (FC, 2 * H)); inp["bf1"] = _thomas(ks[13], (FC,))
    inp["Wf2"] = _thomas(ks[14], (FC, FC)); inp["bf2"] = _thomas(ks[15], (FC,))
    inp["Wp"] = _thomas(ks[16], (1, FC)); inp["bp"] = _thomas(ks[17], (1,))
    return inp

def _sage(x, src, dst, Wl, bl, Wr):
    ones = jnp.ones((src.shape[0],), dtype=x.dtype)
    deg = jax.ops.segment_sum(ones, dst, num_segments=N)
    agg = jax.ops.segment_sum(x[src], dst, num_segments=N)
    agg = agg / jnp.clip(deg, 1.0, None)[:, None]
    out = agg @ Wl.T + bl + x @ Wr.T
    nrm = jnp.sqrt(jnp.sum(out * out, axis=-1, keepdims=True))
    return out / jnp.maximum(nrm, 1e-12)

def reference(x, edge_index, batch, data, Wl1, bl1, Wr1, Wl2, bl2, Wr2, Wsf, bsf, Wf1, bf1, Wf2, bf2, Wp, bp):
    src = edge_index[0]
    dst = edge_index[1]
    h = jax.nn.relu(_sage(x, src, dst, Wl1, bl1, Wr1))
    h = jax.nn.relu(_sage(h, src, dst, Wl2, bl2, Wr2))
    g = jax.ops.segment_max(h, batch, num_segments=B)
    g = jnp.where(jnp.isfinite(g), g, 0.0)
    s = jax.nn.relu(data @ Wsf.T + bsf)
    z = jnp.concatenate([g, s], axis=1)
    z = jax.nn.relu(z @ Wf1.T + bf1)
    z = jax.nn.relu(z @ Wf2.T + bf2)
    return z @ Wp.T + bp

if __name__ == "__main__":
    import jax
    _d = setup_inputs()
    print(jax.jit(kernel)(*tuple(_d.values())))

</pallas_src>

<mosaic_0001>
#map = affine_map<(d0, d1) -> (0, 0, 0, 0)>
#map1 = affine_map<(d0, d1) -> (0, 0, 0)>
#map2 = affine_map<(d0, d1) -> (0, 0)>
module attributes {stable_mosaic.version = 14 : i64} {
  func.func @agg(%arg0: i32, %arg1: i32, %arg2: memref<3200x2x2x128xi32, #tpu.memory_space<hbm>>, %arg3: memref<2x50176x64xbf16, #tpu.memory_space<hbm>>, %arg4: memref<3136x64xbf16, #tpu.memory_space<hbm>>, %arg5: memref<2x50176x64xbf16, #tpu.memory_space<hbm>>, %arg6: memref<50176x64xbf16, #tpu.memory_space<vmem_shared>>, %arg7: memref<2x2x128xi32, #tpu.memory_space<vmem>>, %arg8: memref<2x2x128xi32, #tpu.memory_space<vmem>>, %arg9: memref<2x128x64xbf16, #tpu.memory_space<vmem>>, %arg10: memref<2x128x64xbf16, #tpu.memory_space<vmem>>, %arg11: memref<!tpu.dma_semaphore, #tpu.memory_space<semaphore_mem>>, %arg12: memref<!tpu.dma_semaphore, #tpu.memory_space<semaphore_mem>>, %arg13: memref<!tpu.dma_semaphore, #tpu.memory_space<semaphore_mem>>, %arg14: memref<!tpu.dma_semaphore, #tpu.memory_space<semaphore_mem>>, %arg15: memref<!tpu.dma_semaphore, #tpu.memory_space<semaphore_mem>>, %arg16: memref<!tpu.dma_semaphore, #tpu.memory_space<semaphore_mem>>) attributes {dimension_semantics = [#tpu.dimension_semantics<core_parallel>, #tpu.dimension_semantics<subcore_parallel>], iteration_bounds = array<i64: 2, 16>, scalar_prefetch = 0 : i64, scratch_operands = 11 : i64, tpu.core_type = #tpu.core_type<sc_vector_subcore>, window_params = [{transform_indices = #map}, {transform_indices = #map1}, {transform_indices = #map2}, {transform_indices = #map1}]} {
    %mul3A = arith.constant 3136 : i32
    %mul3A_0 = arith.muli %arg1, %mul3A : i32
    %mul3A_1 = arith.constant 200 : i32
    %mul3A_2 = arith.muli %arg1, %mul3A_1 : i32
    %add3A = arith.constant 200 : i32
    %add3A_3 = arith.addi %mul3A_2, %add3A : i32
    "tpu.region"() ({
      %run_scoped3A = tpu.sem_alloc : memref<!tpu.dma_semaphore, #tpu.memory_space<semaphore_mem>>
      %dma_start3A_105 = arith.constant 0 : i32
      %dma_start3A_106 = tpu.memref_slice %arg6[%mul3A_0, %dma_start3A_105] : memref<50176x64xbf16, #tpu.memory_space<vmem_shared>> -> memref<3136x64xbf16, #tpu.memory_space<vmem_shared>>
      tpu.enqueue_dma source(%arg4 : memref<3136x64xbf16, #tpu.memory_space<hbm>>) target(%dma_start3A_106 : memref<3136x64xbf16, #tpu.memory_space<vmem_shared>>) target_semaphore(%run_scoped3A : memref<!tpu.dma_semaphore, #tpu.memory_space<semaphore_mem>>)
      %dma_wait3A_107 = arith.constant 0 : i32
      %dma_wait3A_108 = tpu.memref_slice %arg6[%mul3A_0, %dma_wait3A_107] : memref<50176x64xbf16, #tpu.memory_space<vmem_shared>> -> memref<3136x64xbf16, #tpu.memory_space<vmem_shared>>
      tpu.wait_dma2 semaphore(%run_scoped3A : memref<!tpu.dma_semaphore, #tpu.memory_space<semaphore_mem>>) src(%arg4 : memref<3136x64xbf16, #tpu.memory_space<hbm>>) dst(%dma_wait3A_108 : memref<3136x64xbf16, #tpu.memory_space<vmem_shared>>)
      tpu.yield
    }) : () -> ()
    %barrier3A = arith.constant 0 : index
    tpu.barrier barrier_id(%barrier3A)
    "tpu.region"() ({
      %run_scoped3A = tpu.sem_alloc : memref<!tpu.dma_semaphore, #tpu.memory_space<semaphore_mem>>
      %dma_start3A_105 = arith.constant 0 : i32
      %dma_start3A_106 = arith.constant 0 : i32
      %dma_start3A_107 = arith.constant 0 : i32
      %dma_start3A_108 = tpu.memref_slice %arg2[%mul3A_2, %dma_start3A_105, %dma_start3A_106, %dma_start3A_107] : memref<3200x2x2x128xi32, #tpu.memory_space<hbm>> -> memref<1x2x2x128xi32, #tpu.memory_space<hbm>>
      %dma_start3A_109 = tpu.memref_squeeze %dma_start3A_108 : memref<1x2x2x128xi32, #tpu.memory_space<hbm>> -> memref<2x2x128xi32, #tpu.memory_space<hbm>>
      %dma_start3A_110 = arith.constant 0 : i32
      %dma_start3A_111 = arith.constant 0 : i32
      %dma_start3A_112 = arith.constant 0 : i32
      %dma_start3A_113 = tpu.memref_slice %arg2[%mul3A_2, %dma_start3A_110, %dma_start3A_111, %dma_start3A_112] : memref<3200x2x2x128xi32, #tpu.memory_space<hbm>> -> memref<1x2x2x128xi32, #tpu.memory_space<hbm>>
      %dma_start3A_114 = tpu.memref_squeeze %dma_start3A_113 : memref<1x2x2x128xi32, #tpu.memory_space<hbm>> -> memref<2x2x128xi32, #tpu.memory_space<hbm>>
      tpu.enqueue_dma source(%dma_start3A_114 : memref<2x2x128xi32, #tpu.memory_space<hbm>>) target(%arg7 : memref<2x2x128xi32, #tpu.memory_space<vmem>>) target_semaphore(%run_scoped3A : memref<!tpu.dma_semaphore, #tpu.memory_space<semaphore_mem>>)
      %dma_wait3A_115 = arith.constant 0 : i32
      %dma_wait3A_116 = arith.constant 0 : i32
      %dma_wait3A_117 = arith.constant 0 : i32
      %dma_wait3A_118 = tpu.memref_slice %arg2[%mul3A_2, %dma_wait3A_115, %dma_wait3A_116, %dma_wait3A_117] : memref<3200x2x2x128xi32, #tpu.memory_space<hbm>> -> memref<1x2x2x128xi32, #tpu.memory_space<hbm>>
      %dma_wait3A_119 = tpu.memref_squeeze %dma_wait3A_118 : memref<1x2x2x128xi32, #tpu.memory_space<hbm>> -> memref<2x2x128xi32, #tpu.memory_space<hbm>>
      %dma_wait3A_120 = arith.constant 0 : i32
      %dma_wait3A_121 = arith.constant 0 : i32
      %dma_wait3A_122 = arith.constant 0 : i32
      %dma_wait3A_123 = tpu.memref_slice %arg2[%mul3A_2, %dma_wait3A_120, %dma_wait3A_121, %dma_wait3A_122] : memref<3200x2x2x128xi32, #tpu.memory_space<hbm>> -> memref<1x2x2x128xi32, #tpu.memory_space<hbm>>
      %dma_wait3A_124 = tpu.memref_squeeze %dma_wait3A_123 : memref<1x2x2x128xi32, #tpu.memory_space<hbm>> -> memref<2x2x128xi32, #tpu.memory_space<hbm>>
      tpu.wait_dma2 semaphore(%run_scoped3A : memref<!tpu.dma_semaphore, #tpu.memory_space<semaphore_mem>>) src(%dma_wait3A_124 : memref<2x2x128xi32, #tpu.memory_space<hbm>>) dst(%arg7 : memref<2x2x128xi32, #tpu.memory_space<vmem>>)
      tpu.yield
    }) : () -> ()
    %dma_start3A = arith.constant 0 : i32
    %dma_start3A_4 = arith.constant 0 : i32
    %dma_start3A_5 = arith.constant 0 : i32
    %dma_start3A_6 = arith.constant 0 : i32
    %dma_start3A_7 = arith.constant 0 : i32
    %dma_start3A_8 = tpu.memref_slice %arg9[%dma_start3A_5, %dma_start3A_6, %dma_start3A_7] : memref<2x128x64xbf16, #tpu.memory_space<vmem>> -> memref<1x128x64xbf16, #tpu.memory_space<vmem>>
    %dma_start3A_9 = tpu.memref_squeeze %dma_start3A_8 : memref<1x128x64xbf16, #tpu.memory_space<vmem>> -> memref<128x64xbf16, #tpu.memory_space<vmem>>
    %dma_start3A_10 = arith.constant 0 : i32
    %dma_start3A_11 = tpu.memref_slice %arg7[%dma_start3A, %dma_start3A_4, %dma_start3A_10] : memref<2x2x128xi32, #tpu.memory_space<vmem>> -> memref<1x1x128xi32, #tpu.memory_space<vmem>>
    %dma_start3A_12 = tpu.memref_squeeze %dma_start3A_11 : memref<1x1x128xi32, #tpu.memory_space<vmem>> -> memref<128xi32, #tpu.memory_space<vmem>>
    %dma_start3A_13 = arith.constant 0 : i32
    %dma_start3A_14 = arith.constant 0 : i32
    %dma_start3A_15 = tpu.memref_slice %arg3[%arg0, %dma_start3A_13, %dma_start3A_14] : memref<2x50176x64xbf16, #tpu.memory_space<hbm>> -> memref<1x50176x64xbf16, #tpu.memory_space<hbm>>
    %dma_start3A_16 = tpu.memref_squeeze %dma_start3A_15 : memref<1x50176x64xbf16, #tpu.memory_space<hbm>> -> memref<50176x64xbf16, #tpu.memory_space<hbm>>
    %dma_start3A_17 = arith.constant 0 : i32
    %dma_start3A_18 = arith.constant 0 : i32
    %dma_start3A_19 = tpu.memref_slice %dma_start3A_16[%dma_start3A_17, %dma_start3A_18] : memref<50176x64xbf16, #tpu.memory_space<hbm>> -> memref<50176x64xbf16, #tpu.memory_space<hbm>>
    tpu.enqueue_indirect_dma source(%dma_start3A_19 : memref<50176x64xbf16, #tpu.memory_space<hbm>>) target(%dma_start3A_9 : memref<128x64xbf16, #tpu.memory_space<vmem>>) offsets(%dma_start3A_12 : memref<128xi32, #tpu.memory_space<vmem>>) semaphore(%arg11 : memref<!tpu.dma_semaphore, #tpu.memory_space<semaphore_mem>>)
    %dma_start3A_20 = arith.constant 0 : i32
    %dma_start3A_21 = arith.constant 1 : i32
    %dma_start3A_22 = arith.constant 1 : i32
    %dma_start3A_23 = arith.constant 0 : i32
    %dma_start3A_24 = arith.constant 0 : i32
    %dma_start3A_25 = tpu.memref_slice %arg9[%dma_start3A_22, %dma_start3A_23, %dma_start3A_24] : memref<2x128x64xbf16, #tpu.memory_space<vmem>> -> memref<1x128x64xbf16, #tpu.memory_space<vmem>>
    %dma_start3A_26 = tpu.memref_squeeze %dma_start3A_25 : memref<1x128x64xbf16, #tpu.memory_space<vmem>> -> memref<128x64xbf16, #tpu.memory_space<vmem>>
    %dma_start3A_27 = arith.constant 0 : i32
    %dma_start3A_28 = tpu.memref_slice %arg7[%dma_start3A_20, %dma_start3A_21, %dma_start3A_27] : memref<2x2x128xi32, #tpu.memory_space<vmem>> -> memref<1x1x128xi32, #tpu.memory_space<vmem>>
    %dma_start3A_29 = tpu.memref_squeeze %dma_start3A_28 : memref<1x1x128xi32, #tpu.memory_space<vmem>> -> memref<128xi32, #tpu.memory_space<vmem>>
    %dma_start3A_30 = arith.constant 0 : i32
    %dma_start3A_31 = arith.constant 0 : i32
    %dma_start3A_32 = tpu.memref_slice %arg3[%arg0, %dma_start3A_30, %dma_start3A_31] : memref<2x50176x64xbf16, #tpu.memory_space<hbm>> -> memref<1x50176x64xbf16, #tpu.memory_space<hbm>>
    %dma_start3A_33 = tpu.memref_squeeze %dma_start3A_32 : memref<1x50176x64xbf16, #tpu.memory_space<hbm>> -> memref<50176x64xbf16, #tpu.memory_space<hbm>>
    %dma_start3A_34 = arith.constant 0 : i32
    %dma_start3A_35 = arith.constant 0 : i32
    %dma_start3A_36 = tpu.memref_slice %dma_start3A_33[%dma_start3A_34, %dma_start3A_35] : memref<50176x64xbf16, #tpu.memory_space<hbm>> -> memref<50176x64xbf16, #tpu.memory_space<hbm>>
    tpu.enqueue_indirect_dma source(%dma_start3A_36 : memref<50176x64xbf16, #tpu.memory_space<hbm>>) target(%dma_start3A_26 : memref<128x64xbf16, #tpu.memory_space<vmem>>) offsets(%dma_start3A_29 : memref<128xi32, #tpu.memory_space<vmem>>) semaphore(%arg11 : memref<!tpu.dma_semaphore, #tpu.memory_space<semaphore_mem>>)
    %add3A_37 = arith.constant 1 : i32
    %add3A_38 = arith.addi %mul3A_2, %add3A_37 : i32
    %dma_start3A_39 = arith.constant 0 : i32
    %dma_start3A_40 = arith.constant 0 : i32
    %dma_start3A_41 = arith.constant 0 : i32
    %dma_start3A_42 = tpu.memref_slice %arg2[%add3A_38, %dma_start3A_39, %dma_start3A_40, %dma_start3A_41] : memref<3200x2x2x128xi32, #tpu.memory_space<hbm>> -> memref<1x2x2x128xi32, #tpu.memory_space<hbm>>
    %dma_start3A_43 = tpu.memref_squeeze %dma_start3A_42 : memref<1x2x2x128xi32, #tpu.memory_space<hbm>> -> memref<2x2x128xi32, #tpu.memory_space<hbm>>
    %dma_start3A_44 = arith.constant 0 : i32
    %dma_start3A_45 = arith.constant 0 : i32
    %dma_start3A_46 = arith.constant 0 : i32
    %dma_start3A_47 = tpu.memref_slice %arg2[%add3A_38, %dma_start3A_44, %dma_start3A_45, %dma_start3A_46] : memref<3200x2x2x128xi32, #tpu.memory_space<hbm>> -> memref<1x2x2x128xi32, #tpu.memory_space<hbm>>
    %dma_start3A_48 = tpu.memref_squeeze %dma_start3A_47 : memref<1x2x2x128xi32, #tpu.memory_space<hbm>> -> memref<2x2x128xi32, #tpu.memory_space<hbm>>
    tpu.enqueue_dma source(%dma_start3A_48 : memref<2x2x128xi32, #tpu.memory_space<hbm>>) target(%arg8 : memref<2x2x128xi32, #tpu.memory_space<vmem>>) target_semaphore(%arg14 : memref<!tpu.dma_semaphore, #tpu.memory_space<semaphore_mem>>)
    %scan3A = arith.constant 0 : i32
    %scan3A_49 = arith.constant 100 : i32
    %scan3A_50 = arith.addi %scan3A, %scan3A_49 : i32
    %scan3A_51 = arith.constant 1 : i32
    scf.for %scan3A_105 = %scan3A to %scan3A_50 step %scan3A_51  : i32 {
      %mul3A_106 = arith.constant 2 : i32
      %mul3A_107 = arith.muli %mul3A_106, %scan3A_105 : i32
      %add3A_108 = arith.addi %mul3A_2, %mul3A_107 : i32
      %add3A_109 = arith.constant 1 : i32
      %add3A_110 = arith.addi %add3A_108, %add3A_109 : i32
      %lt3A = arith.cmpi slt, %add3A_110, %add3A_3 : i32
      %convert_element_type3A = arith.extui %lt3A : i1 to i32
      %cond3A = arith.constant 0 : i32
      %cond3A_111 = arith.cmpi ne, %convert_element_type3A, %cond3A : i32
      scf.if %cond3A_111 {
        %gt3A = arith.cmpi sgt, %add3A_108, %mul3A_2 : i32
        %convert_element_type3A_252 = arith.extui %gt3A : i1 to i32
        %cond3A_253 = arith.constant 0 : i32
        %cond3A_254 = arith.cmpi ne, %convert_element_type3A_252, %cond3A_253 : i32
        scf.if %cond3A_254 {
          %dma_wait3A_301 = arith.constant 0 : i32
          %dma_wait3A_302 = arith.constant 1 : i32
          %dma_wait3A_303 = arith.constant 0 : i32
          %dma_wait3A_304 = arith.constant 0 : i32
          %dma_wait3A_305 = arith.constant 0 : i32
          %dma_wait3A_306 = tpu.memref_slice %arg10[%dma_wait3A_301, %dma_wait3A_304, %dma_wait3A_305] : memref<2x128x64xbf16, #tpu.memory_space<vmem>> -> memref<1x128x64xbf16, #tpu.memory_space<vmem>>
          %dma_wait3A_307 = tpu.memref_squeeze %dma_wait3A_306 : memref<1x128x64xbf16, #tpu.memory_space<vmem>> -> memref<128x64xbf16, #tpu.memory_space<vmem>>
          %dma_wait3A_308 = arith.constant 0 : i32
          %dma_wait3A_309 = tpu.memref_slice %arg8[%dma_wait3A_302, %dma_wait3A_303, %dma_wait3A_308] : memref<2x2x128xi32, #tpu.memory_space<vmem>> -> memref<1x1x128xi32, #tpu.memory_space<vmem>>
          %dma_wait3A_310 = tpu.memref_squeeze %dma_wait3A_309 : memref<1x1x128xi32, #tpu.memory_space<vmem>> -> memref<128xi32, #tpu.memory_space<vmem>>
          %dma_wait3A_311 = arith.constant 0 : i32
          %dma_wait3A_312 = arith.constant 0 : i32
          %dma_wait3A_313 = tpu.memref_slice %arg6[%dma_wait3A_311, %dma_wait3A_312] : memref<50176x64xbf16, #tpu.memory_space<vmem_shared>> -> memref<50176x64xbf16, #tpu.memory_space<vmem_shared>>
          tpu.wait_indirect_dma semaphore(%arg16 : memref<!tpu.dma_semaphore, #tpu.memory_space<semaphore_mem>>) src(%dma_wait3A_307 : memref<128x64xbf16, #tpu.memory_space<vmem>>) dst(%dma_wait3A_313 : memref<50176x64xbf16, #tpu.memory_space<vmem_shared>>)
          %dma_wait3A_314 = arith.constant 1 : i32
          %dma_wait3A_315 = arith.constant 1 : i32
          %dma_wait3A_316 = arith.constant 1 : i32
          %dma_wait3A_317 = arith.constant 0 : i32
          %dma_wait3A_318 = arith.constant 0 : i32
          %dma_wait3A_319 = tpu.memref_slice %arg10[%dma_wait3A_314, %dma_wait3A_317, %dma_wait3A_318] : memref<2x128x64xbf16, #tpu.memory_space<vmem>> -> memref<1x128x64xbf16, #tpu.memory_space<vmem>>
          %dma_wait3A_320 = tpu.memref_squeeze %dma_wait3A_319 : memref<1x128x64xbf16, #tpu.memory_space<vmem>> -> memref<128x64xbf16, #tpu.memory_space<vmem>>
          %dma_wait3A_321 = arith.constant 0 : i32
          %dma_wait3A_322 = tpu.memref_slice %arg8[%dma_wait3A_315, %dma_wait3A_316, %dma_wait3A_321] : memref<2x2x128xi32, #tpu.memory_space<vmem>> -> memref<1x1x128xi32, #tpu.memory_space<vmem>>
          %dma_wait3A_323 = tpu.memref_squeeze %dma_wait3A_322 : memref<1x1x128xi32, #tpu.memory_space<vmem>> -> memref<128xi32, #tpu.memory_space<vmem>>
          %dma_wait3A_324 = arith.constant 0 : i32
          %dma_wait3A_325 = arith.constant 0 : i32
          %dma_wait3A_326 = tpu.memref_slice %arg6[%dma_wait3A_324, %dma_wait3A_325] : memref<50176x64xbf16, #tpu.memory_space<vmem_shared>> -> memref<50176x64xbf16, #tpu.memory_space<vmem_shared>>
          tpu.wait_indirect_dma semaphore(%arg16 : memref<!tpu.dma_semaphore, #tpu.memory_space<semaphore_mem>>) src(%dma_wait3A_320 : memref<128x64xbf16, #tpu.memory_space<vmem>>) dst(%dma_wait3A_326 : memref<50176x64xbf16, #tpu.memory_space<vmem_shared>>)
        } else {
        }
        %add3A_255 = arith.constant 1 : i32
        %add3A_256 = arith.addi %add3A_108, %add3A_255 : i32
        %dma_wait3A_257 = arith.constant 0 : i32
        %dma_wait3A_258 = arith.constant 0 : i32
        %dma_wait3A_259 = arith.constant 0 : i32
        %dma_wait3A_260 = tpu.memref_slice %arg2[%add3A_256, %dma_wait3A_257, %dma_wait3A_258, %dma_wait3A_259] : memref<3200x2x2x128xi32, #tpu.memory_space<hbm>> -> memref<1x2x2x128xi32, #tpu.memory_space<hbm>>
        %dma_wait3A_261 = tpu.memref_squeeze %dma_wait3A_260 : memref<1x2x2x128xi32, #tpu.memory_space<hbm>> -> memref<2x2x128xi32, #tpu.memory_space<hbm>>
        %dma_wait3A_262 = arith.constant 0 : i32
        %dma_wait3A_263 = arith.constant 0 : i32
        %dma_wait3A_264 = arith.constant 0 : i32
        %dma_wait3A_265 = tpu.memref_slice %arg2[%add3A_256, %dma_wait3A_262, %dma_wait3A_263, %dma_wait3A_264] : memref<3200x2x2x128xi32, #tpu.memory_space<hbm>> -> memref<1x2x2x128xi32, #tpu.memory_space<hbm>>
        %dma_wait3A_266 = tpu.memref_squeeze %dma_wait3A_265 : memref<1x2x2x128xi32, #tpu.memory_space<hbm>> -> memref<2x2x128xi32, #tpu.memory_space<hbm>>
        tpu.wait_dma2 semaphore(%arg14 : memref<!tpu.dma_semaphore, #tpu.memory_space<semaphore_mem>>) src(%dma_wait3A_266 : memref<2x2x128xi32, #tpu.memory_space<hbm>>) dst(%arg8 : memref<2x2x128xi32, #tpu.memory_space<vmem>>)
        %dma_start3A_267 = arith.constant 0 : i32
        %dma_start3A_268 = arith.constant 0 : i32
        %dma_start3A_269 = arith.constant 0 : i32
        %dma_start3A_270 = arith.constant 0 : i32
        %dma_start3A_271 = arith.constant 0 : i32
        %dma_start3A_272 = tpu.memref_slice %arg10[%dma_start3A_269, %dma_start3A_270, %dma_start3A_271] : memref<2x128x64xbf16, #tpu.memory_space<vmem>> -> memref<1x128x64xbf16, #tpu.memory_space<vmem>>
        %dma_start3A_273 = tpu.memref_squeeze %dma_start3A_272 : memref<1x128x64xbf16, #tpu.memory_space<vmem>> -> memref<128x64xbf16, #tpu.memory_space<vmem>>
        %dma_start3A_274 = arith.constant 0 : i32
        %dma_start3A_275 = tpu.memref_slice %arg8[%dma_start3A_267, %dma_start3A_268, %dma_start3A_274] : memref<2x2x128xi32, #tpu.memory_space<vmem>> -> memref<1x1x128xi32, #tpu.memory_space<vmem>>
        %dma_start3A_276 = tpu.memref_squeeze %dma_start3A_275 : memref<1x1x128xi32, #tpu.memory_space<vmem>> -> memref<128xi32, #tpu.memory_space<vmem>>
        %dma_start3A_277 = arith.constant 0 : i32
        %dma_start3A_278 = arith.constant 0 : i32
        %dma_start3A_279 = tpu.memref_slice %arg3[%arg0, %dma_start3A_277, %dma_start3A_278] : memref<2x50176x64xbf16, #tpu.memory_space<hbm>> -> memref<1x50176x64xbf16, #tpu.memory_space<hbm>>
        %dma_start3A_280 = tpu.memref_squeeze %dma_start3A_279 : memref<1x50176x64xbf16, #tpu.memory_space<hbm>> -> memref<50176x64xbf16, #tpu.memory_space<hbm>>
        %dma_start3A_281 = arith.constant 0 : i32
        %dma_start3A_282 = arith.constant 0 : i32
        %dma_start3A_283 = tpu.memref_slice %dma_start3A_280[%dma_start3A_281, %dma_start3A_282] : memref<50176x64xbf16, #tpu.memory_space<hbm>> -> memref<50176x64xbf16, #tpu.memory_space<hbm>>
        tpu.enqueue_indirect_dma source(%dma_start3A_283 : memref<50176x64xbf16, #tpu.memory_space<hbm>>) target(%dma_start3A_273 : memref<128x64xbf16, #tpu.memory_space<vmem>>) offsets(%dma_start3A_276 : memref<128xi32, #tpu.memory_space<vmem>>) semaphore(%arg12 : memref<!tpu.dma_semaphore, #tpu.memory_space<semaphore_mem>>)
        %dma_start3A_284 = arith.constant 0 : i32
        %dma_start3A_285 = arith.constant 1 : i32
        %dma_start3A_286 = arith.constant 1 : i32
        %dma_start3A_287 = arith.constant 0 : i32
        %dma_start3A_288 = arith.constant 0 : i32
        %dma_start3A_289 = tpu.memref_slice %arg10[%dma_start3A_286, %dma_start3A_287, %dma_start3A_288] : memref<2x128x64xbf16, #tpu.memory_space<vmem>> -> memref<1x128x64xbf16, #tpu.memory_space<vmem>>
        %dma_start3A_290 = tpu.memref_squeeze %dma_start3A_289 : memref<1x128x64xbf16, #tpu.memory_space<vmem>> -> memref<128x64xbf16, #tpu.memory_space<vmem>>
        %dma_start3A_291 = arith.constant 0 : i32
        %dma_start3A_292 = tpu.memref_slice %arg8[%dma_start3A_284, %dma_start3A_285, %dma_start3A_291] : memref<2x2x128xi32, #tpu.memory_space<vmem>> -> memref<1x1x128xi32, #tpu.memory_space<vmem>>
        %dma_start3A_293 = tpu.memref_squeeze %dma_start3A_292 : memref<1x1x128xi32, #tpu.memory_space<vmem>> -> memref<128xi32, #tpu.memory_space<vmem>>
        %dma_start3A_294 = arith.constant 0 : i32
        %dma_start3A_295 = arith.constant 0 : i32
        %dma_start3A_296 = tpu.memref_slice %arg3[%arg0, %dma_start3A_294, %dma_start3A_295] : memref<2x50176x64xbf16, #tpu.memory_space<hbm>> -> memref<1x50176x64xbf16, #tpu.memory_space<hbm>>
        %dma_start3A_297 = tpu.memref_squeeze %dma_start3A_296 : memref<1x50176x64xbf16, #tpu.memory_space<hbm>> -> memref<50176x64xbf16, #tpu.memory_space<hbm>>
        %dma_start3A_298 = arith.constant 0 : i32
        %dma_start3A_299 = arith.constant 0 : i32
        %dma_start3A_300 = tpu.memref_slice %dma_start3A_297[%dma_start3A_298, %dma_start3A_299] : memref<50176x64xbf16, #tpu.memory_space<hbm>> -> memref<50176x64xbf16, #tpu.memory_space<hbm>>
        tpu.enqueue_indirect_dma source(%dma_start3A_300 : memref<50176x64xbf16, #tpu.memory_space<hbm>>) target(%dma_start3A_290 : memref<128x64xbf16, #tpu.memory_space<vmem>>) offsets(%dma_start3A_293 : memref<128xi32, #tpu.memory_space<vmem>>) semaphore(%arg12 : memref<!tpu.dma_semaphore, #tpu.memory_space<semaphore_mem>>)
      } else {
      }
      %dma_wait3A_112 = arith.constant 0 : i32
      %dma_wait3A_113 = arith.constant 0 : i32
      %dma_wait3A_114 = arith.constant 0 : i32
      %dma_wait3A_115 = arith.constant 0 : i32
      %dma_wait3A_116 = arith.constant 0 : i32
      %dma_wait3A_117 = tpu.memref_slice %arg9[%dma_wait3A_114, %dma_wait3A_115, %dma_wait3A_116] : memref<2x128x64xbf16, #tpu.memory_space<vmem>> -> memref<1x128x64xbf16, #tpu.memory_space<vmem>>
      %dma_wait3A_118 = tpu.memref_squeeze %dma_wait3A_117 : memref<1x128x64xbf16, #tpu.memory_space<vmem>> -> memref<128x64xbf16, #tpu.memory_space<vmem>>
      %dma_wait3A_119 = arith.constant 0 : i32
      %dma_wait3A_120 = tpu.memref_slice %arg7[%dma_wait3A_112, %dma_wait3A_113, %dma_wait3A_119] : memref<2x2x128xi32, #tpu.memory_space<vmem>> -> memref<1x1x128xi32, #tpu.memory_space<vmem>>
      %dma_wait3A_121 = tpu.memref_squeeze %dma_wait3A_120 : memref<1x1x128xi32, #tpu.memory_space<vmem>> -> memref<128xi32, #tpu.memory_space<vmem>>
      %dma_wait3A_122 = arith.constant 0 : i32
      %dma_wait3A_123 = arith.constant 0 : i32
      %dma_wait3A_124 = tpu.memref_slice %arg3[%arg0, %dma_wait3A_122, %dma_wait3A_123] : memref<2x50176x64xbf16, #tpu.memory_space<hbm>> -> memref<1x50176x64xbf16, #tpu.memory_space<hbm>>
      %dma_wait3A_125 = tpu.memref_squeeze %dma_wait3A_124 : memref<1x50176x64xbf16, #tpu.memory_space<hbm>> -> memref<50176x64xbf16, #tpu.memory_space<hbm>>
      %dma_wait3A_126 = arith.constant 0 : i32
      %dma_wait3A_127 = arith.constant 0 : i32
      %dma_wait3A_128 = tpu.memref_slice %dma_wait3A_125[%dma_wait3A_126, %dma_wait3A_127] : memref<50176x64xbf16, #tpu.memory_space<hbm>> -> memref<50176x64xbf16, #tpu.memory_space<hbm>>
      tpu.wait_indirect_dma semaphore(%arg11 : memref<!tpu.dma_semaphore, #tpu.memory_space<semaphore_mem>>) src(%dma_wait3A_128 : memref<50176x64xbf16, #tpu.memory_space<hbm>>) dst(%dma_wait3A_118 : memref<128x64xbf16, #tpu.memory_space<vmem>>)
      %dma_start3A_129 = arith.constant 0 : i32
      %dma_start3A_130 = arith.constant 1 : i32
      %dma_start3A_131 = arith.constant 0 : i32
      %dma_start3A_132 = arith.constant 0 : i32
      %dma_start3A_133 = arith.constant 0 : i32
      %dma_start3A_134 = tpu.memref_slice %arg9[%dma_start3A_129, %dma_start3A_132, %dma_start3A_133] : memref<2x128x64xbf16, #tpu.memory_space<vmem>> -> memref<1x128x64xbf16, #tpu.memory_space<vmem>>
      %dma_start3A_135 = tpu.memref_squeeze %dma_start3A_134 : memref<1x128x64xbf16, #tpu.memory_space<vmem>> -> memref<128x64xbf16, #tpu.memory_space<vmem>>
      %dma_start3A_136 = arith.constant 0 : i32
      %dma_start3A_137 = tpu.memref_slice %arg7[%dma_start3A_130, %dma_start3A_131, %dma_start3A_136] : memref<2x2x128xi32, #tpu.memory_space<vmem>> -> memref<1x1x128xi32, #tpu.memory_space<vmem>>
      %dma_start3A_138 = tpu.memref_squeeze %dma_start3A_137 : memref<1x1x128xi32, #tpu.memory_space<vmem>> -> memref<128xi32, #tpu.memory_space<vmem>>
      %dma_start3A_139 = arith.constant 0 : i32
      %dma_start3A_140 = arith.constant 0 : i32
      %dma_start3A_141 = tpu.memref_slice %arg6[%dma_start3A_139, %dma_start3A_140] : memref<50176x64xbf16, #tpu.memory_space<vmem_shared>> -> memref<50176x64xbf16, #tpu.memory_space<vmem_shared>>
      tpu.enqueue_indirect_dma source(%dma_start3A_135 : memref<128x64xbf16, #tpu.memory_space<vmem>>) target(%dma_start3A_141 : memref<50176x64xbf16, #tpu.memory_space<vmem_shared>>) offsets(%dma_start3A_138 : memref<128xi32, #tpu.memory_space<vmem>>) semaphore(%arg15 : memref<!tpu.dma_semaphore, #tpu.memory_space<semaphore_mem>>) {add = true}
      %dma_wait3A_142 = arith.constant 0 : i32
      %dma_wait3A_143 = arith.constant 1 : i32
      %dma_wait3A_144 = arith.constant 1 : i32
      %dma_wait3A_145 = arith.constant 0 : i32
      %dma_wait3A_146 = arith.constant 0 : i32
      %dma_wait3A_147 = tpu.memref_slice %arg9[%dma_wait3A_144, %dma_wait3A_145, %dma_wait3A_146] : memref<2x128x64xbf16, #tpu.memory_space<vmem>> -> memref<1x128x64xbf16, #tpu.memory_space<vmem>>
      %dma_wait3A_148 = tpu.memref_squeeze %dma_wait3A_147 : memref<1x128x64xbf16, #tpu.memory_space<vmem>> -> memref<128x64xbf16, #tpu.memory_space<vmem>>
      %dma_wait3A_149 = arith.constant 0 : i32
      %dma_wait3A_150 = tpu.memref_slice %arg7[%dma_wait3A_142, %dma_wait3A_143, %dma_wait3A_149] : memref<2x2x128xi32, #tpu.memory_space<vmem>> -> memref<1x1x128xi32, #tpu.memory_space<vmem>>
      %dma_wait3A_151 = tpu.memref_squeeze %dma_wait3A_150 : memref<1x1x128xi32, #tpu.memory_space<vmem>> -> memref<128xi32, #tpu.memory_space<vmem>>
      %dma_wait3A_152 = arith.constant 0 : i32
      %dma_wait3A_153 = arith.constant 0 : i32
      %dma_wait3A_154 = tpu.memref_slice %arg3[%arg0, %dma_wait3A_152, %dma_wait3A_153] : memref<2x50176x64xbf16, #tpu.memory_space<hbm>> -> memref<1x50176x64xbf16, #tpu.memory_space<hbm>>
      %dma_wait3A_155 = tpu.memref_squeeze %dma_wait3A_154 : memref<1x50176x64xbf16, #tpu.memory_space<hbm>> -> memref<50176x64xbf16, #tpu.memory_space<hbm>>
      %dma_wait3A_156 = arith.constant 0 : i32
      %dma_wait3A_157 = arith.constant 0 : i32
      %dma_wait3A_158 = tpu.memref_slice %dma_wait3A_155[%dma_wait3A_156, %dma_wait3A_157] : memref<50176x64xbf16, #tpu.memory_space<hbm>> -> memref<50176x64xbf16, #tpu.memory_space<hbm>>
      tpu.wait_indirect_dma semaphore(%arg11 : memref<!tpu.dma_semaphore, #tpu.memory_space<semaphore_mem>>) src(%dma_wait3A_158 : memref<50176x64xbf16, #tpu.memory_space<hbm>>) dst(%dma_wait3A_148 : memref<128x64xbf16, #tpu.memory_space<vmem>>)
      %dma_start3A_159 = arith.constant 1 : i32
      %dma_start3A_160 = arith.constant 1 : i32
      %dma_start3A_161 = arith.constant 1 : i32
      %dma_start3A_162 = arith.constant 0 : i32
      %dma_start3A_163 = arith.constant 0 : i32
      %dma_start3A_164 = tpu.memref_slice %arg9[%dma_start3A_159, %dma_start3A_162, %dma_start3A_163] : memref<2x128x64xbf16, #tpu.memory_space<vmem>> -> memref<1x128x64xbf16, #tpu.memory_space<vmem>>
      %dma_start3A_165 = tpu.memref_squeeze %dma_start3A_164 : memref<1x128x64xbf16, #tpu.memory_space<vmem>> -> memref<128x64xbf16, #tpu.memory_space<vmem>>
      %dma_start3A_166 = arith.constant 0 : i32
      %dma_start3A_167 = tpu.memref_slice %arg7[%dma_start3A_160, %dma_start3A_161, %dma_start3A_166] : memref<2x2x128xi32, #tpu.memory_space<vmem>> -> memref<1x1x128xi32, #tpu.memory_space<vmem>>
      %dma_start3A_168 = tpu.memref_squeeze %dma_start3A_167 : memref<1x1x128xi32, #tpu.memory_space<vmem>> -> memref<128xi32, #tpu.memory_space<vmem>>
      %dma_start3A_169 = arith.constant 0 : i32
      %dma_start3A_170 = arith.constant 0 : i32
      %dma_start3A_171 = tpu.memref_slice %arg6[%dma_start3A_169, %dma_start3A_170] : memref<50176x64xbf16, #tpu.memory_space<vmem_shared>> -> memref<50176x64xbf16, #tpu.memory_space<vmem_shared>>
      tpu.enqueue_indirect_dma source(%dma_start3A_165 : memref<128x64xbf16, #tpu.memory_space<vmem>>) target(%dma_start3A_171 : memref<50176x64xbf16, #tpu.memory_space<vmem_shared>>) offsets(%dma_start3A_168 : memref<128xi32, #tpu.memory_space<vmem>>) semaphore(%arg15 : memref<!tpu.dma_semaphore, #tpu.memory_space<semaphore_mem>>) {add = true}
      %add3A_172 = arith.constant 2 : i32
      %add3A_173 = arith.addi %add3A_108, %add3A_172 : i32
      %lt3A_174 = arith.cmpi slt, %add3A_173, %add3A_3 : i32
      %convert_element_type3A_175 = arith.extui %lt3A_174 : i1 to i32
      %cond3A_176 = arith.constant 0 : i32
      %cond3A_177 = arith.cmpi ne, %convert_element_type3A_175, %cond3A_176 : i32
      scf.if %cond3A_177 {
        %add3A_252 = arith.constant 2 : i32
        %add3A_253 = arith.addi %add3A_108, %add3A_252 : i32
        %dma_start3A_254 = arith.constant 0 : i32
        %dma_start3A_255 = arith.constant 0 : i32
        %dma_start3A_256 = arith.constant 0 : i32
        %dma_start3A_257 = tpu.memref_slice %arg2[%add3A_253, %dma_start3A_254, %dma_start3A_255, %dma_start3A_256] : memref<3200x2x2x128xi32, #tpu.memory_space<hbm>> -> memref<1x2x2x128xi32, #tpu.memory_space<hbm>>
        %dma_start3A_258 = tpu.memref_squeeze %dma_start3A_257 : memref<1x2x2x128xi32, #tpu.memory_space<hbm>> -> memref<2x2x128xi32, #tpu.memory_space<hbm>>
        %dma_start3A_259 = arith.constant 0 : i32
        %dma_start3A_260 = arith.constant 0 : i32
        %dma_start3A_261 = arith.constant 0 : i32
        %dma_start3A_262 = tpu.memref_slice %arg2[%add3A_253, %dma_start3A_259, %dma_start3A_260, %dma_start3A_261] : memref<3200x2x2x128xi32, #tpu.memory_space<hbm>> -> memref<1x2x2x128xi32, #tpu.memory_space<hbm>>
        %dma_start3A_263 = tpu.memref_squeeze %dma_start3A_262 : memref<1x2x2x128xi32, #tpu.memory_space<hbm>> -> memref<2x2x128xi32, #tpu.memory_space<hbm>>
        tpu.enqueue_dma source(%dma_start3A_263 : memref<2x2x128xi32, #tpu.memory_space<hbm>>) target(%arg7 : memref<2x2x128xi32, #tpu.memory_space<vmem>>) target_semaphore(%arg13 : memref<!tpu.dma_semaphore, #tpu.memory_space<semaphore_mem>>)
      } else {
      }
      %add3A_178 = arith.constant 1 : i32
      %add3A_179 = arith.addi %add3A_108, %add3A_178 : i32
      %add3A_180 = arith.constant 1 : i32
      %add3A_181 = arith.addi %add3A_179, %add3A_180 : i32
      %lt3A_182 = arith.cmpi slt, %add3A_181, %add3A_3 : i32
      %convert_element_type3A_183 = arith.extui %lt3A_182 : i1 to i32
      %cond3A_184 = arith.constant 0 : i32
      %cond3A_185 = arith.cmpi ne, %convert_element_type3A_183, %cond3A_184 : i32
      scf.if %cond3A_185 {
        %gt3A = arith.cmpi sgt, %add3A_179, %mul3A_2 : i32
        %convert_element_type3A_252 = arith.extui %gt3A : i1 to i32
        %cond3A_253 = arith.constant 0 : i32
        %cond3A_254 = arith.cmpi ne, %convert_element_type3A_252, %cond3A_253 : i32
        scf.if %cond3A_254 {
          %dma_wait3A_301 = arith.constant 0 : i32
          %dma_wait3A_302 = arith.constant 1 : i32
          %dma_wait3A_303 = arith.constant 0 : i32
          %dma_wait3A_304 = arith.constant 0 : i32
          %dma_wait3A_305 = arith.constant 0 : i32
          %dma_wait3A_306 = tpu.memref_slice %arg9[%dma_wait3A_301, %dma_wait3A_304, %dma_wait3A_305] : memref<2x128x64xbf16, #tpu.memory_space<vmem>> -> memref<1x128x64xbf16, #tpu.memory_space<vmem>>
          %dma_wait3A_307 = tpu.memref_squeeze %dma_wait3A_306 : memref<1x128x64xbf16, #tpu.memory_space<vmem>> -> memref<128x64xbf16, #tpu.memory_space<vmem>>
          %dma_wait3A_308 = arith.constant 0 : i32
          %dma_wait3A_309 = tpu.memref_slice %arg7[%dma_wait3A_302, %dma_wait3A_303, %dma_wait3A_308] : memref<2x2x128xi32, #tpu.memory_space<vmem>> -> memref<1x1x128xi32, #tpu.memory_space<vmem>>
          %dma_wait3A_310 = tpu.memref_squeeze %dma_wait3A_309 : memref<1x1x128xi32, #tpu.memory_space<vmem>> -> memref<128xi32, #tpu.memory_space<vmem>>
          %dma_wait3A_311 = arith.constant 0 : i32
          %dma_wait3A_312 = arith.constant 0 : i32
          %dma_wait3A_313 = tpu.memref_slice %arg6[%dma_wait3A_311, %dma_wait3A_312] : memref<50176x64xbf16, #tpu.memory_space<vmem_shared>> -> memref<50176x64xbf16, #tpu.memory_space<vmem_shared>>
          tpu.wait_indirect_dma semaphore(%arg15 : memref<!tpu.dma_semaphore, #tpu.memory_space<semaphore_mem>>) src(%dma_wait3A_307 : memref<128x64xbf16, #tpu.memory_space<vmem>>) dst(%dma_wait3A_313 : memref<50176x64xbf16, #tpu.memory_space<vmem_shared>>)
          %dma_wait3A_314 = arith.constant 1 : i32
          %dma_wait3A_315 = arith.constant 1 : i32
          %dma_wait3A_316 = arith.constant 1 : i32
          %dma_wait3A_317 = arith.constant 0 : i32
          %dma_wait3A_318 = arith.constant 0 : i32
          %dma_wait3A_319 = tpu.memref_slice %arg9[%dma_wait3A_314, %dma_wait3A_317, %dma_wait3A_318] : memref<2x128x64xbf16, #tpu.memory_space<vmem>> -> memref<1x128x64xbf16, #tpu.memory_space<vmem>>
          %dma_wait3A_320 = tpu.memref_squeeze %dma_wait3A_319 : memref<1x128x64xbf16, #tpu.memory_space<vmem>> -> memref<128x64xbf16, #tpu.memory_space<vmem>>
          %dma_wait3A_321 = arith.constant 0 : i32
          %dma_wait3A_322 = tpu.memref_slice %arg7[%dma_wait3A_315, %dma_wait3A_316, %dma_wait3A_321] : memref<2x2x128xi32, #tpu.memory_space<vmem>> -> memref<1x1x128xi32, #tpu.memory_space<vmem>>
          %dma_wait3A_323 = tpu.memref_squeeze %dma_wait3A_322 : memref<1x1x128xi32, #tpu.memory_space<vmem>> -> memref<128xi32, #tpu.memory_space<vmem>>
          %dma_wait3A_324 = arith.constant 0 : i32
          %dma_wait3A_325 = arith.constant 0 : i32
          %dma_wait3A_326 = tpu.memref_slice %arg6[%dma_wait3A_324, %dma_wait3A_325] : memref<50176x64xbf16, #tpu.memory_space<vmem_shared>> -> memref<50176x64xbf16, #tpu.memory_space<vmem_shared>>
          tpu.wait_indirect_dma semaphore(%arg15 : memref<!tpu.dma_semaphore, #tpu.memory_space<semaphore_mem>>) src(%dma_wait3A_320 : memref<128x64xbf16, #tpu.memory_space<vmem>>) dst(%dma_wait3A_326 : memref<50176x64xbf16, #tpu.memory_space<vmem_shared>>)
        } else {
        }
        %add3A_255 = arith.constant 1 : i32
        %add3A_256 = arith.addi %add3A_179, %add3A_255 : i32
        %dma_wait3A_257 = arith.constant 0 : i32
        %dma_wait3A_258 = arith.constant 0 : i32
        %dma_wait3A_259 = arith.constant 0 : i32
        %dma_wait3A_260 = tpu.memref_slice %arg2[%add3A_256, %dma_wait3A_257, %dma_wait3A_258, %dma_wait3A_259] : memref<3200x2x2x128xi32, #tpu.memory_space<hbm>> -> memref<1x2x2x128xi32, #tpu.memory_space<hbm>>
        %dma_wait3A_261 = tpu.memref_squeeze %dma_wait3A_260 : memref<1x2x2x128xi32, #tpu.memory_space<hbm>> -> memref<2x2x128xi32, #tpu.memory_space<hbm>>
        %dma_wait3A_262 = arith.constant 0 : i32
        %dma_wait3A_263 = arith.constant 0 : i32
        %dma_wait3A_264 = arith.constant 0 : i32
        %dma_wait3A_265 = tpu.memref_slice %arg2[%add3A_256, %dma_wait3A_262, %dma_wait3A_263, %dma_wait3A_264] : memref<3200x2x2x128xi32, #tpu.memory_space<hbm>> -> memref<1x2x2x128xi32, #tpu.memory_space<hbm>>
        %dma_wait3A_266 = tpu.memref_squeeze %dma_wait3A_265 : memref<1x2x2x128xi32, #tpu.memory_space<hbm>> -> memref<2x2x128xi32, #tpu.memory_space<hbm>>
        tpu.wait_dma2 semaphore(%arg13 : memref<!tpu.dma_semaphore, #tpu.memory_space<semaphore_mem>>) src(%dma_wait3A_266 : memref<2x2x128xi32, #tpu.memory_space<hbm>>) dst(%arg7 : memref<2x2x128xi32, #tpu.memory_space<vmem>>)
        %dma_start3A_267 = arith.constant 0 : i32
        %dma_start3A_268 = arith.constant 0 : i32
        %dma_start3A_269 = arith.constant 0 : i32
        %dma_start3A_270 = arith.constant 0 : i32
        %dma_start3A_271 = arith.constant 0 : i32
        %dma_start3A_272 = tpu.memref_slice %arg9[%dma_start3A_269, %dma_start3A_270, %dma_start3A_271] : memref<2x128x64xbf16, #tpu.memory_space<vmem>> -> memref<1x128x64xbf16, #tpu.memory_space<vmem>>
        %dma_start3A_273 = tpu.memref_squeeze %dma_start3A_272 : memref<1x128x64xbf16, #tpu.memory_space<vmem>> -> memref<128x64xbf16, #tpu.memory_space<vmem>>
        %dma_start3A_274 = arith.constant 0 : i32
        %dma_start3A_275 = tpu.memref_slice %arg7[%dma_start3A_267, %dma_start3A_268, %dma_start3A_274] : memref<2x2x128xi32, #tpu.memory_space<vmem>> -> memref<1x1x128xi32, #tpu.memory_space<vmem>>
        %dma_start3A_276 = tpu.memref_squeeze %dma_start3A_275 : memref<1x1x128xi32, #tpu.memory_space<vmem>> -> memref<128xi32, #tpu.memory_space<vmem>>
        %dma_start3A_277 = arith.constant 0 : i32
        %dma_start3A_278 = arith.constant 0 : i32
        %dma_start3A_279 = tpu.memref_slice %arg3[%arg0, %dma_start3A_277, %dma_start3A_278] : memref<2x50176x64xbf16, #tpu.memory_space<hbm>> -> memref<1x50176x64xbf16, #tpu.memory_space<hbm>>
        %dma_start3A_280 = tpu.memref_squeeze %dma_start3A_279 : memref<1x50176x64xbf16, #tpu.memory_space<hbm>> -> memref<50176x64xbf16, #tpu.memory_space<hbm>>
        %dma_start3A_281 = arith.constant 0 : i32
        %dma_start3A_282 = arith.constant 0 : i32
        %dma_start3A_283 = tpu.memref_slice %dma_start3A_280[%dma_start3A_281, %dma_start3A_282] : memref<50176x64xbf16, #tpu.memory_space<hbm>> -> memref<50176x64xbf16, #tpu.memory_space<hbm>>
        tpu.enqueue_indirect_dma source(%dma_start3A_283 : memref<50176x64xbf16, #tpu.memory_space<hbm>>) target(%dma_start3A_273 : memref<128x64xbf16, #tpu.memory_space<vmem>>) offsets(%dma_start3A_276 : memref<128xi32, #tpu.memory_space<vmem>>) semaphore(%arg11 : memref<!tpu.dma_semaphore, #tpu.memory_space<semaphore_mem>>)
        %dma_start3A_284 = arith.constant 0 : i32
        %dma_start3A_285 = arith.constant 1 : i32
        %dma_start3A_286 = arith.constant 1 : i32
        %dma_start3A_287 = arith.constant 0 : i32
        %dma_start3A_288 = arith.constant 0 : i32
        %dma_start3A_289 = tpu.memref_slice %arg9[%dma_start3A_286, %dma_start3A_287, %dma_start3A_288] : memref<2x128x64xbf16, #tpu.memory_space<vmem>> -> memref<1x128x64xbf16, #tpu.memory_space<vmem>>
        %dma_start3A_290 = tpu.memref_squeeze %dma_start3A_289 : memref<1x128x64xbf16, #tpu.memory_space<vmem>> -> memref<128x64xbf16, #tpu.memory_space<vmem>>
        %dma_start3A_291 = arith.constant 0 : i32
        %dma_start3A_292 = tpu.memref_slice %arg7[%dma_start3A_284, %dma_start3A_285, %dma_start3A_291] : memref<2x2x128xi32, #tpu.memory_space<vmem>> -> memref<1x1x128xi32, #tpu.memory_space<vmem>>
        %dma_start3A_293 = tpu.memref_squeeze %dma_start3A_292 : memref<1x1x128xi32, #tpu.memory_space<vmem>> -> memref<128xi32, #tpu.memory_space<vmem>>
        %dma_start3A_294 = arith.constant 0 : i32
        %dma_start3A_295 = arith.constant 0 : i32
        %dma_start3A_296 = tpu.memref_slice %arg3[%arg0, %dma_start3A_294, %dma_start3A_295] : memref<2x50176x64xbf16, #tpu.memory_space<hbm>> -> memref<1x50176x64xbf16, #tpu.memory_space<hbm>>
        %dma_start3A_297 = tpu.memref_squeeze %dma_start3A_296 : memref<1x50176x64xbf16, #tpu.memory_space<hbm>> -> memref<50176x64xbf16, #tpu.memory_space<hbm>>
        %dma_start3A_298 = arith.constant 0 : i32
        %dma_start3A_299 = arith.constant 0 : i32
        %dma_start3A_300 = tpu.memref_slice %dma_start3A_297[%dma_start3A_298, %dma_start3A_299] : memref<50176x64xbf16, #tpu.memory_space<hbm>> -> memref<50176x64xbf16, #tpu.memory_space<hbm>>
        tpu.enqueue_indirect_dma source(%dma_start3A_300 : memref<50176x64xbf16, #tpu.memory_space<hbm>>) target(%dma_start3A_290 : memref<128x64xbf16, #tpu.memory_space<vmem>>) offsets(%dma_start3A_293 : memref<128xi32, #tpu.memory_space<vmem>>) semaphore(%arg11 : memref<!tpu.dma_semaphore, #tpu.memory_space<semaphore_mem>>)
      } else {
      }
      %dma_wait3A_186 = arith.constant 0 : i32
      %dma_wait3A_187 = arith.constant 0 : i32
      %dma_wait3A_188 = arith.constant 0 : i32
      %dma_wait3A_189 = arith.constant 0 : i32
      %dma_wait3A_190 = arith.constant 0 : i32
      %dma_wait3A_191 = tpu.memref_slice %arg10[%dma_wait3A_188, %dma_wait3A_189, %dma_wait3A_190] : memref<2x128x64xbf16, #tpu.memory_space<vmem>> -> memref<1x128x64xbf16, #tpu.memory_space<vmem>>
      %dma_wait3A_192 = tpu.memref_squeeze %dma_wait3A_191 : memref<1x128x64xbf16, #tpu.memory_space<vmem>> -> memref<128x64xbf16, #tpu.memory_space<vmem>>
      %dma_wait3A_193 = arith.constant 0 : i32
      %dma_wait3A_194 = tpu.memref_slice %arg8[%dma_wait3A_186, %dma_wait3A_187, %dma_wait3A_193] : memref<2x2x128xi32, #tpu.memory_space<vmem>> -> memref<1x1x128xi32, #tpu.memory_space<vmem>>
      %dma_wait3A_195 = tpu.memref_squeeze %dma_wait3A_194 : memref<1x1x128xi32, #tpu.memory_space<vmem>> -> memref<128xi32, #tpu.memory_space<vmem>>
      %dma_wait3A_196 = arith.constant 0 : i32
      %dma_wait3A_197 = arith.constant 0 : i32
      %dma_wait3A_198 = tpu.memref_slice %arg3[%arg0, %dma_wait3A_196, %dma_wait3A_197] : memref<2x50176x64xbf16, #tpu.memory_space<hbm>> -> memref<1x50176x64xbf16, #tpu.memory_space<hbm>>
      %dma_wait3A_199 = tpu.memref_squeeze %dma_wait3A_198 : memref<1x50176x64xbf16, #tpu.memory_space<hbm>> -> memref<50176x64xbf16, #tpu.memory_space<hbm>>
      %dma_wait3A_200 = arith.constant 0 : i32
      %dma_wait3A_201 = arith.constant 0 : i32
      %dma_wait3A_202 = tpu.memref_slice %dma_wait3A_199[%dma_wait3A_200, %dma_wait3A_201] : memref<50176x64xbf16, #tpu.memory_space<hbm>> -> memref<50176x64xbf16, #tpu.memory_space<hbm>>
      tpu.wait_indirect_dma semaphore(%arg12 : memref<!tpu.dma_semaphore, #tpu.memory_space<semaphore_mem>>) src(%dma_wait3A_202 : memref<50176x64xbf16, #tpu.memory_space<hbm>>) dst(%dma_wait3A_192 : memref<128x64xbf16, #tpu.memory_space<vmem>>)
      %dma_start3A_203 = arith.constant 0 : i32
      %dma_start3A_204 = arith.constant 1 : i32
      %dma_start3A_205 = arith.constant 0 : i32
      %dma_start3A_206 = arith.constant 0 : i32
      %dma_start3A_207 = arith.constant 0 : i32
      %dma_start3A_208 = tpu.memref_slice %arg10[%dma_start3A_203, %dma_start3A_206, %dma_start3A_207] : memref<2x128x64xbf16, #tpu.memory_space<vmem>> -> memref<1x128x64xbf16, #tpu.memory_space<vmem>>
      %dma_start3A_209 = tpu.memref_squeeze %dma_start3A_208 : memref<1x128x64xbf16, #tpu.memory_space<vmem>> -> memref<128x64xbf16, #tpu.memory_space<vmem>>
      %dma_start3A_210 = arith.constant 0 : i32
      %dma_start3A_211 = tpu.memref_slice %arg8[%dma_start3A_204, %dma_start3A_205, %dma_start3A_210] : memref<2x2x128xi32, #tpu.memory_space<vmem>> -> memref<1x1x128xi32, #tpu.memory_space<vmem>>
      %dma_start3A_212 = tpu.memref_squeeze %dma_start3A_211 : memref<1x1x128xi32, #tpu.memory_space<vmem>> -> memref<128xi32, #tpu.memory_space<vmem>>
      %dma_start3A_213 = arith.constant 0 : i32
      %dma_start3A_214 = arith.constant 0 : i32
      %dma_start3A_215 = tpu.memref_slice %arg6[%dma_start3A_213, %dma_start3A_214] : memref<50176x64xbf16, #tpu.memory_space<vmem_shared>> -> memref<50176x64xbf16, #tpu.memory_space<vmem_shared>>
      tpu.enqueue_indirect_dma source(%dma_start3A_209 : memref<128x64xbf16, #tpu.memory_space<vmem>>) target(%dma_start3A_215 : memref<50176x64xbf16, #tpu.memory_space<vmem_shared>>) offsets(%dma_start3A_212 : memref<128xi32, #tpu.memory_space<vmem>>) semaphore(%arg16 : memref<!tpu.dma_semaphore, #tpu.memory_space<semaphore_mem>>) {add = true}
      %dma_wait3A_216 = arith.constant 0 : i32
      %dma_wait3A_217 = arith.constant 1 : i32
      %dma_wait3A_218 = arith.constant 1 : i32
      %dma_wait3A_219 = arith.constant 0 : i32
      %dma_wait3A_220 = arith.constant 0 : i32
      %dma_wait3A_221 = tpu.memref_slice %arg10[%dma_wait3A_218, %dma_wait3A_219, %dma_wait3A_220] : memref<2x128x64xbf16, #tpu.memory_space<vmem>> -> memref<1x128x64xbf16, #tpu.memory_space<vmem>>
      %dma_wait3A_222 = tpu.memref_squeeze %dma_wait3A_221 : memref<1x128x64xbf16, #tpu.memory_space<vmem>> -> memref<128x64xbf16, #tpu.memory_space<vmem>>
      %dma_wait3A_223 = arith.constant 0 : i32
      %dma_wait3A_224 = tpu.memref_slice %arg8[%dma_wait3A_216, %dma_wait3A_217, %dma_wait3A_223] : memref<2x2x128xi32, #tpu.memory_space<vmem>> -> memref<1x1x128xi32, #tpu.memory_space<vmem>>
      %dma_wait3A_225 = tpu.memref_squeeze %dma_wait3A_224 : memref<1x1x128xi32, #tpu.memory_space<vmem>> -> memref<128xi32, #tpu.memory_space<vmem>>
      %dma_wait3A_226 = arith.constant 0 : i32
      %dma_wait3A_227 = arith.constant 0 : i32
      %dma_wait3A_228 = tpu.memref_slice %arg3[%arg0, %dma_wait3A_226, %dma_wait3A_227] : memref<2x50176x64xbf16, #tpu.memory_space<hbm>> -> memref<1x50176x64xbf16, #tpu.memory_space<hbm>>
      %dma_wait3A_229 = tpu.memref_squeeze %dma_wait3A_228 : memref<1x50176x64xbf16, #tpu.memory_space<hbm>> -> memref<50176x64xbf16, #tpu.memory_space<hbm>>
      %dma_wait3A_230 = arith.constant 0 : i32
      %dma_wait3A_231 = arith.constant 0 : i32
      %dma_wait3A_232 = tpu.memref_slice %dma_wait3A_229[%dma_wait3A_230, %dma_wait3A_231] : memref<50176x64xbf16, #tpu.memory_space<hbm>> -> memref<50176x64xbf16, #tpu.memory_space<hbm>>
      tpu.wait_indirect_dma semaphore(%arg12 : memref<!tpu.dma_semaphore, #tpu.memory_space<semaphore_mem>>) src(%dma_wait3A_232 : memref<50176x64xbf16, #tpu.memory_space<hbm>>) dst(%dma_wait3A_222 : memref<128x64xbf16, #tpu.memory_space<vmem>>)
      %dma_start3A_233 = arith.constant 1 : i32
      %dma_start3A_234 = arith.constant 1 : i32
      %dma_start3A_235 = arith.constant 1 : i32
      %dma_start3A_236 = arith.constant 0 : i32
      %dma_start3A_237 = arith.constant 0 : i32
      %dma_start3A_238 = tpu.memref_slice %arg10[%dma_start3A_233, %dma_start3A_236, %dma_start3A_237] : memref<2x128x64xbf16, #tpu.memory_space<vmem>> -> memref<1x128x64xbf16, #tpu.memory_space<vmem>>
      %dma_start3A_239 = tpu.memref_squeeze %dma_start3A_238 : memref<1x128x64xbf16, #tpu.memory_space<vmem>> -> memref<128x64xbf16, #tpu.memory_space<vmem>>
      %dma_start3A_240 = arith.constant 0 : i32
      %dma_start3A_241 = tpu.memref_slice %arg8[%dma_start3A_234, %dma_start3A_235, %dma_start3A_240] : memref<2x2x128xi32, #tpu.memory_space<vmem>> -> memref<1x1x128xi32, #tpu.memory_space<vmem>>
      %dma_start3A_242 = tpu.memref_squeeze %dma_start3A_241 : memref<1x1x128xi32, #tpu.memory_space<vmem>> -> memref<128xi32, #tpu.memory_space<vmem>>
      %dma_start3A_243 = arith.constant 0 : i32
      %dma_start3A_244 = arith.constant 0 : i32
      %dma_start3A_245 = tpu.memref_slice %arg6[%dma_start3A_243, %dma_start3A_244] : memref<50176x64xbf16, #tpu.memory_space<vmem_shared>> -> memref<50176x64xbf16, #tpu.memory_space<vmem_shared>>
      tpu.enqueue_indirect_dma source(%dma_start3A_239 : memref<128x64xbf16, #tpu.memory_space<vmem>>) target(%dma_start3A_245 : memref<50176x64xbf16, #tpu.memory_space<vmem_shared>>) offsets(%dma_start3A_242 : memref<128xi32, #tpu.memory_space<vmem>>) semaphore(%arg16 : memref<!tpu.dma_semaphore, #tpu.memory_space<semaphore_mem>>) {add = true}
      %add3A_246 = arith.constant 2 : i32
      %add3A_247 = arith.addi %add3A_179, %add3A_246 : i32
      %lt3A_248 = arith.cmpi slt, %add3A_247, %add3A_3 : i32
      %convert_element_type3A_249 = arith.extui %lt3A_248 : i1 to i32
      %cond3A_250 = arith.constant 0 : i32
      %cond3A_251 = arith.cmpi ne, %convert_element_type3A_249, %cond3A_250 : i32
      scf.if %cond3A_251 {
        %add3A_252 = arith.constant 2 : i32
        %add3A_253 = arith.addi %add3A_179, %add3A_252 : i32
        %dma_start3A_254 = arith.constant 0 : i32
        %dma_start3A_255 = arith.constant 0 : i32
        %dma_start3A_256 = arith.constant 0 : i32
        %dma_start3A_257 = tpu.memref_slice %arg2[%add3A_253, %dma_start3A_254, %dma_start3A_255, %dma_start3A_256] : memref<3200x2x2x128xi32, #tpu.memory_space<hbm>> -> memref<1x2x2x128xi32, #tpu.memory_space<hbm>>
        %dma_start3A_258 = tpu.memref_squeeze %dma_start3A_257 : memref<1x2x2x128xi32, #tpu.memory_space<hbm>> -> memref<2x2x128xi32, #tpu.memory_space<hbm>>
        %dma_start3A_259 = arith.constant 0 : i32
        %dma_start3A_260 = arith.constant 0 : i32
        %dma_start3A_261 = arith.constant 0 : i32
        %dma_start3A_262 = tpu.memref_slice %arg2[%add3A_253, %dma_start3A_259, %dma_start3A_260, %dma_start3A_261] : memref<3200x2x2x128xi32, #tpu.memory_space<hbm>> -> memref<1x2x2x128xi32, #tpu.memory_space<hbm>>
        %dma_start3A_263 = tpu.memref_squeeze %dma_start3A_262 : memref<1x2x2x128xi32, #tpu.memory_space<hbm>> -> memref<2x2x128xi32, #tpu.memory_space<hbm>>
        tpu.enqueue_dma source(%dma_start3A_263 : memref<2x2x128xi32, #tpu.memory_space<hbm>>) target(%arg8 : memref<2x2x128xi32, #tpu.memory_space<vmem>>) target_semaphore(%arg14 : memref<!tpu.dma_semaphore, #tpu.memory_space<semaphore_mem>>)
      } else {
      }
    }
    %scan3A_52 = arith.constant 100 : i32
    %dma_wait3A = arith.constant 0 : i32
    %dma_wait3A_53 = arith.constant 1 : i32
    %dma_wait3A_54 = arith.constant 0 : i32
    %dma_wait3A_55 = arith.constant 0 : i32
    %dma_wait3A_56 = arith.constant 0 : i32
    %dma_wait3A_57 = tpu.memref_slice %arg9[%dma_wait3A, %dma_wait3A_55, %dma_wait3A_56] : memref<2x128x64xbf16, #tpu.memory_space<vmem>> -> memref<1x128x64xbf16, #tpu.memory_space<vmem>>
    %dma_wait3A_58 = tpu.memref_squeeze %dma_wait3A_57 : memref<1x128x64xbf16, #tpu.memory_space<vmem>> -> memref<128x64xbf16, #tpu.memory_space<vmem>>
    %dma_wait3A_59 = arith.constant 0 : i32
    %dma_wait3A_60 = tpu.memref_slice %arg7[%dma_wait3A_53, %dma_wait3A_54, %dma_wait3A_59] : memref<2x2x128xi32, #tpu.memory_space<vmem>> -> memref<1x1x128xi32, #tpu.memory_space<vmem>>
    %dma_wait3A_61 = tpu.memref_squeeze %dma_wait3A_60 : memref<1x1x128xi32, #tpu.memory_space<vmem>> -> memref<128xi32, #tpu.memory_space<vmem>>
    %dma_wait3A_62 = arith.constant 0 : i32
    %dma_wait3A_63 = arith.constant 0 : i32
    %dma_wait3A_64 = tpu.memref_slice %arg6[%dma_wait3A_62, %dma_wait3A_63] : memref<50176x64xbf16, #tpu.memory_space<vmem_shared>> -> memref<50176x64xbf16, #tpu.memory_space<vmem_shared>>
    tpu.wait_indirect_dma semaphore(%arg15 : memref<!tpu.dma_semaphore, #tpu.memory_space<semaphore_mem>>) src(%dma_wait3A_58 : memref<128x64xbf16, #tpu.memory_space<vmem>>) dst(%dma_wait3A_64 : memref<50176x64xbf16, #tpu.memory_space<vmem_shared>>)
    %dma_wait3A_65 = arith.constant 1 : i32
    %dma_wait3A_66 = arith.constant 1 : i32
    %dma_wait3A_67 = arith.constant 1 : i32
    %dma_wait3A_68 = arith.constant 0 : i32
    %dma_wait3A_69 = arith.constant 0 : i32
    %dma_wait3A_70 = tpu.memref_slice %arg9[%dma_wait3A_65, %dma_wait3A_68, %dma_wait3A_69] : memref<2x128x64xbf16, #tpu.memory_space<vmem>> -> memref<1x128x64xbf16, #tpu.memory_space<vmem>>
    %dma_wait3A_71 = tpu.memref_squeeze %dma_wait3A_70 : memref<1x128x64xbf16, #tpu.memory_space<vmem>> -> memref<128x64xbf16, #tpu.memory_space<vmem>>
    %dma_wait3A_72 = arith.constant 0 : i32
    %dma_wait3A_73 = tpu.memref_slice %arg7[%dma_wait3A_66, %dma_wait3A_67, %dma_wait3A_72] : memref<2x2x128xi32, #tpu.memory_space<vmem>> -> memref<1x1x128xi32, #tpu.memory_space<vmem>>
    %dma_wait3A_74 = tpu.memref_squeeze %dma_wait3A_73 : memref<1x1x128xi32, #tpu.memory_space<vmem>> -> memref<128xi32, #tpu.memory_space<vmem>>
    %dma_wait3A_75 = arith.constant 0 : i32
    %dma_wait3A_76 = arith.constant 0 : i32
    %dma_wait3A_77 = tpu.memref_slice %arg6[%dma_wait3A_75, %dma_wait3A_76] : memref<50176x64xbf16, #tpu.memory_space<vmem_shared>> -> memref<50176x64xbf16, #tpu.memory_space<vmem_shared>>
    tpu.wait_indirect_dma semaphore(%arg15 : memref<!tpu.dma_semaphore, #tpu.memory_space<semaphore_mem>>) src(%dma_wait3A_71 : memref<128x64xbf16, #tpu.memory_space<vmem>>) dst(%dma_wait3A_77 : memref<50176x64xbf16, #tpu.memory_space<vmem_shared>>)
    %dma_wait3A_78 = arith.constant 0 : i32
    %dma_wait3A_79 = arith.constant 1 : i32
    %dma_wait3A_80 = arith.constant 0 : i32
    %dma_wait3A_81 = arith.constant 0 : i32
    %dma_wait3A_82 = arith.constant 0 : i32
    %dma_wait3A_83 = tpu.memref_slice %arg10[%dma_wait3A_78, %dma_wait3A_81, %dma_wait3A_82] : memref<2x128x64xbf16, #tpu.memory_space<vmem>> -> memref<1x128x64xbf16, #tpu.memory_space<vmem>>
    %dma_wait3A_84 = tpu.memref_squeeze %dma_wait3A_83 : memref<1x128x64xbf16, #tpu.memory_space<vmem>> -> memref<128x64xbf16, #tpu.memory_space<vmem>>
    %dma_wait3A_85 = arith.constant 0 : i32
    %dma_wait3A_86 = tpu.memref_slice %arg8[%dma_wait3A_79, %dma_wait3A_80, %dma_wait3A_85] : memref<2x2x128xi32, #tpu.memory_space<vmem>> -> memref<1x1x128xi32, #tpu.memory_space<vmem>>
    %dma_wait3A_87 = tpu.memref_squeeze %dma_wait3A_86 : memref<1x1x128xi32, #tpu.memory_space<vmem>> -> memref<128xi32, #tpu.memory_space<vmem>>
    %dma_wait3A_88 = arith.constant 0 : i32
    %dma_wait3A_89 = arith.constant 0 : i32
    %dma_wait3A_90 = tpu.memref_slice %arg6[%dma_wait3A_88, %dma_wait3A_89] : memref<50176x64xbf16, #tpu.memory_space<vmem_shared>> -> memref<50176x64xbf16, #tpu.memory_space<vmem_shared>>
    tpu.wait_indirect_dma semaphore(%arg16 : memref<!tpu.dma_semaphore, #tpu.memory_space<semaphore_mem>>) src(%dma_wait3A_84 : memref<128x64xbf16, #tpu.memory_space<vmem>>) dst(%dma_wait3A_90 : memref<50176x64xbf16, #tpu.memory_space<vmem_shared>>)
    %dma_wait3A_91 = arith.constant 1 : i32
    %dma_wait3A_92 = arith.constant 1 : i32
    %dma_wait3A_93 = arith.constant 1 : i32
    %dma_wait3A_94 = arith.constant 0 : i32
    %dma_wait3A_95 = arith.constant 0 : i32
    %dma_wait3A_96 = tpu.memref_slice %arg10[%dma_wait3A_91, %dma_wait3A_94, %dma_wait3A_95] : memref<2x128x64xbf16, #tpu.memory_space<vmem>> -> memref<1x128x64xbf16, #tpu.memory_space<vmem>>
    %dma_wait3A_97 = tpu.memref_squeeze %dma_wait3A_96 : memref<1x128x64xbf16, #tpu.memory_space<vmem>> -> memref<128x64xbf16, #tpu.memory_space<vmem>>
    %dma_wait3A_98 = arith.constant 0 : i32
    %dma_wait3A_99 = tpu.memref_slice %arg8[%dma_wait3A_92, %dma_wait3A_93, %dma_wait3A_98] : memref<2x2x128xi32, #tpu.memory_space<vmem>> -> memref<1x1x128xi32, #tpu.memory_space<vmem>>
    %dma_wait3A_100 = tpu.memref_squeeze %dma_wait3A_99 : memref<1x1x128xi32, #tpu.memory_space<vmem>> -> memref<128xi32, #tpu.memory_space<vmem>>
    %dma_wait3A_101 = arith.constant 0 : i32
    %dma_wait3A_102 = arith.constant 0 : i32
    %dma_wait3A_103 = tpu.memref_slice %arg6[%dma_wait3A_101, %dma_wait3A_102] : memref<50176x64xbf16, #tpu.memory_space<vmem_shared>> -> memref<50176x64xbf16, #tpu.memory_space<vmem_shared>>
    tpu.wait_indirect_dma semaphore(%arg16 : memref<!tpu.dma_semaphore, #tpu.memory_space<semaphore_mem>>) src(%dma_wait3A_97 : memref<128x64xbf16, #tpu.memory_space<vmem>>) dst(%dma_wait3A_103 : memref<50176x64xbf16, #tpu.memory_space<vmem_shared>>)
    %barrier3A_104 = arith.constant 0 : index
    tpu.barrier barrier_id(%barrier3A_104)
    "tpu.region"() ({
      %run_scoped3A = tpu.sem_alloc : memref<!tpu.dma_semaphore, #tpu.memory_space<semaphore_mem>>
      %dma_start3A_105 = arith.constant 0 : i32
      %dma_start3A_106 = arith.constant 0 : i32
      %dma_start3A_107 = tpu.memref_slice %arg5[%arg0, %dma_start3A_105, %dma_start3A_106] : memref<2x50176x64xbf16, #tpu.memory_space<hbm>> -> memref<1x50176x64xbf16, #tpu.memory_space<hbm>>
      %dma_start3A_108 = tpu.memref_squeeze %dma_start3A_107 : memref<1x50176x64xbf16, #tpu.memory_space<hbm>> -> memref<50176x64xbf16, #tpu.memory_space<hbm>>
      %dma_start3A_109 = arith.constant 0 : i32
      %dma_start3A_110 = tpu.memref_slice %dma_start3A_108[%mul3A_0, %dma_start3A_109] : memref<50176x64xbf16, #tpu.memory_space<hbm>> -> memref<3136x64xbf16, #tpu.memory_space<hbm>>
      %dma_start3A_111 = arith.constant 0 : i32
      %dma_start3A_112 = tpu.memref_slice %arg6[%mul3A_0, %dma_start3A_111] : memref<50176x64xbf16, #tpu.memory_space<vmem_shared>> -> memref<3136x64xbf16, #tpu.memory_space<vmem_shared>>
      tpu.enqueue_dma source(%dma_start3A_112 : memref<3136x64xbf16, #tpu.memory_space<vmem_shared>>) target(%dma_start3A_110 : memref<3136x64xbf16, #tpu.memory_space<hbm>>) target_semaphore(%run_scoped3A : memref<!tpu.dma_semaphore, #tpu.memory_space<semaphore_mem>>)
      %dma_wait3A_113 = arith.constant 0 : i32
      %dma_wait3A_114 = arith.constant 0 : i32
      %dma_wait3A_115 = tpu.memref_slice %arg5[%arg0, %dma_wait3A_113, %dma_wait3A_114] : memref<2x50176x64xbf16, #tpu.memory_space<hbm>> -> memref<1x50176x64xbf16, #tpu.memory_space<hbm>>
      %dma_wait3A_116 = tpu.memref_squeeze %dma_wait3A_115 : memref<1x50176x64xbf16, #tpu.memory_space<hbm>> -> memref<50176x64xbf16, #tpu.memory_space<hbm>>
      %dma_wait3A_117 = arith.constant 0 : i32
      %dma_wait3A_118 = tpu.memref_slice %dma_wait3A_116[%mul3A_0, %dma_wait3A_117] : memref<50176x64xbf16, #tpu.memory_space<hbm>> -> memref<3136x64xbf16, #tpu.memory_space<hbm>>
      %dma_wait3A_119 = arith.constant 0 : i32
      %dma_wait3A_120 = tpu.memref_slice %arg6[%mul3A_0, %dma_wait3A_119] : memref<50176x64xbf16, #tpu.memory_space<vmem_shared>> -> memref<3136x64xbf16, #tpu.memory_space<vmem_shared>>
      tpu.wait_dma2 semaphore(%run_scoped3A : memref<!tpu.dma_semaphore, #tpu.memory_space<semaphore_mem>>) src(%dma_wait3A_120 : memref<3136x64xbf16, #tpu.memory_space<vmem_shared>>) dst(%dma_wait3A_118 : memref<3136x64xbf16, #tpu.memory_space<hbm>>)
      tpu.yield
    }) : () -> ()
    return
  }
}

#map = affine_map<(d0, d1) -> (0, 0, 0, 0)>
#map1 = affine_map<(d0, d1) -> (0, 0)>
#map2 = affine_map<(d0, d1) -> (0, 0, 0)>
module attributes {stable_mosaic.version = 14 : i64} {
  func.func @agg(%arg0: i32, %arg1: i32, %arg2: memref<3200x2x2x128xi32, #tpu.memory_space<hbm>>, %arg3: memref<50176x64xbf16, #tpu.memory_space<hbm>>, %arg4: memref<3136x64xbf16, #tpu.memory_space<hbm>>, %arg5: memref<2x50176x64xbf16, #tpu.memory_space<hbm>>, %arg6: memref<50176x64xbf16, #tpu.memory_space<vmem_shared>>, %arg7: memref<2x2x128xi32, #tpu.memory_space<vmem>>, %arg8: memref<2x2x128xi32, #tpu.memory_space<vmem>>, %arg9: memref<2x128x64xbf16, #tpu.memory_space<vmem>>, %arg10: memref<2x128x64xbf16, #tpu.memory_space<vmem>>, %arg11: memref<!tpu.dma_semaphore, #tpu.memory_space<semaphore_mem>>, %arg12: memref<!tpu.dma_semaphore, #tpu.memory_space<semaphore_mem>>, %arg13: memref<!tpu.dma_semaphore, #tpu.memory_space<semaphore_mem>>, %arg14: memref<!tpu.dma_semaphore, #tpu.memory_space<semaphore_mem>>, %arg15: memref<!tpu.dma_semaphore, #tpu.memory_space<semaphore_mem>>, %arg16: memref<!tpu.dma_semaphore, #tpu.memory_space<semaphore_mem>>) attributes {dimension_semantics = [#tpu.dimension_semantics<core_parallel>, #tpu.dimension_semantics<subcore_parallel>], iteration_bounds = array<i64: 2, 16>, scalar_prefetch = 0 : i64, scratch_operands = 11 : i64, tpu.core_type = #tpu.core_type<sc_vector_subcore>, window_params = [{transform_indices = #map}, {transform_indices = #map1}, {transform_indices = #map1}, {transform_indices = #map2}]} {
    %mul3A = arith.constant 3136 : i32
    %mul3A_0 = arith.muli %arg1, %mul3A : i32
    %mul3A_1 = arith.constant 16 : i32
    %mul3A_2 = arith.muli %arg0, %mul3A_1 : i32
    %add3A = arith.addi %mul3A_2, %arg1 : i32
    %mul3A_3 = arith.constant 100 : i32
    %mul3A_4 = arith.muli %add3A, %mul3A_3 : i32
    %add3A_5 = arith.constant 100 : i32
    %add3A_6 = arith.addi %mul3A_4, %add3A_5 : i32
    "tpu.region"() ({
      %run_scoped3A = tpu.sem_alloc : memref<!tpu.dma_semaphore, #tpu.memory_space<semaphore_mem>>
      %dma_start3A_100 = arith.constant 0 : i32
      %dma_start3A_101 = tpu.memref_slice %arg6[%mul3A_0, %dma_start3A_100] : memref<50176x64xbf16, #tpu.memory_space<vmem_shared>> -> memref<3136x64xbf16, #tpu.memory_space<vmem_shared>>
      tpu.enqueue_dma source(%arg4 : memref<3136x64xbf16, #tpu.memory_space<hbm>>) target(%dma_start3A_101 : memref<3136x64xbf16, #tpu.memory_space<vmem_shared>>) target_semaphore(%run_scoped3A : memref<!tpu.dma_semaphore, #tpu.memory_space<semaphore_mem>>)
      %dma_wait3A_102 = arith.constant 0 : i32
      %dma_wait3A_103 = tpu.memref_slice %arg6[%mul3A_0, %dma_wait3A_102] : memref<50176x64xbf16, #tpu.memory_space<vmem_shared>> -> memref<3136x64xbf16, #tpu.memory_space<vmem_shared>>
      tpu.wait_dma2 semaphore(%run_scoped3A : memref<!tpu.dma_semaphore, #tpu.memory_space<semaphore_mem>>) src(%arg4 : memref<3136x64xbf16, #tpu.memory_space<hbm>>) dst(%dma_wait3A_103 : memref<3136x64xbf16, #tpu.memory_space<vmem_shared>>)
      tpu.yield
    }) : () -> ()
    %barrier3A = arith.constant 0 : index
    tpu.barrier barrier_id(%barrier3A)
    "tpu.region"() ({
      %run_scoped3A = tpu.sem_alloc : memref<!tpu.dma_semaphore, #tpu.memory_space<semaphore_mem>>
      %dma_start3A_100 = arith.constant 0 : i32
      %dma_start3A_101 = arith.constant 0 : i32
      %dma_start3A_102 = arith.constant 0 : i32
      %dma_start3A_103 = tpu.memref_slice %arg2[%mul3A_4, %dma_start3A_100, %dma_start3A_101, %dma_start3A_102] : memref<3200x2x2x128xi32, #tpu.memory_space<hbm>> -> memref<1x2x2x128xi32, #tpu.memory_space<hbm>>
      %dma_start3A_104 = tpu.memref_squeeze %dma_start3A_103 : memref<1x2x2x128xi32, #tpu.memory_space<hbm>> -> memref<2x2x128xi32, #tpu.memory_space<hbm>>
      %dma_start3A_105 = arith.constant 0 : i32
      %dma_start3A_106 = arith.constant 0 : i32
      %dma_start3A_107 = arith.constant 0 : i32
      %dma_start3A_108 = tpu.memref_slice %arg2[%mul3A_4, %dma_start3A_105, %dma_start3A_106, %dma_start3A_107] : memref<3200x2x2x128xi32, #tpu.memory_space<hbm>> -> memref<1x2x2x128xi32, #tpu.memory_space<hbm>>
      %dma_start3A_109 = tpu.memref_squeeze %dma_start3A_108 : memref<1x2x2x128xi32, #tpu.memory_space<hbm>> -> memref<2x2x128xi32, #tpu.memory_space<hbm>>
      tpu.enqueue_dma source(%dma_start3A_109 : memref<2x2x128xi32, #tpu.memory_space<hbm>>) target(%arg7 : memref<2x2x128xi32, #tpu.memory_space<vmem>>) target_semaphore(%run_scoped3A : memref<!tpu.dma_semaphore, #tpu.memory_space<semaphore_mem>>)
      %dma_wait3A_110 = arith.constant 0 : i32
      %dma_wait3A_111 = arith.constant 0 : i32
      %dma_wait3A_112 = arith.constant 0 : i32
      %dma_wait3A_113 = tpu.memref_slice %arg2[%mul3A_4, %dma_wait3A_110, %dma_wait3A_111, %dma_wait3A_112] : memref<3200x2x2x128xi32, #tpu.memory_space<hbm>> -> memref<1x2x2x128xi32, #tpu.memory_space<hbm>>
      %dma_wait3A_114 = tpu.memref_squeeze %dma_wait3A_113 : memref<1x2x2x128xi32, #tpu.memory_space<hbm>> -> memref<2x2x128xi32, #tpu.memory_space<hbm>>
      %dma_wait3A_115 = arith.constant 0 : i32
      %dma_wait3A_116 = arith.constant 0 : i32
      %dma_wait3A_117 = arith.constant 0 : i32
      %dma_wait3A_118 = tpu.memref_slice %arg2[%mul3A_4, %dma_wait3A_115, %dma_wait3A_116, %dma_wait3A_117] : memref<3200x2x2x128xi32, #tpu.memory_space<hbm>> -> memref<1x2x2x128xi32, #tpu.memory_space<hbm>>
      %dma_wait3A_119 = tpu.memref_squeeze %dma_wait3A_118 : memref<1x2x2x128xi32, #tpu.memory_space<hbm>> -> memref<2x2x128xi32, #tpu.memory_space<hbm>>
      tpu.wait_dma2 semaphore(%run_scoped3A : memref<!tpu.dma_semaphore, #tpu.memory_space<semaphore_mem>>) src(%dma_wait3A_119 : memref<2x2x128xi32, #tpu.memory_space<hbm>>) dst(%arg7 : memref<2x2x128xi32, #tpu.memory_space<vmem>>)
      tpu.yield
    }) : () -> ()
    %dma_start3A = arith.constant 0 : i32
    %dma_start3A_7 = arith.constant 0 : i32
    %dma_start3A_8 = arith.constant 0 : i32
    %dma_start3A_9 = arith.constant 0 : i32
    %dma_start3A_10 = arith.constant 0 : i32
    %dma_start3A_11 = tpu.memref_slice %arg9[%dma_start3A_8, %dma_start3A_9, %dma_start3A_10] : memref<2x128x64xbf16, #tpu.memory_space<vmem>> -> memref<1x128x64xbf16, #tpu.memory_space<vmem>>
    %dma_start3A_12 = tpu.memref_squeeze %dma_start3A_11 : memref<1x128x64xbf16, #tpu.memory_space<vmem>> -> memref<128x64xbf16, #tpu.memory_space<vmem>>
    %dma_start3A_13 = arith.constant 0 : i32
    %dma_start3A_14 = tpu.memref_slice %arg7[%dma_start3A, %dma_start3A_7, %dma_start3A_13] : memref<2x2x128xi32, #tpu.memory_space<vmem>> -> memref<1x1x128xi32, #tpu.memory_space<vmem>>
    %dma_start3A_15 = tpu.memref_squeeze %dma_start3A_14 : memref<1x1x128xi32, #tpu.memory_space<vmem>> -> memref<128xi32, #tpu.memory_space<vmem>>
    %dma_start3A_16 = arith.constant 0 : i32
    %dma_start3A_17 = arith.constant 0 : i32
    %dma_start3A_18 = tpu.memref_slice %arg3[%dma_start3A_16, %dma_start3A_17] : memref<50176x64xbf16, #tpu.memory_space<hbm>> -> memref<50176x64xbf16, #tpu.memory_space<hbm>>
    tpu.enqueue_indirect_dma source(%dma_start3A_18 : memref<50176x64xbf16, #tpu.memory_space<hbm>>) target(%dma_start3A_12 : memref<128x64xbf16, #tpu.memory_space<vmem>>) offsets(%dma_start3A_15 : memref<128xi32, #tpu.memory_space<vmem>>) semaphore(%arg11 : memref<!tpu.dma_semaphore, #tpu.memory_space<semaphore_mem>>)
    %dma_start3A_19 = arith.constant 0 : i32
    %dma_start3A_20 = arith.constant 1 : i32
    %dma_start3A_21 = arith.constant 1 : i32
    %dma_start3A_22 = arith.constant 0 : i32
    %dma_start3A_23 = arith.constant 0 : i32
    %dma_start3A_24 = tpu.memref_slice %arg9[%dma_start3A_21, %dma_start3A_22, %dma_start3A_23] : memref<2x128x64xbf16, #tpu.memory_space<vmem>> -> memref<1x128x64xbf16, #tpu.memory_space<vmem>>
    %dma_start3A_25 = tpu.memref_squeeze %dma_start3A_24 : memref<1x128x64xbf16, #tpu.memory_space<vmem>> -> memref<128x64xbf16, #tpu.memory_space<vmem>>
    %dma_start3A_26 = arith.constant 0 : i32
    %dma_start3A_27 = tpu.memref_slice %arg7[%dma_start3A_19, %dma_start3A_20, %dma_start3A_26] : memref<2x2x128xi32, #tpu.memory_space<vmem>> -> memref<1x1x128xi32, #tpu.memory_space<vmem>>
    %dma_start3A_28 = tpu.memref_squeeze %dma_start3A_27 : memref<1x1x128xi32, #tpu.memory_space<vmem>> -> memref<128xi32, #tpu.memory_space<vmem>>
    %dma_start3A_29 = arith.constant 0 : i32
    %dma_start3A_30 = arith.constant 0 : i32
    %dma_start3A_31 = tpu.memref_slice %arg3[%dma_start3A_29, %dma_start3A_30] : memref<50176x64xbf16, #tpu.memory_space<hbm>> -> memref<50176x64xbf16, #tpu.memory_space<hbm>>
    tpu.enqueue_indirect_dma source(%dma_start3A_31 : memref<50176x64xbf16, #tpu.memory_space<hbm>>) target(%dma_start3A_25 : memref<128x64xbf16, #tpu.memory_space<vmem>>) offsets(%dma_start3A_28 : memref<128xi32, #tpu.memory_space<vmem>>) semaphore(%arg11 : memref<!tpu.dma_semaphore, #tpu.memory_space<semaphore_mem>>)
    %add3A_32 = arith.constant 1 : i32
    %add3A_33 = arith.addi %mul3A_4, %add3A_32 : i32
    %dma_start3A_34 = arith.constant 0 : i32
    %dma_start3A_35 = arith.constant 0 : i32
    %dma_start3A_36 = arith.constant 0 : i32
    %dma_start3A_37 = tpu.memref_slice %arg2[%add3A_33, %dma_start3A_34, %dma_start3A_35, %dma_start3A_36] : memref<3200x2x2x128xi32, #tpu.memory_space<hbm>> -> memref<1x2x2x128xi32, #tpu.memory_space<hbm>>
    %dma_start3A_38 = tpu.memref_squeeze %dma_start3A_37 : memref<1x2x2x128xi32, #tpu.memory_space<hbm>> -> memref<2x2x128xi32, #tpu.memory_space<hbm>>
    %dma_start3A_39 = arith.constant 0 : i32
    %dma_start3A_40 = arith.constant 0 : i32
    %dma_start3A_41 = arith.constant 0 : i32
    %dma_start3A_42 = tpu.memref_slice %arg2[%add3A_33, %dma_start3A_39, %dma_start3A_40, %dma_start3A_41] : memref<3200x2x2x128xi32, #tpu.memory_space<hbm>> -> memref<1x2x2x128xi32, #tpu.memory_space<hbm>>
    %dma_start3A_43 = tpu.memref_squeeze %dma_start3A_42 : memref<1x2x2x128xi32, #tpu.memory_space<hbm>> -> memref<2x2x128xi32, #tpu.memory_space<hbm>>
    tpu.enqueue_dma source(%dma_start3A_43 : memref<2x2x128xi32, #tpu.memory_space<hbm>>) target(%arg8 : memref<2x2x128xi32, #tpu.memory_space<vmem>>) target_semaphore(%arg14 : memref<!tpu.dma_semaphore, #tpu.memory_space<semaphore_mem>>)
    %scan3A = arith.constant 0 : i32
    %scan3A_44 = arith.constant 50 : i32
    %scan3A_45 = arith.addi %scan3A, %scan3A_44 : i32
    %scan3A_46 = arith.constant 1 : i32
    scf.for %scan3A_100 = %scan3A to %scan3A_45 step %scan3A_46  : i32 {
      %mul3A_101 = arith.constant 2 : i32
      %mul3A_102 = arith.muli %mul3A_101, %scan3A_100 : i32
      %add3A_103 = arith.addi %mul3A_4, %mul3A_102 : i32
      %add3A_104 = arith.constant 1 : i32
      %add3A_105 = arith.addi %add3A_103, %add3A_104 : i32
      %lt3A = arith.cmpi slt, %add3A_105, %add3A_6 : i32
      %convert_element_type3A = arith.extui %lt3A : i1 to i32
      %cond3A = arith.constant 0 : i32
      %cond3A_106 = arith.cmpi ne, %convert_element_type3A, %cond3A : i32
      scf.if %cond3A_106 {
        %gt3A = arith.cmpi sgt, %add3A_103, %mul3A_4 : i32
        %convert_element_type3A_231 = arith.extui %gt3A : i1 to i32
        %cond3A_232 = arith.constant 0 : i32
        %cond3A_233 = arith.cmpi ne, %convert_element_type3A_231, %cond3A_232 : i32
        scf.if %cond3A_233 {
          %dma_wait3A_272 = arith.constant 0 : i32
          %dma_wait3A_273 = arith.constant 1 : i32
          %dma_wait3A_274 = arith.constant 0 : i32
          %dma_wait3A_275 = arith.constant 0 : i32
          %dma_wait3A_276 = arith.constant 0 : i32
          %dma_wait3A_277 = tpu.memref_slice %arg10[%dma_wait3A_272, %dma_wait3A_275, %dma_wait3A_276] : memref<2x128x64xbf16, #tpu.memory_space<vmem>> -> memref<1x128x64xbf16, #tpu.memory_space<vmem>>
          %dma_wait3A_278 = tpu.memref_squeeze %dma_wait3A_277 : memref<1x128x64xbf16, #tpu.memory_space<vmem>> -> memref<128x64xbf16, #tpu.memory_space<vmem>>
          %dma_wait3A_279 = arith.constant 0 : i32
          %dma_wait3A_280 = tpu.memref_slice %arg8[%dma_wait3A_273, %dma_wait3A_274, %dma_wait3A_279] : memref<2x2x128xi32, #tpu.memory_space<vmem>> -> memref<1x1x128xi32, #tpu.memory_space<vmem>>
          %dma_wait3A_281 = tpu.memref_squeeze %dma_wait3A_280 : memref<1x1x128xi32, #tpu.memory_space<vmem>> -> memref<128xi32, #tpu.memory_space<vmem>>
          %dma_wait3A_282 = arith.constant 0 : i32
          %dma_wait3A_283 = arith.constant 0 : i32
          %dma_wait3A_284 = tpu.memref_slice %arg6[%dma_wait3A_282, %dma_wait3A_283] : memref<50176x64xbf16, #tpu.memory_space<vmem_shared>> -> memref<50176x64xbf16, #tpu.memory_space<vmem_shared>>
          tpu.wait_indirect_dma semaphore(%arg16 : memref<!tpu.dma_semaphore, #tpu.memory_space<semaphore_mem>>) src(%dma_wait3A_278 : memref<128x64xbf16, #tpu.memory_space<vmem>>) dst(%dma_wait3A_284 : memref<50176x64xbf16, #tpu.memory_space<vmem_shared>>)
          %dma_wait3A_285 = arith.constant 1 : i32
          %dma_wait3A_286 = arith.constant 1 : i32
          %dma_wait3A_287 = arith.constant 1 : i32
          %dma_wait3A_288 = arith.constant 0 : i32
          %dma_wait3A_289 = arith.constant 0 : i32
          %dma_wait3A_290 = tpu.memref_slice %arg10[%dma_wait3A_285, %dma_wait3A_288, %dma_wait3A_289] : memref<2x128x64xbf16, #tpu.memory_space<vmem>> -> memref<1x128x64xbf16, #tpu.memory_space<vmem>>
          %dma_wait3A_291 = tpu.memref_squeeze %dma_wait3A_290 : memref<1x128x64xbf16, #tpu.memory_space<vmem>> -> memref<128x64xbf16, #tpu.memory_space<vmem>>
          %dma_wait3A_292 = arith.constant 0 : i32
          %dma_wait3A_293 = tpu.memref_slice %arg8[%dma_wait3A_286, %dma_wait3A_287, %dma_wait3A_292] : memref<2x2x128xi32, #tpu.memory_space<vmem>> -> memref<1x1x128xi32, #tpu.memory_space<vmem>>
          %dma_wait3A_294 = tpu.memref_squeeze %dma_wait3A_293 : memref<1x1x128xi32, #tpu.memory_space<vmem>> -> memref<128xi32, #tpu.memory_space<vmem>>
          %dma_wait3A_295 = arith.constant 0 : i32
          %dma_wait3A_296 = arith.constant 0 : i32
          %dma_wait3A_297 = tpu.memref_slice %arg6[%dma_wait3A_295, %dma_wait3A_296] : memref<50176x64xbf16, #tpu.memory_space<vmem_shared>> -> memref<50176x64xbf16, #tpu.memory_space<vmem_shared>>
          tpu.wait_indirect_dma semaphore(%arg16 : memref<!tpu.dma_semaphore, #tpu.memory_space<semaphore_mem>>) src(%dma_wait3A_291 : memref<128x64xbf16, #tpu.memory_space<vmem>>) dst(%dma_wait3A_297 : memref<50176x64xbf16, #tpu.memory_space<vmem_shared>>)
        } else {
        }
        %add3A_234 = arith.constant 1 : i32
        %add3A_235 = arith.addi %add3A_103, %add3A_234 : i32
        %dma_wait3A_236 = arith.constant 0 : i32
        %dma_wait3A_237 = arith.constant 0 : i32
        %dma_wait3A_238 = arith.constant 0 : i32
        %dma_wait3A_239 = tpu.memref_slice %arg2[%add3A_235, %dma_wait3A_236, %dma_wait3A_237, %dma_wait3A_238] : memref<3200x2x2x128xi32, #tpu.memory_space<hbm>> -> memref<1x2x2x128xi32, #tpu.memory_space<hbm>>
        %dma_wait3A_240 = tpu.memref_squeeze %dma_wait3A_239 : memref<1x2x2x128xi32, #tpu.memory_space<hbm>> -> memref<2x2x128xi32, #tpu.memory_space<hbm>>
        %dma_wait3A_241 = arith.constant 0 : i32
        %dma_wait3A_242 = arith.constant 0 : i32
        %dma_wait3A_243 = arith.constant 0 : i32
        %dma_wait3A_244 = tpu.memref_slice %arg2[%add3A_235, %dma_wait3A_241, %dma_wait3A_242, %dma_wait3A_243] : memref<3200x2x2x128xi32, #tpu.memory_space<hbm>> -> memref<1x2x2x128xi32, #tpu.memory_space<hbm>>
        %dma_wait3A_245 = tpu.memref_squeeze %dma_wait3A_244 : memref<1x2x2x128xi32, #tpu.memory_space<hbm>> -> memref<2x2x128xi32, #tpu.memory_space<hbm>>
        tpu.wait_dma2 semaphore(%arg14 : memref<!tpu.dma_semaphore, #tpu.memory_space<semaphore_mem>>) src(%dma_wait3A_245 : memref<2x2x128xi32, #tpu.memory_space<hbm>>) dst(%arg8 : memref<2x2x128xi32, #tpu.memory_space<vmem>>)
        %dma_start3A_246 = arith.constant 0 : i32
        %dma_start3A_247 = arith.constant 0 : i32
        %dma_start3A_248 = arith.constant 0 : i32
        %dma_start3A_249 = arith.constant 0 : i32
        %dma_start3A_250 = arith.constant 0 : i32
        %dma_start3A_251 = tpu.memref_slice %arg10[%dma_start3A_248, %dma_start3A_249, %dma_start3A_250] : memref<2x128x64xbf16, #tpu.memory_space<vmem>> -> memref<1x128x64xbf16, #tpu.memory_space<vmem>>
        %dma_start3A_252 = tpu.memref_squeeze %dma_start3A_251 : memref<1x128x64xbf16, #tpu.memory_space<vmem>> -> memref<128x64xbf16, #tpu.memory_space<vmem>>
        %dma_start3A_253 = arith.constant 0 : i32
        %dma_start3A_254 = tpu.memref_slice %arg8[%dma_start3A_246, %dma_start3A_247, %dma_start3A_253] : memref<2x2x128xi32, #tpu.memory_space<vmem>> -> memref<1x1x128xi32, #tpu.memory_space<vmem>>
        %dma_start3A_255 = tpu.memref_squeeze %dma_start3A_254 : memref<1x1x128xi32, #tpu.memory_space<vmem>> -> memref<128xi32, #tpu.memory_space<vmem>>
        %dma_start3A_256 = arith.constant 0 : i32
        %dma_start3A_257 = arith.constant 0 : i32
        %dma_start3A_258 = tpu.memref_slice %arg3[%dma_start3A_256, %dma_start3A_257] : memref<50176x64xbf16, #tpu.memory_space<hbm>> -> memref<50176x64xbf16, #tpu.memory_space<hbm>>
        tpu.enqueue_indirect_dma source(%dma_start3A_258 : memref<50176x64xbf16, #tpu.memory_space<hbm>>) target(%dma_start3A_252 : memref<128x64xbf16, #tpu.memory_space<vmem>>) offsets(%dma_start3A_255 : memref<128xi32, #tpu.memory_space<vmem>>) semaphore(%arg12 : memref<!tpu.dma_semaphore, #tpu.memory_space<semaphore_mem>>)
        %dma_start3A_259 = arith.constant 0 : i32
        %dma_start3A_260 = arith.constant 1 : i32
        %dma_start3A_261 = arith.constant 1 : i32
        %dma_start3A_262 = arith.constant 0 : i32
        %dma_start3A_263 = arith.constant 0 : i32
        %dma_start3A_264 = tpu.memref_slice %arg10[%dma_start3A_261, %dma_start3A_262, %dma_start3A_263] : memref<2x128x64xbf16, #tpu.memory_space<vmem>> -> memref<1x128x64xbf16, #tpu.memory_space<vmem>>
        %dma_start3A_265 = tpu.memref_squeeze %dma_start3A_264 : memref<1x128x64xbf16, #tpu.memory_space<vmem>> -> memref<128x64xbf16, #tpu.memory_space<vmem>>
        %dma_start3A_266 = arith.constant 0 : i32
        %dma_start3A_267 = tpu.memref_slice %arg8[%dma_start3A_259, %dma_start3A_260, %dma_start3A_266] : memref<2x2x128xi32, #tpu.memory_space<vmem>> -> memref<1x1x128xi32, #tpu.memory_space<vmem>>
        %dma_start3A_268 = tpu.memref_squeeze %dma_start3A_267 : memref<1x1x128xi32, #tpu.memory_space<vmem>> -> memref<128xi32, #tpu.memory_space<vmem>>
        %dma_start3A_269 = arith.constant 0 : i32
        %dma_start3A_270 = arith.constant 0 : i32
        %dma_start3A_271 = tpu.memref_slice %arg3[%dma_start3A_269, %dma_start3A_270] : memref<50176x64xbf16, #tpu.memory_space<hbm>> -> memref<50176x64xbf16, #tpu.memory_space<hbm>>
        tpu.enqueue_indirect_dma source(%dma_start3A_271 : memref<50176x64xbf16, #tpu.memory_space<hbm>>) target(%dma_start3A_265 : memref<128x64xbf16, #tpu.memory_space<vmem>>) offsets(%dma_start3A_268 : memref<128xi32, #tpu.memory_space<vmem>>) semaphore(%arg12 : memref<!tpu.dma_semaphore, #tpu.memory_space<semaphore_mem>>)
      } else {
      }
      %dma_wait3A_107 = arith.constant 0 : i32
      %dma_wait3A_108 = arith.constant 0 : i32
      %dma_wait3A_109 = arith.constant 0 : i32
      %dma_wait3A_110 = arith.constant 0 : i32
      %dma_wait3A_111 = arith.constant 0 : i32
      %dma_wait3A_112 = tpu.memref_slice %arg9[%dma_wait3A_109, %dma_wait3A_110, %dma_wait3A_111] : memref<2x128x64xbf16, #tpu.memory_space<vmem>> -> memref<1x128x64xbf16, #tpu.memory_space<vmem>>
      %dma_wait3A_113 = tpu.memref_squeeze %dma_wait3A_112 : memref<1x128x64xbf16, #tpu.memory_space<vmem>> -> memref<128x64xbf16, #tpu.memory_space<vmem>>
      %dma_wait3A_114 = arith.constant 0 : i32
      %dma_wait3A_115 = tpu.memref_slice %arg7[%dma_wait3A_107, %dma_wait3A_108, %dma_wait3A_114] : memref<2x2x128xi32, #tpu.memory_space<vmem>> -> memref<1x1x128xi32, #tpu.memory_space<vmem>>
      %dma_wait3A_116 = tpu.memref_squeeze %dma_wait3A_115 : memref<1x1x128xi32, #tpu.memory_space<vmem>> -> memref<128xi32, #tpu.memory_space<vmem>>
      %dma_wait3A_117 = arith.constant 0 : i32
      %dma_wait3A_118 = arith.constant 0 : i32
      %dma_wait3A_119 = tpu.memref_slice %arg3[%dma_wait3A_117, %dma_wait3A_118] : memref<50176x64xbf16, #tpu.memory_space<hbm>> -> memref<50176x64xbf16, #tpu.memory_space<hbm>>
      tpu.wait_indirect_dma semaphore(%arg11 : memref<!tpu.dma_semaphore, #tpu.memory_space<semaphore_mem>>) src(%dma_wait3A_119 : memref<50176x64xbf16, #tpu.memory_space<hbm>>) dst(%dma_wait3A_113 : memref<128x64xbf16, #tpu.memory_space<vmem>>)
      %dma_start3A_120 = arith.constant 0 : i32
      %dma_start3A_121 = arith.constant 1 : i32
      %dma_start3A_122 = arith.constant 0 : i32
      %dma_start3A_123 = arith.constant 0 : i32
      %dma_start3A_124 = arith.constant 0 : i32
      %dma_start3A_125 = tpu.memref_slice %arg9[%dma_start3A_120, %dma_start3A_123, %dma_start3A_124] : memref<2x128x64xbf16, #tpu.memory_space<vmem>> -> memref<1x128x64xbf16, #tpu.memory_space<vmem>>
      %dma_start3A_126 = tpu.memref_squeeze %dma_start3A_125 : memref<1x128x64xbf16, #tpu.memory_space<vmem>> -> memref<128x64xbf16, #tpu.memory_space<vmem>>
      %dma_start3A_127 = arith.constant 0 : i32
      %dma_start3A_128 = tpu.memref_slice %arg7[%dma_start3A_121, %dma_start3A_122, %dma_start3A_127] : memref<2x2x128xi32, #tpu.memory_space<vmem>> -> memref<1x1x128xi32, #tpu.memory_space<vmem>>
      %dma_start3A_129 = tpu.memref_squeeze %dma_start3A_128 : memref<1x1x128xi32, #tpu.memory_space<vmem>> -> memref<128xi32, #tpu.memory_space<vmem>>
      %dma_start3A_130 = arith.constant 0 : i32
      %dma_start3A_131 = arith.constant 0 : i32
      %dma_start3A_132 = tpu.memref_slice %arg6[%dma_start3A_130, %dma_start3A_131] : memref<50176x64xbf16, #tpu.memory_space<vmem_shared>> -> memref<50176x64xbf16, #tpu.memory_space<vmem_shared>>
      tpu.enqueue_indirect_dma source(%dma_start3A_126 : memref<128x64xbf16, #tpu.memory_space<vmem>>) target(%dma_start3A_132 : memref<50176x64xbf16, #tpu.memory_space<vmem_shared>>) offsets(%dma_start3A_129 : memref<128xi32, #tpu.memory_space<vmem>>) semaphore(%arg15 : memref<!tpu.dma_semaphore, #tpu.memory_space<semaphore_mem>>) {add = true}
      %dma_wait3A_133 = arith.constant 0 : i32
      %dma_wait3A_134 = arith.constant 1 : i32
      %dma_wait3A_135 = arith.constant 1 : i32
      %dma_wait3A_136 = arith.constant 0 : i32
      %dma_wait3A_137 = arith.constant 0 : i32
      %dma_wait3A_138 = tpu.memref_slice %arg9[%dma_wait3A_135, %dma_wait3A_136, %dma_wait3A_137] : memref<2x128x64xbf16, #tpu.memory_space<vmem>> -> memref<1x128x64xbf16, #tpu.memory_space<vmem>>
      %dma_wait3A_139 = tpu.memref_squeeze %dma_wait3A_138 : memref<1x128x64xbf16, #tpu.memory_space<vmem>> -> memref<128x64xbf16, #tpu.memory_space<vmem>>
      %dma_wait3A_140 = arith.constant 0 : i32
      %dma_wait3A_141 = tpu.memref_slice %arg7[%dma_wait3A_133, %dma_wait3A_134, %dma_wait3A_140] : memref<2x2x128xi32, #tpu.memory_space<vmem>> -> memref<1x1x128xi32, #tpu.memory_space<vmem>>
      %dma_wait3A_142 = tpu.memref_squeeze %dma_wait3A_141 : memref<1x1x128xi32, #tpu.memory_space<vmem>> -> memref<128xi32, #tpu.memory_space<vmem>>
      %dma_wait3A_143 = arith.constant 0 : i32
      %dma_wait3A_144 = arith.constant 0 : i32
      %dma_wait3A_145 = tpu.memref_slice %arg3[%dma_wait3A_143, %dma_wait3A_144] : memref<50176x64xbf16, #tpu.memory_space<hbm>> -> memref<50176x64xbf16, #tpu.memory_space<hbm>>
      tpu.wait_indirect_dma semaphore(%arg11 : memref<!tpu.dma_semaphore, #tpu.memory_space<semaphore_mem>>) src(%dma_wait3A_145 : memref<50176x64xbf16, #tpu.memory_space<hbm>>) dst(%dma_wait3A_139 : memref<128x64xbf16, #tpu.memory_space<vmem>>)
      %dma_start3A_146 = arith.constant 1 : i32
      %dma_start3A_147 = arith.constant 1 : i32
      %dma_start3A_148 = arith.constant 1 : i32
      %dma_start3A_149 = arith.constant 0 : i32
      %dma_start3A_150 = arith.constant 0 : i32
      %dma_start3A_151 = tpu.memref_slice %arg9[%dma_start3A_146, %dma_start3A_149, %dma_start3A_150] : memref<2x128x64xbf16, #tpu.memory_space<vmem>> -> memref<1x128x64xbf16, #tpu.memory_space<vmem>>
      %dma_start3A_152 = tpu.memref_squeeze %dma_start3A_151 : memref<1x128x64xbf16, #tpu.memory_space<vmem>> -> memref<128x64xbf16, #tpu.memory_space<vmem>>
      %dma_start3A_153 = arith.constant 0 : i32
      %dma_start3A_154 = tpu.memref_slice %arg7[%dma_start3A_147, %dma_start3A_148, %dma_start3A_153] : memref<2x2x128xi32, #tpu.memory_space<vmem>> -> memref<1x1x128xi32, #tpu.memory_space<vmem>>
      %dma_start3A_155 = tpu.memref_squeeze %dma_start3A_154 : memref<1x1x128xi32, #tpu.memory_space<vmem>> -> memref<128xi32, #tpu.memory_space<vmem>>
      %dma_start3A_156 = arith.constant 0 : i32
      %dma_start3A_157 = arith.constant 0 : i32
      %dma_start3A_158 = tpu.memref_slice %arg6[%dma_start3A_156, %dma_start3A_157] : memref<50176x64xbf16, #tpu.memory_space<vmem_shared>> -> memref<50176x64xbf16, #tpu.memory_space<vmem_shared>>
      tpu.enqueue_indirect_dma source(%dma_start3A_152 : memref<128x64xbf16, #tpu.memory_space<vmem>>) target(%dma_start3A_158 : memref<50176x64xbf16, #tpu.memory_space<vmem_shared>>) offsets(%dma_start3A_155 : memref<128xi32, #tpu.memory_space<vmem>>) semaphore(%arg15 : memref<!tpu.dma_semaphore, #tpu.memory_space<semaphore_mem>>) {add = true}
      %add3A_159 = arith.constant 2 : i32
      %add3A_160 = arith.addi %add3A_103, %add3A_159 : i32
      %lt3A_161 = arith.cmpi slt, %add3A_160, %add3A_6 : i32
      %convert_element_type3A_162 = arith.extui %lt3A_161 : i1 to i32
      %cond3A_163 = arith.constant 0 : i32
      %cond3A_164 = arith.cmpi ne, %convert_element_type3A_162, %cond3A_163 : i32
      scf.if %cond3A_164 {
        %add3A_231 = arith.constant 2 : i32
        %add3A_232 = arith.addi %add3A_103, %add3A_231 : i32
        %dma_start3A_233 = arith.constant 0 : i32
        %dma_start3A_234 = arith.constant 0 : i32
        %dma_start3A_235 = arith.constant 0 : i32
        %dma_start3A_236 = tpu.memref_slice %arg2[%add3A_232, %dma_start3A_233, %dma_start3A_234, %dma_start3A_235] : memref<3200x2x2x128xi32, #tpu.memory_space<hbm>> -> memref<1x2x2x128xi32, #tpu.memory_space<hbm>>
        %dma_start3A_237 = tpu.memref_squeeze %dma_start3A_236 : memref<1x2x2x128xi32, #tpu.memory_space<hbm>> -> memref<2x2x128xi32, #tpu.memory_space<hbm>>
        %dma_start3A_238 = arith.constant 0 : i32
        %dma_start3A_239 = arith.constant 0 : i32
        %dma_start3A_240 = arith.constant 0 : i32
        %dma_start3A_241 = tpu.memref_slice %arg2[%add3A_232, %dma_start3A_238, %dma_start3A_239, %dma_start3A_240] : memref<3200x2x2x128xi32, #tpu.memory_space<hbm>> -> memref<1x2x2x128xi32, #tpu.memory_space<hbm>>
        %dma_start3A_242 = tpu.memref_squeeze %dma_start3A_241 : memref<1x2x2x128xi32, #tpu.memory_space<hbm>> -> memref<2x2x128xi32, #tpu.memory_space<hbm>>
        tpu.enqueue_dma source(%dma_start3A_242 : memref<2x2x128xi32, #tpu.memory_space<hbm>>) target(%arg7 : memref<2x2x128xi32, #tpu.memory_space<vmem>>) target_semaphore(%arg13 : memref<!tpu.dma_semaphore, #tpu.memory_space<semaphore_mem>>)
      } else {
      }
      %add3A_165 = arith.constant 1 : i32
      %add3A_166 = arith.addi %add3A_103, %add3A_165 : i32
      %add3A_167 = arith.constant 1 : i32
      %add3A_168 = arith.addi %add3A_166, %add3A_167 : i32
      %lt3A_169 = arith.cmpi slt, %add3A_168, %add3A_6 : i32
      %convert_element_type3A_170 = arith.extui %lt3A_169 : i1 to i32
      %cond3A_171 = arith.constant 0 : i32
      %cond3A_172 = arith.cmpi ne, %convert_element_type3A_170, %cond3A_171 : i32
      scf.if %cond3A_172 {
        %gt3A = arith.cmpi sgt, %add3A_166, %mul3A_4 : i32
        %convert_element_type3A_231 = arith.extui %gt3A : i1 to i32
        %cond3A_232 = arith.constant 0 : i32
        %cond3A_233 = arith.cmpi ne, %convert_element_type3A_231, %cond3A_232 : i32
        scf.if %cond3A_233 {
          %dma_wait3A_272 = arith.constant 0 : i32
          %dma_wait3A_273 = arith.constant 1 : i32
          %dma_wait3A_274 = arith.constant 0 : i32
          %dma_wait3A_275 = arith.constant 0 : i32
          %dma_wait3A_276 = arith.constant 0 : i32
          %dma_wait3A_277 = tpu.memref_slice %arg9[%dma_wait3A_272, %dma_wait3A_275, %dma_wait3A_276] : memref<2x128x64xbf16, #tpu.memory_space<vmem>> -> memref<1x128x64xbf16, #tpu.memory_space<vmem>>
          %dma_wait3A_278 = tpu.memref_squeeze %dma_wait3A_277 : memref<1x128x64xbf16, #tpu.memory_space<vmem>> -> memref<128x64xbf16, #tpu.memory_space<vmem>>
          %dma_wait3A_279 = arith.constant 0 : i32
          %dma_wait3A_280 = tpu.memref_slice %arg7[%dma_wait3A_273, %dma_wait3A_274, %dma_wait3A_279] : memref<2x2x128xi32, #tpu.memory_space<vmem>> -> memref<1x1x128xi32, #tpu.memory_space<vmem>>
          %dma_wait3A_281 = tpu.memref_squeeze %dma_wait3A_280 : memref<1x1x128xi32, #tpu.memory_space<vmem>> -> memref<128xi32, #tpu.memory_space<vmem>>
          %dma_wait3A_282 = arith.constant 0 : i32
          %dma_wait3A_283 = arith.constant 0 : i32
          %dma_wait3A_284 = tpu.memref_slice %arg6[%dma_wait3A_282, %dma_wait3A_283] : memref<50176x64xbf16, #tpu.memory_space<vmem_shared>> -> memref<50176x64xbf16, #tpu.memory_space<vmem_shared>>
          tpu.wait_indirect_dma semaphore(%arg15 : memref<!tpu.dma_semaphore, #tpu.memory_space<semaphore_mem>>) src(%dma_wait3A_278 : memref<128x64xbf16, #tpu.memory_space<vmem>>) dst(%dma_wait3A_284 : memref<50176x64xbf16, #tpu.memory_space<vmem_shared>>)
          %dma_wait3A_285 = arith.constant 1 : i32
          %dma_wait3A_286 = arith.constant 1 : i32
          %dma_wait3A_287 = arith.constant 1 : i32
          %dma_wait3A_288 = arith.constant 0 : i32
          %dma_wait3A_289 = arith.constant 0 : i32
          %dma_wait3A_290 = tpu.memref_slice %arg9[%dma_wait3A_285, %dma_wait3A_288, %dma_wait3A_289] : memref<2x128x64xbf16, #tpu.memory_space<vmem>> -> memref<1x128x64xbf16, #tpu.memory_space<vmem>>
          %dma_wait3A_291 = tpu.memref_squeeze %dma_wait3A_290 : memref<1x128x64xbf16, #tpu.memory_space<vmem>> -> memref<128x64xbf16, #tpu.memory_space<vmem>>
          %dma_wait3A_292 = arith.constant 0 : i32
          %dma_wait3A_293 = tpu.memref_slice %arg7[%dma_wait3A_286, %dma_wait3A_287, %dma_wait3A_292] : memref<2x2x128xi32, #tpu.memory_space<vmem>> -> memref<1x1x128xi32, #tpu.memory_space<vmem>>
          %dma_wait3A_294 = tpu.memref_squeeze %dma_wait3A_293 : memref<1x1x128xi32, #tpu.memory_space<vmem>> -> memref<128xi32, #tpu.memory_space<vmem>>
          %dma_wait3A_295 = arith.constant 0 : i32
          %dma_wait3A_296 = arith.constant 0 : i32
          %dma_wait3A_297 = tpu.memref_slice %arg6[%dma_wait3A_295, %dma_wait3A_296] : memref<50176x64xbf16, #tpu.memory_space<vmem_shared>> -> memref<50176x64xbf16, #tpu.memory_space<vmem_shared>>
          tpu.wait_indirect_dma semaphore(%arg15 : memref<!tpu.dma_semaphore, #tpu.memory_space<semaphore_mem>>) src(%dma_wait3A_291 : memref<128x64xbf16, #tpu.memory_space<vmem>>) dst(%dma_wait3A_297 : memref<50176x64xbf16, #tpu.memory_space<vmem_shared>>)
        } else {
        }
        %add3A_234 = arith.constant 1 : i32
        %add3A_235 = arith.addi %add3A_166, %add3A_234 : i32
        %dma_wait3A_236 = arith.constant 0 : i32
        %dma_wait3A_237 = arith.constant 0 : i32
        %dma_wait3A_238 = arith.constant 0 : i32
        %dma_wait3A_239 = tpu.memref_slice %arg2[%add3A_235, %dma_wait3A_236, %dma_wait3A_237, %dma_wait3A_238] : memref<3200x2x2x128xi32, #tpu.memory_space<hbm>> -> memref<1x2x2x128xi32, #tpu.memory_space<hbm>>
        %dma_wait3A_240 = tpu.memref_squeeze %dma_wait3A_239 : memref<1x2x2x128xi32, #tpu.memory_space<hbm>> -> memref<2x2x128xi32, #tpu.memory_space<hbm>>
        %dma_wait3A_241 = arith.constant 0 : i32
        %dma_wait3A_242 = arith.constant 0 : i32
        %dma_wait3A_243 = arith.constant 0 : i32
        %dma_wait3A_244 = tpu.memref_slice %arg2[%add3A_235, %dma_wait3A_241, %dma_wait3A_242, %dma_wait3A_243] : memref<3200x2x2x128xi32, #tpu.memory_space<hbm>> -> memref<1x2x2x128xi32, #tpu.memory_space<hbm>>
        %dma_wait3A_245 = tpu.memref_squeeze %dma_wait3A_244 : memref<1x2x2x128xi32, #tpu.memory_space<hbm>> -> memref<2x2x128xi32, #tpu.memory_space<hbm>>
        tpu.wait_dma2 semaphore(%arg13 : memref<!tpu.dma_semaphore, #tpu.memory_space<semaphore_mem>>) src(%dma_wait3A_245 : memref<2x2x128xi32, #tpu.memory_space<hbm>>) dst(%arg7 : memref<2x2x128xi32, #tpu.memory_space<vmem>>)
        %dma_start3A_246 = arith.constant 0 : i32
        %dma_start3A_247 = arith.constant 0 : i32
        %dma_start3A_248 = arith.constant 0 : i32
        %dma_start3A_249 = arith.constant 0 : i32
        %dma_start3A_250 = arith.constant 0 : i32
        %dma_start3A_251 = tpu.memref_slice %arg9[%dma_start3A_248, %dma_start3A_249, %dma_start3A_250] : memref<2x128x64xbf16, #tpu.memory_space<vmem>> -> memref<1x128x64xbf16, #tpu.memory_space<vmem>>
        %dma_start3A_252 = tpu.memref_squeeze %dma_start3A_251 : memref<1x128x64xbf16, #tpu.memory_space<vmem>> -> memref<128x64xbf16, #tpu.memory_space<vmem>>
        %dma_start3A_253 = arith.constant 0 : i32
        %dma_start3A_254 = tpu.memref_slice %arg7[%dma_start3A_246, %dma_start3A_247, %dma_start3A_253] : memref<2x2x128xi32, #tpu.memory_space<vmem>> -> memref<1x1x128xi32, #tpu.memory_space<vmem>>
        %dma_start3A_255 = tpu.memref_squeeze %dma_start3A_254 : memref<1x1x128xi32, #tpu.memory_space<vmem>> -> memref<128xi32, #tpu.memory_space<vmem>>
        %dma_start3A_256 = arith.constant 0 : i32
        %dma_start3A_257 = arith.constant 0 : i32
        %dma_start3A_258 = tpu.memref_slice %arg3[%dma_start3A_256, %dma_start3A_257] : memref<50176x64xbf16, #tpu.memory_space<hbm>> -> memref<50176x64xbf16, #tpu.memory_space<hbm>>
        tpu.enqueue_indirect_dma source(%dma_start3A_258 : memref<50176x64xbf16, #tpu.memory_space<hbm>>) target(%dma_start3A_252 : memref<128x64xbf16, #tpu.memory_space<vmem>>) offsets(%dma_start3A_255 : memref<128xi32, #tpu.memory_space<vmem>>) semaphore(%arg11 : memref<!tpu.dma_semaphore, #tpu.memory_space<semaphore_mem>>)
        %dma_start3A_259 = arith.constant 0 : i32
        %dma_start3A_260 = arith.constant 1 : i32
        %dma_start3A_261 = arith.constant 1 : i32
        %dma_start3A_262 = arith.constant 0 : i32
        %dma_start3A_263 = arith.constant 0 : i32
        %dma_start3A_264 = tpu.memref_slice %arg9[%dma_start3A_261, %dma_start3A_262, %dma_start3A_263] : memref<2x128x64xbf16, #tpu.memory_space<vmem>> -> memref<1x128x64xbf16, #tpu.memory_space<vmem>>
        %dma_start3A_265 = tpu.memref_squeeze %dma_start3A_264 : memref<1x128x64xbf16, #tpu.memory_space<vmem>> -> memref<128x64xbf16, #tpu.memory_space<vmem>>
        %dma_start3A_266 = arith.constant 0 : i32
        %dma_start3A_267 = tpu.memref_slice %arg7[%dma_start3A_259, %dma_start3A_260, %dma_start3A_266] : memref<2x2x128xi32, #tpu.memory_space<vmem>> -> memref<1x1x128xi32, #tpu.memory_space<vmem>>
        %dma_start3A_268 = tpu.memref_squeeze %dma_start3A_267 : memref<1x1x128xi32, #tpu.memory_space<vmem>> -> memref<128xi32, #tpu.memory_space<vmem>>
        %dma_start3A_269 = arith.constant 0 : i32
        %dma_start3A_270 = arith.constant 0 : i32
        %dma_start3A_271 = tpu.memref_slice %arg3[%dma_start3A_269, %dma_start3A_270] : memref<50176x64xbf16, #tpu.memory_space<hbm>> -> memref<50176x64xbf16, #tpu.memory_space<hbm>>
        tpu.enqueue_indirect_dma source(%dma_start3A_271 : memref<50176x64xbf16, #tpu.memory_space<hbm>>) target(%dma_start3A_265 : memref<128x64xbf16, #tpu.memory_space<vmem>>) offsets(%dma_start3A_268 : memref<128xi32, #tpu.memory_space<vmem>>) semaphore(%arg11 : memref<!tpu.dma_semaphore, #tpu.memory_space<semaphore_mem>>)
      } else {
      }
      %dma_wait3A_173 = arith.constant 0 : i32
      %dma_wait3A_174 = arith.constant 0 : i32
      %dma_wait3A_175 = arith.constant 0 : i32
      %dma_wait3A_176 = arith.constant 0 : i32
      %dma_wait3A_177 = arith.constant 0 : i32
      %dma_wait3A_178 = tpu.memref_slice %arg10[%dma_wait3A_175, %dma_wait3A_176, %dma_wait3A_177] : memref<2x128x64xbf16, #tpu.memory_space<vmem>> -> memref<1x128x64xbf16, #tpu.memory_space<vmem>>
      %dma_wait3A_179 = tpu.memref_squeeze %dma_wait3A_178 : memref<1x128x64xbf16, #tpu.memory_space<vmem>> -> memref<128x64xbf16, #tpu.memory_space<vmem>>
      %dma_wait3A_180 = arith.constant 0 : i32
      %dma_wait3A_181 = tpu.memref_slice %arg8[%dma_wait3A_173, %dma_wait3A_174, %dma_wait3A_180] : memref<2x2x128xi32, #tpu.memory_space<vmem>> -> memref<1x1x128xi32, #tpu.memory_space<vmem>>
      %dma_wait3A_182 = tpu.memref_squeeze %dma_wait3A_181 : memref<1x1x128xi32, #tpu.memory_space<vmem>> -> memref<128xi32, #tpu.memory_space<vmem>>
      %dma_wait3A_183 = arith.constant 0 : i32
      %dma_wait3A_184 = arith.constant 0 : i32
      %dma_wait3A_185 = tpu.memref_slice %arg3[%dma_wait3A_183, %dma_wait3A_184] : memref<50176x64xbf16, #tpu.memory_space<hbm>> -> memref<50176x64xbf16, #tpu.memory_space<hbm>>
      tpu.wait_indirect_dma semaphore(%arg12 : memref<!tpu.dma_semaphore, #tpu.memory_space<semaphore_mem>>) src(%dma_wait3A_185 : memref<50176x64xbf16, #tpu.memory_space<hbm>>) dst(%dma_wait3A_179 : memref<128x64xbf16, #tpu.memory_space<vmem>>)
      %dma_start3A_186 = arith.constant 0 : i32
      %dma_start3A_187 = arith.constant 1 : i32
      %dma_start3A_188 = arith.constant 0 : i32
      %dma_start3A_189 = arith.constant 0 : i32
      %dma_start3A_190 = arith.constant 0 : i32
      %dma_start3A_191 = tpu.memref_slice %arg10[%dma_start3A_186, %dma_start3A_189, %dma_start3A_190] : memref<2x128x64xbf16, #tpu.memory_space<vmem>> -> memref<1x128x64xbf16, #tpu.memory_space<vmem>>
      %dma_start3A_192 = tpu.memref_squeeze %dma_start3A_191 : memref<1x128x64xbf16, #tpu.memory_space<vmem>> -> memref<128x64xbf16, #tpu.memory_space<vmem>>
      %dma_start3A_193 = arith.constant 0 : i32
      %dma_start3A_194 = tpu.memref_slice %arg8[%dma_start3A_187, %dma_start3A_188, %dma_start3A_193] : memref<2x2x128xi32, #tpu.memory_space<vmem>> -> memref<1x1x128xi32, #tpu.memory_space<vmem>>
      %dma_start3A_195 = tpu.memref_squeeze %dma_start3A_194 : memref<1x1x128xi32, #tpu.memory_space<vmem>> -> memref<128xi32, #tpu.memory_space<vmem>>
      %dma_start3A_196 = arith.constant 0 : i32
      %dma_start3A_197 = arith.constant 0 : i32
      %dma_start3A_198 = tpu.memref_slice %arg6[%dma_start3A_196, %dma_start3A_197] : memref<50176x64xbf16, #tpu.memory_space<vmem_shared>> -> memref<50176x64xbf16, #tpu.memory_space<vmem_shared>>
      tpu.enqueue_indirect_dma source(%dma_start3A_192 : memref<128x64xbf16, #tpu.memory_space<vmem>>) target(%dma_start3A_198 : memref<50176x64xbf16, #tpu.memory_space<vmem_shared>>) offsets(%dma_start3A_195 : memref<128xi32, #tpu.memory_space<vmem>>) semaphore(%arg16 : memref<!tpu.dma_semaphore, #tpu.memory_space<semaphore_mem>>) {add = true}
      %dma_wait3A_199 = arith.constant 0 : i32
      %dma_wait3A_200 = arith.constant 1 : i32
      %dma_wait3A_201 = arith.constant 1 : i32
      %dma_wait3A_202 = arith.constant 0 : i32
      %dma_wait3A_203 = arith.constant 0 : i32
      %dma_wait3A_204 = tpu.memref_slice %arg10[%dma_wait3A_201, %dma_wait3A_202, %dma_wait3A_203] : memref<2x128x64xbf16, #tpu.memory_space<vmem>> -> memref<1x128x64xbf16, #tpu.memory_space<vmem>>
      %dma_wait3A_205 = tpu.memref_squeeze %dma_wait3A_204 : memref<1x128x64xbf16, #tpu.memory_space<vmem>> -> memref<128x64xbf16, #tpu.memory_space<vmem>>
      %dma_wait3A_206 = arith.constant 0 : i32
      %dma_wait3A_207 = tpu.memref_slice %arg8[%dma_wait3A_199, %dma_wait3A_200, %dma_wait3A_206] : memref<2x2x128xi32, #tpu.memory_space<vmem>> -> memref<1x1x128xi32, #tpu.memory_space<vmem>>
      %dma_wait3A_208 = tpu.memref_squeeze %dma_wait3A_207 : memref<1x1x128xi32, #tpu.memory_space<vmem>> -> memref<128xi32, #tpu.memory_space<vmem>>
      %dma_wait3A_209 = arith.constant 0 : i32
      %dma_wait3A_210 = arith.constant 0 : i32
      %dma_wait3A_211 = tpu.memref_slice %arg3[%dma_wait3A_209, %dma_wait3A_210] : memref<50176x64xbf16, #tpu.memory_space<hbm>> -> memref<50176x64xbf16, #tpu.memory_space<hbm>>
      tpu.wait_indirect_dma semaphore(%arg12 : memref<!tpu.dma_semaphore, #tpu.memory_space<semaphore_mem>>) src(%dma_wait3A_211 : memref<50176x64xbf16, #tpu.memory_space<hbm>>) dst(%dma_wait3A_205 : memref<128x64xbf16, #tpu.memory_space<vmem>>)
      %dma_start3A_212 = arith.constant 1 : i32
      %dma_start3A_213 = arith.constant 1 : i32
      %dma_start3A_214 = arith.constant 1 : i32
      %dma_start3A_215 = arith.constant 0 : i32
      %dma_start3A_216 = arith.constant 0 : i32
      %dma_start3A_217 = tpu.memref_slice %arg10[%dma_start3A_212, %dma_start3A_215, %dma_start3A_216] : memref<2x128x64xbf16, #tpu.memory_space<vmem>> -> memref<1x128x64xbf16, #tpu.memory_space<vmem>>
      %dma_start3A_218 = tpu.memref_squeeze %dma_start3A_217 : memref<1x128x64xbf16, #tpu.memory_space<vmem>> -> memref<128x64xbf16, #tpu.memory_space<vmem>>
      %dma_start3A_219 = arith.constant 0 : i32
      %dma_start3A_220 = tpu.memref_slice %arg8[%dma_start3A_213, %dma_start3A_214, %dma_start3A_219] : memref<2x2x128xi32, #tpu.memory_space<vmem>> -> memref<1x1x128xi32, #tpu.memory_space<vmem>>
      %dma_start3A_221 = tpu.memref_squeeze %dma_start3A_220 : memref<1x1x128xi32, #tpu.memory_space<vmem>> -> memref<128xi32, #tpu.memory_space<vmem>>
      %dma_start3A_222 = arith.constant 0 : i32
      %dma_start3A_223 = arith.constant 0 : i32
      %dma_start3A_224 = tpu.memref_slice %arg6[%dma_start3A_222, %dma_start3A_223] : memref<50176x64xbf16, #tpu.memory_space<vmem_shared>> -> memref<50176x64xbf16, #tpu.memory_space<vmem_shared>>
      tpu.enqueue_indirect_dma source(%dma_start3A_218 : memref<128x64xbf16, #tpu.memory_space<vmem>>) target(%dma_start3A_224 : memref<50176x64xbf16, #tpu.memory_space<vmem_shared>>) offsets(%dma_start3A_221 : memref<128xi32, #tpu.memory_space<vmem>>) semaphore(%arg16 : memref<!tpu.dma_semaphore, #tpu.memory_space<semaphore_mem>>) {add = true}
      %add3A_225 = arith.constant 2 : i32
      %add3A_226 = arith.addi %add3A_166, %add3A_225 : i32
      %lt3A_227 = arith.cmpi slt, %add3A_226, %add3A_6 : i32
      %convert_element_type3A_228 = arith.extui %lt3A_227 : i1 to i32
      %cond3A_229 = arith.constant 0 : i32
      %cond3A_230 = arith.cmpi ne, %convert_element_type3A_228, %cond3A_229 : i32
      scf.if %cond3A_230 {
        %add3A_231 = arith.constant 2 : i32
        %add3A_232 = arith.addi %add3A_166, %add3A_231 : i32
        %dma_start3A_233 = arith.constant 0 : i32
        %dma_start3A_234 = arith.constant 0 : i32
        %dma_start3A_235 = arith.constant 0 : i32
        %dma_start3A_236 = tpu.memref_slice %arg2[%add3A_232, %dma_start3A_233, %dma_start3A_234, %dma_start3A_235] : memref<3200x2x2x128xi32, #tpu.memory_space<hbm>> -> memref<1x2x2x128xi32, #tpu.memory_space<hbm>>
        %dma_start3A_237 = tpu.memref_squeeze %dma_start3A_236 : memref<1x2x2x128xi32, #tpu.memory_space<hbm>> -> memref<2x2x128xi32, #tpu.memory_space<hbm>>
        %dma_start3A_238 = arith.constant 0 : i32
        %dma_start3A_239 = arith.constant 0 : i32
        %dma_start3A_240 = arith.constant 0 : i32
        %dma_start3A_241 = tpu.memref_slice %arg2[%add3A_232, %dma_start3A_238, %dma_start3A_239, %dma_start3A_240] : memref<3200x2x2x128xi32, #tpu.memory_space<hbm>> -> memref<1x2x2x128xi32, #tpu.memory_space<hbm>>
        %dma_start3A_242 = tpu.memref_squeeze %dma_start3A_241 : memref<1x2x2x128xi32, #tpu.memory_space<hbm>> -> memref<2x2x128xi32, #tpu.memory_space<hbm>>
        tpu.enqueue_dma source(%dma_start3A_242 : memref<2x2x128xi32, #tpu.memory_space<hbm>>) target(%arg8 : memref<2x2x128xi32, #tpu.memory_space<vmem>>) target_semaphore(%arg14 : memref<!tpu.dma_semaphore, #tpu.memory_space<semaphore_mem>>)
      } else {
      }
    }
    %scan3A_47 = arith.constant 50 : i32
    %dma_wait3A = arith.constant 0 : i32
    %dma_wait3A_48 = arith.constant 1 : i32
    %dma_wait3A_49 = arith.constant 0 : i32
    %dma_wait3A_50 = arith.constant 0 : i32
    %dma_wait3A_51 = arith.constant 0 : i32
    %dma_wait3A_52 = tpu.memref_slice %arg9[%dma_wait3A, %dma_wait3A_50, %dma_wait3A_51] : memref<2x128x64xbf16, #tpu.memory_space<vmem>> -> memref<1x128x64xbf16, #tpu.memory_space<vmem>>
    %dma_wait3A_53 = tpu.memref_squeeze %dma_wait3A_52 : memref<1x128x64xbf16, #tpu.memory_space<vmem>> -> memref<128x64xbf16, #tpu.memory_space<vmem>>
    %dma_wait3A_54 = arith.constant 0 : i32
    %dma_wait3A_55 = tpu.memref_slice %arg7[%dma_wait3A_48, %dma_wait3A_49, %dma_wait3A_54] : memref<2x2x128xi32, #tpu.memory_space<vmem>> -> memref<1x1x128xi32, #tpu.memory_space<vmem>>
    %dma_wait3A_56 = tpu.memref_squeeze %dma_wait3A_55 : memref<1x1x128xi32, #tpu.memory_space<vmem>> -> memref<128xi32, #tpu.memory_space<vmem>>
    %dma_wait3A_57 = arith.constant 0 : i32
    %dma_wait3A_58 = arith.constant 0 : i32
    %dma_wait3A_59 = tpu.memref_slice %arg6[%dma_wait3A_57, %dma_wait3A_58] : memref<50176x64xbf16, #tpu.memory_space<vmem_shared>> -> memref<50176x64xbf16, #tpu.memory_space<vmem_shared>>
    tpu.wait_indirect_dma semaphore(%arg15 : memref<!tpu.dma_semaphore, #tpu.memory_space<semaphore_mem>>) src(%dma_wait3A_53 : memref<128x64xbf16, #tpu.memory_space<vmem>>) dst(%dma_wait3A_59 : memref<50176x64xbf16, #tpu.memory_space<vmem_shared>>)
    %dma_wait3A_60 = arith.constant 1 : i32
    %dma_wait3A_61 = arith.constant 1 : i32
    %dma_wait3A_62 = arith.constant 1 : i32
    %dma_wait3A_63 = arith.constant 0 : i32
    %dma_wait3A_64 = arith.constant 0 : i32
    %dma_wait3A_65 = tpu.memref_slice %arg9[%dma_wait3A_60, %dma_wait3A_63, %dma_wait3A_64] : memref<2x128x64xbf16, #tpu.memory_space<vmem>> -> memref<1x128x64xbf16, #tpu.memory_space<vmem>>
    %dma_wait3A_66 = tpu.memref_squeeze %dma_wait3A_65 : memref<1x128x64xbf16, #tpu.memory_space<vmem>> -> memref<128x64xbf16, #tpu.memory_space<vmem>>
    %dma_wait3A_67 = arith.constant 0 : i32
    %dma_wait3A_68 = tpu.memref_slice %arg7[%dma_wait3A_61, %dma_wait3A_62, %dma_wait3A_67] : memref<2x2x128xi32, #tpu.memory_space<vmem>> -> memref<1x1x128xi32, #tpu.memory_space<vmem>>
    %dma_wait3A_69 = tpu.memref_squeeze %dma_wait3A_68 : memref<1x1x128xi32, #tpu.memory_space<vmem>> -> memref<128xi32, #tpu.memory_space<vmem>>
    %dma_wait3A_70 = arith.constant 0 : i32
    %dma_wait3A_71 = arith.constant 0 : i32
    %dma_wait3A_72 = tpu.memref_slice %arg6[%dma_wait3A_70, %dma_wait3A_71] : memref<50176x64xbf16, #tpu.memory_space<vmem_shared>> -> memref<50176x64xbf16, #tpu.memory_space<vmem_shared>>
    tpu.wait_indirect_dma semaphore(%arg15 : memref<!tpu.dma_semaphore, #tpu.memory_space<semaphore_mem>>) src(%dma_wait3A_66 : memref<128x64xbf16, #tpu.memory_space<vmem>>) dst(%dma_wait3A_72 : memref<50176x64xbf16, #tpu.memory_space<vmem_shared>>)
    %dma_wait3A_73 = arith.constant 0 : i32
    %dma_wait3A_74 = arith.constant 1 : i32
    %dma_wait3A_75 = arith.constant 0 : i32
    %dma_wait3A_76 = arith.constant 0 : i32
    %dma_wait3A_77 = arith.constant 0 : i32
    %dma_wait3A_78 = tpu.memref_slice %arg10[%dma_wait3A_73, %dma_wait3A_76, %dma_wait3A_77] : memref<2x128x64xbf16, #tpu.memory_space<vmem>> -> memref<1x128x64xbf16, #tpu.memory_space<vmem>>
    %dma_wait3A_79 = tpu.memref_squeeze %dma_wait3A_78 : memref<1x128x64xbf16, #tpu.memory_space<vmem>> -> memref<128x64xbf16, #tpu.memory_space<vmem>>
    %dma_wait3A_80 = arith.constant 0 : i32
    %dma_wait3A_81 = tpu.memref_slice %arg8[%dma_wait3A_74, %dma_wait3A_75, %dma_wait3A_80] : memref<2x2x128xi32, #tpu.memory_space<vmem>> -> memref<1x1x128xi32, #tpu.memory_space<vmem>>
    %dma_wait3A_82 = tpu.memref_squeeze %dma_wait3A_81 : memref<1x1x128xi32, #tpu.memory_space<vmem>> -> memref<128xi32, #tpu.memory_space<vmem>>
    %dma_wait3A_83 = arith.constant 0 : i32
    %dma_wait3A_84 = arith.constant 0 : i32
    %dma_wait3A_85 = tpu.memref_slice %arg6[%dma_wait3A_83, %dma_wait3A_84] : memref<50176x64xbf16, #tpu.memory_space<vmem_shared>> -> memref<50176x64xbf16, #tpu.memory_space<vmem_shared>>
    tpu.wait_indirect_dma semaphore(%arg16 : memref<!tpu.dma_semaphore, #tpu.memory_space<semaphore_mem>>) src(%dma_wait3A_79 : memref<128x64xbf16, #tpu.memory_space<vmem>>) dst(%dma_wait3A_85 : memref<50176x64xbf16, #tpu.memory_space<vmem_shared>>)
    %dma_wait3A_86 = arith.constant 1 : i32
    %dma_wait3A_87 = arith.constant 1 : i32
    %dma_wait3A_88 = arith.constant 1 : i32
    %dma_wait3A_89 = arith.constant 0 : i32
    %dma_wait3A_90 = arith.constant 0 : i32
    %dma_wait3A_91 = tpu.memref_slice %arg10[%dma_wait3A_86, %dma_wait3A_89, %dma_wait3A_90] : memref<2x128x64xbf16, #tpu.memory_space<vmem>> -> memref<1x128x64xbf16, #tpu.memory_space<vmem>>
    %dma_wait3A_92 = tpu.memref_squeeze %dma_wait3A_91 : memref<1x128x64xbf16, #tpu.memory_space<vmem>> -> memref<128x64xbf16, #tpu.memory_space<vmem>>
    %dma_wait3A_93 = arith.constant 0 : i32
    %dma_wait3A_94 = tpu.memref_slice %arg8[%dma_wait3A_87, %dma_wait3A_88, %dma_wait3A_93] : memref<2x2x128xi32, #tpu.memory_space<vmem>> -> memref<1x1x128xi32, #tpu.memory_space<vmem>>
    %dma_wait3A_95 = tpu.memref_squeeze %dma_wait3A_94 : memref<1x1x128xi32, #tpu.memory_space<vmem>> -> memref<128xi32, #tpu.memory_space<vmem>>
    %dma_wait3A_96 = arith.constant 0 : i32
    %dma_wait3A_97 = arith.constant 0 : i32
    %dma_wait3A_98 = tpu.memref_slice %arg6[%dma_wait3A_96, %dma_wait3A_97] : memref<50176x64xbf16, #tpu.memory_space<vmem_shared>> -> memref<50176x64xbf16, #tpu.memory_space<vmem_shared>>
    tpu.wait_indirect_dma semaphore(%arg16 : memref<!tpu.dma_semaphore, #tpu.memory_space<semaphore_mem>>) src(%dma_wait3A_92 : memref<128x64xbf16, #tpu.memory_space<vmem>>) dst(%dma_wait3A_98 : memref<50176x64xbf16, #tpu.memory_space<vmem_shared>>)
    %barrier3A_99 = arith.constant 0 : index
    tpu.barrier barrier_id(%barrier3A_99)
    "tpu.region"() ({
      %run_scoped3A = tpu.sem_alloc : memref<!tpu.dma_semaphore, #tpu.memory_space<semaphore_mem>>
      %dma_start3A_100 = arith.constant 0 : i32
      %dma_start3A_101 = arith.constant 0 : i32
      %dma_start3A_102 = tpu.memref_slice %arg5[%arg0, %dma_start3A_100, %dma_start3A_101] : memref<2x50176x64xbf16, #tpu.memory_space<hbm>> -> memref<1x50176x64xbf16, #tpu.memory_space<hbm>>
      %dma_start3A_103 = tpu.memref_squeeze %dma_start3A_102 : memref<1x50176x64xbf16, #tpu.memory_space<hbm>> -> memref<50176x64xbf16, #tpu.memory_space<hbm>>
      %dma_start3A_104 = arith.constant 0 : i32
      %dma_start3A_105 = tpu.memref_slice %dma_start3A_103[%mul3A_0, %dma_start3A_104] : memref<50176x64xbf16, #tpu.memory_space<hbm>> -> memref<3136x64xbf16, #tpu.memory_space<hbm>>
      %dma_start3A_106 = arith.constant 0 : i32
      %dma_start3A_107 = tpu.memref_slice %arg6[%mul3A_0, %dma_start3A_106] : memref<50176x64xbf16, #tpu.memory_space<vmem_shared>> -> memref<3136x64xbf16, #tpu.memory_space<vmem_shared>>
      tpu.enqueue_dma source(%dma_start3A_107 : memref<3136x64xbf16, #tpu.memory_space<vmem_shared>>) target(%dma_start3A_105 : memref<3136x64xbf16, #tpu.memory_space<hbm>>) target_semaphore(%run_scoped3A : memref<!tpu.dma_semaphore, #tpu.memory_space<semaphore_mem>>)
      %dma_wait3A_108 = arith.constant 0 : i32
      %dma_wait3A_109 = arith.constant 0 : i32
      %dma_wait3A_110 = tpu.memref_slice %arg5[%arg0, %dma_wait3A_108, %dma_wait3A_109] : memref<2x50176x64xbf16, #tpu.memory_space<hbm>> -> memref<1x50176x64xbf16, #tpu.memory_space<hbm>>
      %dma_wait3A_111 = tpu.memref_squeeze %dma_wait3A_110 : memref<1x50176x64xbf16, #tpu.memory_space<hbm>> -> memref<50176x64xbf16, #tpu.memory_space<hbm>>
      %dma_wait3A_112 = arith.constant 0 : i32
      %dma_wait3A_113 = tpu.memref_slice %dma_wait3A_111[%mul3A_0, %dma_wait3A_112] : memref<50176x64xbf16, #tpu.memory_space<hbm>> -> memref<3136x64xbf16, #tpu.memory_space<hbm>>
      %dma_wait3A_114 = arith.constant 0 : i32
      %dma_wait3A_115 = tpu.memref_slice %arg6[%mul3A_0, %dma_wait3A_114] : memref<50176x64xbf16, #tpu.memory_space<vmem_shared>> -> memref<3136x64xbf16, #tpu.memory_space<vmem_shared>>
      tpu.wait_dma2 semaphore(%run_scoped3A : memref<!tpu.dma_semaphore, #tpu.memory_space<semaphore_mem>>) src(%dma_wait3A_115 : memref<3136x64xbf16, #tpu.memory_space<vmem_shared>>) dst(%dma_wait3A_113 : memref<3136x64xbf16, #tpu.memory_space<hbm>>)
      tpu.yield
    }) : () -> ()
    return
  }
}

module attributes {stable_mosaic.version = 14 : i64} {
  func.func @_xpanels_body(%arg0: i32, %arg1: memref<1024x44xf32, #tpu.memory_space<vmem>>, %arg2: memref<1024x64xbf16, #tpu.memory_space<vmem>>) attributes {dimension_semantics = [#tpu.dimension_semantics<arbitrary>], iteration_bounds = array<i64: 49>, scalar_prefetch = 0 : i64, scratch_operands = 0 : i64, tpu.core_type = #tpu.core_type<tc>, window_params = [{transform_indices = @transform_0, window_bounds = array<i64: 1024, 44>}, {transform_indices = @transform_1, window_bounds = array<i64: 1024, 64>}]} {
    %get3A = arith.constant 0 : index
    %get3A_0 = arith.constant 0 : index
    %get3A_1 = vector.load %arg1[%get3A, %get3A_0] : memref<1024x44xf32, #tpu.memory_space<vmem>>, vector<1024x44xf32>
    %convert_element_type3A = arith.truncf %get3A_1 : vector<1024x44xf32> to vector<1024x44xbf16>
    %broadcast_in_dim3A = arith.constant 1.000000e+00 : bf16
    %broadcast_in_dim3A_2 = vector.broadcast %broadcast_in_dim3A : bf16 to vector<1024x1xbf16>
    %broadcast_in_dim3A_3 = arith.constant 0.000000e+00 : bf16
    %broadcast_in_dim3A_4 = vector.broadcast %broadcast_in_dim3A_3 : bf16 to vector<1024x19xbf16>
    %concatenate3A = tpu.concatenate %convert_element_type3A, %broadcast_in_dim3A_2, %broadcast_in_dim3A_4 in 1 : vector<1024x44xbf16>, vector<1024x1xbf16>, vector<1024x19xbf16> -> vector<1024x64xbf16>
    %swap3A = arith.constant 0 : index
    %swap3A_5 = arith.constant 0 : index
    %swap3A_6 = vector.load %arg2[%swap3A, %swap3A_5] : memref<1024x64xbf16, #tpu.memory_space<vmem>>, vector<1024x64xbf16>
    tpu.vector_store %arg2[%swap3A, %swap3A_5], %concatenate3A {strides = array<i32>} : memref<1024x64xbf16, #tpu.memory_space<vmem>>, vector<1024x64xbf16>,
    return
  }
  func.func @transform_0(%arg0: i32) -> (i32, i32) {
    %c0_i32 = arith.constant 0 : i32
    %c0_i32_0 = arith.constant 0 : i32
    return %arg0, %c0_i32 : i32, i32
  }
  func.func @transform_1(%arg0: i32) -> (i32, i32) {
    %c0_i32 = arith.constant 0 : i32
    %c0_i32_0 = arith.constant 0 : i32
    return %arg0, %c0_i32 : i32, i32
  }
}

module attributes {stable_mosaic.version = 14 : i64} {
  func.func @_l1_body(%arg0: i32, %arg1: memref<2x1024x64xbf16, #tpu.memory_space<vmem>>, %arg2: memref<1024x44xf32, #tpu.memory_space<vmem>>, %arg3: memref<64x128xf32, #tpu.memory_space<vmem>>, %arg4: memref<1x128xf32, #tpu.memory_space<vmem>>, %arg5: memref<44x128xf32, #tpu.memory_space<vmem>>, %arg6: memref<2x1024x64xbf16, #tpu.memory_space<vmem>>, %arg7: memref<1024x1xf32, #tpu.memory_space<vmem>>) attributes {dimension_semantics = [#tpu.dimension_semantics<arbitrary>], iteration_bounds = array<i64: 49>, scalar_prefetch = 0 : i64, scratch_operands = 0 : i64, tpu.core_type = #tpu.core_type<tc>, window_params = [{transform_indices = @transform_0, window_bounds = array<i64: 2, 1024, 64>}, {transform_indices = @transform_1, window_bounds = array<i64: 1024, 44>}, {pipeline_mode = #tpu.pipeline_mode<synchronous>, transform_indices = @transform_2, window_bounds = array<i64: 64, 128>}, {pipeline_mode = #tpu.pipeline_mode<synchronous>, transform_indices = @transform_3, window_bounds = array<i64: 1, 128>}, {pipeline_mode = #tpu.pipeline_mode<synchronous>, transform_indices = @transform_4, window_bounds = array<i64: 44, 128>}, {transform_indices = @transform_5, window_bounds = array<i64: 2, 1024, 64>}, {transform_indices = @transform_6, window_bounds = array<i64: 1024, 1>}]} {
    %get3A = arith.constant 0 : index
    %get3A_0 = arith.constant 0 : index
    %get3A_1 = arith.constant 0 : index
    %get3A_2 = vector.load %arg1[%get3A, %get3A_0, %get3A_1] : memref<2x1024x64xbf16, #tpu.memory_space<vmem>>, vector<1x1024x64xbf16>
    %get3A_3 = vector.shape_cast %get3A_2 : vector<1x1024x64xbf16> to vector<1024x64xbf16>
    %convert_element_type3A = arith.extf %get3A_3 : vector<1024x64xbf16> to vector<1024x64xf32>
    %get3A_4 = arith.constant 1 : index
    %get3A_5 = arith.constant 0 : index
    %get3A_6 = arith.constant 0 : index
    %get3A_7 = vector.load %arg1[%get3A_4, %get3A_5, %get3A_6] : memref<2x1024x64xbf16, #tpu.memory_space<vmem>>, vector<1x1024x64xbf16>
    %get3A_8 = vector.shape_cast %get3A_7 : vector<1x1024x64xbf16> to vector<1024x64xbf16>
    %convert_element_type3A_9 = arith.extf %get3A_8 : vector<1024x64xbf16> to vector<1024x64xf32>
    %add3A = arith.addf %convert_element_type3A, %convert_element_type3A_9 : vector<1024x64xf32>
    %slice3A = vector.extract_strided_slice %add3A {offsets = [0, 44], sizes = [1024, 1], strides = [1, 1]} : vector<1024x64xf32> to vector<1024x1xf32>
    %max3A = arith.constant 1.000000e+00 : f32
    %max3A_10 = vector.broadcast %max3A : f32 to vector<1024x1xf32>
    %max3A_11 = arith.maximumf %slice3A, %max3A_10 : vector<1024x1xf32>
    %get3A_12 = arith.constant 0 : index
    %get3A_13 = arith.constant 0 : index
    %get3A_14 = vector.load %arg3[%get3A_12, %get3A_13] : memref<64x128xf32, #tpu.memory_space<vmem>>, vector<64x128xf32>
    %dot_general3A = arith.constant dense<0.000000e+00> : vector<1024x128xf32>
    %dot_general3A_15 = tpu.matmul %add3A, %get3A_14, %dot_general3A {dimension_numbers = #tpu.dot_dimension_numbers<[1], [0], [0], [1], [0, 0, 1, 1], [], []>, transpose_lhs_hint = false} : vector<1024x64xf32>, vector<64x128xf32>, vector<1024x128xf32> -> vector<1024x128xf32>
    %div3A = vector.broadcast %max3A_11 : vector<1024x1xf32> to vector<1024x128xf32>
    %div3A_16 = arith.divf %dot_general3A_15, %div3A : vector<1024x128xf32>
    %get3A_17 = arith.constant 0 : index
    %get3A_18 = arith.constant 0 : index
    %get3A_19 = vector.load %arg4[%get3A_17, %get3A_18] : memref<1x128xf32, #tpu.memory_space<vmem>>, vector<1x128xf32>
    %add3A_20 = vector.broadcast %get3A_19 : vector<1x128xf32> to vector<1024x128xf32>
    %add3A_21 = arith.addf %div3A_16, %add3A_20 : vector<1024x128xf32>
    %get3A_22 = arith.constant 0 : index
    %get3A_23 = arith.constant 0 : index
    %get3A_24 = vector.load %arg2[%get3A_22, %get3A_23] : memref<1024x44xf32, #tpu.memory_space<vmem>>, vector<1024x44xf32>
    %get3A_25 = arith.constant 0 : index
    %get3A_26 = arith.constant 0 : index
    %get3A_27 = vector.load %arg5[%get3A_25, %get3A_26] : memref<44x128xf32, #tpu.memory_space<vmem>>, vector<44x128xf32>
    %dot_general3A_28 = arith.constant dense<0.000000e+00> : vector<1024x128xf32>
    %dot_general3A_29 = tpu.matmul %get3A_24, %get3A_27, %dot_general3A_28 {dimension_numbers = #tpu.dot_dimension_numbers<[1], [0], [0], [1], [0, 0, 1, 1], [], []>, transpose_lhs_hint = false} : vector<1024x44xf32>, vector<44x128xf32>, vector<1024x128xf32> -> vector<1024x128xf32>
    %add3A_30 = arith.addf %add3A_21, %dot_general3A_29 : vector<1024x128xf32>
    %mul3A = arith.mulf %add3A_30, %add3A_30 : vector<1024x128xf32>
    %reduce_sum3A = arith.constant dense<0.000000e+00> : vector<1024xf32>
    %reduce_sum3A_31 = vector.multi_reduction <add>, %mul3A, %reduce_sum3A [1] : vector<1024x128xf32> to vector<1024xf32>
    %broadcast_in_dim3A = vector.shape_cast %reduce_sum3A_31 : vector<1024xf32> to vector<1024x1xf32>
    %sqrt3A = math.sqrt %broadcast_in_dim3A : vector<1024x1xf32>
    %max3A_32 = arith.constant 9.99999996E-13 : f32
    %max3A_33 = vector.broadcast %max3A_32 : f32 to vector<1024x1xf32>
    %max3A_34 = arith.maximumf %sqrt3A, %max3A_33 : vector<1024x1xf32>
    %div3A_35 = vector.broadcast %max3A_34 : vector<1024x1xf32> to vector<1024x128xf32>
    %div3A_36 = arith.divf %add3A_30, %div3A_35 : vector<1024x128xf32>
    %max3A_37 = arith.constant 0.000000e+00 : f32
    %max3A_38 = vector.broadcast %max3A_37 : f32 to vector<1024x128xf32>
    %max3A_39 = arith.maximumf %div3A_36, %max3A_38 : vector<1024x128xf32>
    %convert_element_type3A_40 = arith.truncf %max3A_39 : vector<1024x128xf32> to vector<1024x128xbf16>
    %slice3A_41 = vector.extract_strided_slice %convert_element_type3A_40 {offsets = [0, 0], sizes = [1024, 64], strides = [1, 1]} : vector<1024x128xbf16> to vector<1024x64xbf16>
    %swap3A = arith.constant 0 : index
    %swap3A_42 = arith.constant 0 : index
    %swap3A_43 = arith.constant 0 : index
    %swap3A_44 = vector.load %arg6[%swap3A, %swap3A_42, %swap3A_43] : memref<2x1024x64xbf16, #tpu.memory_space<vmem>>, vector<1x1024x64xbf16>
    %swap3A_45 = vector.shape_cast %swap3A_44 : vector<1x1024x64xbf16> to vector<1024x64xbf16>
    %swap3A_46 = vector.shape_cast %slice3A_41 : vector<1024x64xbf16> to vector<1x1024x64xbf16>
    tpu.vector_store %arg6[%swap3A, %swap3A_42, %swap3A_43], %swap3A_46 {strides = array<i32>} : memref<2x1024x64xbf16, #tpu.memory_space<vmem>>, vector<1x1024x64xbf16>,
    %slice3A_47 = vector.extract_strided_slice %convert_element_type3A_40 {offsets = [0, 64], sizes = [1024, 64], strides = [1, 1]} : vector<1024x128xbf16> to vector<1024x64xbf16>
    %swap3A_48 = arith.constant 1 : index
    %swap3A_49 = arith.constant 0 : index
    %swap3A_50 = arith.constant 0 : index
    %swap3A_51 = vector.load %arg6[%swap3A_48, %swap3A_49, %swap3A_50] : memref<2x1024x64xbf16, #tpu.memory_space<vmem>>, vector<1x1024x64xbf16>
    %swap3A_52 = vector.shape_cast %swap3A_51 : vector<1x1024x64xbf16> to vector<1024x64xbf16>
    %swap3A_53 = vector.shape_cast %slice3A_47 : vector<1024x64xbf16> to vector<1x1024x64xbf16>
    tpu.vector_store %arg6[%swap3A_48, %swap3A_49, %swap3A_50], %swap3A_53 {strides = array<i32>} : memref<2x1024x64xbf16, #tpu.memory_space<vmem>>, vector<1x1024x64xbf16>,
    %swap3A_54 = arith.constant 0 : index
    %swap3A_55 = arith.constant 0 : index
    %swap3A_56 = vector.load %arg7[%swap3A_54, %swap3A_55] : memref<1024x1xf32, #tpu.memory_space<vmem>>, vector<1024x1xf32>
    tpu.vector_store %arg7[%swap3A_54, %swap3A_55], %max3A_11 {strides = array<i32>} : memref<1024x1xf32, #tpu.memory_space<vmem>>, vector<1024x1xf32>,
    return
  }
  func.func @transform_0(%arg0: i32) -> (i32, i32, i32) {
    %c0_i32 = arith.constant 0 : i32
    %c0_i32_0 = arith.constant 0 : i32
    %c0_i32_1 = arith.constant 0 : i32
    return %c0_i32, %arg0, %c0_i32_0 : i32, i32, i32
  }
  func.func @transform_1(%arg0: i32) -> (i32, i32) {
    %c0_i32 = arith.constant 0 : i32
    %c0_i32_0 = arith.constant 0 : i32
    return %arg0, %c0_i32 : i32, i32
  }
  func.func @transform_2(%arg0: i32) -> (i32, i32) {
    %c0_i32 = arith.constant 0 : i32
    %c0_i32_0 = arith.constant 0 : i32
    %c0_i32_1 = arith.constant 0 : i32
    return %c0_i32, %c0_i32_0 : i32, i32
  }
  func.func @transform_3(%arg0: i32) -> (i32, i32) {
    %c0_i32 = arith.constant 0 : i32
    %c0_i32_0 = arith.constant 0 : i32
    %c0_i32_1 = arith.constant 0 : i32
    return %c0_i32, %c0_i32_0 : i32, i32
  }
  func.func @transform_4(%arg0: i32) -> (i32, i32) {
    %c0_i32 = arith.constant 0 : i32
    %c0_i32_0 = arith.constant 0 : i32
    %c0_i32_1 = arith.constant 0 : i32
    return %c0_i32, %c0_i32_0 : i32, i32
  }
  func.func @transform_5(%arg0: i32) -> (i32, i32, i32) {
    %c0_i32 = arith.constant 0 : i32
    %c0_i32_0 = arith.constant 0 : i32
    %c0_i32_1 = arith.constant 0 : i32
    return %c0_i32, %arg0, %c0_i32_0 : i32, i32, i32
  }
  func.func @transform_6(%arg0: i32) -> (i32, i32) {
    %c0_i32 = arith.constant 0 : i32
    %c0_i32_0 = arith.constant 0 : i32
    return %arg0, %c0_i32 : i32, i32
  }
}

module attributes {stable_mosaic.version = 14 : i64} {
  func.func @_l2r_body(%arg0: i32, %arg1: memref<2x1024x64xbf16, #tpu.memory_space<vmem>>, %arg2: memref<2x1024x64xbf16, #tpu.memory_space<vmem>>, %arg3: memref<1024x1xf32, #tpu.memory_space<vmem>>, %arg4: memref<1024x1xi32, #tpu.memory_space<vmem>>, %arg5: memref<128x128xf32, #tpu.memory_space<vmem>>, %arg6: memref<1x128xf32, #tpu.memory_space<vmem>>, %arg7: memref<128x128xf32, #tpu.memory_space<vmem>>, %arg8: memref<64x33xf32, #tpu.memory_space<vmem>>, %arg9: memref<33x128xf32, #tpu.memory_space<vmem>>, %arg10: memref<1x128xf32, #tpu.memory_space<vmem>>, %arg11: memref<256x128xf32, #tpu.memory_space<vmem>>, %arg12: memref<1x128xf32, #tpu.memory_space<vmem>>, %arg13: memref<128x128xf32, #tpu.memory_space<vmem>>, %arg14: memref<1x128xf32, #tpu.memory_space<vmem>>, %arg15: memref<128x1xf32, #tpu.memory_space<vmem>>, %arg16: memref<1x1xf32, #tpu.memory_space<vmem>>, %arg17: memref<64x1xf32, #tpu.memory_space<vmem>>, %arg18: memref<64x128xf32, #tpu.memory_space<vmem>>) attributes {dimension_semantics = [#tpu.dimension_semantics<arbitrary>], iteration_bounds = array<i64: 49>, scalar_prefetch = 0 : i64, scratch_operands = 1 : i64, tpu.core_type = #tpu.core_type<tc>, window_params = [{transform_indices = @transform_0, window_bounds = array<i64: 2, 1024, 64>}, {transform_indices = @transform_1, window_bounds = array<i64: 2, 1024, 64>}, {transform_indices = @transform_2, window_bounds = array<i64: 1024, 1>}, {transform_indices = @transform_3, window_bounds = array<i64: 1024, 1>}, {pipeline_mode = #tpu.pipeline_mode<synchronous>, transform_indices = @transform_4, window_bounds = array<i64: 128, 128>}, {pipeline_mode = #tpu.pipeline_mode<synchronous>, transform_indices = @transform_5, window_bounds = array<i64: 1, 128>}, {pipeline_mode = #tpu.pipeline_mode<synchronous>, transform_indices = @transform_6, window_bounds = array<i64: 128, 128>}, {pipeline_mode = #tpu.pipeline_mode<synchronous>, transform_indices = @transform_7, window_bounds = array<i64: 64, 33>}, {pipeline_mode = #tpu.pipeline_mode<synchronous>, transform_indices = @transform_8, window_bounds = array<i64: 33, 128>}, {pipeline_mode = #tpu.pipeline_mode<synchronous>, transform_indices = @transform_9, window_bounds = array<i64: 1, 128>}, {pipeline_mode = #tpu.pipeline_mode<synchronous>, transform_indices = @transform_10, window_bounds = array<i64: 256, 128>}, {pipeline_mode = #tpu.pipeline_mode<synchronous>, transform_indices = @transform_11, window_bounds = array<i64: 1, 128>}, {pipeline_mode = #tpu.pipeline_mode<synchronous>, transform_indices = @transform_12, window_bounds = array<i64: 128, 128>}, {pipeline_mode = #tpu.pipeline_mode<synchronous>, transform_indices = @transform_13, window_bounds = array<i64: 1, 128>}, {pipeline_mode = #tpu.pipeline_mode<synchronous>, transform_indices = @transform_14, window_bounds = array<i64: 128, 1>}, {pipeline_mode = #tpu.pipeline_mode<synchronous>, transform_indices = @transform_15, window_bounds = array<i64: 1, 1>}, {pipeline_mode = #tpu.pipeline_mode<synchronous>, transform_indices = @transform_16, window_bounds = array<i64: 64, 1>}]} {
    %eq3A = arith.constant 0 : i32
    %eq3A_0 = arith.cmpi eq, %arg0, %eq3A : i32
    %convert_element_type3A = arith.extui %eq3A_0 : i1 to i32
    %cond3A = arith.constant 0 : i32
    %cond3A_1 = arith.cmpi ne, %convert_element_type3A, %cond3A : i32
    scf.if %cond3A_1 {
      %broadcast_in_dim3A_594 = arith.constant 0xFF800000 : f32
      %broadcast_in_dim3A_595 = vector.broadcast %broadcast_in_dim3A_594 : f32 to vector<64x128xf32>
      %swap3A = arith.constant 0 : index
      %swap3A_596 = arith.constant 0 : index
      %swap3A_597 = vector.load %arg18[%swap3A, %swap3A_596] : memref<64x128xf32, #tpu.memory_space<vmem>>, vector<64x128xf32>
      tpu.vector_store %arg18[%swap3A, %swap3A_596], %broadcast_in_dim3A_595 {strides = array<i32>} : memref<64x128xf32, #tpu.memory_space<vmem>>, vector<64x128xf32>,
    } else {
    }
    %get3A = arith.constant 0 : index
    %get3A_2 = arith.constant 0 : index
    %get3A_3 = vector.load %arg3[%get3A, %get3A_2] : memref<1024x1xf32, #tpu.memory_space<vmem>>, vector<1024x1xf32>
    %broadcast_in_dim3A = arith.constant 0.000000e+00 : f32
    %broadcast_in_dim3A_4 = vector.broadcast %broadcast_in_dim3A : f32 to vector<1024x128xf32>
    %broadcast_in_dim3A_5 = arith.constant 0.000000e+00 : f32
    %broadcast_in_dim3A_6 = vector.broadcast %broadcast_in_dim3A_5 : f32 to vector<1024x128xf32>
    %get3A_7 = arith.constant 0 : index
    %get3A_8 = arith.constant 0 : index
    %get3A_9 = arith.constant 0 : index
    %get3A_10 = vector.load %arg1[%get3A_7, %get3A_8, %get3A_9] : memref<2x1024x64xbf16, #tpu.memory_space<vmem>>, vector<1x1024x64xbf16>
    %get3A_11 = vector.shape_cast %get3A_10 : vector<1x1024x64xbf16> to vector<1024x64xbf16>
    %convert_element_type3A_12 = arith.extf %get3A_11 : vector<1024x64xbf16> to vector<1024x64xf32>
    %get3A_13 = arith.constant 0 : index
    %get3A_14 = arith.constant 0 : index
    %get3A_15 = vector.load %arg5[%get3A_13, %get3A_14] : memref<128x128xf32, #tpu.memory_space<vmem>>, vector<64x128xf32>
    %dot_general3A = arith.constant dense<0.000000e+00> : vector<1024x128xf32>
    %dot_general3A_16 = tpu.matmul %convert_element_type3A_12, %get3A_15, %dot_general3A {dimension_numbers = #tpu.dot_dimension_numbers<[1], [0], [0], [1], [0, 0, 1, 1], [], []>, transpose_lhs_hint = false} : vector<1024x64xf32>, vector<64x128xf32>, vector<1024x128xf32> -> vector<1024x128xf32>
    %add3A = arith.addf %broadcast_in_dim3A_4, %dot_general3A_16 : vector<1024x128xf32>
    %get3A_17 = arith.constant 0 : index
    %get3A_18 = arith.constant 0 : index
    %get3A_19 = arith.constant 0 : index
    %get3A_20 = vector.load %arg2[%get3A_17, %get3A_18, %get3A_19] : memref<2x1024x64xbf16, #tpu.memory_space<vmem>>, vector<1x1024x64xbf16>
    %get3A_21 = vector.shape_cast %get3A_20 : vector<1x1024x64xbf16> to vector<1024x64xbf16>
    %convert_element_type3A_22 = arith.extf %get3A_21 : vector<1024x64xbf16> to vector<1024x64xf32>
    %get3A_23 = arith.constant 0 : index
    %get3A_24 = arith.constant 0 : index
    %get3A_25 = vector.load %arg7[%get3A_23, %get3A_24] : memref<128x128xf32, #tpu.memory_space<vmem>>, vector<64x128xf32>
    %dot_general3A_26 = arith.constant dense<0.000000e+00> : vector<1024x128xf32>
    %dot_general3A_27 = tpu.matmul %convert_element_type3A_22, %get3A_25, %dot_general3A_26 {dimension_numbers = #tpu.dot_dimension_numbers<[1], [0], [0], [1], [0, 0, 1, 1], [], []>, transpose_lhs_hint = false} : vector<1024x64xf32>, vector<64x128xf32>, vector<1024x128xf32> -> vector<1024x128xf32>
    %add3A_28 = arith.addf %broadcast_in_dim3A_6, %dot_general3A_27 : vector<1024x128xf32>
    %get3A_29 = arith.constant 1 : index
    %get3A_30 = arith.constant 0 : index
    %get3A_31 = arith.constant 0 : index
    %get3A_32 = vector.load %arg1[%get3A_29, %get3A_30, %get3A_31] : memref<2x1024x64xbf16, #tpu.memory_space<vmem>>, vector<1x1024x64xbf16>
    %get3A_33 = vector.shape_cast %get3A_32 : vector<1x1024x64xbf16> to vector<1024x64xbf16>
    %convert_element_type3A_34 = arith.extf %get3A_33 : vector<1024x64xbf16> to vector<1024x64xf32>
    %get3A_35 = arith.constant 64 : index
    %get3A_36 = arith.constant 0 : index
    %get3A_37 = vector.load %arg5[%get3A_35, %get3A_36] : memref<128x128xf32, #tpu.memory_space<vmem>>, vector<64x128xf32>
    %dot_general3A_38 = arith.constant dense<0.000000e+00> : vector<1024x128xf32>
    %dot_general3A_39 = tpu.matmul %convert_element_type3A_34, %get3A_37, %dot_general3A_38 {dimension_numbers = #tpu.dot_dimension_numbers<[1], [0], [0], [1], [0, 0, 1, 1], [], []>, transpose_lhs_hint = false} : vector<1024x64xf32>, vector<64x128xf32>, vector<1024x128xf32> -> vector<1024x128xf32>
    %add3A_40 = arith.addf %add3A, %dot_general3A_39 : vector<1024x128xf32>
    %get3A_41 = arith.constant 1 : index
    %get3A_42 = arith.constant 0 : index
    %get3A_43 = arith.constant 0 : index
    %get3A_44 = vector.load %arg2[%get3A_41, %get3A_42, %get3A_43] : memref<2x1024x64xbf16, #tpu.memory_space<vmem>>, vector<1x1024x64xbf16>
    %get3A_45 = vector.shape_cast %get3A_44 : vector<1x1024x64xbf16> to vector<1024x64xbf16>
    %convert_element_type3A_46 = arith.extf %get3A_45 : vector<1024x64xbf16> to vector<1024x64xf32>
    %get3A_47 = arith.constant 64 : index
    %get3A_48 = arith.constant 0 : index
    %get3A_49 = vector.load %arg7[%get3A_47, %get3A_48] : memref<128x128xf32, #tpu.memory_space<vmem>>, vector<64x128xf32>
    %dot_general3A_50 = arith.constant dense<0.000000e+00> : vector<1024x128xf32>
    %dot_general3A_51 = tpu.matmul %convert_element_type3A_46, %get3A_49, %dot_general3A_50 {dimension_numbers = #tpu.dot_dimension_numbers<[1], [0], [0], [1], [0, 0, 1, 1], [], []>, transpose_lhs_hint = false} : vector<1024x64xf32>, vector<64x128xf32>, vector<1024x128xf32> -> vector<1024x128xf32>
    %add3A_52 = arith.addf %add3A_28, %dot_general3A_51 : vector<1024x128xf32>
    %div3A = vector.broadcast %get3A_3 : vector<1024x1xf32> to vector<1024x128xf32>
    %div3A_53 = arith.divf %add3A_40, %div3A : vector<1024x128xf32>
    %get3A_54 = arith.constant 0 : index
    %get3A_55 = arith.constant 0 : index
    %get3A_56 = vector.load %arg6[%get3A_54, %get3A_55] : memref<1x128xf32, #tpu.memory_space<vmem>>, vector<1x128xf32>
    %add3A_57 = vector.broadcast %get3A_56 : vector<1x128xf32> to vector<1024x128xf32>
    %add3A_58 = arith.addf %div3A_53, %add3A_57 : vector<1024x128xf32>
    %add3A_59 = arith.addf %add3A_58, %add3A_52 : vector<1024x128xf32>
    %mul3A = arith.mulf %add3A_59, %add3A_59 : vector<1024x128xf32>
    %reduce_sum3A = arith.constant dense<0.000000e+00> : vector<1024xf32>
    %reduce_sum3A_60 = vector.multi_reduction <add>, %mul3A, %reduce_sum3A [1] : vector<1024x128xf32> to vector<1024xf32>
    %broadcast_in_dim3A_61 = vector.shape_cast %reduce_sum3A_60 : vector<1024xf32> to vector<1024x1xf32>
    %sqrt3A = math.sqrt %broadcast_in_dim3A_61 : vector<1024x1xf32>
    %max3A = arith.constant 9.99999996E-13 : f32
    %max3A_62 = vector.broadcast %max3A : f32 to vector<1024x1xf32>
    %max3A_63 = arith.maximumf %sqrt3A, %max3A_62 : vector<1024x1xf32>
    %div3A_64 = vector.broadcast %max3A_63 : vector<1024x1xf32> to vector<1024x128xf32>
    %div3A_65 = arith.divf %add3A_59, %div3A_64 : vector<1024x128xf32>
    %max3A_66 = arith.constant 0.000000e+00 : f32
    %max3A_67 = vector.broadcast %max3A_66 : f32 to vector<1024x128xf32>
    %max3A_68 = arith.maximumf %div3A_65, %max3A_67 : vector<1024x128xf32>
    %get3A_69 = arith.constant 0 : index
    %get3A_70 = arith.constant 0 : index
    %get3A_71 = vector.load %arg4[%get3A_69, %get3A_70] : memref<1024x1xi32, #tpu.memory_space<vmem>>, vector<1024x1xi32>
    %reduce_min3A = vector.shape_cast %get3A_71 : vector<1024x1xi32> to vector<1x1024x1xi32>
    %reduce_min3A_72 = arith.constant dense<2147483647> : vector<1xi32>
    %reduce_min3A_73 = vector.multi_reduction <minsi>, %reduce_min3A, %reduce_min3A_72 [1, 2] : vector<1x1024x1xi32> to vector<1xi32>
    %reduce_min3A_74 = vector.shape_cast %reduce_min3A_73 : vector<1xi32> to vector<1x1x1xi32>
    %reduce_min3A_75 = vector.extract %reduce_min3A_74[0, 0, 0] : i32 from vector<1x1x1xi32>
    %reduce_max3A = vector.shape_cast %get3A_71 : vector<1024x1xi32> to vector<1x1024x1xi32>
    %reduce_max3A_76 = arith.constant dense<-2147483648> : vector<1xi32>
    %reduce_max3A_77 = vector.multi_reduction <maxsi>, %reduce_max3A, %reduce_max3A_76 [1, 2] : vector<1x1024x1xi32> to vector<1xi32>
    %reduce_max3A_78 = vector.shape_cast %reduce_max3A_77 : vector<1xi32> to vector<1x1x1xi32>
    %reduce_max3A_79 = vector.extract %reduce_max3A_78[0, 0, 0] : i32 from vector<1x1x1xi32>
    %le3A = arith.constant 0 : i32
    %le3A_80 = arith.cmpi sle, %reduce_min3A_75, %le3A : i32
    %ge3A = arith.constant 0 : i32
    %ge3A_81 = arith.cmpi sge, %reduce_max3A_79, %ge3A : i32
    %and3A = arith.andi %le3A_80, %ge3A_81 : i1
    %convert_element_type3A_82 = arith.extui %and3A : i1 to i32
    %cond3A_83 = arith.constant 0 : i32
    %cond3A_84 = arith.cmpi ne, %convert_element_type3A_82, %cond3A_83 : i32
    scf.if %cond3A_84 {
      %eq3A_594 = arith.constant 0 : i32
      %eq3A_595 = vector.broadcast %eq3A_594 : i32 to vector<1024x1xi32>
      %eq3A_596 = arith.cmpi eq, %get3A_71, %eq3A_595 : vector<1024x1xi32>
      %jit3A = arith.constant 0xFF800000 : f32
      %broadcast_in_dim3A_597 = vector.shape_cast %eq3A_596 : vector<1024x1xi1> to vector<1024x1xi1>
      %broadcast_in_dim3A_598 = vector.broadcast %broadcast_in_dim3A_597 : vector<1024x1xi1> to vector<1024x128xi1>
      %broadcast_in_dim3A_599 = vector.broadcast %jit3A : f32 to vector<1024x128xf32>
      %select_n3A = arith.select %broadcast_in_dim3A_598, %max3A_68, %broadcast_in_dim3A_599 : vector<1024x128xi1>, vector<1024x128xf32>
      %get3A_600 = arith.constant 0 : index
      %get3A_601 = arith.constant 0 : index
      %get3A_602 = vector.load %arg18[%get3A_600, %get3A_601] : memref<64x128xf32, #tpu.memory_space<vmem>>, vector<1x128xf32>
      %reduce_max3A_603 = arith.constant dense<0xFF800000> : vector<128xf32>
      %reduce_max3A_604 = vector.multi_reduction <maximumf>, %select_n3A, %reduce_max3A_603 [0] : vector<1024x128xf32> to vector<128xf32>
      %broadcast_in_dim3A_605 = vector.shape_cast %reduce_max3A_604 : vector<128xf32> to vector<1x128xf32>
      %max3A_606 = arith.maximumf %get3A_602, %broadcast_in_dim3A_605 : vector<1x128xf32>
      %swap3A = arith.constant 0 : index
      %swap3A_607 = arith.constant 0 : index
      %swap3A_608 = vector.load %arg18[%swap3A, %swap3A_607] : memref<64x128xf32, #tpu.memory_space<vmem>>, vector<1x128xf32>
      tpu.vector_store %arg18[%swap3A, %swap3A_607], %max3A_606 {strides = array<i32>} : memref<64x128xf32, #tpu.memory_space<vmem>>, vector<1x128xf32>,
    } else {
    }
    %le3A_85 = arith.constant 1 : i32
    %le3A_86 = arith.cmpi sle, %reduce_min3A_75, %le3A_85 : i32
    %ge3A_87 = arith.constant 1 : i32
    %ge3A_88 = arith.cmpi sge, %reduce_max3A_79, %ge3A_87 : i32
    %and3A_89 = arith.andi %le3A_86, %ge3A_88 : i1
    %convert_element_type3A_90 = arith.extui %and3A_89 : i1 to i32
    %cond3A_91 = arith.constant 0 : i32
    %cond3A_92 = arith.cmpi ne, %convert_element_type3A_90, %cond3A_91 : i32
    scf.if %cond3A_92 {
      %eq3A_594 = arith.constant 1 : i32
      %eq3A_595 = vector.broadcast %eq3A_594 : i32 to vector<1024x1xi32>
      %eq3A_596 = arith.cmpi eq, %get3A_71, %eq3A_595 : vector<1024x1xi32>
      %jit3A = arith.constant 0xFF800000 : f32
      %broadcast_in_dim3A_597 = vector.shape_cast %eq3A_596 : vector<1024x1xi1> to vector<1024x1xi1>
      %broadcast_in_dim3A_598 = vector.broadcast %broadcast_in_dim3A_597 : vector<1024x1xi1> to vector<1024x128xi1>
      %broadcast_in_dim3A_599 = vector.broadcast %jit3A : f32 to vector<1024x128xf32>
      %select_n3A = arith.select %broadcast_in_dim3A_598, %max3A_68, %broadcast_in_dim3A_599 : vector<1024x128xi1>, vector<1024x128xf32>
      %get3A_600 = arith.constant 1 : index
      %get3A_601 = arith.constant 0 : index
      %get3A_602 = vector.load %arg18[%get3A_600, %get3A_601] : memref<64x128xf32, #tpu.memory_space<vmem>>, vector<1x128xf32>
      %reduce_max3A_603 = arith.constant dense<0xFF800000> : vector<128xf32>
      %reduce_max3A_604 = vector.multi_reduction <maximumf>, %select_n3A, %reduce_max3A_603 [0] : vector<1024x128xf32> to vector<128xf32>
      %broadcast_in_dim3A_605 = vector.shape_cast %reduce_max3A_604 : vector<128xf32> to vector<1x128xf32>
      %max3A_606 = arith.maximumf %get3A_602, %broadcast_in_dim3A_605 : vector<1x128xf32>
      %swap3A = arith.constant 1 : index
      %swap3A_607 = arith.constant 0 : index
      %swap3A_608 = vector.load %arg18[%swap3A, %swap3A_607] : memref<64x128xf32, #tpu.memory_space<vmem>>, vector<1x128xf32>
      tpu.vector_store %arg18[%swap3A, %swap3A_607], %max3A_606 {strides = array<i32>} : memref<64x128xf32, #tpu.memory_space<vmem>>, vector<1x128xf32>,
    } else {
    }
    %le3A_93 = arith.constant 2 : i32
    %le3A_94 = arith.cmpi sle, %reduce_min3A_75, %le3A_93 : i32
    %ge3A_95 = arith.constant 2 : i32
    %ge3A_96 = arith.cmpi sge, %reduce_max3A_79, %ge3A_95 : i32
    %and3A_97 = arith.andi %le3A_94, %ge3A_96 : i1
    %convert_element_type3A_98 = arith.extui %and3A_97 : i1 to i32
    %cond3A_99 = arith.constant 0 : i32
    %cond3A_100 = arith.cmpi ne, %convert_element_type3A_98, %cond3A_99 : i32
    scf.if %cond3A_100 {
      %eq3A_594 = arith.constant 2 : i32
      %eq3A_595 = vector.broadcast %eq3A_594 : i32 to vector<1024x1xi32>
      %eq3A_596 = arith.cmpi eq, %get3A_71, %eq3A_595 : vector<1024x1xi32>
      %jit3A = arith.constant 0xFF800000 : f32
      %broadcast_in_dim3A_597 = vector.shape_cast %eq3A_596 : vector<1024x1xi1> to vector<1024x1xi1>
      %broadcast_in_dim3A_598 = vector.broadcast %broadcast_in_dim3A_597 : vector<1024x1xi1> to vector<1024x128xi1>
      %broadcast_in_dim3A_599 = vector.broadcast %jit3A : f32 to vector<1024x128xf32>
      %select_n3A = arith.select %broadcast_in_dim3A_598, %max3A_68, %broadcast_in_dim3A_599 : vector<1024x128xi1>, vector<1024x128xf32>
      %get3A_600 = arith.constant 2 : index
      %get3A_601 = arith.constant 0 : index
      %get3A_602 = vector.load %arg18[%get3A_600, %get3A_601] : memref<64x128xf32, #tpu.memory_space<vmem>>, vector<1x128xf32>
      %reduce_max3A_603 = arith.constant dense<0xFF800000> : vector<128xf32>
      %reduce_max3A_604 = vector.multi_reduction <maximumf>, %select_n3A, %reduce_max3A_603 [0] : vector<1024x128xf32> to vector<128xf32>
      %broadcast_in_dim3A_605 = vector.shape_cast %reduce_max3A_604 : vector<128xf32> to vector<1x128xf32>
      %max3A_606 = arith.maximumf %get3A_602, %broadcast_in_dim3A_605 : vector<1x128xf32>
      %swap3A = arith.constant 2 : index
      %swap3A_607 = arith.constant 0 : index
      %swap3A_608 = vector.load %arg18[%swap3A, %swap3A_607] : memref<64x128xf32, #tpu.memory_space<vmem>>, vector<1x128xf32>
      tpu.vector_store %arg18[%swap3A, %swap3A_607], %max3A_606 {strides = array<i32>} : memref<64x128xf32, #tpu.memory_space<vmem>>, vector<1x128xf32>,
    } else {
    }
    %le3A_101 = arith.constant 3 : i32
    %le3A_102 = arith.cmpi sle, %reduce_min3A_75, %le3A_101 : i32
    %ge3A_103 = arith.constant 3 : i32
    %ge3A_104 = arith.cmpi sge, %reduce_max3A_79, %ge3A_103 : i32
    %and3A_105 = arith.andi %le3A_102, %ge3A_104 : i1
    %convert_element_type3A_106 = arith.extui %and3A_105 : i1 to i32
    %cond3A_107 = arith.constant 0 : i32
    %cond3A_108 = arith.cmpi ne, %convert_element_type3A_106, %cond3A_107 : i32
    scf.if %cond3A_108 {
      %eq3A_594 = arith.constant 3 : i32
      %eq3A_595 = vector.broadcast %eq3A_594 : i32 to vector<1024x1xi32>
      %eq3A_596 = arith.cmpi eq, %get3A_71, %eq3A_595 : vector<1024x1xi32>
      %jit3A = arith.constant 0xFF800000 : f32
      %broadcast_in_dim3A_597 = vector.shape_cast %eq3A_596 : vector<1024x1xi1> to vector<1024x1xi1>
      %broadcast_in_dim3A_598 = vector.broadcast %broadcast_in_dim3A_597 : vector<1024x1xi1> to vector<1024x128xi1>
      %broadcast_in_dim3A_599 = vector.broadcast %jit3A : f32 to vector<1024x128xf32>
      %select_n3A = arith.select %broadcast_in_dim3A_598, %max3A_68, %broadcast_in_dim3A_599 : vector<1024x128xi1>, vector<1024x128xf32>
      %get3A_600 = arith.constant 3 : index
      %get3A_601 = arith.constant 0 : index
      %get3A_602 = vector.load %arg18[%get3A_600, %get3A_601] : memref<64x128xf32, #tpu.memory_space<vmem>>, vector<1x128xf32>
      %reduce_max3A_603 = arith.constant dense<0xFF800000> : vector<128xf32>
      %reduce_max3A_604 = vector.multi_reduction <maximumf>, %select_n3A, %reduce_max3A_603 [0] : vector<1024x128xf32> to vector<128xf32>
      %broadcast_in_dim3A_605 = vector.shape_cast %reduce_max3A_604 : vector<128xf32> to vector<1x128xf32>
      %max3A_606 = arith.maximumf %get3A_602, %broadcast_in_dim3A_605 : vector<1x128xf32>
      %swap3A = arith.constant 3 : index
      %swap3A_607 = arith.constant 0 : index
      %swap3A_608 = vector.load %arg18[%swap3A, %swap3A_607] : memref<64x128xf32, #tpu.memory_space<vmem>>, vector<1x128xf32>
      tpu.vector_store %arg18[%swap3A, %swap3A_607], %max3A_606 {strides = array<i32>} : memref<64x128xf32, #tpu.memory_space<vmem>>, vector<1x128xf32>,
    } else {
    }
    %le3A_109 = arith.constant 4 : i32
    %le3A_110 = arith.cmpi sle, %reduce_min3A_75, %le3A_109 : i32
    %ge3A_111 = arith.constant 4 : i32
    %ge3A_112 = arith.cmpi sge, %reduce_max3A_79, %ge3A_111 : i32
    %and3A_113 = arith.andi %le3A_110, %ge3A_112 : i1
    %convert_element_type3A_114 = arith.extui %and3A_113 : i1 to i32
    %cond3A_115 = arith.constant 0 : i32
    %cond3A_116 = arith.cmpi ne, %convert_element_type3A_114, %cond3A_115 : i32
    scf.if %cond3A_116 {
      %eq3A_594 = arith.constant 4 : i32
      %eq3A_595 = vector.broadcast %eq3A_594 : i32 to vector<1024x1xi32>
      %eq3A_596 = arith.cmpi eq, %get3A_71, %eq3A_595 : vector<1024x1xi32>
      %jit3A = arith.constant 0xFF800000 : f32
      %broadcast_in_dim3A_597 = vector.shape_cast %eq3A_596 : vector<1024x1xi1> to vector<1024x1xi1>
      %broadcast_in_dim3A_598 = vector.broadcast %broadcast_in_dim3A_597 : vector<1024x1xi1> to vector<1024x128xi1>
      %broadcast_in_dim3A_599 = vector.broadcast %jit3A : f32 to vector<1024x128xf32>
      %select_n3A = arith.select %broadcast_in_dim3A_598, %max3A_68, %broadcast_in_dim3A_599 : vector<1024x128xi1>, vector<1024x128xf32>
      %get3A_600 = arith.constant 4 : index
      %get3A_601 = arith.constant 0 : index
      %get3A_602 = vector.load %arg18[%get3A_600, %get3A_601] : memref<64x128xf32, #tpu.memory_space<vmem>>, vector<1x128xf32>
      %reduce_max3A_603 = arith.constant dense<0xFF800000> : vector<128xf32>
      %reduce_max3A_604 = vector.multi_reduction <maximumf>, %select_n3A, %reduce_max3A_603 [0] : vector<1024x128xf32> to vector<128xf32>
      %broadcast_in_dim3A_605 = vector.shape_cast %reduce_max3A_604 : vector<128xf32> to vector<1x128xf32>
      %max3A_606 = arith.maximumf %get3A_602, %broadcast_in_dim3A_605 : vector<1x128xf32>
      %swap3A = arith.constant 4 : index
      %swap3A_607 = arith.constant 0 : index
      %swap3A_608 = vector.load %arg18[%swap3A, %swap3A_607] : memref<64x128xf32, #tpu.memory_space<vmem>>, vector<1x128xf32>
      tpu.vector_store %arg18[%swap3A, %swap3A_607], %max3A_606 {strides = array<i32>} : memref<64x128xf32, #tpu.memory_space<vmem>>, vector<1x128xf32>,
    } else {
    }
    %le3A_117 = arith.constant 5 : i32
    %le3A_118 = arith.cmpi sle, %reduce_min3A_75, %le3A_117 : i32
    %ge3A_119 = arith.constant 5 : i32
    %ge3A_120 = arith.cmpi sge, %reduce_max3A_79, %ge3A_119 : i32
    %and3A_121 = arith.andi %le3A_118, %ge3A_120 : i1
    %convert_element_type3A_122 = arith.extui %and3A_121 : i1 to i32
    %cond3A_123 = arith.constant 0 : i32
    %cond3A_124 = arith.cmpi ne, %convert_element_type3A_122, %cond3A_123 : i32
    scf.if %cond3A_124 {
      %eq3A_594 = arith.constant 5 : i32
      %eq3A_595 = vector.broadcast %eq3A_594 : i32 to vector<1024x1xi32>
      %eq3A_596 = arith.cmpi eq, %get3A_71, %eq3A_595 : vector<1024x1xi32>
      %jit3A = arith.constant 0xFF800000 : f32
      %broadcast_in_dim3A_597 = vector.shape_cast %eq3A_596 : vector<1024x1xi1> to vector<1024x1xi1>
      %broadcast_in_dim3A_598 = vector.broadcast %broadcast_in_dim3A_597 : vector<1024x1xi1> to vector<1024x128xi1>
      %broadcast_in_dim3A_599 = vector.broadcast %jit3A : f32 to vector<1024x128xf32>
      %select_n3A = arith.select %broadcast_in_dim3A_598, %max3A_68, %broadcast_in_dim3A_599 : vector<1024x128xi1>, vector<1024x128xf32>
      %get3A_600 = arith.constant 5 : index
      %get3A_601 = arith.constant 0 : index
      %get3A_602 = vector.load %arg18[%get3A_600, %get3A_601] : memref<64x128xf32, #tpu.memory_space<vmem>>, vector<1x128xf32>
      %reduce_max3A_603 = arith.constant dense<0xFF800000> : vector<128xf32>
      %reduce_max3A_604 = vector.multi_reduction <maximumf>, %select_n3A, %reduce_max3A_603 [0] : vector<1024x128xf32> to vector<128xf32>
      %broadcast_in_dim3A_605 = vector.shape_cast %reduce_max3A_604 : vector<128xf32> to vector<1x128xf32>
      %max3A_606 = arith.maximumf %get3A_602, %broadcast_in_dim3A_605 : vector<1x128xf32>
      %swap3A = arith.constant 5 : index
      %swap3A_607 = arith.constant 0 : index
      %swap3A_608 = vector.load %arg18[%swap3A, %swap3A_607] : memref<64x128xf32, #tpu.memory_space<vmem>>, vector<1x128xf32>
      tpu.vector_store %arg18[%swap3A, %swap3A_607], %max3A_606 {strides = array<i32>} : memref<64x128xf32, #tpu.memory_space<vmem>>, vector<1x128xf32>,
    } else {
    }
    %le3A_125 = arith.constant 6 : i32
    %le3A_126 = arith.cmpi sle, %reduce_min3A_75, %le3A_125 : i32
    %ge3A_127 = arith.constant 6 : i32
    %ge3A_128 = arith.cmpi sge, %reduce_max3A_79, %ge3A_127 : i32
    %and3A_129 = arith.andi %le3A_126, %ge3A_128 : i1
    %convert_element_type3A_130 = arith.extui %and3A_129 : i1 to i32
    %cond3A_131 = arith.constant 0 : i32
    %cond3A_132 = arith.cmpi ne, %convert_element_type3A_130, %cond3A_131 : i32
    scf.if %cond3A_132 {
      %eq3A_594 = arith.constant 6 : i32
      %eq3A_595 = vector.broadcast %eq3A_594 : i32 to vector<1024x1xi32>
      %eq3A_596 = arith.cmpi eq, %get3A_71, %eq3A_595 : vector<1024x1xi32>
      %jit3A = arith.constant 0xFF800000 : f32
      %broadcast_in_dim3A_597 = vector.shape_cast %eq3A_596 : vector<1024x1xi1> to vector<1024x1xi1>
      %broadcast_in_dim3A_598 = vector.broadcast %broadcast_in_dim3A_597 : vector<1024x1xi1> to vector<1024x128xi1>
      %broadcast_in_dim3A_599 = vector.broadcast %jit3A : f32 to vector<1024x128xf32>
      %select_n3A = arith.select %broadcast_in_dim3A_598, %max3A_68, %broadcast_in_dim3A_599 : vector<1024x128xi1>, vector<1024x128xf32>
      %get3A_600 = arith.constant 6 : index
      %get3A_601 = arith.constant 0 : index
      %get3A_602 = vector.load %arg18[%get3A_600, %get3A_601] : memref<64x128xf32, #tpu.memory_space<vmem>>, vector<1x128xf32>
      %reduce_max3A_603 = arith.constant dense<0xFF800000> : vector<128xf32>
      %reduce_max3A_604 = vector.multi_reduction <maximumf>, %select_n3A, %reduce_max3A_603 [0] : vector<1024x128xf32> to vector<128xf32>
      %broadcast_in_dim3A_605 = vector.shape_cast %reduce_max3A_604 : vector<128xf32> to vector<1x128xf32>
      %max3A_606 = arith.maximumf %get3A_602, %broadcast_in_dim3A_605 : vector<1x128xf32>
      %swap3A = arith.constant 6 : index
      %swap3A_607 = arith.constant 0 : index
      %swap3A_608 = vector.load %arg18[%swap3A, %swap3A_607] : memref<64x128xf32, #tpu.memory_space<vmem>>, vector<1x128xf32>
      tpu.vector_store %arg18[%swap3A, %swap3A_607], %max3A_606 {strides = array<i32>} : memref<64x128xf32, #tpu.memory_space<vmem>>, vector<1x128xf32>,
    } else {
    }
    %le3A_133 = arith.constant 7 : i32
    %le3A_134 = arith.cmpi sle, %reduce_min3A_75, %le3A_133 : i32
    %ge3A_135 = arith.constant 7 : i32
    %ge3A_136 = arith.cmpi sge, %reduce_max3A_79, %ge3A_135 : i32
    %and3A_137 = arith.andi %le3A_134, %ge3A_136 : i1
    %convert_element_type3A_138 = arith.extui %and3A_137 : i1 to i32
    %cond3A_139 = arith.constant 0 : i32
    %cond3A_140 = arith.cmpi ne, %convert_element_type3A_138, %cond3A_139 : i32
    scf.if %cond3A_140 {
      %eq3A_594 = arith.constant 7 : i32
      %eq3A_595 = vector.broadcast %eq3A_594 : i32 to vector<1024x1xi32>
      %eq3A_596 = arith.cmpi eq, %get3A_71, %eq3A_595 : vector<1024x1xi32>
      %jit3A = arith.constant 0xFF800000 : f32
      %broadcast_in_dim3A_597 = vector.shape_cast %eq3A_596 : vector<1024x1xi1> to vector<1024x1xi1>
      %broadcast_in_dim3A_598 = vector.broadcast %broadcast_in_dim3A_597 : vector<1024x1xi1> to vector<1024x128xi1>
      %broadcast_in_dim3A_599 = vector.broadcast %jit3A : f32 to vector<1024x128xf32>
      %select_n3A = arith.select %broadcast_in_dim3A_598, %max3A_68, %broadcast_in_dim3A_599 : vector<1024x128xi1>, vector<1024x128xf32>
      %get3A_600 = arith.constant 7 : index
      %get3A_601 = arith.constant 0 : index
      %get3A_602 = vector.load %arg18[%get3A_600, %get3A_601] : memref<64x128xf32, #tpu.memory_space<vmem>>, vector<1x128xf32>
      %reduce_max3A_603 = arith.constant dense<0xFF800000> : vector<128xf32>
      %reduce_max3A_604 = vector.multi_reduction <maximumf>, %select_n3A, %reduce_max3A_603 [0] : vector<1024x128xf32> to vector<128xf32>
      %broadcast_in_dim3A_605 = vector.shape_cast %reduce_max3A_604 : vector<128xf32> to vector<1x128xf32>
      %max3A_606 = arith.maximumf %get3A_602, %broadcast_in_dim3A_605 : vector<1x128xf32>
      %swap3A = arith.constant 7 : index
      %swap3A_607 = arith.constant 0 : index
      %swap3A_608 = vector.load %arg18[%swap3A, %swap3A_607] : memref<64x128xf32, #tpu.memory_space<vmem>>, vector<1x128xf32>
      tpu.vector_store %arg18[%swap3A, %swap3A_607], %max3A_606 {strides = array<i32>} : memref<64x128xf32, #tpu.memory_space<vmem>>, vector<1x128xf32>,
    } else {
    }
    %le3A_141 = arith.constant 8 : i32
    %le3A_142 = arith.cmpi sle, %reduce_min3A_75, %le3A_141 : i32
    %ge3A_143 = arith.constant 8 : i32
    %ge3A_144 = arith.cmpi sge, %reduce_max3A_79, %ge3A_143 : i32
    %and3A_145 = arith.andi %le3A_142, %ge3A_144 : i1
    %convert_element_type3A_146 = arith.extui %and3A_145 : i1 to i32
    %cond3A_147 = arith.constant 0 : i32
    %cond3A_148 = arith.cmpi ne, %convert_element_type3A_146, %cond3A_147 : i32
    scf.if %cond3A_148 {
      %eq3A_594 = arith.constant 8 : i32
      %eq3A_595 = vector.broadcast %eq3A_594 : i32 to vector<1024x1xi32>
      %eq3A_596 = arith.cmpi eq, %get3A_71, %eq3A_595 : vector<1024x1xi32>
      %jit3A = arith.constant 0xFF800000 : f32
      %broadcast_in_dim3A_597 = vector.shape_cast %eq3A_596 : vector<1024x1xi1> to vector<1024x1xi1>
      %broadcast_in_dim3A_598 = vector.broadcast %broadcast_in_dim3A_597 : vector<1024x1xi1> to vector<1024x128xi1>
      %broadcast_in_dim3A_599 = vector.broadcast %jit3A : f32 to vector<1024x128xf32>
      %select_n3A = arith.select %broadcast_in_dim3A_598, %max3A_68, %broadcast_in_dim3A_599 : vector<1024x128xi1>, vector<1024x128xf32>
      %get3A_600 = arith.constant 8 : index
      %get3A_601 = arith.constant 0 : index
      %get3A_602 = vector.load %arg18[%get3A_600, %get3A_601] : memref<64x128xf32, #tpu.memory_space<vmem>>, vector<1x128xf32>
      %reduce_max3A_603 = arith.constant dense<0xFF800000> : vector<128xf32>
      %reduce_max3A_604 = vector.multi_reduction <maximumf>, %select_n3A, %reduce_max3A_603 [0] : vector<1024x128xf32> to vector<128xf32>
      %broadcast_in_dim3A_605 = vector.shape_cast %reduce_max3A_604 : vector<128xf32> to vector<1x128xf32>
      %max3A_606 = arith.maximumf %get3A_602, %broadcast_in_dim3A_605 : vector<1x128xf32>
      %swap3A = arith.constant 8 : index
      %swap3A_607 = arith.constant 0 : index
      %swap3A_608 = vector.load %arg18[%swap3A, %swap3A_607] : memref<64x128xf32, #tpu.memory_space<vmem>>, vector<1x128xf32>
      tpu.vector_store %arg18[%swap3A, %swap3A_607], %max3A_606 {strides = array<i32>} : memref<64x128xf32, #tpu.memory_space<vmem>>, vector<1x128xf32>,
    } else {
    }
    %le3A_149 = arith.constant 9 : i32
    %le3A_150 = arith.cmpi sle, %reduce_min3A_75, %le3A_149 : i32
    %ge3A_151 = arith.constant 9 : i32
    %ge3A_152 = arith.cmpi sge, %reduce_max3A_79, %ge3A_151 : i32
    %and3A_153 = arith.andi %le3A_150, %ge3A_152 : i1
    %convert_element_type3A_154 = arith.extui %and3A_153 : i1 to i32
    %cond3A_155 = arith.constant 0 : i32
    %cond3A_156 = arith.cmpi ne, %convert_element_type3A_154, %cond3A_155 : i32
    scf.if %cond3A_156 {
      %eq3A_594 = arith.constant 9 : i32
      %eq3A_595 = vector.broadcast %eq3A_594 : i32 to vector<1024x1xi32>
      %eq3A_596 = arith.cmpi eq, %get3A_71, %eq3A_595 : vector<1024x1xi32>
      %jit3A = arith.constant 0xFF800000 : f32
      %broadcast_in_dim3A_597 = vector.shape_cast %eq3A_596 : vector<1024x1xi1> to vector<1024x1xi1>
      %broadcast_in_dim3A_598 = vector.broadcast %broadcast_in_dim3A_597 : vector<1024x1xi1> to vector<1024x128xi1>
      %broadcast_in_dim3A_599 = vector.broadcast %jit3A : f32 to vector<1024x128xf32>
      %select_n3A = arith.select %broadcast_in_dim3A_598, %max3A_68, %broadcast_in_dim3A_599 : vector<1024x128xi1>, vector<1024x128xf32>
      %get3A_600 = arith.constant 9 : index
      %get3A_601 = arith.constant 0 : index
      %get3A_602 = vector.load %arg18[%get3A_600, %get3A_601] : memref<64x128xf32, #tpu.memory_space<vmem>>, vector<1x128xf32>
      %reduce_max3A_603 = arith.constant dense<0xFF800000> : vector<128xf32>
      %reduce_max3A_604 = vector.multi_reduction <maximumf>, %select_n3A, %reduce_max3A_603 [0] : vector<1024x128xf32> to vector<128xf32>
      %broadcast_in_dim3A_605 = vector.shape_cast %reduce_max3A_604 : vector<128xf32> to vector<1x128xf32>
      %max3A_606 = arith.maximumf %get3A_602, %broadcast_in_dim3A_605 : vector<1x128xf32>
      %swap3A = arith.constant 9 : index
      %swap3A_607 = arith.constant 0 : index
      %swap3A_608 = vector.load %arg18[%swap3A, %swap3A_607] : memref<64x128xf32, #tpu.memory_space<vmem>>, vector<1x128xf32>
      tpu.vector_store %arg18[%swap3A, %swap3A_607], %max3A_606 {strides = array<i32>} : memref<64x128xf32, #tpu.memory_space<vmem>>, vector<1x128xf32>,
    } else {
    }
    %le3A_157 = arith.constant 10 : i32
    %le3A_158 = arith.cmpi sle, %reduce_min3A_75, %le3A_157 : i32
    %ge3A_159 = arith.constant 10 : i32
    %ge3A_160 = arith.cmpi sge, %reduce_max3A_79, %ge3A_159 : i32
    %and3A_161 = arith.andi %le3A_158, %ge3A_160 : i1
    %convert_element_type3A_162 = arith.extui %and3A_161 : i1 to i32
    %cond3A_163 = arith.constant 0 : i32
    %cond3A_164 = arith.cmpi ne, %convert_element_type3A_162, %cond3A_163 : i32
    scf.if %cond3A_164 {
      %eq3A_594 = arith.constant 10 : i32
      %eq3A_595 = vector.broadcast %eq3A_594 : i32 to vector<1024x1xi32>
      %eq3A_596 = arith.cmpi eq, %get3A_71, %eq3A_595 : vector<1024x1xi32>
      %jit3A = arith.constant 0xFF800000 : f32
      %broadcast_in_dim3A_597 = vector.shape_cast %eq3A_596 : vector<1024x1xi1> to vector<1024x1xi1>
      %broadcast_in_dim3A_598 = vector.broadcast %broadcast_in_dim3A_597 : vector<1024x1xi1> to vector<1024x128xi1>
      %broadcast_in_dim3A_599 = vector.broadcast %jit3A : f32 to vector<1024x128xf32>
      %select_n3A = arith.select %broadcast_in_dim3A_598, %max3A_68, %broadcast_in_dim3A_599 : vector<1024x128xi1>, vector<1024x128xf32>
      %get3A_600 = arith.constant 10 : index
      %get3A_601 = arith.constant 0 : index
      %get3A_602 = vector.load %arg18[%get3A_600, %get3A_601] : memref<64x128xf32, #tpu.memory_space<vmem>>, vector<1x128xf32>
      %reduce_max3A_603 = arith.constant dense<0xFF800000> : vector<128xf32>
      %reduce_max3A_604 = vector.multi_reduction <maximumf>, %select_n3A, %reduce_max3A_603 [0] : vector<1024x128xf32> to vector<128xf32>
      %broadcast_in_dim3A_605 = vector.shape_cast %reduce_max3A_604 : vector<128xf32> to vector<1x128xf32>
      %max3A_606 = arith.maximumf %get3A_602, %broadcast_in_dim3A_605 : vector<1x128xf32>
      %swap3A = arith.constant 10 : index
      %swap3A_607 = arith.constant 0 : index
      %swap3A_608 = vector.load %arg18[%swap3A, %swap3A_607] : memref<64x128xf32, #tpu.memory_space<vmem>>, vector<1x128xf32>
      tpu.vector_store %arg18[%swap3A, %swap3A_607], %max3A_606 {strides = array<i32>} : memref<64x128xf32, #tpu.memory_space<vmem>>, vector<1x128xf32>,
    } else {
    }
    %le3A_165 = arith.constant 11 : i32
    %le3A_166 = arith.cmpi sle, %reduce_min3A_75, %le3A_165 : i32
    %ge3A_167 = arith.constant 11 : i32
    %ge3A_168 = arith.cmpi sge, %reduce_max3A_79, %ge3A_167 : i32
    %and3A_169 = arith.andi %le3A_166, %ge3A_168 : i1
    %convert_element_type3A_170 = arith.extui %and3A_169 : i1 to i32
    %cond3A_171 = arith.constant 0 : i32
    %cond3A_172 = arith.cmpi ne, %convert_element_type3A_170, %cond3A_171 : i32
    scf.if %cond3A_172 {
      %eq3A_594 = arith.constant 11 : i32
      %eq3A_595 = vector.broadcast %eq3A_594 : i32 to vector<1024x1xi32>
      %eq3A_596 = arith.cmpi eq, %get3A_71, %eq3A_595 : vector<1024x1xi32>
      %jit3A = arith.constant 0xFF800000 : f32
      %broadcast_in_dim3A_597 = vector.shape_cast %eq3A_596 : vector<1024x1xi1> to vector<1024x1xi1>
      %broadcast_in_dim3A_598 = vector.broadcast %broadcast_in_dim3A_597 : vector<1024x1xi1> to vector<1024x128xi1>
      %broadcast_in_dim3A_599 = vector.broadcast %jit3A : f32 to vector<1024x128xf32>
      %select_n3A = arith.select %broadcast_in_dim3A_598, %max3A_68, %broadcast_in_dim3A_599 : vector<1024x128xi1>, vector<1024x128xf32>
      %get3A_600 = arith.constant 11 : index
      %get3A_601 = arith.constant 0 : index
      %get3A_602 = vector.load %arg18[%get3A_600, %get3A_601] : memref<64x128xf32, #tpu.memory_space<vmem>>, vector<1x128xf32>
      %reduce_max3A_603 = arith.constant dense<0xFF800000> : vector<128xf32>
      %reduce_max3A_604 = vector.multi_reduction <maximumf>, %select_n3A, %reduce_max3A_603 [0] : vector<1024x128xf32> to vector<128xf32>
      %broadcast_in_dim3A_605 = vector.shape_cast %reduce_max3A_604 : vector<128xf32> to vector<1x128xf32>
      %max3A_606 = arith.maximumf %get3A_602, %broadcast_in_dim3A_605 : vector<1x128xf32>
      %swap3A = arith.constant 11 : index
      %swap3A_607 = arith.constant 0 : index
      %swap3A_608 = vector.load %arg18[%swap3A, %swap3A_607] : memref<64x128xf32, #tpu.memory_space<vmem>>, vector<1x128xf32>
      tpu.vector_store %arg18[%swap3A, %swap3A_607], %max3A_606 {strides = array<i32>} : memref<64x128xf32, #tpu.memory_space<vmem>>, vector<1x128xf32>,
    } else {
    }
    %le3A_173 = arith.constant 12 : i32
    %le3A_174 = arith.cmpi sle, %reduce_min3A_75, %le3A_173 : i32
    %ge3A_175 = arith.constant 12 : i32
    %ge3A_176 = arith.cmpi sge, %reduce_max3A_79, %ge3A_175 : i32
    %and3A_177 = arith.andi %le3A_174, %ge3A_176 : i1
    %convert_element_type3A_178 = arith.extui %and3A_177 : i1 to i32
    %cond3A_179 = arith.constant 0 : i32
    %cond3A_180 = arith.cmpi ne, %convert_element_type3A_178, %cond3A_179 : i32
    scf.if %cond3A_180 {
      %eq3A_594 = arith.constant 12 : i32
      %eq3A_595 = vector.broadcast %eq3A_594 : i32 to vector<1024x1xi32>
      %eq3A_596 = arith.cmpi eq, %get3A_71, %eq3A_595 : vector<1024x1xi32>
      %jit3A = arith.constant 0xFF800000 : f32
      %broadcast_in_dim3A_597 = vector.shape_cast %eq3A_596 : vector<1024x1xi1> to vector<1024x1xi1>
      %broadcast_in_dim3A_598 = vector.broadcast %broadcast_in_dim3A_597 : vector<1024x1xi1> to vector<1024x128xi1>
      %broadcast_in_dim3A_599 = vector.broadcast %jit3A : f32 to vector<1024x128xf32>
      %select_n3A = arith.select %broadcast_in_dim3A_598, %max3A_68, %broadcast_in_dim3A_599 : vector<1024x128xi1>, vector<1024x128xf32>
      %get3A_600 = arith.constant 12 : index
      %get3A_601 = arith.constant 0 : index
      %get3A_602 = vector.load %arg18[%get3A_600, %get3A_601] : memref<64x128xf32, #tpu.memory_space<vmem>>, vector<1x128xf32>
      %reduce_max3A_603 = arith.constant dense<0xFF800000> : vector<128xf32>
      %reduce_max3A_604 = vector.multi_reduction <maximumf>, %select_n3A, %reduce_max3A_603 [0] : vector<1024x128xf32> to vector<128xf32>
      %broadcast_in_dim3A_605 = vector.shape_cast %reduce_max3A_604 : vector<128xf32> to vector<1x128xf32>
      %max3A_606 = arith.maximumf %get3A_602, %broadcast_in_dim3A_605 : vector<1x128xf32>
      %swap3A = arith.constant 12 : index
      %swap3A_607 = arith.constant 0 : index
      %swap3A_608 = vector.load %arg18[%swap3A, %swap3A_607] : memref<64x128xf32, #tpu.memory_space<vmem>>, vector<1x128xf32>
      tpu.vector_store %arg18[%swap3A, %swap3A_607], %max3A_606 {strides = array<i32>} : memref<64x128xf32, #tpu.memory_space<vmem>>, vector<1x128xf32>,
    } else {
    }
    %le3A_181 = arith.constant 13 : i32
    %le3A_182 = arith.cmpi sle, %reduce_min3A_75, %le3A_181 : i32
    %ge3A_183 = arith.constant 13 : i32
    %ge3A_184 = arith.cmpi sge, %reduce_max3A_79, %ge3A_183 : i32
    %and3A_185 = arith.andi %le3A_182, %ge3A_184 : i1
    %convert_element_type3A_186 = arith.extui %and3A_185 : i1 to i32
    %cond3A_187 = arith.constant 0 : i32
    %cond3A_188 = arith.cmpi ne, %convert_element_type3A_186, %cond3A_187 : i32
    scf.if %cond3A_188 {
      %eq3A_594 = arith.constant 13 : i32
      %eq3A_595 = vector.broadcast %eq3A_594 : i32 to vector<1024x1xi32>
      %eq3A_596 = arith.cmpi eq, %get3A_71, %eq3A_595 : vector<1024x1xi32>
      %jit3A = arith.constant 0xFF800000 : f32
      %broadcast_in_dim3A_597 = vector.shape_cast %eq3A_596 : vector<1024x1xi1> to vector<1024x1xi1>
      %broadcast_in_dim3A_598 = vector.broadcast %broadcast_in_dim3A_597 : vector<1024x1xi1> to vector<1024x128xi1>
      %broadcast_in_dim3A_599 = vector.broadcast %jit3A : f32 to vector<1024x128xf32>
      %select_n3A = arith.select %broadcast_in_dim3A_598, %max3A_68, %broadcast_in_dim3A_599 : vector<1024x128xi1>, vector<1024x128xf32>
      %get3A_600 = arith.constant 13 : index
      %get3A_601 = arith.constant 0 : index
      %get3A_602 = vector.load %arg18[%get3A_600, %get3A_601] : memref<64x128xf32, #tpu.memory_space<vmem>>, vector<1x128xf32>
      %reduce_max3A_603 = arith.constant dense<0xFF800000> : vector<128xf32>
      %reduce_max3A_604 = vector.multi_reduction <maximumf>, %select_n3A, %reduce_max3A_603 [0] : vector<1024x128xf32> to vector<128xf32>
      %broadcast_in_dim3A_605 = vector.shape_cast %reduce_max3A_604 : vector<128xf32> to vector<1x128xf32>
      %max3A_606 = arith.maximumf %get3A_602, %broadcast_in_dim3A_605 : vector<1x128xf32>
      %swap3A = arith.constant 13 : index
      %swap3A_607 = arith.constant 0 : index
      %swap3A_608 = vector.load %arg18[%swap3A, %swap3A_607] : memref<64x128xf32, #tpu.memory_space<vmem>>, vector<1x128xf32>
      tpu.vector_store %arg18[%swap3A, %swap3A_607], %max3A_606 {strides = array<i32>} : memref<64x128xf32, #tpu.memory_space<vmem>>, vector<1x128xf32>,
    } else {
    }
    %le3A_189 = arith.constant 14 : i32
    %le3A_190 = arith.cmpi sle, %reduce_min3A_75, %le3A_189 : i32
    %ge3A_191 = arith.constant 14 : i32
    %ge3A_192 = arith.cmpi sge, %reduce_max3A_79, %ge3A_191 : i32
    %and3A_193 = arith.andi %le3A_190, %ge3A_192 : i1
    %convert_element_type3A_194 = arith.extui %and3A_193 : i1 to i32
    %cond3A_195 = arith.constant 0 : i32
    %cond3A_196 = arith.cmpi ne, %convert_element_type3A_194, %cond3A_195 : i32
    scf.if %cond3A_196 {
      %eq3A_594 = arith.constant 14 : i32
      %eq3A_595 = vector.broadcast %eq3A_594 : i32 to vector<1024x1xi32>
      %eq3A_596 = arith.cmpi eq, %get3A_71, %eq3A_595 : vector<1024x1xi32>
      %jit3A = arith.constant 0xFF800000 : f32
      %broadcast_in_dim3A_597 = vector.shape_cast %eq3A_596 : vector<1024x1xi1> to vector<1024x1xi1>
      %broadcast_in_dim3A_598 = vector.broadcast %broadcast_in_dim3A_597 : vector<1024x1xi1> to vector<1024x128xi1>
      %broadcast_in_dim3A_599 = vector.broadcast %jit3A : f32 to vector<1024x128xf32>
      %select_n3A = arith.select %broadcast_in_dim3A_598, %max3A_68, %broadcast_in_dim3A_599 : vector<1024x128xi1>, vector<1024x128xf32>
      %get3A_600 = arith.constant 14 : index
      %get3A_601 = arith.constant 0 : index
      %get3A_602 = vector.load %arg18[%get3A_600, %get3A_601] : memref<64x128xf32, #tpu.memory_space<vmem>>, vector<1x128xf32>
      %reduce_max3A_603 = arith.constant dense<0xFF800000> : vector<128xf32>
      %reduce_max3A_604 = vector.multi_reduction <maximumf>, %select_n3A, %reduce_max3A_603 [0] : vector<1024x128xf32> to vector<128xf32>
      %broadcast_in_dim3A_605 = vector.shape_cast %reduce_max3A_604 : vector<128xf32> to vector<1x128xf32>
      %max3A_606 = arith.maximumf %get3A_602, %broadcast_in_dim3A_605 : vector<1x128xf32>
      %swap3A = arith.constant 14 : index
      %swap3A_607 = arith.constant 0 : index
      %swap3A_608 = vector.load %arg18[%swap3A, %swap3A_607] : memref<64x128xf32, #tpu.memory_space<vmem>>, vector<1x128xf32>
      tpu.vector_store %arg18[%swap3A, %swap3A_607], %max3A_606 {strides = array<i32>} : memref<64x128xf32, #tpu.memory_space<vmem>>, vector<1x128xf32>,
    } else {
    }
    %le3A_197 = arith.constant 15 : i32
    %le3A_198 = arith.cmpi sle, %reduce_min3A_75, %le3A_197 : i32
    %ge3A_199 = arith.constant 15 : i32
    %ge3A_200 = arith.cmpi sge, %reduce_max3A_79, %ge3A_199 : i32
    %and3A_201 = arith.andi %le3A_198, %ge3A_200 : i1
    %convert_element_type3A_202 = arith.extui %and3A_201 : i1 to i32
    %cond3A_203 = arith.constant 0 : i32
    %cond3A_204 = arith.cmpi ne, %convert_element_type3A_202, %cond3A_203 : i32
    scf.if %cond3A_204 {
      %eq3A_594 = arith.constant 15 : i32
      %eq3A_595 = vector.broadcast %eq3A_594 : i32 to vector<1024x1xi32>
      %eq3A_596 = arith.cmpi eq, %get3A_71, %eq3A_595 : vector<1024x1xi32>
      %jit3A = arith.constant 0xFF800000 : f32
      %broadcast_in_dim3A_597 = vector.shape_cast %eq3A_596 : vector<1024x1xi1> to vector<1024x1xi1>
      %broadcast_in_dim3A_598 = vector.broadcast %broadcast_in_dim3A_597 : vector<1024x1xi1> to vector<1024x128xi1>
      %broadcast_in_dim3A_599 = vector.broadcast %jit3A : f32 to vector<1024x128xf32>
      %select_n3A = arith.select %broadcast_in_dim3A_598, %max3A_68, %broadcast_in_dim3A_599 : vector<1024x128xi1>, vector<1024x128xf32>
      %get3A_600 = arith.constant 15 : index
      %get3A_601 = arith.constant 0 : index
      %get3A_602 = vector.load %arg18[%get3A_600, %get3A_601] : memref<64x128xf32, #tpu.memory_space<vmem>>, vector<1x128xf32>
      %reduce_max3A_603 = arith.constant dense<0xFF800000> : vector<128xf32>
      %reduce_max3A_604 = vector.multi_reduction <maximumf>, %select_n3A, %reduce_max3A_603 [0] : vector<1024x128xf32> to vector<128xf32>
      %broadcast_in_dim3A_605 = vector.shape_cast %reduce_max3A_604 : vector<128xf32> to vector<1x128xf32>
      %max3A_606 = arith.maximumf %get3A_602, %broadcast_in_dim3A_605 : vector<1x128xf32>
      %swap3A = arith.constant 15 : index
      %swap3A_607 = arith.constant 0 : index
      %swap3A_608 = vector.load %arg18[%swap3A, %swap3A_607] : memref<64x128xf32, #tpu.memory_space<vmem>>, vector<1x128xf32>
      tpu.vector_store %arg18[%swap3A, %swap3A_607], %max3A_606 {strides = array<i32>} : memref<64x128xf32, #tpu.memory_space<vmem>>, vector<1x128xf32>,
    } else {
    }
    %le3A_205 = arith.constant 16 : i32
    %le3A_206 = arith.cmpi sle, %reduce_min3A_75, %le3A_205 : i32
    %ge3A_207 = arith.constant 16 : i32
    %ge3A_208 = arith.cmpi sge, %reduce_max3A_79, %ge3A_207 : i32
    %and3A_209 = arith.andi %le3A_206, %ge3A_208 : i1
    %convert_element_type3A_210 = arith.extui %and3A_209 : i1 to i32
    %cond3A_211 = arith.constant 0 : i32
    %cond3A_212 = arith.cmpi ne, %convert_element_type3A_210, %cond3A_211 : i32
    scf.if %cond3A_212 {
      %eq3A_594 = arith.constant 16 : i32
      %eq3A_595 = vector.broadcast %eq3A_594 : i32 to vector<1024x1xi32>
      %eq3A_596 = arith.cmpi eq, %get3A_71, %eq3A_595 : vector<1024x1xi32>
      %jit3A = arith.constant 0xFF800000 : f32
      %broadcast_in_dim3A_597 = vector.shape_cast %eq3A_596 : vector<1024x1xi1> to vector<1024x1xi1>
      %broadcast_in_dim3A_598 = vector.broadcast %broadcast_in_dim3A_597 : vector<1024x1xi1> to vector<1024x128xi1>
      %broadcast_in_dim3A_599 = vector.broadcast %jit3A : f32 to vector<1024x128xf32>
      %select_n3A = arith.select %broadcast_in_dim3A_598, %max3A_68, %broadcast_in_dim3A_599 : vector<1024x128xi1>, vector<1024x128xf32>
      %get3A_600 = arith.constant 16 : index
      %get3A_601 = arith.constant 0 : index
      %get3A_602 = vector.load %arg18[%get3A_600, %get3A_601] : memref<64x128xf32, #tpu.memory_space<vmem>>, vector<1x128xf32>
      %reduce_max3A_603 = arith.constant dense<0xFF800000> : vector<128xf32>
      %reduce_max3A_604 = vector.multi_reduction <maximumf>, %select_n3A, %reduce_max3A_603 [0] : vector<1024x128xf32> to vector<128xf32>
      %broadcast_in_dim3A_605 = vector.shape_cast %reduce_max3A_604 : vector<128xf32> to vector<1x128xf32>
      %max3A_606 = arith.maximumf %get3A_602, %broadcast_in_dim3A_605 : vector<1x128xf32>
      %swap3A = arith.constant 16 : index
      %swap3A_607 = arith.constant 0 : index
      %swap3A_608 = vector.load %arg18[%swap3A, %swap3A_607] : memref<64x128xf32, #tpu.memory_space<vmem>>, vector<1x128xf32>
      tpu.vector_store %arg18[%swap3A, %swap3A_607], %max3A_606 {strides = array<i32>} : memref<64x128xf32, #tpu.memory_space<vmem>>, vector<1x128xf32>,
    } else {
    }
    %le3A_213 = arith.constant 17 : i32
    %le3A_214 = arith.cmpi sle, %reduce_min3A_75, %le3A_213 : i32
    %ge3A_215 = arith.constant 17 : i32
    %ge3A_216 = arith.cmpi sge, %reduce_max3A_79, %ge3A_215 : i32
    %and3A_217 = arith.andi %le3A_214, %ge3A_216 : i1
    %convert_element_type3A_218 = arith.extui %and3A_217 : i1 to i32
    %cond3A_219 = arith.constant 0 : i32
    %cond3A_220 = arith.cmpi ne, %convert_element_type3A_218, %cond3A_219 : i32
    scf.if %cond3A_220 {
      %eq3A_594 = arith.constant 17 : i32
      %eq3A_595 = vector.broadcast %eq3A_594 : i32 to vector<1024x1xi32>
      %eq3A_596 = arith.cmpi eq, %get3A_71, %eq3A_595 : vector<1024x1xi32>
      %jit3A = arith.constant 0xFF800000 : f32
      %broadcast_in_dim3A_597 = vector.shape_cast %eq3A_596 : vector<1024x1xi1> to vector<1024x1xi1>
      %broadcast_in_dim3A_598 = vector.broadcast %broadcast_in_dim3A_597 : vector<1024x1xi1> to vector<1024x128xi1>
      %broadcast_in_dim3A_599 = vector.broadcast %jit3A : f32 to vector<1024x128xf32>
      %select_n3A = arith.select %broadcast_in_dim3A_598, %max3A_68, %broadcast_in_dim3A_599 : vector<1024x128xi1>, vector<1024x128xf32>
      %get3A_600 = arith.constant 17 : index
      %get3A_601 = arith.constant 0 : index
      %get3A_602 = vector.load %arg18[%get3A_600, %get3A_601] : memref<64x128xf32, #tpu.memory_space<vmem>>, vector<1x128xf32>
      %reduce_max3A_603 = arith.constant dense<0xFF800000> : vector<128xf32>
      %reduce_max3A_604 = vector.multi_reduction <maximumf>, %select_n3A, %reduce_max3A_603 [0] : vector<1024x128xf32> to vector<128xf32>
      %broadcast_in_dim3A_605 = vector.shape_cast %reduce_max3A_604 : vector<128xf32> to vector<1x128xf32>
      %max3A_606 = arith.maximumf %get3A_602, %broadcast_in_dim3A_605 : vector<1x128xf32>
      %swap3A = arith.constant 17 : index
      %swap3A_607 = arith.constant 0 : index
      %swap3A_608 = vector.load %arg18[%swap3A, %swap3A_607] : memref<64x128xf32, #tpu.memory_space<vmem>>, vector<1x128xf32>
      tpu.vector_store %arg18[%swap3A, %swap3A_607], %max3A_606 {strides = array<i32>} : memref<64x128xf32, #tpu.memory_space<vmem>>, vector<1x128xf32>,
    } else {
    }
    %le3A_221 = arith.constant 18 : i32
    %le3A_222 = arith.cmpi sle, %reduce_min3A_75, %le3A_221 : i32
    %ge3A_223 = arith.constant 18 : i32
    %ge3A_224 = arith.cmpi sge, %reduce_max3A_79, %ge3A_223 : i32
    %and3A_225 = arith.andi %le3A_222, %ge3A_224 : i1
    %convert_element_type3A_226 = arith.extui %and3A_225 : i1 to i32
    %cond3A_227 = arith.constant 0 : i32
    %cond3A_228 = arith.cmpi ne, %convert_element_type3A_226, %cond3A_227 : i32
    scf.if %cond3A_228 {
      %eq3A_594 = arith.constant 18 : i32
      %eq3A_595 = vector.broadcast %eq3A_594 : i32 to vector<1024x1xi32>
      %eq3A_596 = arith.cmpi eq, %get3A_71, %eq3A_595 : vector<1024x1xi32>
      %jit3A = arith.constant 0xFF800000 : f32
      %broadcast_in_dim3A_597 = vector.shape_cast %eq3A_596 : vector<1024x1xi1> to vector<1024x1xi1>
      %broadcast_in_dim3A_598 = vector.broadcast %broadcast_in_dim3A_597 : vector<1024x1xi1> to vector<1024x128xi1>
      %broadcast_in_dim3A_599 = vector.broadcast %jit3A : f32 to vector<1024x128xf32>
      %select_n3A = arith.select %broadcast_in_dim3A_598, %max3A_68, %broadcast_in_dim3A_599 : vector<1024x128xi1>, vector<1024x128xf32>
      %get3A_600 = arith.constant 18 : index
      %get3A_601 = arith.constant 0 : index
      %get3A_602 = vector.load %arg18[%get3A_600, %get3A_601] : memref<64x128xf32, #tpu.memory_space<vmem>>, vector<1x128xf32>
      %reduce_max3A_603 = arith.constant dense<0xFF800000> : vector<128xf32>
      %reduce_max3A_604 = vector.multi_reduction <maximumf>, %select_n3A, %reduce_max3A_603 [0] : vector<1024x128xf32> to vector<128xf32>
      %broadcast_in_dim3A_605 = vector.shape_cast %reduce_max3A_604 : vector<128xf32> to vector<1x128xf32>
      %max3A_606 = arith.maximumf %get3A_602, %broadcast_in_dim3A_605 : vector<1x128xf32>
      %swap3A = arith.constant 18 : index
      %swap3A_607 = arith.constant 0 : index
      %swap3A_608 = vector.load %arg18[%swap3A, %swap3A_607] : memref<64x128xf32, #tpu.memory_space<vmem>>, vector<1x128xf32>
      tpu.vector_store %arg18[%swap3A, %swap3A_607], %max3A_606 {strides = array<i32>} : memref<64x128xf32, #tpu.memory_space<vmem>>, vector<1x128xf32>,
    } else {
    }
    %le3A_229 = arith.constant 19 : i32
    %le3A_230 = arith.cmpi sle, %reduce_min3A_75, %le3A_229 : i32
    %ge3A_231 = arith.constant 19 : i32
    %ge3A_232 = arith.cmpi sge, %reduce_max3A_79, %ge3A_231 : i32
    %and3A_233 = arith.andi %le3A_230, %ge3A_232 : i1
    %convert_element_type3A_234 = arith.extui %and3A_233 : i1 to i32
    %cond3A_235 = arith.constant 0 : i32
    %cond3A_236 = arith.cmpi ne, %convert_element_type3A_234, %cond3A_235 : i32
    scf.if %cond3A_236 {
      %eq3A_594 = arith.constant 19 : i32
      %eq3A_595 = vector.broadcast %eq3A_594 : i32 to vector<1024x1xi32>
      %eq3A_596 = arith.cmpi eq, %get3A_71, %eq3A_595 : vector<1024x1xi32>
      %jit3A = arith.constant 0xFF800000 : f32
      %broadcast_in_dim3A_597 = vector.shape_cast %eq3A_596 : vector<1024x1xi1> to vector<1024x1xi1>
      %broadcast_in_dim3A_598 = vector.broadcast %broadcast_in_dim3A_597 : vector<1024x1xi1> to vector<1024x128xi1>
      %broadcast_in_dim3A_599 = vector.broadcast %jit3A : f32 to vector<1024x128xf32>
      %select_n3A = arith.select %broadcast_in_dim3A_598, %max3A_68, %broadcast_in_dim3A_599 : vector<1024x128xi1>, vector<1024x128xf32>
      %get3A_600 = arith.constant 19 : index
      %get3A_601 = arith.constant 0 : index
      %get3A_602 = vector.load %arg18[%get3A_600, %get3A_601] : memref<64x128xf32, #tpu.memory_space<vmem>>, vector<1x128xf32>
      %reduce_max3A_603 = arith.constant dense<0xFF800000> : vector<128xf32>
      %reduce_max3A_604 = vector.multi_reduction <maximumf>, %select_n3A, %reduce_max3A_603 [0] : vector<1024x128xf32> to vector<128xf32>
      %broadcast_in_dim3A_605 = vector.shape_cast %reduce_max3A_604 : vector<128xf32> to vector<1x128xf32>
      %max3A_606 = arith.maximumf %get3A_602, %broadcast_in_dim3A_605 : vector<1x128xf32>
      %swap3A = arith.constant 19 : index
      %swap3A_607 = arith.constant 0 : index
      %swap3A_608 = vector.load %arg18[%swap3A, %swap3A_607] : memref<64x128xf32, #tpu.memory_space<vmem>>, vector<1x128xf32>
      tpu.vector_store %arg18[%swap3A, %swap3A_607], %max3A_606 {strides = array<i32>} : memref<64x128xf32, #tpu.memory_space<vmem>>, vector<1x128xf32>,
    } else {
    }
    %le3A_237 = arith.constant 20 : i32
    %le3A_238 = arith.cmpi sle, %reduce_min3A_75, %le3A_237 : i32
    %ge3A_239 = arith.constant 20 : i32
    %ge3A_240 = arith.cmpi sge, %reduce_max3A_79, %ge3A_239 : i32
    %and3A_241 = arith.andi %le3A_238, %ge3A_240 : i1
    %convert_element_type3A_242 = arith.extui %and3A_241 : i1 to i32
    %cond3A_243 = arith.constant 0 : i32
    %cond3A_244 = arith.cmpi ne, %convert_element_type3A_242, %cond3A_243 : i32
    scf.if %cond3A_244 {
      %eq3A_594 = arith.constant 20 : i32
      %eq3A_595 = vector.broadcast %eq3A_594 : i32 to vector<1024x1xi32>
      %eq3A_596 = arith.cmpi eq, %get3A_71, %eq3A_595 : vector<1024x1xi32>
      %jit3A = arith.constant 0xFF800000 : f32
      %broadcast_in_dim3A_597 = vector.shape_cast %eq3A_596 : vector<1024x1xi1> to vector<1024x1xi1>
      %broadcast_in_dim3A_598 = vector.broadcast %broadcast_in_dim3A_597 : vector<1024x1xi1> to vector<1024x128xi1>
      %broadcast_in_dim3A_599 = vector.broadcast %jit3A : f32 to vector<1024x128xf32>
      %select_n3A = arith.select %broadcast_in_dim3A_598, %max3A_68, %broadcast_in_dim3A_599 : vector<1024x128xi1>, vector<1024x128xf32>
      %get3A_600 = arith.constant 20 : index
      %get3A_601 = arith.constant 0 : index
      %get3A_602 = vector.load %arg18[%get3A_600, %get3A_601] : memref<64x128xf32, #tpu.memory_space<vmem>>, vector<1x128xf32>
      %reduce_max3A_603 = arith.constant dense<0xFF800000> : vector<128xf32>
      %reduce_max3A_604 = vector.multi_reduction <maximumf>, %select_n3A, %reduce_max3A_603 [0] : vector<1024x128xf32> to vector<128xf32>
      %broadcast_in_dim3A_605 = vector.shape_cast %reduce_max3A_604 : vector<128xf32> to vector<1x128xf32>
      %max3A_606 = arith.maximumf %get3A_602, %broadcast_in_dim3A_605 : vector<1x128xf32>
      %swap3A = arith.constant 20 : index
      %swap3A_607 = arith.constant 0 : index
      %swap3A_608 = vector.load %arg18[%swap3A, %swap3A_607] : memref<64x128xf32, #tpu.memory_space<vmem>>, vector<1x128xf32>
      tpu.vector_store %arg18[%swap3A, %swap3A_607], %max3A_606 {strides = array<i32>} : memref<64x128xf32, #tpu.memory_space<vmem>>, vector<1x128xf32>,
    } else {
    }
    %le3A_245 = arith.constant 21 : i32
    %le3A_246 = arith.cmpi sle, %reduce_min3A_75, %le3A_245 : i32
    %ge3A_247 = arith.constant 21 : i32
    %ge3A_248 = arith.cmpi sge, %reduce_max3A_79, %ge3A_247 : i32
    %and3A_249 = arith.andi %le3A_246, %ge3A_248 : i1
    %convert_element_type3A_250 = arith.extui %and3A_249 : i1 to i32
    %cond3A_251 = arith.constant 0 : i32
    %cond3A_252 = arith.cmpi ne, %convert_element_type3A_250, %cond3A_251 : i32
    scf.if %cond3A_252 {
      %eq3A_594 = arith.constant 21 : i32
      %eq3A_595 = vector.broadcast %eq3A_594 : i32 to vector<1024x1xi32>
      %eq3A_596 = arith.cmpi eq, %get3A_71, %eq3A_595 : vector<1024x1xi32>
      %jit3A = arith.constant 0xFF800000 : f32
      %broadcast_in_dim3A_597 = vector.shape_cast %eq3A_596 : vector<1024x1xi1> to vector<1024x1xi1>
      %broadcast_in_dim3A_598 = vector.broadcast %broadcast_in_dim3A_597 : vector<1024x1xi1> to vector<1024x128xi1>
      %broadcast_in_dim3A_599 = vector.broadcast %jit3A : f32 to vector<1024x128xf32>
      %select_n3A = arith.select %broadcast_in_dim3A_598, %max3A_68, %broadcast_in_dim3A_599 : vector<1024x128xi1>, vector<1024x128xf32>
      %get3A_600 = arith.constant 21 : index
      %get3A_601 = arith.constant 0 : index
      %get3A_602 = vector.load %arg18[%get3A_600, %get3A_601] : memref<64x128xf32, #tpu.memory_space<vmem>>, vector<1x128xf32>
      %reduce_max3A_603 = arith.constant dense<0xFF800000> : vector<128xf32>
      %reduce_max3A_604 = vector.multi_reduction <maximumf>, %select_n3A, %reduce_max3A_603 [0] : vector<1024x128xf32> to vector<128xf32>
      %broadcast_in_dim3A_605 = vector.shape_cast %reduce_max3A_604 : vector<128xf32> to vector<1x128xf32>
      %max3A_606 = arith.maximumf %get3A_602, %broadcast_in_dim3A_605 : vector<1x128xf32>
      %swap3A = arith.constant 21 : index
      %swap3A_607 = arith.constant 0 : index
      %swap3A_608 = vector.load %arg18[%swap3A, %swap3A_607] : memref<64x128xf32, #tpu.memory_space<vmem>>, vector<1x128xf32>
      tpu.vector_store %arg18[%swap3A, %swap3A_607], %max3A_606 {strides = array<i32>} : memref<64x128xf32, #tpu.memory_space<vmem>>, vector<1x128xf32>,
    } else {
    }
    %le3A_253 = arith.constant 22 : i32
    %le3A_254 = arith.cmpi sle, %reduce_min3A_75, %le3A_253 : i32
    %ge3A_255 = arith.constant 22 : i32
    %ge3A_256 = arith.cmpi sge, %reduce_max3A_79, %ge3A_255 : i32
    %and3A_257 = arith.andi %le3A_254, %ge3A_256 : i1
    %convert_element_type3A_258 = arith.extui %and3A_257 : i1 to i32
    %cond3A_259 = arith.constant 0 : i32
    %cond3A_260 = arith.cmpi ne, %convert_element_type3A_258, %cond3A_259 : i32
    scf.if %cond3A_260 {
      %eq3A_594 = arith.constant 22 : i32
      %eq3A_595 = vector.broadcast %eq3A_594 : i32 to vector<1024x1xi32>
      %eq3A_596 = arith.cmpi eq, %get3A_71, %eq3A_595 : vector<1024x1xi32>
      %jit3A = arith.constant 0xFF800000 : f32
      %broadcast_in_dim3A_597 = vector.shape_cast %eq3A_596 : vector<1024x1xi1> to vector<1024x1xi1>
      %broadcast_in_dim3A_598 = vector.broadcast %broadcast_in_dim3A_597 : vector<1024x1xi1> to vector<1024x128xi1>
      %broadcast_in_dim3A_599 = vector.broadcast %jit3A : f32 to vector<1024x128xf32>
      %select_n3A = arith.select %broadcast_in_dim3A_598, %max3A_68, %broadcast_in_dim3A_599 : vector<1024x128xi1>, vector<1024x128xf32>
      %get3A_600 = arith.constant 22 : index
      %get3A_601 = arith.constant 0 : index
      %get3A_602 = vector.load %arg18[%get3A_600, %get3A_601] : memref<64x128xf32, #tpu.memory_space<vmem>>, vector<1x128xf32>
      %reduce_max3A_603 = arith.constant dense<0xFF800000> : vector<128xf32>
      %reduce_max3A_604 = vector.multi_reduction <maximumf>, %select_n3A, %reduce_max3A_603 [0] : vector<1024x128xf32> to vector<128xf32>
      %broadcast_in_dim3A_605 = vector.shape_cast %reduce_max3A_604 : vector<128xf32> to vector<1x128xf32>
      %max3A_606 = arith.maximumf %get3A_602, %broadcast_in_dim3A_605 : vector<1x128xf32>
      %swap3A = arith.constant 22 : index
      %swap3A_607 = arith.constant 0 : index
      %swap3A_608 = vector.load %arg18[%swap3A, %swap3A_607] : memref<64x128xf32, #tpu.memory_space<vmem>>, vector<1x128xf32>
      tpu.vector_store %arg18[%swap3A, %swap3A_607], %max3A_606 {strides = array<i32>} : memref<64x128xf32, #tpu.memory_space<vmem>>, vector<1x128xf32>,
    } else {
    }
    %le3A_261 = arith.constant 23 : i32
    %le3A_262 = arith.cmpi sle, %reduce_min3A_75, %le3A_261 : i32
    %ge3A_263 = arith.constant 23 : i32
    %ge3A_264 = arith.cmpi sge, %reduce_max3A_79, %ge3A_263 : i32
    %and3A_265 = arith.andi %le3A_262, %ge3A_264 : i1
    %convert_element_type3A_266 = arith.extui %and3A_265 : i1 to i32
    %cond3A_267 = arith.constant 0 : i32
    %cond3A_268 = arith.cmpi ne, %convert_element_type3A_266, %cond3A_267 : i32
    scf.if %cond3A_268 {
      %eq3A_594 = arith.constant 23 : i32
      %eq3A_595 = vector.broadcast %eq3A_594 : i32 to vector<1024x1xi32>
      %eq3A_596 = arith.cmpi eq, %get3A_71, %eq3A_595 : vector<1024x1xi32>
      %jit3A = arith.constant 0xFF800000 : f32
      %broadcast_in_dim3A_597 = vector.shape_cast %eq3A_596 : vector<1024x1xi1> to vector<1024x1xi1>
      %broadcast_in_dim3A_598 = vector.broadcast %broadcast_in_dim3A_597 : vector<1024x1xi1> to vector<1024x128xi1>
      %broadcast_in_dim3A_599 = vector.broadcast %jit3A : f32 to vector<1024x128xf32>
      %select_n3A = arith.select %broadcast_in_dim3A_598, %max3A_68, %broadcast_in_dim3A_599 : vector<1024x128xi1>, vector<1024x128xf32>
      %get3A_600 = arith.constant 23 : index
      %get3A_601 = arith.constant 0 : index
      %get3A_602 = vector.load %arg18[%get3A_600, %get3A_601] : memref<64x128xf32, #tpu.memory_space<vmem>>, vector<1x128xf32>
      %reduce_max3A_603 = arith.constant dense<0xFF800000> : vector<128xf32>
      %reduce_max3A_604 = vector.multi_reduction <maximumf>, %select_n3A, %reduce_max3A_603 [0] : vector<1024x128xf32> to vector<128xf32>
      %broadcast_in_dim3A_605 = vector.shape_cast %reduce_max3A_604 : vector<128xf32> to vector<1x128xf32>
      %max3A_606 = arith.maximumf %get3A_602, %broadcast_in_dim3A_605 : vector<1x128xf32>
      %swap3A = arith.constant 23 : index
      %swap3A_607 = arith.constant 0 : index
      %swap3A_608 = vector.load %arg18[%swap3A, %swap3A_607] : memref<64x128xf32, #tpu.memory_space<vmem>>, vector<1x128xf32>
      tpu.vector_store %arg18[%swap3A, %swap3A_607], %max3A_606 {strides = array<i32>} : memref<64x128xf32, #tpu.memory_space<vmem>>, vector<1x128xf32>,
    } else {
    }
    %le3A_269 = arith.constant 24 : i32
    %le3A_270 = arith.cmpi sle, %reduce_min3A_75, %le3A_269 : i32
    %ge3A_271 = arith.constant 24 : i32
    %ge3A_272 = arith.cmpi sge, %reduce_max3A_79, %ge3A_271 : i32
    %and3A_273 = arith.andi %le3A_270, %ge3A_272 : i1
    %convert_element_type3A_274 = arith.extui %and3A_273 : i1 to i32
    %cond3A_275 = arith.constant 0 : i32
    %cond3A_276 = arith.cmpi ne, %convert_element_type3A_274, %cond3A_275 : i32
    scf.if %cond3A_276 {
      %eq3A_594 = arith.constant 24 : i32
      %eq3A_595 = vector.broadcast %eq3A_594 : i32 to vector<1024x1xi32>
      %eq3A_596 = arith.cmpi eq, %get3A_71, %eq3A_595 : vector<1024x1xi32>
      %jit3A = arith.constant 0xFF800000 : f32
      %broadcast_in_dim3A_597 = vector.shape_cast %eq3A_596 : vector<1024x1xi1> to vector<1024x1xi1>
      %broadcast_in_dim3A_598 = vector.broadcast %broadcast_in_dim3A_597 : vector<1024x1xi1> to vector<1024x128xi1>
      %broadcast_in_dim3A_599 = vector.broadcast %jit3A : f32 to vector<1024x128xf32>
      %select_n3A = arith.select %broadcast_in_dim3A_598, %max3A_68, %broadcast_in_dim3A_599 : vector<1024x128xi1>, vector<1024x128xf32>
      %get3A_600 = arith.constant 24 : index
      %get3A_601 = arith.constant 0 : index
      %get3A_602 = vector.load %arg18[%get3A_600, %get3A_601] : memref<64x128xf32, #tpu.memory_space<vmem>>, vector<1x128xf32>
      %reduce_max3A_603 = arith.constant dense<0xFF800000> : vector<128xf32>
      %reduce_max3A_604 = vector.multi_reduction <maximumf>, %select_n3A, %reduce_max3A_603 [0] : vector<1024x128xf32> to vector<128xf32>
      %broadcast_in_dim3A_605 = vector.shape_cast %reduce_max3A_604 : vector<128xf32> to vector<1x128xf32>
      %max3A_606 = arith.maximumf %get3A_602, %broadcast_in_dim3A_605 : vector<1x128xf32>
      %swap3A = arith.constant 24 : index
      %swap3A_607 = arith.constant 0 : index
      %swap3A_608 = vector.load %arg18[%swap3A, %swap3A_607] : memref<64x128xf32, #tpu.memory_space<vmem>>, vector<1x128xf32>
      tpu.vector_store %arg18[%swap3A, %swap3A_607], %max3A_606 {strides = array<i32>} : memref<64x128xf32, #tpu.memory_space<vmem>>, vector<1x128xf32>,
    } else {
    }
    %le3A_277 = arith.constant 25 : i32
    %le3A_278 = arith.cmpi sle, %reduce_min3A_75, %le3A_277 : i32
    %ge3A_279 = arith.constant 25 : i32
    %ge3A_280 = arith.cmpi sge, %reduce_max3A_79, %ge3A_279 : i32
    %and3A_281 = arith.andi %le3A_278, %ge3A_280 : i1
    %convert_element_type3A_282 = arith.extui %and3A_281 : i1 to i32
    %cond3A_283 = arith.constant 0 : i32
    %cond3A_284 = arith.cmpi ne, %convert_element_type3A_282, %cond3A_283 : i32
    scf.if %cond3A_284 {
      %eq3A_594 = arith.constant 25 : i32
      %eq3A_595 = vector.broadcast %eq3A_594 : i32 to vector<1024x1xi32>
      %eq3A_596 = arith.cmpi eq, %get3A_71, %eq3A_595 : vector<1024x1xi32>
      %jit3A = arith.constant 0xFF800000 : f32
      %broadcast_in_dim3A_597 = vector.shape_cast %eq3A_596 : vector<1024x1xi1> to vector<1024x1xi1>
      %broadcast_in_dim3A_598 = vector.broadcast %broadcast_in_dim3A_597 : vector<1024x1xi1> to vector<1024x128xi1>
      %broadcast_in_dim3A_599 = vector.broadcast %jit3A : f32 to vector<1024x128xf32>
      %select_n3A = arith.select %broadcast_in_dim3A_598, %max3A_68, %broadcast_in_dim3A_599 : vector<1024x128xi1>, vector<1024x128xf32>
      %get3A_600 = arith.constant 25 : index
      %get3A_601 = arith.constant 0 : index
      %get3A_602 = vector.load %arg18[%get3A_600, %get3A_601] : memref<64x128xf32, #tpu.memory_space<vmem>>, vector<1x128xf32>
      %reduce_max3A_603 = arith.constant dense<0xFF800000> : vector<128xf32>
      %reduce_max3A_604 = vector.multi_reduction <maximumf>, %select_n3A, %reduce_max3A_603 [0] : vector<1024x128xf32> to vector<128xf32>
      %broadcast_in_dim3A_605 = vector.shape_cast %reduce_max3A_604 : vector<128xf32> to vector<1x128xf32>
      %max3A_606 = arith.maximumf %get3A_602, %broadcast_in_dim3A_605 : vector<1x128xf32>
      %swap3A = arith.constant 25 : index
      %swap3A_607 = arith.constant 0 : index
      %swap3A_608 = vector.load %arg18[%swap3A, %swap3A_607] : memref<64x128xf32, #tpu.memory_space<vmem>>, vector<1x128xf32>
      tpu.vector_store %arg18[%swap3A, %swap3A_607], %max3A_606 {strides = array<i32>} : memref<64x128xf32, #tpu.memory_space<vmem>>, vector<1x128xf32>,
    } else {
    }
    %le3A_285 = arith.constant 26 : i32
    %le3A_286 = arith.cmpi sle, %reduce_min3A_75, %le3A_285 : i32
    %ge3A_287 = arith.constant 26 : i32
    %ge3A_288 = arith.cmpi sge, %reduce_max3A_79, %ge3A_287 : i32
    %and3A_289 = arith.andi %le3A_286, %ge3A_288 : i1
    %convert_element_type3A_290 = arith.extui %and3A_289 : i1 to i32
    %cond3A_291 = arith.constant 0 : i32
    %cond3A_292 = arith.cmpi ne, %convert_element_type3A_290, %cond3A_291 : i32
    scf.if %cond3A_292 {
      %eq3A_594 = arith.constant 26 : i32
      %eq3A_595 = vector.broadcast %eq3A_594 : i32 to vector<1024x1xi32>
      %eq3A_596 = arith.cmpi eq, %get3A_71, %eq3A_595 : vector<1024x1xi32>
      %jit3A = arith.constant 0xFF800000 : f32
      %broadcast_in_dim3A_597 = vector.shape_cast %eq3A_596 : vector<1024x1xi1> to vector<1024x1xi1>
      %broadcast_in_dim3A_598 = vector.broadcast %broadcast_in_dim3A_597 : vector<1024x1xi1> to vector<1024x128xi1>
      %broadcast_in_dim3A_599 = vector.broadcast %jit3A : f32 to vector<1024x128xf32>
      %select_n3A = arith.select %broadcast_in_dim3A_598, %max3A_68, %broadcast_in_dim3A_599 : vector<1024x128xi1>, vector<1024x128xf32>
      %get3A_600 = arith.constant 26 : index
      %get3A_601 = arith.constant 0 : index
      %get3A_602 = vector.load %arg18[%get3A_600, %get3A_601] : memref<64x128xf32, #tpu.memory_space<vmem>>, vector<1x128xf32>
      %reduce_max3A_603 = arith.constant dense<0xFF800000> : vector<128xf32>
      %reduce_max3A_604 = vector.multi_reduction <maximumf>, %select_n3A, %reduce_max3A_603 [0] : vector<1024x128xf32> to vector<128xf32>
      %broadcast_in_dim3A_605 = vector.shape_cast %reduce_max3A_604 : vector<128xf32> to vector<1x128xf32>
      %max3A_606 = arith.maximumf %get3A_602, %broadcast_in_dim3A_605 : vector<1x128xf32>
      %swap3A = arith.constant 26 : index
      %swap3A_607 = arith.constant 0 : index
      %swap3A_608 = vector.load %arg18[%swap3A, %swap3A_607] : memref<64x128xf32, #tpu.memory_space<vmem>>, vector<1x128xf32>
      tpu.vector_store %arg18[%swap3A, %swap3A_607], %max3A_606 {strides = array<i32>} : memref<64x128xf32, #tpu.memory_space<vmem>>, vector<1x128xf32>,
    } else {
    }
    %le3A_293 = arith.constant 27 : i32
    %le3A_294 = arith.cmpi sle, %reduce_min3A_75, %le3A_293 : i32
    %ge3A_295 = arith.constant 27 : i32
    %ge3A_296 = arith.cmpi sge, %reduce_max3A_79, %ge3A_295 : i32
    %and3A_297 = arith.andi %le3A_294, %ge3A_296 : i1
    %convert_element_type3A_298 = arith.extui %and3A_297 : i1 to i32
    %cond3A_299 = arith.constant 0 : i32
    %cond3A_300 = arith.cmpi ne, %convert_element_type3A_298, %cond3A_299 : i32
    scf.if %cond3A_300 {
      %eq3A_594 = arith.constant 27 : i32
      %eq3A_595 = vector.broadcast %eq3A_594 : i32 to vector<1024x1xi32>
      %eq3A_596 = arith.cmpi eq, %get3A_71, %eq3A_595 : vector<1024x1xi32>
      %jit3A = arith.constant 0xFF800000 : f32
      %broadcast_in_dim3A_597 = vector.shape_cast %eq3A_596 : vector<1024x1xi1> to vector<1024x1xi1>
      %broadcast_in_dim3A_598 = vector.broadcast %broadcast_in_dim3A_597 : vector<1024x1xi1> to vector<1024x128xi1>
      %broadcast_in_dim3A_599 = vector.broadcast %jit3A : f32 to vector<1024x128xf32>
      %select_n3A = arith.select %broadcast_in_dim3A_598, %max3A_68, %broadcast_in_dim3A_599 : vector<1024x128xi1>, vector<1024x128xf32>
      %get3A_600 = arith.constant 27 : index
      %get3A_601 = arith.constant 0 : index
      %get3A_602 = vector.load %arg18[%get3A_600, %get3A_601] : memref<64x128xf32, #tpu.memory_space<vmem>>, vector<1x128xf32>
      %reduce_max3A_603 = arith.constant dense<0xFF800000> : vector<128xf32>
      %reduce_max3A_604 = vector.multi_reduction <maximumf>, %select_n3A, %reduce_max3A_603 [0] : vector<1024x128xf32> to vector<128xf32>
      %broadcast_in_dim3A_605 = vector.shape_cast %reduce_max3A_604 : vector<128xf32> to vector<1x128xf32>
      %max3A_606 = arith.maximumf %get3A_602, %broadcast_in_dim3A_605 : vector<1x128xf32>
      %swap3A = arith.constant 27 : index
      %swap3A_607 = arith.constant 0 : index
      %swap3A_608 = vector.load %arg18[%swap3A, %swap3A_607] : memref<64x128xf32, #tpu.memory_space<vmem>>, vector<1x128xf32>
      tpu.vector_store %arg18[%swap3A, %swap3A_607], %max3A_606 {strides = array<i32>} : memref<64x128xf32, #tpu.memory_space<vmem>>, vector<1x128xf32>,
    } else {
    }
    %le3A_301 = arith.constant 28 : i32
    %le3A_302 = arith.cmpi sle, %reduce_min3A_75, %le3A_301 : i32
    %ge3A_303 = arith.constant 28 : i32
    %ge3A_304 = arith.cmpi sge, %reduce_max3A_79, %ge3A_303 : i32
    %and3A_305 = arith.andi %le3A_302, %ge3A_304 : i1
    %convert_element_type3A_306 = arith.extui %and3A_305 : i1 to i32
    %cond3A_307 = arith.constant 0 : i32
    %cond3A_308 = arith.cmpi ne, %convert_element_type3A_306, %cond3A_307 : i32
    scf.if %cond3A_308 {
      %eq3A_594 = arith.constant 28 : i32
      %eq3A_595 = vector.broadcast %eq3A_594 : i32 to vector<1024x1xi32>
      %eq3A_596 = arith.cmpi eq, %get3A_71, %eq3A_595 : vector<1024x1xi32>
      %jit3A = arith.constant 0xFF800000 : f32
      %broadcast_in_dim3A_597 = vector.shape_cast %eq3A_596 : vector<1024x1xi1> to vector<1024x1xi1>
      %broadcast_in_dim3A_598 = vector.broadcast %broadcast_in_dim3A_597 : vector<1024x1xi1> to vector<1024x128xi1>
      %broadcast_in_dim3A_599 = vector.broadcast %jit3A : f32 to vector<1024x128xf32>
      %select_n3A = arith.select %broadcast_in_dim3A_598, %max3A_68, %broadcast_in_dim3A_599 : vector<1024x128xi1>, vector<1024x128xf32>
      %get3A_600 = arith.constant 28 : index
      %get3A_601 = arith.constant 0 : index
      %get3A_602 = vector.load %arg18[%get3A_600, %get3A_601] : memref<64x128xf32, #tpu.memory_space<vmem>>, vector<1x128xf32>
      %reduce_max3A_603 = arith.constant dense<0xFF800000> : vector<128xf32>
      %reduce_max3A_604 = vector.multi_reduction <maximumf>, %select_n3A, %reduce_max3A_603 [0] : vector<1024x128xf32> to vector<128xf32>
      %broadcast_in_dim3A_605 = vector.shape_cast %reduce_max3A_604 : vector<128xf32> to vector<1x128xf32>
      %max3A_606 = arith.maximumf %get3A_602, %broadcast_in_dim3A_605 : vector<1x128xf32>
      %swap3A = arith.constant 28 : index
      %swap3A_607 = arith.constant 0 : index
      %swap3A_608 = vector.load %arg18[%swap3A, %swap3A_607] : memref<64x128xf32, #tpu.memory_space<vmem>>, vector<1x128xf32>
      tpu.vector_store %arg18[%swap3A, %swap3A_607], %max3A_606 {strides = array<i32>} : memref<64x128xf32, #tpu.memory_space<vmem>>, vector<1x128xf32>,
    } else {
    }
    %le3A_309 = arith.constant 29 : i32
    %le3A_310 = arith.cmpi sle, %reduce_min3A_75, %le3A_309 : i32
    %ge3A_311 = arith.constant 29 : i32
    %ge3A_312 = arith.cmpi sge, %reduce_max3A_79, %ge3A_311 : i32
    %and3A_313 = arith.andi %le3A_310, %ge3A_312 : i1
    %convert_element_type3A_314 = arith.extui %and3A_313 : i1 to i32
    %cond3A_315 = arith.constant 0 : i32
    %cond3A_316 = arith.cmpi ne, %convert_element_type3A_314, %cond3A_315 : i32
    scf.if %cond3A_316 {
      %eq3A_594 = arith.constant 29 : i32
      %eq3A_595 = vector.broadcast %eq3A_594 : i32 to vector<1024x1xi32>
      %eq3A_596 = arith.cmpi eq, %get3A_71, %eq3A_595 : vector<1024x1xi32>
      %jit3A = arith.constant 0xFF800000 : f32
      %broadcast_in_dim3A_597 = vector.shape_cast %eq3A_596 : vector<1024x1xi1> to vector<1024x1xi1>
      %broadcast_in_dim3A_598 = vector.broadcast %broadcast_in_dim3A_597 : vector<1024x1xi1> to vector<1024x128xi1>
      %broadcast_in_dim3A_599 = vector.broadcast %jit3A : f32 to vector<1024x128xf32>
      %select_n3A = arith.select %broadcast_in_dim3A_598, %max3A_68, %broadcast_in_dim3A_599 : vector<1024x128xi1>, vector<1024x128xf32>
      %get3A_600 = arith.constant 29 : index
      %get3A_601 = arith.constant 0 : index
      %get3A_602 = vector.load %arg18[%get3A_600, %get3A_601] : memref<64x128xf32, #tpu.memory_space<vmem>>, vector<1x128xf32>
      %reduce_max3A_603 = arith.constant dense<0xFF800000> : vector<128xf32>
      %reduce_max3A_604 = vector.multi_reduction <maximumf>, %select_n3A, %reduce_max3A_603 [0] : vector<1024x128xf32> to vector<128xf32>
      %broadcast_in_dim3A_605 = vector.shape_cast %reduce_max3A_604 : vector<128xf32> to vector<1x128xf32>
      %max3A_606 = arith.maximumf %get3A_602, %broadcast_in_dim3A_605 : vector<1x128xf32>
      %swap3A = arith.constant 29 : index
      %swap3A_607 = arith.constant 0 : index
      %swap3A_608 = vector.load %arg18[%swap3A, %swap3A_607] : memref<64x128xf32, #tpu.memory_space<vmem>>, vector<1x128xf32>
      tpu.vector_store %arg18[%swap3A, %swap3A_607], %max3A_606 {strides = array<i32>} : memref<64x128xf32, #tpu.memory_space<vmem>>, vector<1x128xf32>,
    } else {
    }
    %le3A_317 = arith.constant 30 : i32
    %le3A_318 = arith.cmpi sle, %reduce_min3A_75, %le3A_317 : i32
    %ge3A_319 = arith.constant 30 : i32
    %ge3A_320 = arith.cmpi sge, %reduce_max3A_79, %ge3A_319 : i32
    %and3A_321 = arith.andi %le3A_318, %ge3A_320 : i1
    %convert_element_type3A_322 = arith.extui %and3A_321 : i1 to i32
    %cond3A_323 = arith.constant 0 : i32
    %cond3A_324 = arith.cmpi ne, %convert_element_type3A_322, %cond3A_323 : i32
    scf.if %cond3A_324 {
      %eq3A_594 = arith.constant 30 : i32
      %eq3A_595 = vector.broadcast %eq3A_594 : i32 to vector<1024x1xi32>
      %eq3A_596 = arith.cmpi eq, %get3A_71, %eq3A_595 : vector<1024x1xi32>
      %jit3A = arith.constant 0xFF800000 : f32
      %broadcast_in_dim3A_597 = vector.shape_cast %eq3A_596 : vector<1024x1xi1> to vector<1024x1xi1>
      %broadcast_in_dim3A_598 = vector.broadcast %broadcast_in_dim3A_597 : vector<1024x1xi1> to vector<1024x128xi1>
      %broadcast_in_dim3A_599 = vector.broadcast %jit3A : f32 to vector<1024x128xf32>
      %select_n3A = arith.select %broadcast_in_dim3A_598, %max3A_68, %broadcast_in_dim3A_599 : vector<1024x128xi1>, vector<1024x128xf32>
      %get3A_600 = arith.constant 30 : index
      %get3A_601 = arith.constant 0 : index
      %get3A_602 = vector.load %arg18[%get3A_600, %get3A_601] : memref<64x128xf32, #tpu.memory_space<vmem>>, vector<1x128xf32>
      %reduce_max3A_603 = arith.constant dense<0xFF800000> : vector<128xf32>
      %reduce_max3A_604 = vector.multi_reduction <maximumf>, %select_n3A, %reduce_max3A_603 [0] : vector<1024x128xf32> to vector<128xf32>
      %broadcast_in_dim3A_605 = vector.shape_cast %reduce_max3A_604 : vector<128xf32> to vector<1x128xf32>
      %max3A_606 = arith.maximumf %get3A_602, %broadcast_in_dim3A_605 : vector<1x128xf32>
      %swap3A = arith.constant 30 : index
      %swap3A_607 = arith.constant 0 : index
      %swap3A_608 = vector.load %arg18[%swap3A, %swap3A_607] : memref<64x128xf32, #tpu.memory_space<vmem>>, vector<1x128xf32>
      tpu.vector_store %arg18[%swap3A, %swap3A_607], %max3A_606 {strides = array<i32>} : memref<64x128xf32, #tpu.memory_space<vmem>>, vector<1x128xf32>,
    } else {
    }
    %le3A_325 = arith.constant 31 : i32
    %le3A_326 = arith.cmpi sle, %reduce_min3A_75, %le3A_325 : i32
    %ge3A_327 = arith.constant 31 : i32
    %ge3A_328 = arith.cmpi sge, %reduce_max3A_79, %ge3A_327 : i32
    %and3A_329 = arith.andi %le3A_326, %ge3A_328 : i1
    %convert_element_type3A_330 = arith.extui %and3A_329 : i1 to i32
    %cond3A_331 = arith.constant 0 : i32
    %cond3A_332 = arith.cmpi ne, %convert_element_type3A_330, %cond3A_331 : i32
    scf.if %cond3A_332 {
      %eq3A_594 = arith.constant 31 : i32
      %eq3A_595 = vector.broadcast %eq3A_594 : i32 to vector<1024x1xi32>
      %eq3A_596 = arith.cmpi eq, %get3A_71, %eq3A_595 : vector<1024x1xi32>
      %jit3A = arith.constant 0xFF800000 : f32
      %broadcast_in_dim3A_597 = vector.shape_cast %eq3A_596 : vector<1024x1xi1> to vector<1024x1xi1>
      %broadcast_in_dim3A_598 = vector.broadcast %broadcast_in_dim3A_597 : vector<1024x1xi1> to vector<1024x128xi1>
      %broadcast_in_dim3A_599 = vector.broadcast %jit3A : f32 to vector<1024x128xf32>
      %select_n3A = arith.select %broadcast_in_dim3A_598, %max3A_68, %broadcast_in_dim3A_599 : vector<1024x128xi1>, vector<1024x128xf32>
      %get3A_600 = arith.constant 31 : index
      %get3A_601 = arith.constant 0 : index
      %get3A_602 = vector.load %arg18[%get3A_600, %get3A_601] : memref<64x128xf32, #tpu.memory_space<vmem>>, vector<1x128xf32>
      %reduce_max3A_603 = arith.constant dense<0xFF800000> : vector<128xf32>
      %reduce_max3A_604 = vector.multi_reduction <maximumf>, %select_n3A, %reduce_max3A_603 [0] : vector<1024x128xf32> to vector<128xf32>
      %broadcast_in_dim3A_605 = vector.shape_cast %reduce_max3A_604 : vector<128xf32> to vector<1x128xf32>
      %max3A_606 = arith.maximumf %get3A_602, %broadcast_in_dim3A_605 : vector<1x128xf32>
      %swap3A = arith.constant 31 : index
      %swap3A_607 = arith.constant 0 : index
      %swap3A_608 = vector.load %arg18[%swap3A, %swap3A_607] : memref<64x128xf32, #tpu.memory_space<vmem>>, vector<1x128xf32>
      tpu.vector_store %arg18[%swap3A, %swap3A_607], %max3A_606 {strides = array<i32>} : memref<64x128xf32, #tpu.memory_space<vmem>>, vector<1x128xf32>,
    } else {
    }
    %le3A_333 = arith.constant 32 : i32
    %le3A_334 = arith.cmpi sle, %reduce_min3A_75, %le3A_333 : i32
    %ge3A_335 = arith.constant 32 : i32
    %ge3A_336 = arith.cmpi sge, %reduce_max3A_79, %ge3A_335 : i32
    %and3A_337 = arith.andi %le3A_334, %ge3A_336 : i1
    %convert_element_type3A_338 = arith.extui %and3A_337 : i1 to i32
    %cond3A_339 = arith.constant 0 : i32
    %cond3A_340 = arith.cmpi ne, %convert_element_type3A_338, %cond3A_339 : i32
    scf.if %cond3A_340 {
      %eq3A_594 = arith.constant 32 : i32
      %eq3A_595 = vector.broadcast %eq3A_594 : i32 to vector<1024x1xi32>
      %eq3A_596 = arith.cmpi eq, %get3A_71, %eq3A_595 : vector<1024x1xi32>
      %jit3A = arith.constant 0xFF800000 : f32
      %broadcast_in_dim3A_597 = vector.shape_cast %eq3A_596 : vector<1024x1xi1> to vector<1024x1xi1>
      %broadcast_in_dim3A_598 = vector.broadcast %broadcast_in_dim3A_597 : vector<1024x1xi1> to vector<1024x128xi1>
      %broadcast_in_dim3A_599 = vector.broadcast %jit3A : f32 to vector<1024x128xf32>
      %select_n3A = arith.select %broadcast_in_dim3A_598, %max3A_68, %broadcast_in_dim3A_599 : vector<1024x128xi1>, vector<1024x128xf32>
      %get3A_600 = arith.constant 32 : index
      %get3A_601 = arith.constant 0 : index
      %get3A_602 = vector.load %arg18[%get3A_600, %get3A_601] : memref<64x128xf32, #tpu.memory_space<vmem>>, vector<1x128xf32>
      %reduce_max3A_603 = arith.constant dense<0xFF800000> : vector<128xf32>
      %reduce_max3A_604 = vector.multi_reduction <maximumf>, %select_n3A, %reduce_max3A_603 [0] : vector<1024x128xf32> to vector<128xf32>
      %broadcast_in_dim3A_605 = vector.shape_cast %reduce_max3A_604 : vector<128xf32> to vector<1x128xf32>
      %max3A_606 = arith.maximumf %get3A_602, %broadcast_in_dim3A_605 : vector<1x128xf32>
      %swap3A = arith.constant 32 : index
      %swap3A_607 = arith.constant 0 : index
      %swap3A_608 = vector.load %arg18[%swap3A, %swap3A_607] : memref<64x128xf32, #tpu.memory_space<vmem>>, vector<1x128xf32>
      tpu.vector_store %arg18[%swap3A, %swap3A_607], %max3A_606 {strides = array<i32>} : memref<64x128xf32, #tpu.memory_space<vmem>>, vector<1x128xf32>,
    } else {
    }
    %le3A_341 = arith.constant 33 : i32
    %le3A_342 = arith.cmpi sle, %reduce_min3A_75, %le3A_341 : i32
    %ge3A_343 = arith.constant 33 : i32
    %ge3A_344 = arith.cmpi sge, %reduce_max3A_79, %ge3A_343 : i32
    %and3A_345 = arith.andi %le3A_342, %ge3A_344 : i1
    %convert_element_type3A_346 = arith.extui %and3A_345 : i1 to i32
    %cond3A_347 = arith.constant 0 : i32
    %cond3A_348 = arith.cmpi ne, %convert_element_type3A_346, %cond3A_347 : i32
    scf.if %cond3A_348 {
      %eq3A_594 = arith.constant 33 : i32
      %eq3A_595 = vector.broadcast %eq3A_594 : i32 to vector<1024x1xi32>
      %eq3A_596 = arith.cmpi eq, %get3A_71, %eq3A_595 : vector<1024x1xi32>
      %jit3A = arith.constant 0xFF800000 : f32
      %broadcast_in_dim3A_597 = vector.shape_cast %eq3A_596 : vector<1024x1xi1> to vector<1024x1xi1>
      %broadcast_in_dim3A_598 = vector.broadcast %broadcast_in_dim3A_597 : vector<1024x1xi1> to vector<1024x128xi1>
      %broadcast_in_dim3A_599 = vector.broadcast %jit3A : f32 to vector<1024x128xf32>
      %select_n3A = arith.select %broadcast_in_dim3A_598, %max3A_68, %broadcast_in_dim3A_599 : vector<1024x128xi1>, vector<1024x128xf32>
      %get3A_600 = arith.constant 33 : index
      %get3A_601 = arith.constant 0 : index
      %get3A_602 = vector.load %arg18[%get3A_600, %get3A_601] : memref<64x128xf32, #tpu.memory_space<vmem>>, vector<1x128xf32>
      %reduce_max3A_603 = arith.constant dense<0xFF800000> : vector<128xf32>
      %reduce_max3A_604 = vector.multi_reduction <maximumf>, %select_n3A, %reduce_max3A_603 [0] : vector<1024x128xf32> to vector<128xf32>
      %broadcast_in_dim3A_605 = vector.shape_cast %reduce_max3A_604 : vector<128xf32> to vector<1x128xf32>
      %max3A_606 = arith.maximumf %get3A_602, %broadcast_in_dim3A_605 : vector<1x128xf32>
      %swap3A = arith.constant 33 : index
      %swap3A_607 = arith.constant 0 : index
      %swap3A_608 = vector.load %arg18[%swap3A, %swap3A_607] : memref<64x128xf32, #tpu.memory_space<vmem>>, vector<1x128xf32>
      tpu.vector_store %arg18[%swap3A, %swap3A_607], %max3A_606 {strides = array<i32>} : memref<64x128xf32, #tpu.memory_space<vmem>>, vector<1x128xf32>,
    } else {
    }
    %le3A_349 = arith.constant 34 : i32
    %le3A_350 = arith.cmpi sle, %reduce_min3A_75, %le3A_349 : i32
    %ge3A_351 = arith.constant 34 : i32
    %ge3A_352 = arith.cmpi sge, %reduce_max3A_79, %ge3A_351 : i32
    %and3A_353 = arith.andi %le3A_350, %ge3A_352 : i1
    %convert_element_type3A_354 = arith.extui %and3A_353 : i1 to i32
    %cond3A_355 = arith.constant 0 : i32
    %cond3A_356 = arith.cmpi ne, %convert_element_type3A_354, %cond3A_355 : i32
    scf.if %cond3A_356 {
      %eq3A_594 = arith.constant 34 : i32
      %eq3A_595 = vector.broadcast %eq3A_594 : i32 to vector<1024x1xi32>
      %eq3A_596 = arith.cmpi eq, %get3A_71, %eq3A_595 : vector<1024x1xi32>
      %jit3A = arith.constant 0xFF800000 : f32
      %broadcast_in_dim3A_597 = vector.shape_cast %eq3A_596 : vector<1024x1xi1> to vector<1024x1xi1>
      %broadcast_in_dim3A_598 = vector.broadcast %broadcast_in_dim3A_597 : vector<1024x1xi1> to vector<1024x128xi1>
      %broadcast_in_dim3A_599 = vector.broadcast %jit3A : f32 to vector<1024x128xf32>
      %select_n3A = arith.select %broadcast_in_dim3A_598, %max3A_68, %broadcast_in_dim3A_599 : vector<1024x128xi1>, vector<1024x128xf32>
      %get3A_600 = arith.constant 34 : index
      %get3A_601 = arith.constant 0 : index
      %get3A_602 = vector.load %arg18[%get3A_600, %get3A_601] : memref<64x128xf32, #tpu.memory_space<vmem>>, vector<1x128xf32>
      %reduce_max3A_603 = arith.constant dense<0xFF800000> : vector<128xf32>
      %reduce_max3A_604 = vector.multi_reduction <maximumf>, %select_n3A, %reduce_max3A_603 [0] : vector<1024x128xf32> to vector<128xf32>
      %broadcast_in_dim3A_605 = vector.shape_cast %reduce_max3A_604 : vector<128xf32> to vector<1x128xf32>
      %max3A_606 = arith.maximumf %get3A_602, %broadcast_in_dim3A_605 : vector<1x128xf32>
      %swap3A = arith.constant 34 : index
      %swap3A_607 = arith.constant 0 : index
      %swap3A_608 = vector.load %arg18[%swap3A, %swap3A_607] : memref<64x128xf32, #tpu.memory_space<vmem>>, vector<1x128xf32>
      tpu.vector_store %arg18[%swap3A, %swap3A_607], %max3A_606 {strides = array<i32>} : memref<64x128xf32, #tpu.memory_space<vmem>>, vector<1x128xf32>,
    } else {
    }
    %le3A_357 = arith.constant 35 : i32
    %le3A_358 = arith.cmpi sle, %reduce_min3A_75, %le3A_357 : i32
    %ge3A_359 = arith.constant 35 : i32
    %ge3A_360 = arith.cmpi sge, %reduce_max3A_79, %ge3A_359 : i32
    %and3A_361 = arith.andi %le3A_358, %ge3A_360 : i1
    %convert_element_type3A_362 = arith.extui %and3A_361 : i1 to i32
    %cond3A_363 = arith.constant 0 : i32
    %cond3A_364 = arith.cmpi ne, %convert_element_type3A_362, %cond3A_363 : i32
    scf.if %cond3A_364 {
      %eq3A_594 = arith.constant 35 : i32
      %eq3A_595 = vector.broadcast %eq3A_594 : i32 to vector<1024x1xi32>
      %eq3A_596 = arith.cmpi eq, %get3A_71, %eq3A_595 : vector<1024x1xi32>
      %jit3A = arith.constant 0xFF800000 : f32
      %broadcast_in_dim3A_597 = vector.shape_cast %eq3A_596 : vector<1024x1xi1> to vector<1024x1xi1>
      %broadcast_in_dim3A_598 = vector.broadcast %broadcast_in_dim3A_597 : vector<1024x1xi1> to vector<1024x128xi1>
      %broadcast_in_dim3A_599 = vector.broadcast %jit3A : f32 to vector<1024x128xf32>
      %select_n3A = arith.select %broadcast_in_dim3A_598, %max3A_68, %broadcast_in_dim3A_599 : vector<1024x128xi1>, vector<1024x128xf32>
      %get3A_600 = arith.constant 35 : index
      %get3A_601 = arith.constant 0 : index
      %get3A_602 = vector.load %arg18[%get3A_600, %get3A_601] : memref<64x128xf32, #tpu.memory_space<vmem>>, vector<1x128xf32>
      %reduce_max3A_603 = arith.constant dense<0xFF800000> : vector<128xf32>
      %reduce_max3A_604 = vector.multi_reduction <maximumf>, %select_n3A, %reduce_max3A_603 [0] : vector<1024x128xf32> to vector<128xf32>
      %broadcast_in_dim3A_605 = vector.shape_cast %reduce_max3A_604 : vector<128xf32> to vector<1x128xf32>
      %max3A_606 = arith.maximumf %get3A_602, %broadcast_in_dim3A_605 : vector<1x128xf32>
      %swap3A = arith.constant 35 : index
      %swap3A_607 = arith.constant 0 : index
      %swap3A_608 = vector.load %arg18[%swap3A, %swap3A_607] : memref<64x128xf32, #tpu.memory_space<vmem>>, vector<1x128xf32>
      tpu.vector_store %arg18[%swap3A, %swap3A_607], %max3A_606 {strides = array<i32>} : memref<64x128xf32, #tpu.memory_space<vmem>>, vector<1x128xf32>,
    } else {
    }
    %le3A_365 = arith.constant 36 : i32
    %le3A_366 = arith.cmpi sle, %reduce_min3A_75, %le3A_365 : i32
    %ge3A_367 = arith.constant 36 : i32
    %ge3A_368 = arith.cmpi sge, %reduce_max3A_79, %ge3A_367 : i32
    %and3A_369 = arith.andi %le3A_366, %ge3A_368 : i1
    %convert_element_type3A_370 = arith.extui %and3A_369 : i1 to i32
    %cond3A_371 = arith.constant 0 : i32
    %cond3A_372 = arith.cmpi ne, %convert_element_type3A_370, %cond3A_371 : i32
    scf.if %cond3A_372 {
      %eq3A_594 = arith.constant 36 : i32
      %eq3A_595 = vector.broadcast %eq3A_594 : i32 to vector<1024x1xi32>
      %eq3A_596 = arith.cmpi eq, %get3A_71, %eq3A_595 : vector<1024x1xi32>
      %jit3A = arith.constant 0xFF800000 : f32
      %broadcast_in_dim3A_597 = vector.shape_cast %eq3A_596 : vector<1024x1xi1> to vector<1024x1xi1>
      %broadcast_in_dim3A_598 = vector.broadcast %broadcast_in_dim3A_597 : vector<1024x1xi1> to vector<1024x128xi1>
      %broadcast_in_dim3A_599 = vector.broadcast %jit3A : f32 to vector<1024x128xf32>
      %select_n3A = arith.select %broadcast_in_dim3A_598, %max3A_68, %broadcast_in_dim3A_599 : vector<1024x128xi1>, vector<1024x128xf32>
      %get3A_600 = arith.constant 36 : index
      %get3A_601 = arith.constant 0 : index
      %get3A_602 = vector.load %arg18[%get3A_600, %get3A_601] : memref<64x128xf32, #tpu.memory_space<vmem>>, vector<1x128xf32>
      %reduce_max3A_603 = arith.constant dense<0xFF800000> : vector<128xf32>
      %reduce_max3A_604 = vector.multi_reduction <maximumf>, %select_n3A, %reduce_max3A_603 [0] : vector<1024x128xf32> to vector<128xf32>
      %broadcast_in_dim3A_605 = vector.shape_cast %reduce_max3A_604 : vector<128xf32> to vector<1x128xf32>
      %max3A_606 = arith.maximumf %get3A_602, %broadcast_in_dim3A_605 : vector<1x128xf32>
      %swap3A = arith.constant 36 : index
      %swap3A_607 = arith.constant 0 : index
      %swap3A_608 = vector.load %arg18[%swap3A, %swap3A_607] : memref<64x128xf32, #tpu.memory_space<vmem>>, vector<1x128xf32>
      tpu.vector_store %arg18[%swap3A, %swap3A_607], %max3A_606 {strides = array<i32>} : memref<64x128xf32, #tpu.memory_space<vmem>>, vector<1x128xf32>,
    } else {
    }
    %le3A_373 = arith.constant 37 : i32
    %le3A_374 = arith.cmpi sle, %reduce_min3A_75, %le3A_373 : i32
    %ge3A_375 = arith.constant 37 : i32
    %ge3A_376 = arith.cmpi sge, %reduce_max3A_79, %ge3A_375 : i32
    %and3A_377 = arith.andi %le3A_374, %ge3A_376 : i1
    %convert_element_type3A_378 = arith.extui %and3A_377 : i1 to i32
    %cond3A_379 = arith.constant 0 : i32
    %cond3A_380 = arith.cmpi ne, %convert_element_type3A_378, %cond3A_379 : i32
    scf.if %cond3A_380 {
      %eq3A_594 = arith.constant 37 : i32
      %eq3A_595 = vector.broadcast %eq3A_594 : i32 to vector<1024x1xi32>
      %eq3A_596 = arith.cmpi eq, %get3A_71, %eq3A_595 : vector<1024x1xi32>
      %jit3A = arith.constant 0xFF800000 : f32
      %broadcast_in_dim3A_597 = vector.shape_cast %eq3A_596 : vector<1024x1xi1> to vector<1024x1xi1>
      %broadcast_in_dim3A_598 = vector.broadcast %broadcast_in_dim3A_597 : vector<1024x1xi1> to vector<1024x128xi1>
      %broadcast_in_dim3A_599 = vector.broadcast %jit3A : f32 to vector<1024x128xf32>
      %select_n3A = arith.select %broadcast_in_dim3A_598, %max3A_68, %broadcast_in_dim3A_599 : vector<1024x128xi1>, vector<1024x128xf32>
      %get3A_600 = arith.constant 37 : index
      %get3A_601 = arith.constant 0 : index
      %get3A_602 = vector.load %arg18[%get3A_600, %get3A_601] : memref<64x128xf32, #tpu.memory_space<vmem>>, vector<1x128xf32>
      %reduce_max3A_603 = arith.constant dense<0xFF800000> : vector<128xf32>
      %reduce_max3A_604 = vector.multi_reduction <maximumf>, %select_n3A, %reduce_max3A_603 [0] : vector<1024x128xf32> to vector<128xf32>
      %broadcast_in_dim3A_605 = vector.shape_cast %reduce_max3A_604 : vector<128xf32> to vector<1x128xf32>
      %max3A_606 = arith.maximumf %get3A_602, %broadcast_in_dim3A_605 : vector<1x128xf32>
      %swap3A = arith.constant 37 : index
      %swap3A_607 = arith.constant 0 : index
      %swap3A_608 = vector.load %arg18[%swap3A, %swap3A_607] : memref<64x128xf32, #tpu.memory_space<vmem>>, vector<1x128xf32>
      tpu.vector_store %arg18[%swap3A, %swap3A_607], %max3A_606 {strides = array<i32>} : memref<64x128xf32, #tpu.memory_space<vmem>>, vector<1x128xf32>,
    } else {
    }
    %le3A_381 = arith.constant 38 : i32
    %le3A_382 = arith.cmpi sle, %reduce_min3A_75, %le3A_381 : i32
    %ge3A_383 = arith.constant 38 : i32
    %ge3A_384 = arith.cmpi sge, %reduce_max3A_79, %ge3A_383 : i32
    %and3A_385 = arith.andi %le3A_382, %ge3A_384 : i1
    %convert_element_type3A_386 = arith.extui %and3A_385 : i1 to i32
    %cond3A_387 = arith.constant 0 : i32
    %cond3A_388 = arith.cmpi ne, %convert_element_type3A_386, %cond3A_387 : i32
    scf.if %cond3A_388 {
      %eq3A_594 = arith.constant 38 : i32
      %eq3A_595 = vector.broadcast %eq3A_594 : i32 to vector<1024x1xi32>
      %eq3A_596 = arith.cmpi eq, %get3A_71, %eq3A_595 : vector<1024x1xi32>
      %jit3A = arith.constant 0xFF800000 : f32
      %broadcast_in_dim3A_597 = vector.shape_cast %eq3A_596 : vector<1024x1xi1> to vector<1024x1xi1>
      %broadcast_in_dim3A_598 = vector.broadcast %broadcast_in_dim3A_597 : vector<1024x1xi1> to vector<1024x128xi1>
      %broadcast_in_dim3A_599 = vector.broadcast %jit3A : f32 to vector<1024x128xf32>
      %select_n3A = arith.select %broadcast_in_dim3A_598, %max3A_68, %broadcast_in_dim3A_599 : vector<1024x128xi1>, vector<1024x128xf32>
      %get3A_600 = arith.constant 38 : index
      %get3A_601 = arith.constant 0 : index
      %get3A_602 = vector.load %arg18[%get3A_600, %get3A_601] : memref<64x128xf32, #tpu.memory_space<vmem>>, vector<1x128xf32>
      %reduce_max3A_603 = arith.constant dense<0xFF800000> : vector<128xf32>
      %reduce_max3A_604 = vector.multi_reduction <maximumf>, %select_n3A, %reduce_max3A_603 [0] : vector<1024x128xf32> to vector<128xf32>
      %broadcast_in_dim3A_605 = vector.shape_cast %reduce_max3A_604 : vector<128xf32> to vector<1x128xf32>
      %max3A_606 = arith.maximumf %get3A_602, %broadcast_in_dim3A_605 : vector<1x128xf32>
      %swap3A = arith.constant 38 : index
      %swap3A_607 = arith.constant 0 : index
      %swap3A_608 = vector.load %arg18[%swap3A, %swap3A_607] : memref<64x128xf32, #tpu.memory_space<vmem>>, vector<1x128xf32>
      tpu.vector_store %arg18[%swap3A, %swap3A_607], %max3A_606 {strides = array<i32>} : memref<64x128xf32, #tpu.memory_space<vmem>>, vector<1x128xf32>,
    } else {
    }
    %le3A_389 = arith.constant 39 : i32
    %le3A_390 = arith.cmpi sle, %reduce_min3A_75, %le3A_389 : i32
    %ge3A_391 = arith.constant 39 : i32
    %ge3A_392 = arith.cmpi sge, %reduce_max3A_79, %ge3A_391 : i32
    %and3A_393 = arith.andi %le3A_390, %ge3A_392 : i1
    %convert_element_type3A_394 = arith.extui %and3A_393 : i1 to i32
    %cond3A_395 = arith.constant 0 : i32
    %cond3A_396 = arith.cmpi ne, %convert_element_type3A_394, %cond3A_395 : i32
    scf.if %cond3A_396 {
      %eq3A_594 = arith.constant 39 : i32
      %eq3A_595 = vector.broadcast %eq3A_594 : i32 to vector<1024x1xi32>
      %eq3A_596 = arith.cmpi eq, %get3A_71, %eq3A_595 : vector<1024x1xi32>
      %jit3A = arith.constant 0xFF800000 : f32
      %broadcast_in_dim3A_597 = vector.shape_cast %eq3A_596 : vector<1024x1xi1> to vector<1024x1xi1>
      %broadcast_in_dim3A_598 = vector.broadcast %broadcast_in_dim3A_597 : vector<1024x1xi1> to vector<1024x128xi1>
      %broadcast_in_dim3A_599 = vector.broadcast %jit3A : f32 to vector<1024x128xf32>
      %select_n3A = arith.select %broadcast_in_dim3A_598, %max3A_68, %broadcast_in_dim3A_599 : vector<1024x128xi1>, vector<1024x128xf32>
      %get3A_600 = arith.constant 39 : index
      %get3A_601 = arith.constant 0 : index
      %get3A_602 = vector.load %arg18[%get3A_600, %get3A_601] : memref<64x128xf32, #tpu.memory_space<vmem>>, vector<1x128xf32>
      %reduce_max3A_603 = arith.constant dense<0xFF800000> : vector<128xf32>
      %reduce_max3A_604 = vector.multi_reduction <maximumf>, %select_n3A, %reduce_max3A_603 [0] : vector<1024x128xf32> to vector<128xf32>
      %broadcast_in_dim3A_605 = vector.shape_cast %reduce_max3A_604 : vector<128xf32> to vector<1x128xf32>
      %max3A_606 = arith.maximumf %get3A_602, %broadcast_in_dim3A_605 : vector<1x128xf32>
      %swap3A = arith.constant 39 : index
      %swap3A_607 = arith.constant 0 : index
      %swap3A_608 = vector.load %arg18[%swap3A, %swap3A_607] : memref<64x128xf32, #tpu.memory_space<vmem>>, vector<1x128xf32>
      tpu.vector_store %arg18[%swap3A, %swap3A_607], %max3A_606 {strides = array<i32>} : memref<64x128xf32, #tpu.memory_space<vmem>>, vector<1x128xf32>,
    } else {
    }
    %le3A_397 = arith.constant 40 : i32
    %le3A_398 = arith.cmpi sle, %reduce_min3A_75, %le3A_397 : i32
    %ge3A_399 = arith.constant 40 : i32
    %ge3A_400 = arith.cmpi sge, %reduce_max3A_79, %ge3A_399 : i32
    %and3A_401 = arith.andi %le3A_398, %ge3A_400 : i1
    %convert_element_type3A_402 = arith.extui %and3A_401 : i1 to i32
    %cond3A_403 = arith.constant 0 : i32
    %cond3A_404 = arith.cmpi ne, %convert_element_type3A_402, %cond3A_403 : i32
    scf.if %cond3A_404 {
      %eq3A_594 = arith.constant 40 : i32
      %eq3A_595 = vector.broadcast %eq3A_594 : i32 to vector<1024x1xi32>
      %eq3A_596 = arith.cmpi eq, %get3A_71, %eq3A_595 : vector<1024x1xi32>
      %jit3A = arith.constant 0xFF800000 : f32
      %broadcast_in_dim3A_597 = vector.shape_cast %eq3A_596 : vector<1024x1xi1> to vector<1024x1xi1>
      %broadcast_in_dim3A_598 = vector.broadcast %broadcast_in_dim3A_597 : vector<1024x1xi1> to vector<1024x128xi1>
      %broadcast_in_dim3A_599 = vector.broadcast %jit3A : f32 to vector<1024x128xf32>
      %select_n3A = arith.select %broadcast_in_dim3A_598, %max3A_68, %broadcast_in_dim3A_599 : vector<1024x128xi1>, vector<1024x128xf32>
      %get3A_600 = arith.constant 40 : index
      %get3A_601 = arith.constant 0 : index
      %get3A_602 = vector.load %arg18[%get3A_600, %get3A_601] : memref<64x128xf32, #tpu.memory_space<vmem>>, vector<1x128xf32>
      %reduce_max3A_603 = arith.constant dense<0xFF800000> : vector<128xf32>
      %reduce_max3A_604 = vector.multi_reduction <maximumf>, %select_n3A, %reduce_max3A_603 [0] : vector<1024x128xf32> to vector<128xf32>
      %broadcast_in_dim3A_605 = vector.shape_cast %reduce_max3A_604 : vector<128xf32> to vector<1x128xf32>
      %max3A_606 = arith.maximumf %get3A_602, %broadcast_in_dim3A_605 : vector<1x128xf32>
      %swap3A = arith.constant 40 : index
      %swap3A_607 = arith.constant 0 : index
      %swap3A_608 = vector.load %arg18[%swap3A, %swap3A_607] : memref<64x128xf32, #tpu.memory_space<vmem>>, vector<1x128xf32>
      tpu.vector_store %arg18[%swap3A, %swap3A_607], %max3A_606 {strides = array<i32>} : memref<64x128xf32, #tpu.memory_space<vmem>>, vector<1x128xf32>,
    } else {
    }
    %le3A_405 = arith.constant 41 : i32
    %le3A_406 = arith.cmpi sle, %reduce_min3A_75, %le3A_405 : i32
    %ge3A_407 = arith.constant 41 : i32
    %ge3A_408 = arith.cmpi sge, %reduce_max3A_79, %ge3A_407 : i32
    %and3A_409 = arith.andi %le3A_406, %ge3A_408 : i1
    %convert_element_type3A_410 = arith.extui %and3A_409 : i1 to i32
    %cond3A_411 = arith.constant 0 : i32
    %cond3A_412 = arith.cmpi ne, %convert_element_type3A_410, %cond3A_411 : i32
    scf.if %cond3A_412 {
      %eq3A_594 = arith.constant 41 : i32
      %eq3A_595 = vector.broadcast %eq3A_594 : i32 to vector<1024x1xi32>
      %eq3A_596 = arith.cmpi eq, %get3A_71, %eq3A_595 : vector<1024x1xi32>
      %jit3A = arith.constant 0xFF800000 : f32
      %broadcast_in_dim3A_597 = vector.shape_cast %eq3A_596 : vector<1024x1xi1> to vector<1024x1xi1>
      %broadcast_in_dim3A_598 = vector.broadcast %broadcast_in_dim3A_597 : vector<1024x1xi1> to vector<1024x128xi1>
      %broadcast_in_dim3A_599 = vector.broadcast %jit3A : f32 to vector<1024x128xf32>
      %select_n3A = arith.select %broadcast_in_dim3A_598, %max3A_68, %broadcast_in_dim3A_599 : vector<1024x128xi1>, vector<1024x128xf32>
      %get3A_600 = arith.constant 41 : index
      %get3A_601 = arith.constant 0 : index
      %get3A_602 = vector.load %arg18[%get3A_600, %get3A_601] : memref<64x128xf32, #tpu.memory_space<vmem>>, vector<1x128xf32>
      %reduce_max3A_603 = arith.constant dense<0xFF800000> : vector<128xf32>
      %reduce_max3A_604 = vector.multi_reduction <maximumf>, %select_n3A, %reduce_max3A_603 [0] : vector<1024x128xf32> to vector<128xf32>
      %broadcast_in_dim3A_605 = vector.shape_cast %reduce_max3A_604 : vector<128xf32> to vector<1x128xf32>
      %max3A_606 = arith.maximumf %get3A_602, %broadcast_in_dim3A_605 : vector<1x128xf32>
      %swap3A = arith.constant 41 : index
      %swap3A_607 = arith.constant 0 : index
      %swap3A_608 = vector.load %arg18[%swap3A, %swap3A_607] : memref<64x128xf32, #tpu.memory_space<vmem>>, vector<1x128xf32>
      tpu.vector_store %arg18[%swap3A, %swap3A_607], %max3A_606 {strides = array<i32>} : memref<64x128xf32, #tpu.memory_space<vmem>>, vector<1x128xf32>,
    } else {
    }
    %le3A_413 = arith.constant 42 : i32
    %le3A_414 = arith.cmpi sle, %reduce_min3A_75, %le3A_413 : i32
    %ge3A_415 = arith.constant 42 : i32
    %ge3A_416 = arith.cmpi sge, %reduce_max3A_79, %ge3A_415 : i32
    %and3A_417 = arith.andi %le3A_414, %ge3A_416 : i1
    %convert_element_type3A_418 = arith.extui %and3A_417 : i1 to i32
    %cond3A_419 = arith.constant 0 : i32
    %cond3A_420 = arith.cmpi ne, %convert_element_type3A_418, %cond3A_419 : i32
    scf.if %cond3A_420 {
      %eq3A_594 = arith.constant 42 : i32
      %eq3A_595 = vector.broadcast %eq3A_594 : i32 to vector<1024x1xi32>
      %eq3A_596 = arith.cmpi eq, %get3A_71, %eq3A_595 : vector<1024x1xi32>
      %jit3A = arith.constant 0xFF800000 : f32
      %broadcast_in_dim3A_597 = vector.shape_cast %eq3A_596 : vector<1024x1xi1> to vector<1024x1xi1>
      %broadcast_in_dim3A_598 = vector.broadcast %broadcast_in_dim3A_597 : vector<1024x1xi1> to vector<1024x128xi1>
      %broadcast_in_dim3A_599 = vector.broadcast %jit3A : f32 to vector<1024x128xf32>
      %select_n3A = arith.select %broadcast_in_dim3A_598, %max3A_68, %broadcast_in_dim3A_599 : vector<1024x128xi1>, vector<1024x128xf32>
      %get3A_600 = arith.constant 42 : index
      %get3A_601 = arith.constant 0 : index
      %get3A_602 = vector.load %arg18[%get3A_600, %get3A_601] : memref<64x128xf32, #tpu.memory_space<vmem>>, vector<1x128xf32>
      %reduce_max3A_603 = arith.constant dense<0xFF800000> : vector<128xf32>
      %reduce_max3A_604 = vector.multi_reduction <maximumf>, %select_n3A, %reduce_max3A_603 [0] : vector<1024x128xf32> to vector<128xf32>
      %broadcast_in_dim3A_605 = vector.shape_cast %reduce_max3A_604 : vector<128xf32> to vector<1x128xf32>
      %max3A_606 = arith.maximumf %get3A_602, %broadcast_in_dim3A_605 : vector<1x128xf32>
      %swap3A = arith.constant 42 : index
      %swap3A_607 = arith.constant 0 : index
      %swap3A_608 = vector.load %arg18[%swap3A, %swap3A_607] : memref<64x128xf32, #tpu.memory_space<vmem>>, vector<1x128xf32>
      tpu.vector_store %arg18[%swap3A, %swap3A_607], %max3A_606 {strides = array<i32>} : memref<64x128xf32, #tpu.memory_space<vmem>>, vector<1x128xf32>,
    } else {
    }
    %le3A_421 = arith.constant 43 : i32
    %le3A_422 = arith.cmpi sle, %reduce_min3A_75, %le3A_421 : i32
    %ge3A_423 = arith.constant 43 : i32
    %ge3A_424 = arith.cmpi sge, %reduce_max3A_79, %ge3A_423 : i32
    %and3A_425 = arith.andi %le3A_422, %ge3A_424 : i1
    %convert_element_type3A_426 = arith.extui %and3A_425 : i1 to i32
    %cond3A_427 = arith.constant 0 : i32
    %cond3A_428 = arith.cmpi ne, %convert_element_type3A_426, %cond3A_427 : i32
    scf.if %cond3A_428 {
      %eq3A_594 = arith.constant 43 : i32
      %eq3A_595 = vector.broadcast %eq3A_594 : i32 to vector<1024x1xi32>
      %eq3A_596 = arith.cmpi eq, %get3A_71, %eq3A_595 : vector<1024x1xi32>
      %jit3A = arith.constant 0xFF800000 : f32
      %broadcast_in_dim3A_597 = vector.shape_cast %eq3A_596 : vector<1024x1xi1> to vector<1024x1xi1>
      %broadcast_in_dim3A_598 = vector.broadcast %broadcast_in_dim3A_597 : vector<1024x1xi1> to vector<1024x128xi1>
      %broadcast_in_dim3A_599 = vector.broadcast %jit3A : f32 to vector<1024x128xf32>
      %select_n3A = arith.select %broadcast_in_dim3A_598, %max3A_68, %broadcast_in_dim3A_599 : vector<1024x128xi1>, vector<1024x128xf32>
      %get3A_600 = arith.constant 43 : index
      %get3A_601 = arith.constant 0 : index
      %get3A_602 = vector.load %arg18[%get3A_600, %get3A_601] : memref<64x128xf32, #tpu.memory_space<vmem>>, vector<1x128xf32>
      %reduce_max3A_603 = arith.constant dense<0xFF800000> : vector<128xf32>
      %reduce_max3A_604 = vector.multi_reduction <maximumf>, %select_n3A, %reduce_max3A_603 [0] : vector<1024x128xf32> to vector<128xf32>
      %broadcast_in_dim3A_605 = vector.shape_cast %reduce_max3A_604 : vector<128xf32> to vector<1x128xf32>
      %max3A_606 = arith.maximumf %get3A_602, %broadcast_in_dim3A_605 : vector<1x128xf32>
      %swap3A = arith.constant 43 : index
      %swap3A_607 = arith.constant 0 : index
      %swap3A_608 = vector.load %arg18[%swap3A, %swap3A_607] : memref<64x128xf32, #tpu.memory_space<vmem>>, vector<1x128xf32>
      tpu.vector_store %arg18[%swap3A, %swap3A_607], %max3A_606 {strides = array<i32>} : memref<64x128xf32, #tpu.memory_space<vmem>>, vector<1x128xf32>,
    } else {
    }
    %le3A_429 = arith.constant 44 : i32
    %le3A_430 = arith.cmpi sle, %reduce_min3A_75, %le3A_429 : i32
    %ge3A_431 = arith.constant 44 : i32
    %ge3A_432 = arith.cmpi sge, %reduce_max3A_79, %ge3A_431 : i32
    %and3A_433 = arith.andi %le3A_430, %ge3A_432 : i1
    %convert_element_type3A_434 = arith.extui %and3A_433 : i1 to i32
    %cond3A_435 = arith.constant 0 : i32
    %cond3A_436 = arith.cmpi ne, %convert_element_type3A_434, %cond3A_435 : i32
    scf.if %cond3A_436 {
      %eq3A_594 = arith.constant 44 : i32
      %eq3A_595 = vector.broadcast %eq3A_594 : i32 to vector<1024x1xi32>
      %eq3A_596 = arith.cmpi eq, %get3A_71, %eq3A_595 : vector<1024x1xi32>
      %jit3A = arith.constant 0xFF800000 : f32
      %broadcast_in_dim3A_597 = vector.shape_cast %eq3A_596 : vector<1024x1xi1> to vector<1024x1xi1>
      %broadcast_in_dim3A_598 = vector.broadcast %broadcast_in_dim3A_597 : vector<1024x1xi1> to vector<1024x128xi1>
      %broadcast_in_dim3A_599 = vector.broadcast %jit3A : f32 to vector<1024x128xf32>
      %select_n3A = arith.select %broadcast_in_dim3A_598, %max3A_68, %broadcast_in_dim3A_599 : vector<1024x128xi1>, vector<1024x128xf32>
      %get3A_600 = arith.constant 44 : index
      %get3A_601 = arith.constant 0 : index
      %get3A_602 = vector.load %arg18[%get3A_600, %get3A_601] : memref<64x128xf32, #tpu.memory_space<vmem>>, vector<1x128xf32>
      %reduce_max3A_603 = arith.constant dense<0xFF800000> : vector<128xf32>
      %reduce_max3A_604 = vector.multi_reduction <maximumf>, %select_n3A, %reduce_max3A_603 [0] : vector<1024x128xf32> to vector<128xf32>
      %broadcast_in_dim3A_605 = vector.shape_cast %reduce_max3A_604 : vector<128xf32> to vector<1x128xf32>
      %max3A_606 = arith.maximumf %get3A_602, %broadcast_in_dim3A_605 : vector<1x128xf32>
      %swap3A = arith.constant 44 : index
      %swap3A_607 = arith.constant 0 : index
      %swap3A_608 = vector.load %arg18[%swap3A, %swap3A_607] : memref<64x128xf32, #tpu.memory_space<vmem>>, vector<1x128xf32>
      tpu.vector_store %arg18[%swap3A, %swap3A_607], %max3A_606 {strides = array<i32>} : memref<64x128xf32, #tpu.memory_space<vmem>>, vector<1x128xf32>,
    } else {
    }
    %le3A_437 = arith.constant 45 : i32
    %le3A_438 = arith.cmpi sle, %reduce_min3A_75, %le3A_437 : i32
    %ge3A_439 = arith.constant 45 : i32
    %ge3A_440 = arith.cmpi sge, %reduce_max3A_79, %ge3A_439 : i32
    %and3A_441 = arith.andi %le3A_438, %ge3A_440 : i1
    %convert_element_type3A_442 = arith.extui %and3A_441 : i1 to i32
    %cond3A_443 = arith.constant 0 : i32
    %cond3A_444 = arith.cmpi ne, %convert_element_type3A_442, %cond3A_443 : i32
    scf.if %cond3A_444 {
      %eq3A_594 = arith.constant 45 : i32
      %eq3A_595 = vector.broadcast %eq3A_594 : i32 to vector<1024x1xi32>
      %eq3A_596 = arith.cmpi eq, %get3A_71, %eq3A_595 : vector<1024x1xi32>
      %jit3A = arith.constant 0xFF800000 : f32
      %broadcast_in_dim3A_597 = vector.shape_cast %eq3A_596 : vector<1024x1xi1> to vector<1024x1xi1>
      %broadcast_in_dim3A_598 = vector.broadcast %broadcast_in_dim3A_597 : vector<1024x1xi1> to vector<1024x128xi1>
      %broadcast_in_dim3A_599 = vector.broadcast %jit3A : f32 to vector<1024x128xf32>
      %select_n3A = arith.select %broadcast_in_dim3A_598, %max3A_68, %broadcast_in_dim3A_599 : vector<1024x128xi1>, vector<1024x128xf32>
      %get3A_600 = arith.constant 45 : index
      %get3A_601 = arith.constant 0 : index
      %get3A_602 = vector.load %arg18[%get3A_600, %get3A_601] : memref<64x128xf32, #tpu.memory_space<vmem>>, vector<1x128xf32>
      %reduce_max3A_603 = arith.constant dense<0xFF800000> : vector<128xf32>
      %reduce_max3A_604 = vector.multi_reduction <maximumf>, %select_n3A, %reduce_max3A_603 [0] : vector<1024x128xf32> to vector<128xf32>
      %broadcast_in_dim3A_605 = vector.shape_cast %reduce_max3A_604 : vector<128xf32> to vector<1x128xf32>
      %max3A_606 = arith.maximumf %get3A_602, %broadcast_in_dim3A_605 : vector<1x128xf32>
      %swap3A = arith.constant 45 : index
      %swap3A_607 = arith.constant 0 : index
      %swap3A_608 = vector.load %arg18[%swap3A, %swap3A_607] : memref<64x128xf32, #tpu.memory_space<vmem>>, vector<1x128xf32>
      tpu.vector_store %arg18[%swap3A, %swap3A_607], %max3A_606 {strides = array<i32>} : memref<64x128xf32, #tpu.memory_space<vmem>>, vector<1x128xf32>,
    } else {
    }
    %le3A_445 = arith.constant 46 : i32
    %le3A_446 = arith.cmpi sle, %reduce_min3A_75, %le3A_445 : i32
    %ge3A_447 = arith.constant 46 : i32
    %ge3A_448 = arith.cmpi sge, %reduce_max3A_79, %ge3A_447 : i32
    %and3A_449 = arith.andi %le3A_446, %ge3A_448 : i1
    %convert_element_type3A_450 = arith.extui %and3A_449 : i1 to i32
    %cond3A_451 = arith.constant 0 : i32
    %cond3A_452 = arith.cmpi ne, %convert_element_type3A_450, %cond3A_451 : i32
    scf.if %cond3A_452 {
      %eq3A_594 = arith.constant 46 : i32
      %eq3A_595 = vector.broadcast %eq3A_594 : i32 to vector<1024x1xi32>
      %eq3A_596 = arith.cmpi eq, %get3A_71, %eq3A_595 : vector<1024x1xi32>
      %jit3A = arith.constant 0xFF800000 : f32
      %broadcast_in_dim3A_597 = vector.shape_cast %eq3A_596 : vector<1024x1xi1> to vector<1024x1xi1>
      %broadcast_in_dim3A_598 = vector.broadcast %broadcast_in_dim3A_597 : vector<1024x1xi1> to vector<1024x128xi1>
      %broadcast_in_dim3A_599 = vector.broadcast %jit3A : f32 to vector<1024x128xf32>
      %select_n3A = arith.select %broadcast_in_dim3A_598, %max3A_68, %broadcast_in_dim3A_599 : vector<1024x128xi1>, vector<1024x128xf32>
      %get3A_600 = arith.constant 46 : index
      %get3A_601 = arith.constant 0 : index
      %get3A_602 = vector.load %arg18[%get3A_600, %get3A_601] : memref<64x128xf32, #tpu.memory_space<vmem>>, vector<1x128xf32>
      %reduce_max3A_603 = arith.constant dense<0xFF800000> : vector<128xf32>
      %reduce_max3A_604 = vector.multi_reduction <maximumf>, %select_n3A, %reduce_max3A_603 [0] : vector<1024x128xf32> to vector<128xf32>
      %broadcast_in_dim3A_605 = vector.shape_cast %reduce_max3A_604 : vector<128xf32> to vector<1x128xf32>
      %max3A_606 = arith.maximumf %get3A_602, %broadcast_in_dim3A_605 : vector<1x128xf32>
      %swap3A = arith.constant 46 : index
      %swap3A_607 = arith.constant 0 : index
      %swap3A_608 = vector.load %arg18[%swap3A, %swap3A_607] : memref<64x128xf32, #tpu.memory_space<vmem>>, vector<1x128xf32>
      tpu.vector_store %arg18[%swap3A, %swap3A_607], %max3A_606 {strides = array<i32>} : memref<64x128xf32, #tpu.memory_space<vmem>>, vector<1x128xf32>,
    } else {
    }
    %le3A_453 = arith.constant 47 : i32
    %le3A_454 = arith.cmpi sle, %reduce_min3A_75, %le3A_453 : i32
    %ge3A_455 = arith.constant 47 : i32
    %ge3A_456 = arith.cmpi sge, %reduce_max3A_79, %ge3A_455 : i32
    %and3A_457 = arith.andi %le3A_454, %ge3A_456 : i1
    %convert_element_type3A_458 = arith.extui %and3A_457 : i1 to i32
    %cond3A_459 = arith.constant 0 : i32
    %cond3A_460 = arith.cmpi ne, %convert_element_type3A_458, %cond3A_459 : i32
    scf.if %cond3A_460 {
      %eq3A_594 = arith.constant 47 : i32
      %eq3A_595 = vector.broadcast %eq3A_594 : i32 to vector<1024x1xi32>
      %eq3A_596 = arith.cmpi eq, %get3A_71, %eq3A_595 : vector<1024x1xi32>
      %jit3A = arith.constant 0xFF800000 : f32
      %broadcast_in_dim3A_597 = vector.shape_cast %eq3A_596 : vector<1024x1xi1> to vector<1024x1xi1>
      %broadcast_in_dim3A_598 = vector.broadcast %broadcast_in_dim3A_597 : vector<1024x1xi1> to vector<1024x128xi1>
      %broadcast_in_dim3A_599 = vector.broadcast %jit3A : f32 to vector<1024x128xf32>
      %select_n3A = arith.select %broadcast_in_dim3A_598, %max3A_68, %broadcast_in_dim3A_599 : vector<1024x128xi1>, vector<1024x128xf32>
      %get3A_600 = arith.constant 47 : index
      %get3A_601 = arith.constant 0 : index
      %get3A_602 = vector.load %arg18[%get3A_600, %get3A_601] : memref<64x128xf32, #tpu.memory_space<vmem>>, vector<1x128xf32>
      %reduce_max3A_603 = arith.constant dense<0xFF800000> : vector<128xf32>
      %reduce_max3A_604 = vector.multi_reduction <maximumf>, %select_n3A, %reduce_max3A_603 [0] : vector<1024x128xf32> to vector<128xf32>
      %broadcast_in_dim3A_605 = vector.shape_cast %reduce_max3A_604 : vector<128xf32> to vector<1x128xf32>
      %max3A_606 = arith.maximumf %get3A_602, %broadcast_in_dim3A_605 : vector<1x128xf32>
      %swap3A = arith.constant 47 : index
      %swap3A_607 = arith.constant 0 : index
      %swap3A_608 = vector.load %arg18[%swap3A, %swap3A_607] : memref<64x128xf32, #tpu.memory_space<vmem>>, vector<1x128xf32>
      tpu.vector_store %arg18[%swap3A, %swap3A_607], %max3A_606 {strides = array<i32>} : memref<64x128xf32, #tpu.memory_space<vmem>>, vector<1x128xf32>,
    } else {
    }
    %le3A_461 = arith.constant 48 : i32
    %le3A_462 = arith.cmpi sle, %reduce_min3A_75, %le3A_461 : i32
    %ge3A_463 = arith.constant 48 : i32
    %ge3A_464 = arith.cmpi sge, %reduce_max3A_79, %ge3A_463 : i32
    %and3A_465 = arith.andi %le3A_462, %ge3A_464 : i1
    %convert_element_type3A_466 = arith.extui %and3A_465 : i1 to i32
    %cond3A_467 = arith.constant 0 : i32
    %cond3A_468 = arith.cmpi ne, %convert_element_type3A_466, %cond3A_467 : i32
    scf.if %cond3A_468 {
      %eq3A_594 = arith.constant 48 : i32
      %eq3A_595 = vector.broadcast %eq3A_594 : i32 to vector<1024x1xi32>
      %eq3A_596 = arith.cmpi eq, %get3A_71, %eq3A_595 : vector<1024x1xi32>
      %jit3A = arith.constant 0xFF800000 : f32
      %broadcast_in_dim3A_597 = vector.shape_cast %eq3A_596 : vector<1024x1xi1> to vector<1024x1xi1>
      %broadcast_in_dim3A_598 = vector.broadcast %broadcast_in_dim3A_597 : vector<1024x1xi1> to vector<1024x128xi1>
      %broadcast_in_dim3A_599 = vector.broadcast %jit3A : f32 to vector<1024x128xf32>
      %select_n3A = arith.select %broadcast_in_dim3A_598, %max3A_68, %broadcast_in_dim3A_599 : vector<1024x128xi1>, vector<1024x128xf32>
      %get3A_600 = arith.constant 48 : index
      %get3A_601 = arith.constant 0 : index
      %get3A_602 = vector.load %arg18[%get3A_600, %get3A_601] : memref<64x128xf32, #tpu.memory_space<vmem>>, vector<1x128xf32>
      %reduce_max3A_603 = arith.constant dense<0xFF800000> : vector<128xf32>
      %reduce_max3A_604 = vector.multi_reduction <maximumf>, %select_n3A, %reduce_max3A_603 [0] : vector<1024x128xf32> to vector<128xf32>
      %broadcast_in_dim3A_605 = vector.shape_cast %reduce_max3A_604 : vector<128xf32> to vector<1x128xf32>
      %max3A_606 = arith.maximumf %get3A_602, %broadcast_in_dim3A_605 : vector<1x128xf32>
      %swap3A = arith.constant 48 : index
      %swap3A_607 = arith.constant 0 : index
      %swap3A_608 = vector.load %arg18[%swap3A, %swap3A_607] : memref<64x128xf32, #tpu.memory_space<vmem>>, vector<1x128xf32>
      tpu.vector_store %arg18[%swap3A, %swap3A_607], %max3A_606 {strides = array<i32>} : memref<64x128xf32, #tpu.memory_space<vmem>>, vector<1x128xf32>,
    } else {
    }
    %le3A_469 = arith.constant 49 : i32
    %le3A_470 = arith.cmpi sle, %reduce_min3A_75, %le3A_469 : i32
    %ge3A_471 = arith.constant 49 : i32
    %ge3A_472 = arith.cmpi sge, %reduce_max3A_79, %ge3A_471 : i32
    %and3A_473 = arith.andi %le3A_470, %ge3A_472 : i1
    %convert_element_type3A_474 = arith.extui %and3A_473 : i1 to i32
    %cond3A_475 = arith.constant 0 : i32
    %cond3A_476 = arith.cmpi ne, %convert_element_type3A_474, %cond3A_475 : i32
    scf.if %cond3A_476 {
      %eq3A_594 = arith.constant 49 : i32
      %eq3A_595 = vector.broadcast %eq3A_594 : i32 to vector<1024x1xi32>
      %eq3A_596 = arith.cmpi eq, %get3A_71, %eq3A_595 : vector<1024x1xi32>
      %jit3A = arith.constant 0xFF800000 : f32
      %broadcast_in_dim3A_597 = vector.shape_cast %eq3A_596 : vector<1024x1xi1> to vector<1024x1xi1>
      %broadcast_in_dim3A_598 = vector.broadcast %broadcast_in_dim3A_597 : vector<1024x1xi1> to vector<1024x128xi1>
      %broadcast_in_dim3A_599 = vector.broadcast %jit3A : f32 to vector<1024x128xf32>
      %select_n3A = arith.select %broadcast_in_dim3A_598, %max3A_68, %broadcast_in_dim3A_599 : vector<1024x128xi1>, vector<1024x128xf32>
      %get3A_600 = arith.constant 49 : index
      %get3A_601 = arith.constant 0 : index
      %get3A_602 = vector.load %arg18[%get3A_600, %get3A_601] : memref<64x128xf32, #tpu.memory_space<vmem>>, vector<1x128xf32>
      %reduce_max3A_603 = arith.constant dense<0xFF800000> : vector<128xf32>
      %reduce_max3A_604 = vector.multi_reduction <maximumf>, %select_n3A, %reduce_max3A_603 [0] : vector<1024x128xf32> to vector<128xf32>
      %broadcast_in_dim3A_605 = vector.shape_cast %reduce_max3A_604 : vector<128xf32> to vector<1x128xf32>
      %max3A_606 = arith.maximumf %get3A_602, %broadcast_in_dim3A_605 : vector<1x128xf32>
      %swap3A = arith.constant 49 : index
      %swap3A_607 = arith.constant 0 : index
      %swap3A_608 = vector.load %arg18[%swap3A, %swap3A_607] : memref<64x128xf32, #tpu.memory_space<vmem>>, vector<1x128xf32>
      tpu.vector_store %arg18[%swap3A, %swap3A_607], %max3A_606 {strides = array<i32>} : memref<64x128xf32, #tpu.memory_space<vmem>>, vector<1x128xf32>,
    } else {
    }
    %le3A_477 = arith.constant 50 : i32
    %le3A_478 = arith.cmpi sle, %reduce_min3A_75, %le3A_477 : i32
    %ge3A_479 = arith.constant 50 : i32
    %ge3A_480 = arith.cmpi sge, %reduce_max3A_79, %ge3A_479 : i32
    %and3A_481 = arith.andi %le3A_478, %ge3A_480 : i1
    %convert_element_type3A_482 = arith.extui %and3A_481 : i1 to i32
    %cond3A_483 = arith.constant 0 : i32
    %cond3A_484 = arith.cmpi ne, %convert_element_type3A_482, %cond3A_483 : i32
    scf.if %cond3A_484 {
      %eq3A_594 = arith.constant 50 : i32
      %eq3A_595 = vector.broadcast %eq3A_594 : i32 to vector<1024x1xi32>
      %eq3A_596 = arith.cmpi eq, %get3A_71, %eq3A_595 : vector<1024x1xi32>
      %jit3A = arith.constant 0xFF800000 : f32
      %broadcast_in_dim3A_597 = vector.shape_cast %eq3A_596 : vector<1024x1xi1> to vector<1024x1xi1>
      %broadcast_in_dim3A_598 = vector.broadcast %broadcast_in_dim3A_597 : vector<1024x1xi1> to vector<1024x128xi1>
      %broadcast_in_dim3A_599 = vector.broadcast %jit3A : f32 to vector<1024x128xf32>
      %select_n3A = arith.select %broadcast_in_dim3A_598, %max3A_68, %broadcast_in_dim3A_599 : vector<1024x128xi1>, vector<1024x128xf32>
      %get3A_600 = arith.constant 50 : index
      %get3A_601 = arith.constant 0 : index
      %get3A_602 = vector.load %arg18[%get3A_600, %get3A_601] : memref<64x128xf32, #tpu.memory_space<vmem>>, vector<1x128xf32>
      %reduce_max3A_603 = arith.constant dense<0xFF800000> : vector<128xf32>
      %reduce_max3A_604 = vector.multi_reduction <maximumf>, %select_n3A, %reduce_max3A_603 [0] : vector<1024x128xf32> to vector<128xf32>
      %broadcast_in_dim3A_605 = vector.shape_cast %reduce_max3A_604 : vector<128xf32> to vector<1x128xf32>
      %max3A_606 = arith.maximumf %get3A_602, %broadcast_in_dim3A_605 : vector<1x128xf32>
      %swap3A = arith.constant 50 : index
      %swap3A_607 = arith.constant 0 : index
      %swap3A_608 = vector.load %arg18[%swap3A, %swap3A_607] : memref<64x128xf32, #tpu.memory_space<vmem>>, vector<1x128xf32>
      tpu.vector_store %arg18[%swap3A, %swap3A_607], %max3A_606 {strides = array<i32>} : memref<64x128xf32, #tpu.memory_space<vmem>>, vector<1x128xf32>,
    } else {
    }
    %le3A_485 = arith.constant 51 : i32
    %le3A_486 = arith.cmpi sle, %reduce_min3A_75, %le3A_485 : i32
    %ge3A_487 = arith.constant 51 : i32
    %ge3A_488 = arith.cmpi sge, %reduce_max3A_79, %ge3A_487 : i32
    %and3A_489 = arith.andi %le3A_486, %ge3A_488 : i1
    %convert_element_type3A_490 = arith.extui %and3A_489 : i1 to i32
    %cond3A_491 = arith.constant 0 : i32
    %cond3A_492 = arith.cmpi ne, %convert_element_type3A_490, %cond3A_491 : i32
    scf.if %cond3A_492 {
      %eq3A_594 = arith.constant 51 : i32
      %eq3A_595 = vector.broadcast %eq3A_594 : i32 to vector<1024x1xi32>
      %eq3A_596 = arith.cmpi eq, %get3A_71, %eq3A_595 : vector<1024x1xi32>
      %jit3A = arith.constant 0xFF800000 : f32
      %broadcast_in_dim3A_597 = vector.shape_cast %eq3A_596 : vector<1024x1xi1> to vector<1024x1xi1>
      %broadcast_in_dim3A_598 = vector.broadcast %broadcast_in_dim3A_597 : vector<1024x1xi1> to vector<1024x128xi1>
      %broadcast_in_dim3A_599 = vector.broadcast %jit3A : f32 to vector<1024x128xf32>
      %select_n3A = arith.select %broadcast_in_dim3A_598, %max3A_68, %broadcast_in_dim3A_599 : vector<1024x128xi1>, vector<1024x128xf32>
      %get3A_600 = arith.constant 51 : index
      %get3A_601 = arith.constant 0 : index
      %get3A_602 = vector.load %arg18[%get3A_600, %get3A_601] : memref<64x128xf32, #tpu.memory_space<vmem>>, vector<1x128xf32>
      %reduce_max3A_603 = arith.constant dense<0xFF800000> : vector<128xf32>
      %reduce_max3A_604 = vector.multi_reduction <maximumf>, %select_n3A, %reduce_max3A_603 [0] : vector<1024x128xf32> to vector<128xf32>
      %broadcast_in_dim3A_605 = vector.shape_cast %reduce_max3A_604 : vector<128xf32> to vector<1x128xf32>
      %max3A_606 = arith.maximumf %get3A_602, %broadcast_in_dim3A_605 : vector<1x128xf32>
      %swap3A = arith.constant 51 : index
      %swap3A_607 = arith.constant 0 : index
      %swap3A_608 = vector.load %arg18[%swap3A, %swap3A_607] : memref<64x128xf32, #tpu.memory_space<vmem>>, vector<1x128xf32>
      tpu.vector_store %arg18[%swap3A, %swap3A_607], %max3A_606 {strides = array<i32>} : memref<64x128xf32, #tpu.memory_space<vmem>>, vector<1x128xf32>,
    } else {
    }
    %le3A_493 = arith.constant 52 : i32
    %le3A_494 = arith.cmpi sle, %reduce_min3A_75, %le3A_493 : i32
    %ge3A_495 = arith.constant 52 : i32
    %ge3A_496 = arith.cmpi sge, %reduce_max3A_79, %ge3A_495 : i32
    %and3A_497 = arith.andi %le3A_494, %ge3A_496 : i1
    %convert_element_type3A_498 = arith.extui %and3A_497 : i1 to i32
    %cond3A_499 = arith.constant 0 : i32
    %cond3A_500 = arith.cmpi ne, %convert_element_type3A_498, %cond3A_499 : i32
    scf.if %cond3A_500 {
      %eq3A_594 = arith.constant 52 : i32
      %eq3A_595 = vector.broadcast %eq3A_594 : i32 to vector<1024x1xi32>
      %eq3A_596 = arith.cmpi eq, %get3A_71, %eq3A_595 : vector<1024x1xi32>
      %jit3A = arith.constant 0xFF800000 : f32
      %broadcast_in_dim3A_597 = vector.shape_cast %eq3A_596 : vector<1024x1xi1> to vector<1024x1xi1>
      %broadcast_in_dim3A_598 = vector.broadcast %broadcast_in_dim3A_597 : vector<1024x1xi1> to vector<1024x128xi1>
      %broadcast_in_dim3A_599 = vector.broadcast %jit3A : f32 to vector<1024x128xf32>
      %select_n3A = arith.select %broadcast_in_dim3A_598, %max3A_68, %broadcast_in_dim3A_599 : vector<1024x128xi1>, vector<1024x128xf32>
      %get3A_600 = arith.constant 52 : index
      %get3A_601 = arith.constant 0 : index
      %get3A_602 = vector.load %arg18[%get3A_600, %get3A_601] : memref<64x128xf32, #tpu.memory_space<vmem>>, vector<1x128xf32>
      %reduce_max3A_603 = arith.constant dense<0xFF800000> : vector<128xf32>
      %reduce_max3A_604 = vector.multi_reduction <maximumf>, %select_n3A, %reduce_max3A_603 [0] : vector<1024x128xf32> to vector<128xf32>
      %broadcast_in_dim3A_605 = vector.shape_cast %reduce_max3A_604 : vector<128xf32> to vector<1x128xf32>
      %max3A_606 = arith.maximumf %get3A_602, %broadcast_in_dim3A_605 : vector<1x128xf32>
      %swap3A = arith.constant 52 : index
      %swap3A_607 = arith.constant 0 : index
      %swap3A_608 = vector.load %arg18[%swap3A, %swap3A_607] : memref<64x128xf32, #tpu.memory_space<vmem>>, vector<1x128xf32>
      tpu.vector_store %arg18[%swap3A, %swap3A_607], %max3A_606 {strides = array<i32>} : memref<64x128xf32, #tpu.memory_space<vmem>>, vector<1x128xf32>,
    } else {
    }
    %le3A_501 = arith.constant 53 : i32
    %le3A_502 = arith.cmpi sle, %reduce_min3A_75, %le3A_501 : i32
    %ge3A_503 = arith.constant 53 : i32
    %ge3A_504 = arith.cmpi sge, %reduce_max3A_79, %ge3A_503 : i32
    %and3A_505 = arith.andi %le3A_502, %ge3A_504 : i1
    %convert_element_type3A_506 = arith.extui %and3A_505 : i1 to i32
    %cond3A_507 = arith.constant 0 : i32
    %cond3A_508 = arith.cmpi ne, %convert_element_type3A_506, %cond3A_507 : i32
    scf.if %cond3A_508 {
      %eq3A_594 = arith.constant 53 : i32
      %eq3A_595 = vector.broadcast %eq3A_594 : i32 to vector<1024x1xi32>
      %eq3A_596 = arith.cmpi eq, %get3A_71, %eq3A_595 : vector<1024x1xi32>
      %jit3A = arith.constant 0xFF800000 : f32
      %broadcast_in_dim3A_597 = vector.shape_cast %eq3A_596 : vector<1024x1xi1> to vector<1024x1xi1>
      %broadcast_in_dim3A_598 = vector.broadcast %broadcast_in_dim3A_597 : vector<1024x1xi1> to vector<1024x128xi1>
      %broadcast_in_dim3A_599 = vector.broadcast %jit3A : f32 to vector<1024x128xf32>
      %select_n3A = arith.select %broadcast_in_dim3A_598, %max3A_68, %broadcast_in_dim3A_599 : vector<1024x128xi1>, vector<1024x128xf32>
      %get3A_600 = arith.constant 53 : index
      %get3A_601 = arith.constant 0 : index
      %get3A_602 = vector.load %arg18[%get3A_600, %get3A_601] : memref<64x128xf32, #tpu.memory_space<vmem>>, vector<1x128xf32>
      %reduce_max3A_603 = arith.constant dense<0xFF800000> : vector<128xf32>
      %reduce_max3A_604 = vector.multi_reduction <maximumf>, %select_n3A, %reduce_max3A_603 [0] : vector<1024x128xf32> to vector<128xf32>
      %broadcast_in_dim3A_605 = vector.shape_cast %reduce_max3A_604 : vector<128xf32> to vector<1x128xf32>
      %max3A_606 = arith.maximumf %get3A_602, %broadcast_in_dim3A_605 : vector<1x128xf32>
      %swap3A = arith.constant 53 : index
      %swap3A_607 = arith.constant 0 : index
      %swap3A_608 = vector.load %arg18[%swap3A, %swap3A_607] : memref<64x128xf32, #tpu.memory_space<vmem>>, vector<1x128xf32>
      tpu.vector_store %arg18[%swap3A, %swap3A_607], %max3A_606 {strides = array<i32>} : memref<64x128xf32, #tpu.memory_space<vmem>>, vector<1x128xf32>,
    } else {
    }
    %le3A_509 = arith.constant 54 : i32
    %le3A_510 = arith.cmpi sle, %reduce_min3A_75, %le3A_509 : i32
    %ge3A_511 = arith.constant 54 : i32
    %ge3A_512 = arith.cmpi sge, %reduce_max3A_79, %ge3A_511 : i32
    %and3A_513 = arith.andi %le3A_510, %ge3A_512 : i1
    %convert_element_type3A_514 = arith.extui %and3A_513 : i1 to i32
    %cond3A_515 = arith.constant 0 : i32
    %cond3A_516 = arith.cmpi ne, %convert_element_type3A_514, %cond3A_515 : i32
    scf.if %cond3A_516 {
      %eq3A_594 = arith.constant 54 : i32
      %eq3A_595 = vector.broadcast %eq3A_594 : i32 to vector<1024x1xi32>
      %eq3A_596 = arith.cmpi eq, %get3A_71, %eq3A_595 : vector<1024x1xi32>
      %jit3A = arith.constant 0xFF800000 : f32
      %broadcast_in_dim3A_597 = vector.shape_cast %eq3A_596 : vector<1024x1xi1> to vector<1024x1xi1>
      %broadcast_in_dim3A_598 = vector.broadcast %broadcast_in_dim3A_597 : vector<1024x1xi1> to vector<1024x128xi1>
      %broadcast_in_dim3A_599 = vector.broadcast %jit3A : f32 to vector<1024x128xf32>
      %select_n3A = arith.select %broadcast_in_dim3A_598, %max3A_68, %broadcast_in_dim3A_599 : vector<1024x128xi1>, vector<1024x128xf32>
      %get3A_600 = arith.constant 54 : index
      %get3A_601 = arith.constant 0 : index
      %get3A_602 = vector.load %arg18[%get3A_600, %get3A_601] : memref<64x128xf32, #tpu.memory_space<vmem>>, vector<1x128xf32>
      %reduce_max3A_603 = arith.constant dense<0xFF800000> : vector<128xf32>
      %reduce_max3A_604 = vector.multi_reduction <maximumf>, %select_n3A, %reduce_max3A_603 [0] : vector<1024x128xf32> to vector<128xf32>
      %broadcast_in_dim3A_605 = vector.shape_cast %reduce_max3A_604 : vector<128xf32> to vector<1x128xf32>
      %max3A_606 = arith.maximumf %get3A_602, %broadcast_in_dim3A_605 : vector<1x128xf32>
      %swap3A = arith.constant 54 : index
      %swap3A_607 = arith.constant 0 : index
      %swap3A_608 = vector.load %arg18[%swap3A, %swap3A_607] : memref<64x128xf32, #tpu.memory_space<vmem>>, vector<1x128xf32>
      tpu.vector_store %arg18[%swap3A, %swap3A_607], %max3A_606 {strides = array<i32>} : memref<64x128xf32, #tpu.memory_space<vmem>>, vector<1x128xf32>,
    } else {
    }
    %le3A_517 = arith.constant 55 : i32
    %le3A_518 = arith.cmpi sle, %reduce_min3A_75, %le3A_517 : i32
    %ge3A_519 = arith.constant 55 : i32
    %ge3A_520 = arith.cmpi sge, %reduce_max3A_79, %ge3A_519 : i32
    %and3A_521 = arith.andi %le3A_518, %ge3A_520 : i1
    %convert_element_type3A_522 = arith.extui %and3A_521 : i1 to i32
    %cond3A_523 = arith.constant 0 : i32
    %cond3A_524 = arith.cmpi ne, %convert_element_type3A_522, %cond3A_523 : i32
    scf.if %cond3A_524 {
      %eq3A_594 = arith.constant 55 : i32
      %eq3A_595 = vector.broadcast %eq3A_594 : i32 to vector<1024x1xi32>
      %eq3A_596 = arith.cmpi eq, %get3A_71, %eq3A_595 : vector<1024x1xi32>
      %jit3A = arith.constant 0xFF800000 : f32
      %broadcast_in_dim3A_597 = vector.shape_cast %eq3A_596 : vector<1024x1xi1> to vector<1024x1xi1>
      %broadcast_in_dim3A_598 = vector.broadcast %broadcast_in_dim3A_597 : vector<1024x1xi1> to vector<1024x128xi1>
      %broadcast_in_dim3A_599 = vector.broadcast %jit3A : f32 to vector<1024x128xf32>
      %select_n3A = arith.select %broadcast_in_dim3A_598, %max3A_68, %broadcast_in_dim3A_599 : vector<1024x128xi1>, vector<1024x128xf32>
      %get3A_600 = arith.constant 55 : index
      %get3A_601 = arith.constant 0 : index
      %get3A_602 = vector.load %arg18[%get3A_600, %get3A_601] : memref<64x128xf32, #tpu.memory_space<vmem>>, vector<1x128xf32>
      %reduce_max3A_603 = arith.constant dense<0xFF800000> : vector<128xf32>
      %reduce_max3A_604 = vector.multi_reduction <maximumf>, %select_n3A, %reduce_max3A_603 [0] : vector<1024x128xf32> to vector<128xf32>
      %broadcast_in_dim3A_605 = vector.shape_cast %reduce_max3A_604 : vector<128xf32> to vector<1x128xf32>
      %max3A_606 = arith.maximumf %get3A_602, %broadcast_in_dim3A_605 : vector<1x128xf32>
      %swap3A = arith.constant 55 : index
      %swap3A_607 = arith.constant 0 : index
      %swap3A_608 = vector.load %arg18[%swap3A, %swap3A_607] : memref<64x128xf32, #tpu.memory_space<vmem>>, vector<1x128xf32>
      tpu.vector_store %arg18[%swap3A, %swap3A_607], %max3A_606 {strides = array<i32>} : memref<64x128xf32, #tpu.memory_space<vmem>>, vector<1x128xf32>,
    } else {
    }
    %le3A_525 = arith.constant 56 : i32
    %le3A_526 = arith.cmpi sle, %reduce_min3A_75, %le3A_525 : i32
    %ge3A_527 = arith.constant 56 : i32
    %ge3A_528 = arith.cmpi sge, %reduce_max3A_79, %ge3A_527 : i32
    %and3A_529 = arith.andi %le3A_526, %ge3A_528 : i1
    %convert_element_type3A_530 = arith.extui %and3A_529 : i1 to i32
    %cond3A_531 = arith.constant 0 : i32
    %cond3A_532 = arith.cmpi ne, %convert_element_type3A_530, %cond3A_531 : i32
    scf.if %cond3A_532 {
      %eq3A_594 = arith.constant 56 : i32
      %eq3A_595 = vector.broadcast %eq3A_594 : i32 to vector<1024x1xi32>
      %eq3A_596 = arith.cmpi eq, %get3A_71, %eq3A_595 : vector<1024x1xi32>
      %jit3A = arith.constant 0xFF800000 : f32
      %broadcast_in_dim3A_597 = vector.shape_cast %eq3A_596 : vector<1024x1xi1> to vector<1024x1xi1>
      %broadcast_in_dim3A_598 = vector.broadcast %broadcast_in_dim3A_597 : vector<1024x1xi1> to vector<1024x128xi1>
      %broadcast_in_dim3A_599 = vector.broadcast %jit3A : f32 to vector<1024x128xf32>
      %select_n3A = arith.select %broadcast_in_dim3A_598, %max3A_68, %broadcast_in_dim3A_599 : vector<1024x128xi1>, vector<1024x128xf32>
      %get3A_600 = arith.constant 56 : index
      %get3A_601 = arith.constant 0 : index
      %get3A_602 = vector.load %arg18[%get3A_600, %get3A_601] : memref<64x128xf32, #tpu.memory_space<vmem>>, vector<1x128xf32>
      %reduce_max3A_603 = arith.constant dense<0xFF800000> : vector<128xf32>
      %reduce_max3A_604 = vector.multi_reduction <maximumf>, %select_n3A, %reduce_max3A_603 [0] : vector<1024x128xf32> to vector<128xf32>
      %broadcast_in_dim3A_605 = vector.shape_cast %reduce_max3A_604 : vector<128xf32> to vector<1x128xf32>
      %max3A_606 = arith.maximumf %get3A_602, %broadcast_in_dim3A_605 : vector<1x128xf32>
      %swap3A = arith.constant 56 : index
      %swap3A_607 = arith.constant 0 : index
      %swap3A_608 = vector.load %arg18[%swap3A, %swap3A_607] : memref<64x128xf32, #tpu.memory_space<vmem>>, vector<1x128xf32>
      tpu.vector_store %arg18[%swap3A, %swap3A_607], %max3A_606 {strides = array<i32>} : memref<64x128xf32, #tpu.memory_space<vmem>>, vector<1x128xf32>,
    } else {
    }
    %le3A_533 = arith.constant 57 : i32
    %le3A_534 = arith.cmpi sle, %reduce_min3A_75, %le3A_533 : i32
    %ge3A_535 = arith.constant 57 : i32
    %ge3A_536 = arith.cmpi sge, %reduce_max3A_79, %ge3A_535 : i32
    %and3A_537 = arith.andi %le3A_534, %ge3A_536 : i1
    %convert_element_type3A_538 = arith.extui %and3A_537 : i1 to i32
    %cond3A_539 = arith.constant 0 : i32
    %cond3A_540 = arith.cmpi ne, %convert_element_type3A_538, %cond3A_539 : i32
    scf.if %cond3A_540 {
      %eq3A_594 = arith.constant 57 : i32
      %eq3A_595 = vector.broadcast %eq3A_594 : i32 to vector<1024x1xi32>
      %eq3A_596 = arith.cmpi eq, %get3A_71, %eq3A_595 : vector<1024x1xi32>
      %jit3A = arith.constant 0xFF800000 : f32
      %broadcast_in_dim3A_597 = vector.shape_cast %eq3A_596 : vector<1024x1xi1> to vector<1024x1xi1>
      %broadcast_in_dim3A_598 = vector.broadcast %broadcast_in_dim3A_597 : vector<1024x1xi1> to vector<1024x128xi1>
      %broadcast_in_dim3A_599 = vector.broadcast %jit3A : f32 to vector<1024x128xf32>
      %select_n3A = arith.select %broadcast_in_dim3A_598, %max3A_68, %broadcast_in_dim3A_599 : vector<1024x128xi1>, vector<1024x128xf32>
      %get3A_600 = arith.constant 57 : index
      %get3A_601 = arith.constant 0 : index
      %get3A_602 = vector.load %arg18[%get3A_600, %get3A_601] : memref<64x128xf32, #tpu.memory_space<vmem>>, vector<1x128xf32>
      %reduce_max3A_603 = arith.constant dense<0xFF800000> : vector<128xf32>
      %reduce_max3A_604 = vector.multi_reduction <maximumf>, %select_n3A, %reduce_max3A_603 [0] : vector<1024x128xf32> to vector<128xf32>
      %broadcast_in_dim3A_605 = vector.shape_cast %reduce_max3A_604 : vector<128xf32> to vector<1x128xf32>
      %max3A_606 = arith.maximumf %get3A_602, %broadcast_in_dim3A_605 : vector<1x128xf32>
      %swap3A = arith.constant 57 : index
      %swap3A_607 = arith.constant 0 : index
      %swap3A_608 = vector.load %arg18[%swap3A, %swap3A_607] : memref<64x128xf32, #tpu.memory_space<vmem>>, vector<1x128xf32>
      tpu.vector_store %arg18[%swap3A, %swap3A_607], %max3A_606 {strides = array<i32>} : memref<64x128xf32, #tpu.memory_space<vmem>>, vector<1x128xf32>,
    } else {
    }
    %le3A_541 = arith.constant 58 : i32
    %le3A_542 = arith.cmpi sle, %reduce_min3A_75, %le3A_541 : i32
    %ge3A_543 = arith.constant 58 : i32
    %ge3A_544 = arith.cmpi sge, %reduce_max3A_79, %ge3A_543 : i32
    %and3A_545 = arith.andi %le3A_542, %ge3A_544 : i1
    %convert_element_type3A_546 = arith.extui %and3A_545 : i1 to i32
    %cond3A_547 = arith.constant 0 : i32
    %cond3A_548 = arith.cmpi ne, %convert_element_type3A_546, %cond3A_547 : i32
    scf.if %cond3A_548 {
      %eq3A_594 = arith.constant 58 : i32
      %eq3A_595 = vector.broadcast %eq3A_594 : i32 to vector<1024x1xi32>
      %eq3A_596 = arith.cmpi eq, %get3A_71, %eq3A_595 : vector<1024x1xi32>
      %jit3A = arith.constant 0xFF800000 : f32
      %broadcast_in_dim3A_597 = vector.shape_cast %eq3A_596 : vector<1024x1xi1> to vector<1024x1xi1>
      %broadcast_in_dim3A_598 = vector.broadcast %broadcast_in_dim3A_597 : vector<1024x1xi1> to vector<1024x128xi1>
      %broadcast_in_dim3A_599 = vector.broadcast %jit3A : f32 to vector<1024x128xf32>
      %select_n3A = arith.select %broadcast_in_dim3A_598, %max3A_68, %broadcast_in_dim3A_599 : vector<1024x128xi1>, vector<1024x128xf32>
      %get3A_600 = arith.constant 58 : index
      %get3A_601 = arith.constant 0 : index
      %get3A_602 = vector.load %arg18[%get3A_600, %get3A_601] : memref<64x128xf32, #tpu.memory_space<vmem>>, vector<1x128xf32>
      %reduce_max3A_603 = arith.constant dense<0xFF800000> : vector<128xf32>
      %reduce_max3A_604 = vector.multi_reduction <maximumf>, %select_n3A, %reduce_max3A_603 [0] : vector<1024x128xf32> to vector<128xf32>
      %broadcast_in_dim3A_605 = vector.shape_cast %reduce_max3A_604 : vector<128xf32> to vector<1x128xf32>
      %max3A_606 = arith.maximumf %get3A_602, %broadcast_in_dim3A_605 : vector<1x128xf32>
      %swap3A = arith.constant 58 : index
      %swap3A_607 = arith.constant 0 : index
      %swap3A_608 = vector.load %arg18[%swap3A, %swap3A_607] : memref<64x128xf32, #tpu.memory_space<vmem>>, vector<1x128xf32>
      tpu.vector_store %arg18[%swap3A, %swap3A_607], %max3A_606 {strides = array<i32>} : memref<64x128xf32, #tpu.memory_space<vmem>>, vector<1x128xf32>,
    } else {
    }
    %le3A_549 = arith.constant 59 : i32
    %le3A_550 = arith.cmpi sle, %reduce_min3A_75, %le3A_549 : i32
    %ge3A_551 = arith.constant 59 : i32
    %ge3A_552 = arith.cmpi sge, %reduce_max3A_79, %ge3A_551 : i32
    %and3A_553 = arith.andi %le3A_550, %ge3A_552 : i1
    %convert_element_type3A_554 = arith.extui %and3A_553 : i1 to i32
    %cond3A_555 = arith.constant 0 : i32
    %cond3A_556 = arith.cmpi ne, %convert_element_type3A_554, %cond3A_555 : i32
    scf.if %cond3A_556 {
      %eq3A_594 = arith.constant 59 : i32
      %eq3A_595 = vector.broadcast %eq3A_594 : i32 to vector<1024x1xi32>
      %eq3A_596 = arith.cmpi eq, %get3A_71, %eq3A_595 : vector<1024x1xi32>
      %jit3A = arith.constant 0xFF800000 : f32
      %broadcast_in_dim3A_597 = vector.shape_cast %eq3A_596 : vector<1024x1xi1> to vector<1024x1xi1>
      %broadcast_in_dim3A_598 = vector.broadcast %broadcast_in_dim3A_597 : vector<1024x1xi1> to vector<1024x128xi1>
      %broadcast_in_dim3A_599 = vector.broadcast %jit3A : f32 to vector<1024x128xf32>
      %select_n3A = arith.select %broadcast_in_dim3A_598, %max3A_68, %broadcast_in_dim3A_599 : vector<1024x128xi1>, vector<1024x128xf32>
      %get3A_600 = arith.constant 59 : index
      %get3A_601 = arith.constant 0 : index
      %get3A_602 = vector.load %arg18[%get3A_600, %get3A_601] : memref<64x128xf32, #tpu.memory_space<vmem>>, vector<1x128xf32>
      %reduce_max3A_603 = arith.constant dense<0xFF800000> : vector<128xf32>
      %reduce_max3A_604 = vector.multi_reduction <maximumf>, %select_n3A, %reduce_max3A_603 [0] : vector<1024x128xf32> to vector<128xf32>
      %broadcast_in_dim3A_605 = vector.shape_cast %reduce_max3A_604 : vector<128xf32> to vector<1x128xf32>
      %max3A_606 = arith.maximumf %get3A_602, %broadcast_in_dim3A_605 : vector<1x128xf32>
      %swap3A = arith.constant 59 : index
      %swap3A_607 = arith.constant 0 : index
      %swap3A_608 = vector.load %arg18[%swap3A, %swap3A_607] : memref<64x128xf32, #tpu.memory_space<vmem>>, vector<1x128xf32>
      tpu.vector_store %arg18[%swap3A, %swap3A_607], %max3A_606 {strides = array<i32>} : memref<64x128xf32, #tpu.memory_space<vmem>>, vector<1x128xf32>,
    } else {
    }
    %le3A_557 = arith.constant 60 : i32
    %le3A_558 = arith.cmpi sle, %reduce_min3A_75, %le3A_557 : i32
    %ge3A_559 = arith.constant 60 : i32
    %ge3A_560 = arith.cmpi sge, %reduce_max3A_79, %ge3A_559 : i32
    %and3A_561 = arith.andi %le3A_558, %ge3A_560 : i1
    %convert_element_type3A_562 = arith.extui %and3A_561 : i1 to i32
    %cond3A_563 = arith.constant 0 : i32
    %cond3A_564 = arith.cmpi ne, %convert_element_type3A_562, %cond3A_563 : i32
    scf.if %cond3A_564 {
      %eq3A_594 = arith.constant 60 : i32
      %eq3A_595 = vector.broadcast %eq3A_594 : i32 to vector<1024x1xi32>
      %eq3A_596 = arith.cmpi eq, %get3A_71, %eq3A_595 : vector<1024x1xi32>
      %jit3A = arith.constant 0xFF800000 : f32
      %broadcast_in_dim3A_597 = vector.shape_cast %eq3A_596 : vector<1024x1xi1> to vector<1024x1xi1>
      %broadcast_in_dim3A_598 = vector.broadcast %broadcast_in_dim3A_597 : vector<1024x1xi1> to vector<1024x128xi1>
      %broadcast_in_dim3A_599 = vector.broadcast %jit3A : f32 to vector<1024x128xf32>
      %select_n3A = arith.select %broadcast_in_dim3A_598, %max3A_68, %broadcast_in_dim3A_599 : vector<1024x128xi1>, vector<1024x128xf32>
      %get3A_600 = arith.constant 60 : index
      %get3A_601 = arith.constant 0 : index
      %get3A_602 = vector.load %arg18[%get3A_600, %get3A_601] : memref<64x128xf32, #tpu.memory_space<vmem>>, vector<1x128xf32>
      %reduce_max3A_603 = arith.constant dense<0xFF800000> : vector<128xf32>
      %reduce_max3A_604 = vector.multi_reduction <maximumf>, %select_n3A, %reduce_max3A_603 [0] : vector<1024x128xf32> to vector<128xf32>
      %broadcast_in_dim3A_605 = vector.shape_cast %reduce_max3A_604 : vector<128xf32> to vector<1x128xf32>
      %max3A_606 = arith.maximumf %get3A_602, %broadcast_in_dim3A_605 : vector<1x128xf32>
      %swap3A = arith.constant 60 : index
      %swap3A_607 = arith.constant 0 : index
      %swap3A_608 = vector.load %arg18[%swap3A, %swap3A_607] : memref<64x128xf32, #tpu.memory_space<vmem>>, vector<1x128xf32>
      tpu.vector_store %arg18[%swap3A, %swap3A_607], %max3A_606 {strides = array<i32>} : memref<64x128xf32, #tpu.memory_space<vmem>>, vector<1x128xf32>,
    } else {
    }
    %le3A_565 = arith.constant 61 : i32
    %le3A_566 = arith.cmpi sle, %reduce_min3A_75, %le3A_565 : i32
    %ge3A_567 = arith.constant 61 : i32
    %ge3A_568 = arith.cmpi sge, %reduce_max3A_79, %ge3A_567 : i32
    %and3A_569 = arith.andi %le3A_566, %ge3A_568 : i1
    %convert_element_type3A_570 = arith.extui %and3A_569 : i1 to i32
    %cond3A_571 = arith.constant 0 : i32
    %cond3A_572 = arith.cmpi ne, %convert_element_type3A_570, %cond3A_571 : i32
    scf.if %cond3A_572 {
      %eq3A_594 = arith.constant 61 : i32
      %eq3A_595 = vector.broadcast %eq3A_594 : i32 to vector<1024x1xi32>
      %eq3A_596 = arith.cmpi eq, %get3A_71, %eq3A_595 : vector<1024x1xi32>
      %jit3A = arith.constant 0xFF800000 : f32
      %broadcast_in_dim3A_597 = vector.shape_cast %eq3A_596 : vector<1024x1xi1> to vector<1024x1xi1>
      %broadcast_in_dim3A_598 = vector.broadcast %broadcast_in_dim3A_597 : vector<1024x1xi1> to vector<1024x128xi1>
      %broadcast_in_dim3A_599 = vector.broadcast %jit3A : f32 to vector<1024x128xf32>
      %select_n3A = arith.select %broadcast_in_dim3A_598, %max3A_68, %broadcast_in_dim3A_599 : vector<1024x128xi1>, vector<1024x128xf32>
      %get3A_600 = arith.constant 61 : index
      %get3A_601 = arith.constant 0 : index
      %get3A_602 = vector.load %arg18[%get3A_600, %get3A_601] : memref<64x128xf32, #tpu.memory_space<vmem>>, vector<1x128xf32>
      %reduce_max3A_603 = arith.constant dense<0xFF800000> : vector<128xf32>
      %reduce_max3A_604 = vector.multi_reduction <maximumf>, %select_n3A, %reduce_max3A_603 [0] : vector<1024x128xf32> to vector<128xf32>
      %broadcast_in_dim3A_605 = vector.shape_cast %reduce_max3A_604 : vector<128xf32> to vector<1x128xf32>
      %max3A_606 = arith.maximumf %get3A_602, %broadcast_in_dim3A_605 : vector<1x128xf32>
      %swap3A = arith.constant 61 : index
      %swap3A_607 = arith.constant 0 : index
      %swap3A_608 = vector.load %arg18[%swap3A, %swap3A_607] : memref<64x128xf32, #tpu.memory_space<vmem>>, vector<1x128xf32>
      tpu.vector_store %arg18[%swap3A, %swap3A_607], %max3A_606 {strides = array<i32>} : memref<64x128xf32, #tpu.memory_space<vmem>>, vector<1x128xf32>,
    } else {
    }
    %le3A_573 = arith.constant 62 : i32
    %le3A_574 = arith.cmpi sle, %reduce_min3A_75, %le3A_573 : i32
    %ge3A_575 = arith.constant 62 : i32
    %ge3A_576 = arith.cmpi sge, %reduce_max3A_79, %ge3A_575 : i32
    %and3A_577 = arith.andi %le3A_574, %ge3A_576 : i1
    %convert_element_type3A_578 = arith.extui %and3A_577 : i1 to i32
    %cond3A_579 = arith.constant 0 : i32
    %cond3A_580 = arith.cmpi ne, %convert_element_type3A_578, %cond3A_579 : i32
    scf.if %cond3A_580 {
      %eq3A_594 = arith.constant 62 : i32
      %eq3A_595 = vector.broadcast %eq3A_594 : i32 to vector<1024x1xi32>
      %eq3A_596 = arith.cmpi eq, %get3A_71, %eq3A_595 : vector<1024x1xi32>
      %jit3A = arith.constant 0xFF800000 : f32
      %broadcast_in_dim3A_597 = vector.shape_cast %eq3A_596 : vector<1024x1xi1> to vector<1024x1xi1>
      %broadcast_in_dim3A_598 = vector.broadcast %broadcast_in_dim3A_597 : vector<1024x1xi1> to vector<1024x128xi1>
      %broadcast_in_dim3A_599 = vector.broadcast %jit3A : f32 to vector<1024x128xf32>
      %select_n3A = arith.select %broadcast_in_dim3A_598, %max3A_68, %broadcast_in_dim3A_599 : vector<1024x128xi1>, vector<1024x128xf32>
      %get3A_600 = arith.constant 62 : index
      %get3A_601 = arith.constant 0 : index
      %get3A_602 = vector.load %arg18[%get3A_600, %get3A_601] : memref<64x128xf32, #tpu.memory_space<vmem>>, vector<1x128xf32>
      %reduce_max3A_603 = arith.constant dense<0xFF800000> : vector<128xf32>
      %reduce_max3A_604 = vector.multi_reduction <maximumf>, %select_n3A, %reduce_max3A_603 [0] : vector<1024x128xf32> to vector<128xf32>
      %broadcast_in_dim3A_605 = vector.shape_cast %reduce_max3A_604 : vector<128xf32> to vector<1x128xf32>
      %max3A_606 = arith.maximumf %get3A_602, %broadcast_in_dim3A_605 : vector<1x128xf32>
      %swap3A = arith.constant 62 : index
      %swap3A_607 = arith.constant 0 : index
      %swap3A_608 = vector.load %arg18[%swap3A, %swap3A_607] : memref<64x128xf32, #tpu.memory_space<vmem>>, vector<1x128xf32>
      tpu.vector_store %arg18[%swap3A, %swap3A_607], %max3A_606 {strides = array<i32>} : memref<64x128xf32, #tpu.memory_space<vmem>>, vector<1x128xf32>,
    } else {
    }
    %le3A_581 = arith.constant 63 : i32
    %le3A_582 = arith.cmpi sle, %reduce_min3A_75, %le3A_581 : i32
    %ge3A_583 = arith.constant 63 : i32
    %ge3A_584 = arith.cmpi sge, %reduce_max3A_79, %ge3A_583 : i32
    %and3A_585 = arith.andi %le3A_582, %ge3A_584 : i1
    %convert_element_type3A_586 = arith.extui %and3A_585 : i1 to i32
    %cond3A_587 = arith.constant 0 : i32
    %cond3A_588 = arith.cmpi ne, %convert_element_type3A_586, %cond3A_587 : i32
    scf.if %cond3A_588 {
      %eq3A_594 = arith.constant 63 : i32
      %eq3A_595 = vector.broadcast %eq3A_594 : i32 to vector<1024x1xi32>
      %eq3A_596 = arith.cmpi eq, %get3A_71, %eq3A_595 : vector<1024x1xi32>
      %jit3A = arith.constant 0xFF800000 : f32
      %broadcast_in_dim3A_597 = vector.shape_cast %eq3A_596 : vector<1024x1xi1> to vector<1024x1xi1>
      %broadcast_in_dim3A_598 = vector.broadcast %broadcast_in_dim3A_597 : vector<1024x1xi1> to vector<1024x128xi1>
      %broadcast_in_dim3A_599 = vector.broadcast %jit3A : f32 to vector<1024x128xf32>
      %select_n3A = arith.select %broadcast_in_dim3A_598, %max3A_68, %broadcast_in_dim3A_599 : vector<1024x128xi1>, vector<1024x128xf32>
      %get3A_600 = arith.constant 63 : index
      %get3A_601 = arith.constant 0 : index
      %get3A_602 = vector.load %arg18[%get3A_600, %get3A_601] : memref<64x128xf32, #tpu.memory_space<vmem>>, vector<1x128xf32>
      %reduce_max3A_603 = arith.constant dense<0xFF800000> : vector<128xf32>
      %reduce_max3A_604 = vector.multi_reduction <maximumf>, %select_n3A, %reduce_max3A_603 [0] : vector<1024x128xf32> to vector<128xf32>
      %broadcast_in_dim3A_605 = vector.shape_cast %reduce_max3A_604 : vector<128xf32> to vector<1x128xf32>
      %max3A_606 = arith.maximumf %get3A_602, %broadcast_in_dim3A_605 : vector<1x128xf32>
      %swap3A = arith.constant 63 : index
      %swap3A_607 = arith.constant 0 : index
      %swap3A_608 = vector.load %arg18[%swap3A, %swap3A_607] : memref<64x128xf32, #tpu.memory_space<vmem>>, vector<1x128xf32>
      tpu.vector_store %arg18[%swap3A, %swap3A_607], %max3A_606 {strides = array<i32>} : memref<64x128xf32, #tpu.memory_space<vmem>>, vector<1x128xf32>,
    } else {
    }
    %eq3A_589 = arith.constant 48 : i32
    %eq3A_590 = arith.cmpi eq, %arg0, %eq3A_589 : i32
    %convert_element_type3A_591 = arith.extui %eq3A_590 : i1 to i32
    %cond3A_592 = arith.constant 0 : i32
    %cond3A_593 = arith.cmpi ne, %convert_element_type3A_591, %cond3A_592 : i32
    scf.if %cond3A_593 {
      %get3A_594 = arith.constant 0 : index
      %get3A_595 = arith.constant 0 : index
      %get3A_596 = vector.load %arg18[%get3A_594, %get3A_595] : memref<64x128xf32, #tpu.memory_space<vmem>>, vector<64x128xf32>
      %is_finite3A = tpu.weird %get3A_596 : vector<64x128xf32> -> vector<64x128xi1>
      %is_finite3A_597 = arith.constant dense<true> : vector<64x128xi1>
      %is_finite3A_598 = arith.xori %is_finite3A, %is_finite3A_597 : vector<64x128xi1>
      %jit3A = arith.constant 0.000000e+00 : f32
      %broadcast_in_dim3A_599 = vector.broadcast %jit3A : f32 to vector<64x128xf32>
      %select_n3A = arith.select %is_finite3A_598, %get3A_596, %broadcast_in_dim3A_599 : vector<64x128xi1>, vector<64x128xf32>
      %get3A_600 = arith.constant 0 : index
      %get3A_601 = arith.constant 0 : index
      %get3A_602 = vector.load %arg8[%get3A_600, %get3A_601] : memref<64x33xf32, #tpu.memory_space<vmem>>, vector<64x33xf32>
      %get3A_603 = arith.constant 0 : index
      %get3A_604 = arith.constant 0 : index
      %get3A_605 = vector.load %arg9[%get3A_603, %get3A_604] : memref<33x128xf32, #tpu.memory_space<vmem>>, vector<33x128xf32>
      %dot_general3A_606 = arith.constant dense<0.000000e+00> : vector<64x128xf32>
      %dot_general3A_607 = tpu.matmul %get3A_602, %get3A_605, %dot_general3A_606 {dimension_numbers = #tpu.dot_dimension_numbers<[1], [0], [0], [1], [0, 0, 1, 1], [], []>, transpose_lhs_hint = false} : vector<64x33xf32>, vector<33x128xf32>, vector<64x128xf32> -> vector<64x128xf32>
      %get3A_608 = arith.constant 0 : index
      %get3A_609 = arith.constant 0 : index
      %get3A_610 = vector.load %arg10[%get3A_608, %get3A_609] : memref<1x128xf32, #tpu.memory_space<vmem>>, vector<1x128xf32>
      %add3A_611 = vector.broadcast %get3A_610 : vector<1x128xf32> to vector<64x128xf32>
      %add3A_612 = arith.addf %dot_general3A_607, %add3A_611 : vector<64x128xf32>
      %max3A_613 = arith.constant 0.000000e+00 : f32
      %max3A_614 = vector.broadcast %max3A_613 : f32 to vector<64x128xf32>
      %max3A_615 = arith.maximumf %add3A_612, %max3A_614 : vector<64x128xf32>
      %concatenate3A = tpu.concatenate %select_n3A, %max3A_615 in 1 : vector<64x128xf32>, vector<64x128xf32> -> vector<64x256xf32>
      %get3A_616 = arith.constant 0 : index
      %get3A_617 = arith.constant 0 : index
      %get3A_618 = vector.load %arg11[%get3A_616, %get3A_617] : memref<256x128xf32, #tpu.memory_space<vmem>>, vector<256x128xf32>
      %dot_general3A_619 = arith.constant dense<0.000000e+00> : vector<64x128xf32>
      %dot_general3A_620 = tpu.matmul %concatenate3A, %get3A_618, %dot_general3A_619 {dimension_numbers = #tpu.dot_dimension_numbers<[1], [0], [0], [1], [0, 0, 1, 1], [], []>, transpose_lhs_hint = false} : vector<64x256xf32>, vector<256x128xf32>, vector<64x128xf32> -> vector<64x128xf32>
      %get3A_621 = arith.constant 0 : index
      %get3A_622 = arith.constant 0 : index
      %get3A_623 = vector.load %arg12[%get3A_621, %get3A_622] : memref<1x128xf32, #tpu.memory_space<vmem>>, vector<1x128xf32>
      %add3A_624 = vector.broadcast %get3A_623 : vector<1x128xf32> to vector<64x128xf32>
      %add3A_625 = arith.addf %dot_general3A_620, %add3A_624 : vector<64x128xf32>
      %max3A_626 = arith.constant 0.000000e+00 : f32
      %max3A_627 = vector.broadcast %max3A_626 : f32 to vector<64x128xf32>
      %max3A_628 = arith.maximumf %add3A_625, %max3A_627 : vector<64x128xf32>
      %get3A_629 = arith.constant 0 : index
      %get3A_630 = arith.constant 0 : index
      %get3A_631 = vector.load %arg13[%get3A_629, %get3A_630] : memref<128x128xf32, #tpu.memory_space<vmem>>, vector<128x128xf32>
      %dot_general3A_632 = arith.constant dense<0.000000e+00> : vector<64x128xf32>
      %dot_general3A_633 = tpu.matmul %max3A_628, %get3A_631, %dot_general3A_632 {dimension_numbers = #tpu.dot_dimension_numbers<[1], [0], [0], [1], [0, 0, 1, 1], [], []>, transpose_lhs_hint = false} : vector<64x128xf32>, vector<128x128xf32>, vector<64x128xf32> -> vector<64x128xf32>
      %get3A_634 = arith.constant 0 : index
      %get3A_635 = arith.constant 0 : index
      %get3A_636 = vector.load %arg14[%get3A_634, %get3A_635] : memref<1x128xf32, #tpu.memory_space<vmem>>, vector<1x128xf32>
      %add3A_637 = vector.broadcast %get3A_636 : vector<1x128xf32> to vector<64x128xf32>
      %add3A_638 = arith.addf %dot_general3A_633, %add3A_637 : vector<64x128xf32>
      %max3A_639 = arith.constant 0.000000e+00 : f32
      %max3A_640 = vector.broadcast %max3A_639 : f32 to vector<64x128xf32>
      %max3A_641 = arith.maximumf %add3A_638, %max3A_640 : vector<64x128xf32>
      %get3A_642 = arith.constant 0 : index
      %get3A_643 = arith.constant 0 : index
      %get3A_644 = vector.load %arg15[%get3A_642, %get3A_643] : memref<128x1xf32, #tpu.memory_space<vmem>>, vector<128x1xf32>
      %dot_general3A_645 = arith.constant dense<0.000000e+00> : vector<64x1xf32>
      %dot_general3A_646 = tpu.matmul %max3A_641, %get3A_644, %dot_general3A_645 {dimension_numbers = #tpu.dot_dimension_numbers<[1], [0], [0], [1], [0, 0, 1, 1], [], []>, transpose_lhs_hint = false} : vector<64x128xf32>, vector<128x1xf32>, vector<64x1xf32> -> vector<64x1xf32>
      %get3A_647 = arith.constant 0 : index
      %get3A_648 = arith.constant 0 : index
      %get3A_649 = vector.load %arg16[%get3A_647, %get3A_648] : memref<1x1xf32, #tpu.memory_space<vmem>>, vector<1x1xf32>
      %add3A_650 = vector.broadcast %get3A_649 : vector<1x1xf32> to vector<64x1xf32>
      %add3A_651 = arith.addf %dot_general3A_646, %add3A_650 : vector<64x1xf32>
      %swap3A = arith.constant 0 : index
      %swap3A_652 = arith.constant 0 : index
      %swap3A_653 = vector.load %arg17[%swap3A, %swap3A_652] : memref<64x1xf32, #tpu.memory_space<vmem>>, vector<64x1xf32>
      tpu.vector_store %arg17[%swap3A, %swap3A_652], %add3A_651 {strides = array<i32>} : memref<64x1xf32, #tpu.memory_space<vmem>>, vector<64x1xf32>,
    } else {
    }
    return
  }
  func.func @transform_0(%arg0: i32) -> (i32, i32, i32) {
    %c0_i32 = arith.constant 0 : i32
    %c0_i32_0 = arith.constant 0 : i32
    %c0_i32_1 = arith.constant 0 : i32
    return %c0_i32, %arg0, %c0_i32_0 : i32, i32, i32
  }
  func.func @transform_1(%arg0: i32) -> (i32, i32, i32) {
    %c0_i32 = arith.constant 0 : i32
    %c0_i32_0 = arith.constant 0 : i32
    %c0_i32_1 = arith.constant 0 : i32
    return %c0_i32, %arg0, %c0_i32_0 : i32, i32, i32
  }
  func.func @transform_2(%arg0: i32) -> (i32, i32) {
    %c0_i32 = arith.constant 0 : i32
    %c0_i32_0 = arith.constant 0 : i32
    return %arg0, %c0_i32 : i32, i32
  }
  func.func @transform_3(%arg0: i32) -> (i32, i32) {
    %c0_i32 = arith.constant 0 : i32
    %c0_i32_0 = arith.constant 0 : i32
    return %arg0, %c0_i32 : i32, i32
  }
  func.func @transform_4(%arg0: i32) -> (i32, i32) {
    %c0_i32 = arith.constant 0 : i32
    %c0_i32_0 = arith.constant 0 : i32
    %c0_i32_1 = arith.constant 0 : i32
    return %c0_i32, %c0_i32_0 : i32, i32
  }
  func.func @transform_5(%arg0: i32) -> (i32, i32) {
    %c0_i32 = arith.constant 0 : i32
    %c0_i32_0 = arith.constant 0 : i32
    %c0_i32_1 = arith.constant 0 : i32
    return %c0_i32, %c0_i32_0 : i32, i32
  }
  func.func @transform_6(%arg0: i32) -> (i32, i32) {
    %c0_i32 = arith.constant 0 : i32
    %c0_i32_0 = arith.constant 0 : i32
    %c0_i32_1 = arith.constant 0 : i32
    return %c0_i32, %c0_i32_0 : i32, i32
  }
  func.func @transform_7(%arg0: i32) -> (i32, i32) {
    %c0_i32 = arith.constant 0 : i32
    %c0_i32_0 = arith.constant 0 : i32
    %c0_i32_1 = arith.constant 0 : i32
    return %c0_i32, %c0_i32_0 : i32, i32
  }
  func.func @transform_8(%arg0: i32) -> (i32, i32) {
    %c0_i32 = arith.constant 0 : i32
    %c0_i32_0 = arith.constant 0 : i32
    %c0_i32_1 = arith.constant 0 : i32
    return %c0_i32, %c0_i32_0 : i32, i32
  }
  func.func @transform_9(%arg0: i32) -> (i32, i32) {
    %c0_i32 = arith.constant 0 : i32
    %c0_i32_0 = arith.constant 0 : i32
    %c0_i32_1 = arith.constant 0 : i32
    return %c0_i32, %c0_i32_0 : i32, i32
  }
  func.func @transform_10(%arg0: i32) -> (i32, i32) {
    %c0_i32 = arith.constant 0 : i32
    %c0_i32_0 = arith.constant 0 : i32
    %c0_i32_1 = arith.constant 0 : i32
    return %c0_i32, %c0_i32_0 : i32, i32
  }
  func.func @transform_11(%arg0: i32) -> (i32, i32) {
    %c0_i32 = arith.constant 0 : i32
    %c0_i32_0 = arith.constant 0 : i32
    %c0_i32_1 = arith.constant 0 : i32
    return %c0_i32, %c0_i32_0 : i32, i32
  }
  func.func @transform_12(%arg0: i32) -> (i32, i32) {
    %c0_i32 = arith.constant 0 : i32
    %c0_i32_0 = arith.constant 0 : i32
    %c0_i32_1 = arith.constant 0 : i32
    return %c0_i32, %c0_i32_0 : i32, i32
  }
  func.func @transform_13(%arg0: i32) -> (i32, i32) {
    %c0_i32 = arith.constant 0 : i32
    %c0_i32_0 = arith.constant 0 : i32
    %c0_i32_1 = arith.constant 0 : i32
    return %c0_i32, %c0_i32_0 : i32, i32
  }
  func.func @transform_14(%arg0: i32) -> (i32, i32) {
    %c0_i32 = arith.constant 0 : i32
    %c0_i32_0 = arith.constant 0 : i32
    %c0_i32_1 = arith.constant 0 : i32
    return %c0_i32, %c0_i32_0 : i32, i32
  }
  func.func @transform_15(%arg0: i32) -> (i32, i32) {
    %c0_i32 = arith.constant 0 : i32
    %c0_i32_0 = arith.constant 0 : i32
    %c0_i32_1 = arith.constant 0 : i32
    return %c0_i32, %c0_i32_0 : i32, i32
  }
  func.func @transform_16(%arg0: i32) -> (i32, i32) {
    %c0_i32 = arith.constant 0 : i32
    %c0_i32_0 = arith.constant 0 : i32
    %c0_i32_1 = arith.constant 0 : i32
    return %c0_i32, %c0_i32_0 : i32, i32
  }
}

</mosaic_0001>

<sc_bundles>
// kernel: kernel.10.cloned.1.call-start
scs
__scs_entry_jumppad:
0x0: {  	(pc) =	sbr.rel $0x88, $3  }
0x1: {  	(tag) =	ssettag $0x0;
	lr =	simm.s32 $0x1  }
0x2: {  	[smem:$0x3F8F] =	sst lr;
	_ =	strace $0xD0000000  }
0x3: {  	_ = 	snop  }
0x4: {  	_ = 	snop  }
0x5: {  	_ = 	snop  }
0x6: {  	_ = 	snop  }
0x7: {  	_ = 	snop  }
__scs_overlays_trampoline_lowered:
0x8: {  	[smem:$0x3F9E] =	sst s0  }
0x9: {  	[smem:$0x3F9F] =	sst s1  }
0xa: {  	[smem:$0x3FA0] =	sst s2  }
0xb: {  	[smem:$0x3FA1] =	sst s3  }
0xc: {  	[smem:$0x3FA2] =	sst s4  }
0xd: {  	[smem:$0x3FA3] =	sst s5  }
0xe: {  	[smem:$0x3FA4] =	sst s6  }
0xf: {  	[smem:$0x3FA5] =	sst s7  }
0x10: {  	[smem:$0x3FA6] =	sst s8  }
0x11: {  	[smem:$0x3FA7] =	sst s9;
	s0 =	simm.s32 @!p0 $0x0  }
0x12: {  	s1 =	sld [smem:$0x3F8D];
	s0 =	simm.s32 @p0 $0x1  }
0x13: {  	[smem:$0x3FA8] =	sst s0;
	s0 =	simm.s32 @!p1 $0x0  }
0x14: {  	s2 =	sld [smem:$0x3F8C];
	s0 =	simm.s32 @p1 $0x1  }
0x15: {  	[smem:$0x3FA9] =	sst s0;
	s0 =	simm.s32 @!p2 $0x0  }
0x16: {  	s3 =	sld [smem:$0x3FDB];
	s0 =	simm.s32 @p2 $0x1  }
0x17: {  	s4 =	simm.s32 $0x1BF5;
	[smem:$0x3FAB] =	sst s0  }
0x18: {  	s0 =	sld [smem:$0x3F8E];
	_ =	swait.ge [sflag:s4], $0x0  }
0x19: {  	s7 =	sld [smem:$0x3F8F]  }
0x1a: {  	s8 =	sadd.s32 $0xFFFFE003, lr  }
0x1b: {  	s9 =	sadd.s32 $0xFFFFFEF7, lr;
	s5 =	simm.s32 $0xFFFFFFFF;
	p2 =	slt.u32 s8, $0xFFFFF086  }
0x1c: {  	p1 =	slt.u32 s9, $0xF7A;
	s5 =	simm.s32 @!p2 $0x0  }
0x1d: {  	s5 =	simm.s32 @p1 $0x1;
	p0 =	seq.s32 s7, s2  }
0x1e: {  	s7 =	smul.u32 @!p0 $0xF7A, s2;
	p2 =	seq.s32 @!p0 s5, $0x0  }
0x1f: {  	s9 =	smul.u32 $0xF7A, s1;
	s8 =	simm.s32 @!p0 $0x1BF5;
	p2 =	por !p2, p0  }
0x20: {  	[sflag:s8] =	ssyncset.s32 @!p0 $0xFFFFF086;
	s6 =	sadd.s32 @!p0 s3, s7;
	s7 =	simm.s32 @!p0 $0x108  }
0x21: {  	s3 =	sadd.s32 s3, s9;
	s6 =	sadd.s32 @!p0 $0x88, s6;
	s7 =	simm.s32 @p2 $0x1082  }
0x22: {  	[simem:s7], [sflag:s8] =	dma.local @!p0 [hbm:s6], $0xF7A  }
0x23: {  	s9 =	sor.u32 $0xD0000000, s2;
	s6 =	simm.s32 $0x108;
	_ =	swait.ge @!p0 [sflag:s8], $0x0  }
0x24: {  	s3 =	sadd.s32 $0x88, s3;
	s6 =	simm.s32 @!p1 $0x1082;
	[sflag:s4] =	ssyncset.s32 $0xFFFFF086  }
0x25: {  	[simem:s6], [sflag:s4] =	dma.local [hbm:s3], $0xF7A  }
0x26: {  	[smem:$0x3F8F] =	sst s1;
	(tag) =	ssettag s2;
	_ =	strace s9  }
0x27: {  	s1 =	sld [smem:$0x3F9F]  }
0x28: {  	s2 =	sld [smem:$0x3FA0]  }
0x29: {  	s4 =	sld [smem:$0x3FA2]  }
0x2a: {  	p0 =	seq.s32 s5, $0x0;
	s5 =	sld [smem:$0x3FA3]  }
0x2b: {  	s6 =	sld [smem:$0x3FA4]  }
0x2c: {  	s7 =	sld [smem:$0x3FA5]  }
0x2d: {  	s3 =	simm.s32 $0x108;
	s8 =	sld [smem:$0x3FA6]  }
0x2e: {  	s3 =	simm.s32 @!p0 $0x1082;
	s9 =	sld [smem:$0x3FA7]  }
0x2f: {  	lr =	sadd.s32 s0, s3;
	s0 =	sld [smem:$0x3F9E]  }
0x30: {  	s3 =	sld [smem:$0x3FA1]  }
0x31: {  	[smem:$0x3FAA] =	sst s10  }
0x32: {  	s10 =	sld [smem:$0x3FA8];
	_ =	sdelay $0x3  }
0x33: {  	p0 =	seq.s32 s10, $0x1;
	s10 =	sld [smem:$0x3FAA];
	_ =	sdelay $0x3  }
0x34: {  	[smem:$0x3FAA] =	sst s10  }
0x35: {  	s10 =	sld [smem:$0x3FA9];
	_ =	sdelay $0x3  }
0x36: {  	p1 =	seq.s32 s10, $0x1;
	s10 =	sld [smem:$0x3FAA];
	_ =	sdelay $0x3  }
0x37: {  	[smem:$0x3FAA] =	sst s10  }
0x38: {  	s10 =	sld [smem:$0x3FAB]  }
0x39: {  	_ = 	snop;
	(pc) =	sbr.ind lr, $3  }
0x3a: {  	_ = 	snop  }
0x3b: {  	_ = 	snop  }
0x3c: {  	p2 =	seq.s32 s10, $0x1;
	s10 =	sld [smem:$0x3FAA]  }
0x3d: {  	_ =	shalt  }
0x3e: {  	_ =	shalt  }
0x3f: {  	_ =	shalt  }
0x40: {  	_ =	shalt  }
0x41: {  	_ =	shalt  }
0x42: {  	_ =	shalt  }
0x43: {  	_ =	shalt  }
0x44: {  	_ =	shalt  }
0x45: {  	_ =	shalt  }
0x46: {  	_ =	shalt  }
0x47: {  	_ =	shalt  }
0x48: {  	_ =	shalt  }
0x49: {  	_ =	shalt  }
0x4a: {  	_ =	shalt  }
0x4b: {  	_ =	shalt  }
0x4c: {  	_ =	shalt  }
0x4d: {  	_ =	shalt  }
0x4e: {  	_ =	shalt  }
0x4f: {  	_ =	shalt  }
0x50: {  	_ =	shalt  }
0x51: {  	_ =	shalt  }
0x52: {  	_ =	shalt  }
0x53: {  	_ =	shalt  }
0x54: {  	_ =	shalt  }
0x55: {  	_ =	shalt  }
0x56: {  	_ =	shalt  }
0x57: {  	_ =	shalt  }
0x58: {  	_ =	shalt  }
0x59: {  	_ =	shalt  }
0x5a: {  	_ =	shalt  }
0x5b: {  	_ =	shalt  }
0x5c: {  	_ =	shalt  }
0x5d: {  	_ =	shalt  }
0x5e: {  	_ =	shalt  }
0x5f: {  	_ =	shalt  }
0x60: {  	_ =	shalt  }
0x61: {  	_ =	shalt  }
0x62: {  	_ =	shalt  }
0x63: {  	_ =	shalt  }
0x64: {  	_ =	shalt  }
0x65: {  	_ =	shalt  }
0x66: {  	_ =	shalt  }
0x67: {  	_ =	shalt  }
0x68: {  	_ =	shalt  }
0x69: {  	_ =	shalt  }
0x6a: {  	_ =	shalt  }
0x6b: {  	_ =	shalt  }
0x6c: {  	_ =	shalt  }
0x6d: {  	_ =	shalt  }
0x6e: {  	_ =	shalt  }
0x6f: {  	_ =	shalt  }
0x70: {  	_ =	shalt  }
0x71: {  	_ =	shalt  }
0x72: {  	_ =	shalt  }
0x73: {  	_ =	shalt  }
0x74: {  	_ =	shalt  }
0x75: {  	_ =	shalt  }
0x76: {  	_ =	shalt  }
0x77: {  	_ =	shalt  }
0x78: {  	_ =	shalt  }
0x79: {  	_ =	shalt  }
0x7a: {  	_ =	shalt  }
0x7b: {  	_ =	shalt  }
0x7c: {  	_ =	shalt  }
0x7d: {  	_ =	shalt  }
0x7e: {  	_ =	shalt  }
0x7f: {  	_ =	shalt  }
0x80: {  	_ =	shalt  }
0x81: {  	_ =	shalt  }
0x82: {  	_ =	shalt  }
0x83: {  	_ =	shalt  }
0x84: {  	_ =	shalt  }
0x85: {  	_ =	shalt  }
0x86: {  	_ =	shalt  }
0x87: {  	_ =	shalt  }
.Lfunc_end0:
.L_simem_size_0:
called_computation.1_lowered:
.L_overlay_start_0:
0x88: {  	s2 =	sld [smem:$0x3FD9]  }
0x89: {  	s3 =	sld [smem:$0x3FFE];
	_ =	sdelay $0x1  }
0x8a: {  	s1 =	srdreg.scid  }
0x8b: {  	s0 =	sand.u32 $0x1, s1  }
0x8c: {  	s16 =	sshll.u32 s0, $0xA;
	s2 =	sadd.s32 s3, s2  }
0x8d: {  	s2 =	sadd.s32 s2, s16  }
0x8e: {  	[smem:$0x3FB6] =	sst s2  }
0x8f: {  	_ = 	snop  }
0x90: {  	(tm) =	ssettm $0x1  }
0x91: {  	s17 =	sld [smem:$0x3FFB];
	_ =	sdelay $0x3  }
0x92: {  	_ =	strace s17  }
0x93: {  	s2 =	sld [smem:$0x3FFC];
	_ =	sdelay $0x3  }
0x94: {  	_ =	strace s2  }
0x95: {  	s2 =	sld [smem:$0x3FFD];
	_ =	sdelay $0x3  }
0x96: {  	_ =	strace s2  }
0x97: {  	_ =	strace $0x8FFFFFFF  }
0x98: {  	s18 =	sld [smem:$0x3FDB];
	_ =	sdelay $0x1  }
0x99: {  	s19 =	simm.s32 $_scs_section_size  }
0x9a: {  	s4 =	simm.s32 $_size__tile_overlayer_lowered;
	s5 =	simm.s32 $_tile_overlayer_lowered  }
0x9b: {  	s22 =	simm.s32 $0x1BFF;
	s21 =	sshll.u32 s5, $0x1;
	s2 =	sadd.s32 s19, s18  }
0x9c: {  	s6 =	simm.s32 $0x0;
	s20 =	sshll.u32 s4, $0x1;
	s4 =	sadd.s32 s21, s2  }
0x9d: {  	[timem:s6], [sflag:s22] =	dma.local [hbm:s4], s20  }
0x9e: {  	_ =	swait.ge [sflag:s22], s20  }
0x9f: {  	s3 =	ssub.s32 $0x0, s20;
	[sflag:s22] =	ssyncset.done $0x0  }
0xa0: {  	[sflag:s22] =	ssyncadd.s32 s3;
	_ =	sdelay $0x1  }
0xa1: {  	s23 =	simm.s32 $0x1B8B  }
0xa2: {  	_ =	swait.ge [sflag:s23], $0x1  }
0xa3: {  	[sflag:s23] =	ssyncset.done $0x0  }
0xa4: {  	s25 =	simm.s32 $0x1B8E;
	s24 =	sld [smem:$0x3FFE];
	[sflag:s23] =	ssyncadd.s32 $0xFFFFFFFF  }
0xa5: {  	s26 =	simm.s32 $execute0_lowered;
	[smem:$0x3FD2] =	sst s25  }
0xa6: {  	s4 =	sshll.u32 s26, $0x1;
	_ =	strace $0x80000049;
	[dreg:$0x1] =	wrdreg $0xFFFFFFFF  }
0xa7: {  	s28 =	simm.s32 $_size_execute0_lowered;
	s2 =	sadd.s32 s2, s4;
	[dreg:$0x0] =	wrdreg $0x0  }
0xa8: {  	s4 =	sshll.u32 s28, $0x1;
	[dreg:$0x2] =	wrdreg s2  }
0xa9: {  	[dreg:$0x3] =	wrdreg s4  }
0xaa: {  	[dreg:$0x4] =	wrdreg $0xC0  }
0xab: {  	_ =	task [dreg:s6], $0x5FFFF  }
0xac: {  	[dreg:$0x1] =	wrdreg $0xFFFFFFFF  }
0xad: {  	[dreg:$0x0] =	wrdreg $0x60  }
0xae: {  	[dreg:$0x2] =	wrdreg s24  }
0xaf: {  	[dreg:$0x3] =	wrdreg $0x0  }
0xb0: {  	[dreg:$0x4] =	wrdreg $0x9  }
0xb1: {  	_ =	task.clear_ibuf [dreg:s6], $0x5FFFF;
	_ =	strace $0x90000049  }
0xb2: {  	s29 =	simm.s32 $0x9;
	_ =	strace $0x8000004B  }
0xb3: {  	_ =	swait.ge [sflag:s29], $0x1  }
0xb4: {  	[sflag:s29] =	ssyncadd.s32 $0xFFFFFFFF  }
0xb5: {  	_ =	strace $0x9000004B  }
0xb6: {  	_ =	sfence  }
0xb7: {  	s30 =	sld [smem:$0x0];
	_ =	sdelay $0x2  }
0xb8: {  	s31 =	sshll.u32 s1, $0xD;
	s1 =	sshrl.u32 s1, $0x2  }
0xb9: {  	s3 =	sand.u32 $0x4000, s31;
	s1 =	sadd.s32 s1, s30  }
0xba: {  	s0 =	sor.u32 s3, s0;
	s1 =	sshll.u32 s1, $0x11  }
0xbb: {  	s0 =	sor.u32 s1, s0  }
0xbc: {  	s0 =	sadd.s32 $0x8F2B, s0  }
0xbd: {  	[sflag:s0] =	ssyncadd.remote.s32 $0x1  }
0xbe: {  	_ =	sfence.sel $0xFFFF  }
0xbf: {  	[dreg:$0x0] =	wrdreg $0xFFFFFFFF;
	(pc) =	sbr.abs _section_cstart, $3  }
0xc0: {  	[dreg:$0x1] =	wrdreg $0xFFFFFFFF  }
0xc1: {  	_ =	task.clear_ibuf [dreg:s6], $0x2FFFF;
	_ =	strace $0x9FFFFFFF  }
0xc2: {  	(tm) =	ssettm $0x7FFFFFFF  }
0xc3: {  	_ =	shalt  }
tec
execute0_lowered:
.L_overlay_start_1:
0x0: {  	(tag) =	ssettag $0x1  }
0x1: {  	s0 =	rddreg [dreg:$0x0]  }
0x2: {  	s2 =	rddreg [dreg:$0x1];
	s4 =	simm.s32 $0x0  }
0x3: {  	s3 =	stileid.u32;
	s1 =	srdreg.scid;
	s15 =	simm.s32 $0x7  }
0x4: {  	s17 =	simm.s32 $0x80;
	s18 =	simm.s32 $0x18C00;
	s28 =	simm.s32 $0x1  }
0x5: {  	s29 =	simm.s32 $0x18900;
	s30 =	simm.s32 $0x18980;
	s20 =	smul.u32 $0x3200, s3  }
0x6: {  	s31 =	simm.s32 $0x5;
	[smem:$0x7FF] =	sst s4;
	s9 =	smul.u32 $0x31000, s3  }
0x7: {  	s1 =	sand.u32 $0x1, s1;
	s6 =	sadd.s32 $0xF6800, s0;
	s10 =	smul.u32 $0xC8, s3  }
0x8: {  	s23 =	sshll.u32 s3, $0x6;
	_ =	strace $0x8000004A;
	s5 =	smul.u32 $0x31000, s1  }
0x9: {  	s1 =	ssub.s32 $0x2, s1;
	[dreg:$0x3] =	wrdreg s6;
	s3 =	sor.u32 $0x1C07, s23  }
0xa: {  	s23 =	simm.s32 $0x1AC00;
	s4 =	sadd.s32 s20, s0;
	s21 =	sshrl.u32 s1, $0x1  }
0xb: {  	s22 =	sshrl.u32 s9, $0x1;
	s9 =	sshrl.u32 s9, $0x4;
	s13 =	sor.u32 $0x5, s10  }
0xc: {  	s20 =	simm.s32 $0x19C00;
	[dreg:$0x4] =	wrdreg s3;
	s0 =	sadd.s32 s5, s0  }
0xd: {  	s1 =	ssub.s32 s1, s21;
	s5 =	sadd.s32 $0xC8, s10;
	s11 =	sadd.s32 s22, s2  }
0xe: {  	s7 =	sadd.s32 $0xF9A00, s4;
	s24 =	sadd.s32 $0xF9A40, s4;
	s25 =	sadd.s32 $0xF9A80, s4  }
0xf: {  	s26 =	sadd.s32 $0xF9AC0, s4;
	s21 =	simm.s32 $0x18A00;
	s22 =	simm.s32 $0x4  }
0x10: {  	s4 =	simm.s32 $0x18B00;
	s10 =	simm.s32 $0x6;
	[dreg:$0x5] =	wrdreg s24  }
0x11: {  	s8 =	sadd.s32 $0x12BA00, s0;
	s0 =	sadd.s32 $0x18DA00, s0;
	[dreg:$0x7] =	wrdreg s25  }
0x12: {  	s1 =	smax.u32 s1, $0x1;
	[dreg:$0x8] =	wrdreg s26;
	s6 =	sshrl.u32 s11, $0x3  }
0x13: {  	s25 =	simm.s32 $0x18A80;
	s26 =	simm.s32 $0x1BC00;
	[dreg:$0x6] =	wrdreg s1  }
0x14: {  	s11 =	simm.s32 $0x0;
	s0 =	sadd.s32 s9, s0;
	[dreg:$0x9] =	wrdreg s6  }
0x15: {  	s1 =	simm.s32 $0x2;
	s9 =	simm.s32 $0x18B80;
	[dreg:$0xa] =	wrdreg s0  }
.LBB2_1:
0x16: {  	s0 =	rddreg [dreg:$0x3]  }
0x17: {  	[spmem:s6], [sflag:s3] =	dma.local [hbm:s0], $0x3100  }
0x18: {  	_ =	swait.ge [sflag:s15], $0x3100  }
0x19: {  	[sflag:s15] =	ssyncset.done $0x0  }
0x1a: {  	[sflag:s15] =	ssyncadd.s32 $0xFFFFCF00  }
0x1b: {  	s19 =	simm.s32 $0x18800;
	s0 =	simm.s32 $0x0;
	[bflag:$0x0] =	sbarrier.arrive $0xFFFF  }
0x1c: {  	[tilespmem:s19], [sflag:$0x7] =	stream.linear.gather [hbm4b:s7+s0], $0x200, $0x38;
	[tilespmem:$0x1CC00] =	vst v63  }
0x1d: {  	_ =	swait.ge [sflag:s15], $0x200  }
0x1e: {  	[sflag:s15] =	ssyncset.done $0x0  }
0x1f: {  	[sflag:s15] =	ssyncadd.s32 $0xFFFFFE00  }
0x20: {  	[tilespmem:s18], [sflag:$0x1] =	stream.indirect.gather [hbm4b:s8+s17], $0x20, s19, s17, $0xb8;
	[tilespmem:$0x1CC00] =	vst v63  }
0x21: {  	s12 =	simm.s32 $0x18880  }
0x22: {  	[tilespmem:s20], [sflag:$0x1] =	stream.indirect.gather [hbm4b:s8+s17], $0x20, s12, s17, $0xb8;
	[tilespmem:$0x1CC00] =	vst v63  }
0x23: {  	s24 =	rddreg [dreg:$0x5]  }
0x24: {  	[tilespmem:s21], [sflag:$0x4] =	stream.linear.gather [hbm4b:s24+s0], $0x200, $0x38;
	[tilespmem:$0x1CC00] =	vst v63  }
0x25: {  	_ =	swait.ge [sflag:s22], $0x200  }
0x26: {  	[sflag:s22] =	ssyncset.done $0x0  }
0x27: {  	[sflag:s22] =	ssyncadd.s32 $0xFFFFFE00  }
0x28: {  	[tilespmem:s23], [sflag:$0x2] =	stream.indirect.gather [hbm4b:s8+s17], $0x20, s21, s17, $0xb8;
	[tilespmem:$0x1CC00] =	vst v63  }
0x29: {  	_ = 	snop  }
0x2a: {  	[tilespmem:s26], [sflag:$0x2] =	stream.indirect.gather [hbm4b:s8+s17], $0x20, s25, s17, $0xb8;
	[tilespmem:$0x1CC00] =	vst v63  }
0x2b: {  	_ =	swait.ge [sflag:s28], $0x1000  }
0x2c: {  	[sflag:s28] =	ssyncset.done $0x0  }
0x2d: {  	[sflag:s28] =	ssyncadd.s32 $0xFFFFF000  }
0x2e: {  	[spmem:s2] =	stream.indirect.scatter.add.bf16 [tilespmem:s18], [sflag:$0x5], $0x20, s29, s17, $0xb8;
	[tilespmem:$0x1CC00] =	vst v63  }
0x2f: {  	_ =	swait.ge [sflag:s28], $0x1000  }
0x30: {  	[sflag:s28] =	ssyncset.done $0x0  }
0x31: {  	[sflag:s28] =	ssyncadd.s32 $0xFFFFF000  }
0x32: {  	[spmem:s2] =	stream.indirect.scatter.add.bf16 [tilespmem:s20], [sflag:$0x5], $0x20, s30, s17, $0xb8;
	[tilespmem:$0x1CC00] =	vst v63  }
0x33: {  	s14 =	rddreg [dreg:$0x7]  }
0x34: {  	[tilespmem:s19], [sflag:$0x3] =	stream.linear.gather [hbm4b:s14+s0], $0x200, $0x38;
	[tilespmem:$0x1CC00] =	vst v63  }
0x35: {  	_ =	swait.ge [sflag:s31], $0x1000  }
0x36: {  	[sflag:s31] =	ssyncset.done $0x0  }
0x37: {  	[sflag:s31] =	ssyncadd.s32 $0xFFFFF000  }
0x38: {  	_ =	swait.ge [sflag:s31], $0x1000  }
0x39: {  	[sflag:s31] =	ssyncset.done $0x0  }
0x3a: {  	s16 =	simm.s32 $0x3;
	[sflag:s31] =	ssyncadd.s32 $0xFFFFF000  }
0x3b: {  	_ =	swait.ge [sflag:s16], $0x200  }
0x3c: {  	[sflag:s16] =	ssyncset.done $0x0  }
0x3d: {  	[sflag:s16] =	ssyncadd.s32 $0xFFFFFE00  }
0x3e: {  	[tilespmem:s18], [sflag:$0x1] =	stream.indirect.gather [hbm4b:s8+s17], $0x20, s19, s17, $0xb8;
	[tilespmem:$0x1CC00] =	vst v63  }
0x3f: {  	_ = 	snop  }
0x40: {  	[tilespmem:s20], [sflag:$0x1] =	stream.indirect.gather [hbm4b:s8+s17], $0x20, s12, s17, $0xb8;
	[tilespmem:$0x1CC00] =	vst v63  }
0x41: {  	_ =	swait.ge [sflag:s1], $0x1000  }
0x42: {  	[sflag:s1] =	ssyncset.done $0x0  }
0x43: {  	[sflag:s1] =	ssyncadd.s32 $0xFFFFF000  }
0x44: {  	[spmem:s2] =	stream.indirect.scatter.add.bf16 [tilespmem:s23], [sflag:$0x6], $0x20, s4, s17, $0xb8;
	[tilespmem:$0x1CC00] =	vst v63  }
0x45: {  	_ =	swait.ge [sflag:s1], $0x1000  }
0x46: {  	[sflag:s1] =	ssyncset.done $0x0  }
0x47: {  	[sflag:s1] =	ssyncadd.s32 $0xFFFFF000  }
0x48: {  	[spmem:s2] =	stream.indirect.scatter.add.bf16 [tilespmem:s26], [sflag:$0x6], $0x20, s9, s17, $0xb8;
	[tilespmem:$0x1CC00] =	vst v63  }
0x49: {  	s19 =	rddreg [dreg:$0x8]  }
0x4a: {  	[tilespmem:s21], [sflag:$0x4] =	stream.linear.gather [hbm4b:s19+s0], $0x200, $0x38;
	[tilespmem:$0x1CC00] =	vst v63  }
0x4b: {  	_ =	swait.ge [sflag:s10], $0x1000  }
0x4c: {  	[sflag:s10] =	ssyncset.done $0x0  }
0x4d: {  	[sflag:s10] =	ssyncadd.s32 $0xFFFFF000  }
0x4e: {  	_ =	swait.ge [sflag:s10], $0x1000  }
0x4f: {  	[sflag:s10] =	ssyncset.done $0x0  }
0x50: {  	[sflag:s10] =	ssyncadd.s32 $0xFFFFF000  }
0x51: {  	_ =	swait.ge [sflag:s22], $0x200  }
0x52: {  	[sflag:s22] =	ssyncset.done $0x0  }
0x53: {  	[sflag:s22] =	ssyncadd.s32 $0xFFFFFE00  }
0x54: {  	[tilespmem:s23], [sflag:$0x2] =	stream.indirect.gather [hbm4b:s8+s17], $0x20, s21, s17, $0xb8;
	[tilespmem:$0x1CC00] =	vst v63  }
0x55: {  	_ = 	snop  }
0x56: {  	[tilespmem:s26], [sflag:$0x2] =	stream.indirect.gather [hbm4b:s8+s17], $0x20, s25, s17, $0xb8;
	[tilespmem:$0x1CC00] =	vst v63  }
0x57: {  	_ =	swait.ge [sflag:s28], $0x1000  }
0x58: {  	[sflag:s28] =	ssyncset.done $0x0  }
0x59: {  	[sflag:s28] =	ssyncadd.s32 $0xFFFFF000  }
0x5a: {  	[spmem:s2] =	stream.indirect.scatter.add.bf16 [tilespmem:s18], [sflag:$0x5], $0x20, s29, s17, $0xb8;
	[tilespmem:$0x1CC00] =	vst v63  }
0x5b: {  	s24 =	sadd.s32 $0xFFFFFFFF, s13;
	_ =	swait.ge [sflag:s28], $0x1000  }
0x5c: {  	p0 =	sge.u32 s24, s5;
	[sflag:s28] =	ssyncset.done $0x0  }
0x5d: {  	s24 =	simm.s32 @!p0 $0x5;
	s0 =	sadd.s32 @!p0 $0xFFFFCF00, s7;
	[sflag:s28] =	ssyncadd.s32 $0xFFFFF000  }
0x5e: {  	[spmem:s2] =	stream.indirect.scatter.add.bf16 [tilespmem:s20], [sflag:$0x5], $0x20, s30, s17, $0xb8;
	[tilespmem:$0x1CC00] =	vst v63  }
0x5f: {  	s12 =	simm.s32 @!p0 $0x0;
	s19 =	simm.s32 @!p0 $0x18800;
	s0 =	sadd.s32 @!p0 $0x3200, s0  }
0x60: {  	[tilespmem:s19], [sflag:$0x3] =	stream.linear.gather @!p0 [hbm4b:s0+s12], $0x200, $0x38;
	[tilespmem:$0x1CC00] =	vst v63  }
0x61: {  	_ =	swait.ge @!p0 [sflag:s24], $0x1000  }
0x62: {  	[sflag:s24] =	ssyncset.done @!p0 $0x0  }
0x63: {  	[sflag:s24] =	ssyncadd.s32 @!p0 $0xFFFFF000  }
0x64: {  	_ =	swait.ge @!p0 [sflag:s24], $0x1000  }
0x65: {  	[sflag:s24] =	ssyncset.done @!p0 $0x0  }
0x66: {  	s0 =	simm.s32 @!p0 $0x3;
	[sflag:s24] =	ssyncadd.s32 @!p0 $0xFFFFF000  }
0x67: {  	_ =	swait.ge @!p0 [sflag:s0], $0x200  }
0x68: {  	[sflag:s0] =	ssyncset.done @!p0 $0x0  }
0x69: {  	s12 =	simm.s32 @!p0 $0x80;
	s24 =	simm.s32 @!p0 $0x18C00;
	[sflag:s0] =	ssyncadd.s32 @!p0 $0xFFFFFE00  }
0x6a: {  	[tilespmem:s24], [sflag:$0x1] =	stream.indirect.gather @!p0 [hbm4b:s8+s12], $0x20, s19, s12, $0xb8;
	[tilespmem:$0x1CC00] =	vst v63  }
0x6b: {  	s0 =	simm.s32 @!p0 $0x18880;
	s19 =	simm.s32 @!p0 $0x19C00  }
0x6c: {  	[tilespmem:s19], [sflag:$0x1] =	stream.indirect.gather @!p0 [hbm4b:s8+s12], $0x20, s0, s12, $0xb8;
	[tilespmem:$0x1CC00] =	vst v63  }
0x6d: {  	_ =	swait.ge [sflag:s1], $0x1000  }
0x6e: {  	[sflag:s1] =	ssyncset.done $0x0  }
0x6f: {  	[sflag:s1] =	ssyncadd.s32 $0xFFFFF000  }
0x70: {  	[spmem:s2] =	stream.indirect.scatter.add.bf16 [tilespmem:s23], [sflag:$0x6], $0x20, s4, s17, $0xb8;
	[tilespmem:$0x1CC00] =	vst v63  }
0x71: {  	p1 =	sge.u32 s13, s5;
	_ =	swait.ge [sflag:s1], $0x1000  }
0x72: {  	s24 =	sadd.s32 @!p1 $0xFFFFCF00, s7;
	s12 =	simm.s32 $0xFFFFCF80;
	[sflag:s1] =	ssyncset.done $0x0  }
0x73: {  	s19 =	sadd.s32 $0x2, s13;
	s0 =	simm.s32 @!p1 $0x18A00;
	[sflag:s1] =	ssyncadd.s32 $0xFFFFF000  }
0x74: {  	[spmem:s2] =	stream.indirect.scatter.add.bf16 [tilespmem:s26], [sflag:$0x6], $0x20, s9, s17, $0xb8;
	[tilespmem:$0x1CC00] =	vst v63  }
.LBB2_2:
0x75: {  	s3 =	sadd.s32 @!p1 $0x3240, s24  }
0x76: {  	s6 =	simm.s32 @!p1 $0x0;
	s24 =	smov.u32 s12;
	s12 =	sadd.s32 $0x80, s12  }
0x77: {  	[tilespmem:s0], [sflag:$0x4] =	stream.linear.gather @!p1 [hbm4b:s3+s6], $0x200, $0x38;
	[tilespmem:$0x1CC00] =	vst v63  }
0x78: {  	p0 =	sne.s32 s12, $0x0;
	_ =	swait.ge [sflag:s10], $0x1000  }
0x79: {  	[sflag:s10] =	ssyncset.done $0x0  }
0x7a: {  	[sflag:s10] =	ssyncadd.s32 $0xFFFFF000  }
0x7b: {  	_ =	swait.ge [sflag:s10], $0x1000  }
0x7c: {  	[sflag:s10] =	ssyncset.done $0x0  }
0x7d: {  	[sflag:s10] =	ssyncadd.s32 $0xFFFFF000  }
0x7e: {  	_ =	swait.ge [sflag:s22], $0x200  }
0x7f: {  	[sflag:s22] =	ssyncset.done $0x0  }
0x80: {  	[sflag:s22] =	ssyncadd.s32 $0xFFFFFE00  }
0x81: {  	[tilespmem:s23], [sflag:$0x2] =	stream.indirect.gather [hbm4b:s8+s17], $0x20, s21, s17, $0xb8;
	[tilespmem:$0x1CC00] =	vst v63  }
0x82: {  	_ = 	snop  }
0x83: {  	[tilespmem:s26], [sflag:$0x2] =	stream.indirect.gather [hbm4b:s8+s17], $0x20, s25, s17, $0xb8;
	[tilespmem:$0x1CC00] =	vst v63  }
0x84: {  	_ =	swait.ge [sflag:s28], $0x1000  }
0x85: {  	[sflag:s28] =	ssyncset.done $0x0  }
0x86: {  	[sflag:s28] =	ssyncadd.s32 $0xFFFFF000  }
0x87: {  	[spmem:s2] =	stream.indirect.scatter.add.bf16 [tilespmem:s18], [sflag:$0x5], $0x20, s29, s17, $0xb8;
	[tilespmem:$0x1CC00] =	vst v63  }
0x88: {  	_ =	swait.ge [sflag:s28], $0x1000  }
0x89: {  	s0 =	sadd.s32 $0xFFFFFFFF, s19;
	[sflag:s28] =	ssyncset.done $0x0  }
0x8a: {  	p1 =	sge.u32 s0, s5;
	[sflag:s28] =	ssyncadd.s32 $0xFFFFF000  }
0x8b: {  	[spmem:s2] =	stream.indirect.scatter.add.bf16 [tilespmem:s20], [sflag:$0x5], $0x20, s30, s17, $0xb8;
	[tilespmem:$0x1CC00] =	vst v63  }
0x8c: {  	s0 =	sadd.s32 @!p1 s24, s7;
	s3 =	simm.s32 @!p1 $0x0;
	s6 =	simm.s32 @!p1 $0x18800  }
0x8d: {  	s16 =	simm.s32 @!p1 $0x5;
	s0 =	sadd.s32 @!p1 $0x3200, s0  }
0x8e: {  	[tilespmem:s6], [sflag:$0x3] =	stream.linear.gather @!p1 [hbm4b:s0+s3], $0x200, $0x38;
	[tilespmem:$0x1CC00] =	vst v63  }
0x8f: {  	_ =	swait.ge @!p1 [sflag:s16], $0x1000  }
0x90: {  	[sflag:s16] =	ssyncset.done @!p1 $0x0  }
0x91: {  	[sflag:s16] =	ssyncadd.s32 @!p1 $0xFFFFF000  }
0x92: {  	_ =	swait.ge @!p1 [sflag:s16], $0x1000  }
0x93: {  	s0 =	simm.s32 @!p1 $0x3;
	[sflag:s16] =	ssyncset.done @!p1 $0x0  }
0x94: {  	[sflag:s16] =	ssyncadd.s32 @!p1 $0xFFFFF000  }
0x95: {  	_ =	swait.ge @!p1 [sflag:s0], $0x200  }
0x96: {  	s3 =	simm.s32 @!p1 $0x80;
	s16 =	simm.s32 @!p1 $0x18C00;
	[sflag:s0] =	ssyncset.done @!p1 $0x0  }
0x97: {  	s14 =	simm.s32 @!p1 $0x19C00;
	[sflag:s0] =	ssyncadd.s32 @!p1 $0xFFFFFE00;
	s0 =	simm.s32 @!p1 $0x18880  }
0x98: {  	[tilespmem:s16], [sflag:$0x1] =	stream.indirect.gather @!p1 [hbm4b:s8+s3], $0x20, s6, s3, $0xb8;
	[tilespmem:$0x1CC00] =	vst v63  }
0x99: {  	_ = 	snop  }
0x9a: {  	[tilespmem:s14], [sflag:$0x1] =	stream.indirect.gather @!p1 [hbm4b:s8+s3], $0x20, s0, s3, $0xb8;
	[tilespmem:$0x1CC00] =	vst v63  }
0x9b: {  	_ =	swait.ge [sflag:s1], $0x1000  }
0x9c: {  	[sflag:s1] =	ssyncset.done $0x0  }
0x9d: {  	[sflag:s1] =	ssyncadd.s32 $0xFFFFF000  }
0x9e: {  	[spmem:s2] =	stream.indirect.scatter.add.bf16 [tilespmem:s23], [sflag:$0x6], $0x20, s4, s17, $0xb8;
	[tilespmem:$0x1CC00] =	vst v63  }
.Ltmp0:
0x9f: {  	_ = 	snop;
	(pc) =	sbr.rel @p0 .LBB2_2-.Ltmp0, $4  }
0xa0: {  	_ =	swait.ge [sflag:s1], $0x1000  }
0xa1: {  	p1 =	sge.u32 s19, s5;
	s19 =	sadd.s32 $0x2, s19;
	[sflag:s1] =	ssyncset.done $0x0  }
0xa2: {  	s24 =	sadd.s32 @!p1 s24, s7;
	s0 =	simm.s32 @!p1 $0x18A00;
	[sflag:s1] =	ssyncadd.s32 $0xFFFFF000  }
0xa3: {  	[spmem:s2] =	stream.indirect.scatter.add.bf16 [tilespmem:s26], [sflag:$0x6], $0x20, s9, s17, $0xb8;
	[tilespmem:$0x1CC00] =	vst v63  }
0xa4: {  	s3 =	sadd.s32 @!p1 $0x3240, s24;
	s6 =	simm.s32 @!p1 $0x0  }
0xa5: {  	[tilespmem:s0], [sflag:$0x4] =	stream.linear.gather @!p1 [hbm4b:s3+s6], $0x200, $0x38;
	[tilespmem:$0x1CC00] =	vst v63  }
0xa6: {  	_ =	swait.ge [sflag:s10], $0x1000  }
0xa7: {  	[sflag:s10] =	ssyncset.done $0x0  }
0xa8: {  	[sflag:s10] =	ssyncadd.s32 $0xFFFFF000  }
0xa9: {  	_ =	swait.ge [sflag:s10], $0x1000  }
0xaa: {  	[sflag:s10] =	ssyncset.done $0x0  }
0xab: {  	[sflag:s10] =	ssyncadd.s32 $0xFFFFF000  }
0xac: {  	_ =	swait.ge [sflag:s22], $0x200  }
0xad: {  	[sflag:s22] =	ssyncset.done $0x0  }
0xae: {  	[sflag:s22] =	ssyncadd.s32 $0xFFFFFE00  }
0xaf: {  	[tilespmem:s23], [sflag:$0x2] =	stream.indirect.gather [hbm4b:s8+s17], $0x20, s21, s17, $0xb8;
	[tilespmem:$0x1CC00] =	vst v63  }
0xb0: {  	_ = 	snop  }
0xb1: {  	[tilespmem:s26], [sflag:$0x2] =	stream.indirect.gather [hbm4b:s8+s17], $0x20, s25, s17, $0xb8;
	[tilespmem:$0x1CC00] =	vst v63  }
0xb2: {  	_ =	swait.ge [sflag:s28], $0x1000  }
0xb3: {  	[sflag:s28] =	ssyncset.done $0x0  }
0xb4: {  	[sflag:s28] =	ssyncadd.s32 $0xFFFFF000  }
0xb5: {  	[spmem:s2] =	stream.indirect.scatter.add.bf16 [tilespmem:s18], [sflag:$0x5], $0x20, s29, s17, $0xb8;
	[tilespmem:$0x1CC00] =	vst v63  }
0xb6: {  	_ =	swait.ge [sflag:s28], $0x1000  }
0xb7: {  	[sflag:s28] =	ssyncset.done $0x0  }
0xb8: {  	[sflag:s28] =	ssyncadd.s32 $0xFFFFF000  }
0xb9: {  	[spmem:s2] =	stream.indirect.scatter.add.bf16 [tilespmem:s20], [sflag:$0x5], $0x20, s30, s17, $0xb8;
	[tilespmem:$0x1CC00] =	vst v63  }
0xba: {  	_ =	swait.ge [sflag:s1], $0x1000  }
0xbb: {  	[sflag:s1] =	ssyncset.done $0x0  }
0xbc: {  	[sflag:s1] =	ssyncadd.s32 $0xFFFFF000  }
0xbd: {  	[spmem:s2] =	stream.indirect.scatter.add.bf16 [tilespmem:s23], [sflag:$0x6], $0x20, s4, s17, $0xb8;
	[tilespmem:$0x1CC00] =	vst v63  }
0xbe: {  	_ =	swait.ge [sflag:s1], $0x1000  }
0xbf: {  	[sflag:s1] =	ssyncset.done $0x0  }
0xc0: {  	[sflag:s1] =	ssyncadd.s32 $0xFFFFF000  }
0xc1: {  	[spmem:s2] =	stream.indirect.scatter.add.bf16 [tilespmem:s26], [sflag:$0x6], $0x20, s9, s17, $0xb8;
	[tilespmem:$0x1CC00] =	vst v63  }
0xc2: {  	_ =	swait.ge [sflag:s31], $0x1000  }
0xc3: {  	[sflag:s31] =	ssyncset.done $0x0  }
0xc4: {  	[sflag:s31] =	ssyncadd.s32 $0xFFFFF000  }
0xc5: {  	_ =	swait.ge [sflag:s31], $0x1000  }
0xc6: {  	[sflag:s31] =	ssyncset.done $0x0  }
0xc7: {  	[sflag:s31] =	ssyncadd.s32 $0xFFFFF000  }
0xc8: {  	_ =	swait.ge [sflag:s10], $0x1000  }
0xc9: {  	[sflag:s10] =	ssyncset.done $0x0  }
0xca: {  	[sflag:s10] =	ssyncadd.s32 $0xFFFFF000  }
0xcb: {  	_ =	swait.ge [sflag:s10], $0x1000  }
0xcc: {  	[sflag:s10] =	ssyncset.done $0x0  }
0xcd: {  	[sflag:s10] =	ssyncadd.s32 $0xFFFFF000  }
0xce: {  	[bflag:$0x0] =	sbarrier.arrive $0xFFFF  }
0xcf: {  	s3 =	rddreg [dreg:$0x4]  }
0xd0: {  	s6 =	rddreg [dreg:$0x9]  }
0xd1: {  	s19 =	rddreg [dreg:$0xa]  }
0xd2: {  	[hbm:s19], [sflag:s3] =	dma.local [spmem:s6], $0x3100  }
0xd3: {  	_ =	swait.ge [sflag:s15], $0x3100  }
0xd4: {  	s11 =	sadd.s32 $0x1, s11;
	s24 =	rddreg [dreg:$0x6]  }
0xd5: {  	p0 =	sne.s32 s11, s24  }
.Ltmp1:
0xd6: {  	_ = 	snop;
	(pc) =	sbr.rel @p0 .LBB2_1-.Ltmp1, $3  }
0xd7: {  	_ =	sdelay $0x1  }
0xd8: {  	[sflag:s15] =	ssyncset.done $0x0  }
0xd9: {  	[sflag:s15] =	ssyncadd.s32 $0xFFFFCF00  }
0xda: {  	_ =	sfence.sel $0x180000  }
0xdb: {  	[bflag:$0x0] =	sbarrier.arrive $0xFFFF  }
0xdc: {  	_ =	strace $0x9000004A  }
0xdd: {  	s0 =	stileid.u32;
	[bflag:$0x2] =	sbarrier.arrive $0xFFFF  }
0xde: {  	p0 =	sne.s32 s0, $0x0;
	s0 =	rddreg [dreg:$0x2]  }
0xdf: {  	s0 =	sadd.s32 @!p0 $0x100000, s0  }
0xe0: {  	[sflag:s0] =	ssyncadd.tile.s32 @!p0 $0x1;
	_ =	shalt  }
.Lfunc_end2:
_tile_overlayer_lowered:
.L_overlay_start_2:
0xe1: {  	(tag) =	ssettag $0x2  }
0xe2: {  	s0 =	rddreg [dreg:$0x0];
	s2 =	stileid.u32  }
0xe3: {  	s1 =	rddreg [dreg:$0x1];
	p0 =	sne.s32 s2, $0x0  }
0xe4: {  	s3 =	rddreg [dreg:$0x2];
	[bflag:$0x3] =	sbarrier.arrive $0xFFFF;
	s2 =	simm.s32 @!p0 $0x1C07  }
0xe5: {  	[timem:s3], [sflag:s2] =	dma.local @!p0 [hbm:s0], s1  }
0xe6: {  	s0 =	simm.s32 @!p0 $0x7  }
0xe7: {  	_ =	swait.ge @!p0 [sflag:s0], s1  }
0xe8: {  	s1 =	ssub.s32 @!p0 $0x0, s1;
	[sflag:s0] =	ssyncset.done @!p0 $0x0  }
0xe9: {  	[sflag:s0] =	ssyncadd.s32 @!p0 s1  }
0xea: {  	[bflag:$0x3] =	sbarrier.arrive $0xFFFF  }
0xeb: {  	_ =	shalt  }

// kernel: kernel.7.cloned.1.call-start
scs
__scs_entry_jumppad:
0x0: {  	(pc) =	sbr.rel $0x88, $3  }
0x1: {  	(tag) =	ssettag $0x0;
	lr =	simm.s32 $0x1  }
0x2: {  	[smem:$0x3F8F] =	sst lr;
	_ =	strace $0xD0000000  }
0x3: {  	_ = 	snop  }
0x4: {  	_ = 	snop  }
0x5: {  	_ = 	snop  }
0x6: {  	_ = 	snop  }
0x7: {  	_ = 	snop  }
__scs_overlays_trampoline_lowered:
0x8: {  	[smem:$0x3F9E] =	sst s0  }
0x9: {  	[smem:$0x3F9F] =	sst s1  }
0xa: {  	[smem:$0x3FA0] =	sst s2  }
0xb: {  	[smem:$0x3FA1] =	sst s3  }
0xc: {  	[smem:$0x3FA2] =	sst s4  }
0xd: {  	[smem:$0x3FA3] =	sst s5  }
0xe: {  	[smem:$0x3FA4] =	sst s6  }
0xf: {  	[smem:$0x3FA5] =	sst s7  }
0x10: {  	[smem:$0x3FA6] =	sst s8  }
0x11: {  	[smem:$0x3FA7] =	sst s9;
	s0 =	simm.s32 @!p0 $0x0  }
0x12: {  	s1 =	sld [smem:$0x3F8D];
	s0 =	simm.s32 @p0 $0x1  }
0x13: {  	[smem:$0x3FA8] =	sst s0;
	s0 =	simm.s32 @!p1 $0x0  }
0x14: {  	s2 =	sld [smem:$0x3F8C];
	s0 =	simm.s32 @p1 $0x1  }
0x15: {  	[smem:$0x3FA9] =	sst s0;
	s0 =	simm.s32 @!p2 $0x0  }
0x16: {  	s3 =	sld [smem:$0x3FDB];
	s0 =	simm.s32 @p2 $0x1  }
0x17: {  	s4 =	simm.s32 $0x1BF5;
	[smem:$0x3FAB] =	sst s0  }
0x18: {  	s0 =	sld [smem:$0x3F8E];
	_ =	swait.ge [sflag:s4], $0x0  }
0x19: {  	s7 =	sld [smem:$0x3F8F]  }
0x1a: {  	s8 =	sadd.s32 $0xFFFFE003, lr  }
0x1b: {  	s9 =	sadd.s32 $0xFFFFFEF7, lr;
	s5 =	simm.s32 $0xFFFFFFFF;
	p2 =	slt.u32 s8, $0xFFFFF086  }
0x1c: {  	p1 =	slt.u32 s9, $0xF7A;
	s5 =	simm.s32 @!p2 $0x0  }
0x1d: {  	s5 =	simm.s32 @p1 $0x1;
	p0 =	seq.s32 s7, s2  }
0x1e: {  	s7 =	smul.u32 @!p0 $0xF7A, s2;
	p2 =	seq.s32 @!p0 s5, $0x0  }
0x1f: {  	s9 =	smul.u32 $0xF7A, s1;
	s8 =	simm.s32 @!p0 $0x1BF5;
	p2 =	por !p2, p0  }
0x20: {  	[sflag:s8] =	ssyncset.s32 @!p0 $0xFFFFF086;
	s6 =	sadd.s32 @!p0 s3, s7;
	s7 =	simm.s32 @!p0 $0x108  }
0x21: {  	s3 =	sadd.s32 s3, s9;
	s6 =	sadd.s32 @!p0 $0x88, s6;
	s7 =	simm.s32 @p2 $0x1082  }
0x22: {  	[simem:s7], [sflag:s8] =	dma.local @!p0 [hbm:s6], $0xF7A  }
0x23: {  	s9 =	sor.u32 $0xD0000000, s2;
	s6 =	simm.s32 $0x108;
	_ =	swait.ge @!p0 [sflag:s8], $0x0  }
0x24: {  	s3 =	sadd.s32 $0x88, s3;
	s6 =	simm.s32 @!p1 $0x1082;
	[sflag:s4] =	ssyncset.s32 $0xFFFFF086  }
0x25: {  	[simem:s6], [sflag:s4] =	dma.local [hbm:s3], $0xF7A  }
0x26: {  	[smem:$0x3F8F] =	sst s1;
	(tag) =	ssettag s2;
	_ =	strace s9  }
0x27: {  	s1 =	sld [smem:$0x3F9F]  }
0x28: {  	s2 =	sld [smem:$0x3FA0]  }
0x29: {  	s4 =	sld [smem:$0x3FA2]  }
0x2a: {  	p0 =	seq.s32 s5, $0x0;
	s5 =	sld [smem:$0x3FA3]  }
0x2b: {  	s6 =	sld [smem:$0x3FA4]  }
0x2c: {  	s7 =	sld [smem:$0x3FA5]  }
0x2d: {  	s3 =	simm.s32 $0x108;
	s8 =	sld [smem:$0x3FA6]  }
0x2e: {  	s3 =	simm.s32 @!p0 $0x1082;
	s9 =	sld [smem:$0x3FA7]  }
0x2f: {  	lr =	sadd.s32 s0, s3;
	s0 =	sld [smem:$0x3F9E]  }
0x30: {  	s3 =	sld [smem:$0x3FA1]  }
0x31: {  	[smem:$0x3FAA] =	sst s10  }
0x32: {  	s10 =	sld [smem:$0x3FA8];
	_ =	sdelay $0x3  }
0x33: {  	p0 =	seq.s32 s10, $0x1;
	s10 =	sld [smem:$0x3FAA];
	_ =	sdelay $0x3  }
0x34: {  	[smem:$0x3FAA] =	sst s10  }
0x35: {  	s10 =	sld [smem:$0x3FA9];
	_ =	sdelay $0x3  }
0x36: {  	p1 =	seq.s32 s10, $0x1;
	s10 =	sld [smem:$0x3FAA];
	_ =	sdelay $0x3  }
0x37: {  	[smem:$0x3FAA] =	sst s10  }
0x38: {  	s10 =	sld [smem:$0x3FAB]  }
0x39: {  	_ = 	snop;
	(pc) =	sbr.ind lr, $3  }
0x3a: {  	_ = 	snop  }
0x3b: {  	_ = 	snop  }
0x3c: {  	p2 =	seq.s32 s10, $0x1;
	s10 =	sld [smem:$0x3FAA]  }
0x3d: {  	_ =	shalt  }
0x3e: {  	_ =	shalt  }
0x3f: {  	_ =	shalt  }
0x40: {  	_ =	shalt  }
0x41: {  	_ =	shalt  }
0x42: {  	_ =	shalt  }
0x43: {  	_ =	shalt  }
0x44: {  	_ =	shalt  }
0x45: {  	_ =	shalt  }
0x46: {  	_ =	shalt  }
0x47: {  	_ =	shalt  }
0x48: {  	_ =	shalt  }
0x49: {  	_ =	shalt  }
0x4a: {  	_ =	shalt  }
0x4b: {  	_ =	shalt  }
0x4c: {  	_ =	shalt  }
0x4d: {  	_ =	shalt  }
0x4e: {  	_ =	shalt  }
0x4f: {  	_ =	shalt  }
0x50: {  	_ =	shalt  }
0x51: {  	_ =	shalt  }
0x52: {  	_ =	shalt  }
0x53: {  	_ =	shalt  }
0x54: {  	_ =	shalt  }
0x55: {  	_ =	shalt  }
0x56: {  	_ =	shalt  }
0x57: {  	_ =	shalt  }
0x58: {  	_ =	shalt  }
0x59: {  	_ =	shalt  }
0x5a: {  	_ =	shalt  }
0x5b: {  	_ =	shalt  }
0x5c: {  	_ =	shalt  }
0x5d: {  	_ =	shalt  }
0x5e: {  	_ =	shalt  }
0x5f: {  	_ =	shalt  }
0x60: {  	_ =	shalt  }
0x61: {  	_ =	shalt  }
0x62: {  	_ =	shalt  }
0x63: {  	_ =	shalt  }
0x64: {  	_ =	shalt  }
0x65: {  	_ =	shalt  }
0x66: {  	_ =	shalt  }
0x67: {  	_ =	shalt  }
0x68: {  	_ =	shalt  }
0x69: {  	_ =	shalt  }
0x6a: {  	_ =	shalt  }
0x6b: {  	_ =	shalt  }
0x6c: {  	_ =	shalt  }
0x6d: {  	_ =	shalt  }
0x6e: {  	_ =	shalt  }
0x6f: {  	_ =	shalt  }
0x70: {  	_ =	shalt  }
0x71: {  	_ =	shalt  }
0x72: {  	_ =	shalt  }
0x73: {  	_ =	shalt  }
0x74: {  	_ =	shalt  }
0x75: {  	_ =	shalt  }
0x76: {  	_ =	shalt  }
0x77: {  	_ =	shalt  }
0x78: {  	_ =	shalt  }
0x79: {  	_ =	shalt  }
0x7a: {  	_ =	shalt  }
0x7b: {  	_ =	shalt  }
0x7c: {  	_ =	shalt  }
0x7d: {  	_ =	shalt  }
0x7e: {  	_ =	shalt  }
0x7f: {  	_ =	shalt  }
0x80: {  	_ =	shalt  }
0x81: {  	_ =	shalt  }
0x82: {  	_ =	shalt  }
0x83: {  	_ =	shalt  }
0x84: {  	_ =	shalt  }
0x85: {  	_ =	shalt  }
0x86: {  	_ =	shalt  }
0x87: {  	_ =	shalt  }
.Lfunc_end0:
.L_simem_size_0:
called_computation_lowered:
.L_overlay_start_0:
0x88: {  	s2 =	sld [smem:$0x3FD9]  }
0x89: {  	s3 =	sld [smem:$0x3FFE];
	_ =	sdelay $0x1  }
0x8a: {  	s1 =	srdreg.scid  }
0x8b: {  	s0 =	sand.u32 $0x1, s1  }
0x8c: {  	s16 =	sshll.u32 s0, $0xA;
	s2 =	sadd.s32 s3, s2  }
0x8d: {  	s2 =	sadd.s32 s2, s16  }
0x8e: {  	[smem:$0x3FB6] =	sst s2  }
0x8f: {  	_ = 	snop  }
0x90: {  	(tm) =	ssettm $0x1  }
0x91: {  	s17 =	sld [smem:$0x3FFB];
	_ =	sdelay $0x3  }
0x92: {  	_ =	strace s17  }
0x93: {  	s2 =	sld [smem:$0x3FFC];
	_ =	sdelay $0x3  }
0x94: {  	_ =	strace s2  }
0x95: {  	s2 =	sld [smem:$0x3FFD];
	_ =	sdelay $0x3  }
0x96: {  	_ =	strace s2  }
0x97: {  	_ =	strace $0x8FFFFFFF  }
0x98: {  	s18 =	sld [smem:$0x3FDB];
	_ =	sdelay $0x1  }
0x99: {  	s19 =	simm.s32 $_scs_section_size  }
0x9a: {  	s4 =	simm.s32 $_size__tile_overlayer_lowered;
	s5 =	simm.s32 $_tile_overlayer_lowered  }
0x9b: {  	s22 =	simm.s32 $0x1BFF;
	s21 =	sshll.u32 s5, $0x1;
	s2 =	sadd.s32 s19, s18  }
0x9c: {  	s6 =	simm.s32 $0x0;
	s20 =	sshll.u32 s4, $0x1;
	s4 =	sadd.s32 s21, s2  }
0x9d: {  	[timem:s6], [sflag:s22] =	dma.local [hbm:s4], s20  }
0x9e: {  	_ =	swait.ge [sflag:s22], s20  }
0x9f: {  	s3 =	ssub.s32 $0x0, s20;
	[sflag:s22] =	ssyncset.done $0x0  }
0xa0: {  	[sflag:s22] =	ssyncadd.s32 s3;
	_ =	sdelay $0x1  }
0xa1: {  	s23 =	simm.s32 $0x1B8B  }
0xa2: {  	_ =	swait.ge [sflag:s23], $0x1  }
0xa3: {  	[sflag:s23] =	ssyncset.done $0x0  }
0xa4: {  	s25 =	simm.s32 $0x1B8E;
	s24 =	sld [smem:$0x3FFE];
	[sflag:s23] =	ssyncadd.s32 $0xFFFFFFFF  }
0xa5: {  	s26 =	simm.s32 $execute0_lowered;
	[smem:$0x3FD2] =	sst s25  }
0xa6: {  	s4 =	sshll.u32 s26, $0x1;
	_ =	strace $0x80000046;
	[dreg:$0x1] =	wrdreg $0xFFFFFFFF  }
0xa7: {  	s28 =	simm.s32 $_size_execute0_lowered;
	s2 =	sadd.s32 s2, s4;
	[dreg:$0x0] =	wrdreg $0x0  }
0xa8: {  	s4 =	sshll.u32 s28, $0x1;
	[dreg:$0x2] =	wrdreg s2  }
0xa9: {  	[dreg:$0x3] =	wrdreg s4  }
0xaa: {  	[dreg:$0x4] =	wrdreg $0xC0  }
0xab: {  	_ =	task [dreg:s6], $0x5FFFF  }
0xac: {  	[dreg:$0x1] =	wrdreg $0xFFFFFFFF  }
0xad: {  	[dreg:$0x0] =	wrdreg $0x60  }
0xae: {  	[dreg:$0x2] =	wrdreg s24  }
0xaf: {  	[dreg:$0x3] =	wrdreg $0x0  }
0xb0: {  	[dreg:$0x4] =	wrdreg $0x9  }
0xb1: {  	_ =	task.clear_ibuf [dreg:s6], $0x5FFFF;
	_ =	strace $0x90000046  }
0xb2: {  	s29 =	simm.s32 $0x9;
	_ =	strace $0x80000048  }
0xb3: {  	_ =	swait.ge [sflag:s29], $0x1  }
0xb4: {  	[sflag:s29] =	ssyncadd.s32 $0xFFFFFFFF  }
0xb5: {  	_ =	strace $0x90000048  }
0xb6: {  	_ =	sfence  }
0xb7: {  	s30 =	sld [smem:$0x0];
	_ =	sdelay $0x2  }
0xb8: {  	s31 =	sshll.u32 s1, $0xD;
	s1 =	sshrl.u32 s1, $0x2  }
0xb9: {  	s3 =	sand.u32 $0x4000, s31;
	s1 =	sadd.s32 s1, s30  }
0xba: {  	s0 =	sor.u32 s3, s0;
	s1 =	sshll.u32 s1, $0x11  }
0xbb: {  	s0 =	sor.u32 s1, s0  }
0xbc: {  	s0 =	sadd.s32 $0x8F2B, s0  }
0xbd: {  	[sflag:s0] =	ssyncadd.remote.s32 $0x1  }
0xbe: {  	_ =	sfence.sel $0xFFFF  }
0xbf: {  	[dreg:$0x0] =	wrdreg $0xFFFFFFFF;
	(pc) =	sbr.abs _section_cstart, $3  }
0xc0: {  	[dreg:$0x1] =	wrdreg $0xFFFFFFFF  }
0xc1: {  	_ =	task.clear_ibuf [dreg:s6], $0x2FFFF;
	_ =	strace $0x9FFFFFFF  }
0xc2: {  	(tm) =	ssettm $0x7FFFFFFF  }
0xc3: {  	_ =	shalt  }
tec
execute0_lowered:
.L_overlay_start_1:
0x0: {  	(tag) =	ssettag $0x1  }
0x1: {  	s0 =	rddreg [dreg:$0x0]  }
0x2: {  	s1 =	rddreg [dreg:$0x1]  }
0x3: {  	s2 =	srdreg.scid;
	s3 =	simm.s32 $0x0;
	s12 =	stileid.u32  }
0x4: {  	s17 =	simm.s32 $0x80;
	s18 =	simm.s32 $0x18C00;
	s20 =	simm.s32 $0x19C00  }
0x5: {  	s21 =	simm.s32 $0x18A00;
	s28 =	simm.s32 $0x1;
	s29 =	simm.s32 $0x18900  }
0x6: {  	s30 =	simm.s32 $0x18980;
	s31 =	simm.s32 $0x5;
	s2 =	sand.u32 $0x1, s2  }
0x7: {  	[smem:$0x7FF] =	sst s3;
	s8 =	sadd.s32 $0xF9A00, s0;
	s4 =	sadd.s32 $0xC5800, s0  }
0x8: {  	s7 =	sadd.s32 $0xF6800, s0;
	s9 =	smul.u32 $0x31000, s12;
	s11 =	sshll.u32 s2, $0x4  }
0x9: {  	_ =	strace $0x80000047;
	s5 =	smul.u32 $0x31000, s2;
	[dreg:$0x5] =	wrdreg s7  }
0xa: {  	s13 =	ssub.s32 $0x2, s2;
	s2 =	smul.u32 $0x640, s2;
	s3 =	sor.u32 s12, s11  }
0xb: {  	s10 =	sshrl.u32 s13, $0x1;
	s11 =	sshll.u32 s12, $0x6;
	s12 =	smul.u32 $0x64, s12  }
0xc: {  	s14 =	sshrl.u32 s9, $0x1;
	s19 =	sshrl.u32 s9, $0x4;
	s6 =	smul.u32 $0x64, s3  }
0xd: {  	s9 =	simm.s32 $0x18B80;
	s5 =	sadd.s32 s5, s0;
	s3 =	smul.u32 $0x1900, s3  }
0xe: {  	s10 =	ssub.s32 s13, s10;
	s14 =	sadd.s32 s14, s1;
	s7 =	sor.u32 $0x1C07, s11  }
0xf: {  	s0 =	sadd.s32 $0xF9A40, s0;
	s11 =	simm.s32 $0x0;
	s2 =	sadd.s32 s12, s2  }
0x10: {  	s16 =	sadd.s32 $0x12BA00, s5;
	s10 =	smax.u32 s10, $0x1;
	s5 =	simm.s32 $0x18B00  }
0x11: {  	[dreg:$0x6] =	wrdreg s7;
	s6 =	sadd.s32 $0x64, s6;
	s15 =	sadd.s32 s8, s3  }
0x12: {  	s3 =	sadd.s32 s3, s0;
	s22 =	sshll.u32 s2, $0x6;
	[dreg:$0x9] =	wrdreg s10  }
0x13: {  	s13 =	sadd.s32 $0x5, s2;
	s26 =	sadd.s32 s19, s16;
	[dreg:$0x8] =	wrdreg s3  }
0x14: {  	s2 =	simm.s32 $0x2;
	s10 =	simm.s32 $0x6;
	[dreg:$0x7] =	wrdreg s15  }
0x15: {  	s23 =	sadd.s32 $0x80, s15;
	s0 =	sadd.s32 s0, s22;
	[dreg:$0xd] =	wrdreg s26  }
0x16: {  	s24 =	sadd.s32 $0xC0, s15;
	s8 =	sadd.s32 s8, s22;
	[dreg:$0xa] =	wrdreg s23  }
0x17: {  	s15 =	simm.s32 $0x7;
	[dreg:$0xb] =	wrdreg s24;
	s0 =	sadd.s32 $0x100, s0  }
0x18: {  	s22 =	simm.s32 $0x4;
	s25 =	sadd.s32 $0x100, s8;
	[dreg:$0x3] =	wrdreg s0  }
0x19: {  	s26 =	simm.s32 $0x1BC00;
	s8 =	sshrl.u32 s14, $0x3;
	[dreg:$0x4] =	wrdreg s25  }
0x1a: {  	s23 =	simm.s32 $0x1AC00;
	s25 =	simm.s32 $0x18A80;
	[dreg:$0xc] =	wrdreg s8  }
.LBB2_1:
0x1b: {  	s0 =	rddreg [dreg:$0x5]  }
0x1c: {  	[spmem:s8], [sflag:s7] =	dma.local [hbm:s0], $0x3100  }
0x1d: {  	_ =	swait.ge [sflag:s15], $0x3100  }
0x1e: {  	[sflag:s15] =	ssyncset.done $0x0  }
0x1f: {  	[sflag:s15] =	ssyncadd.s32 $0xFFFFCF00  }
0x20: {  	[bflag:$0x0] =	sbarrier.arrive $0xFFFF  }
0x21: {  	s19 =	simm.s32 $0x18800;
	s0 =	simm.s32 $0x0;
	s3 =	rddreg [dreg:$0x7]  }
0x22: {  	[tilespmem:s19], [sflag:$0x7] =	stream.linear.gather [hbm4b:s3+s0], $0x200, $0x38;
	[tilespmem:$0x1CC00] =	vst v63  }
0x23: {  	_ =	swait.ge [sflag:s15], $0x200  }
0x24: {  	[sflag:s15] =	ssyncset.done $0x0  }
0x25: {  	[sflag:s15] =	ssyncadd.s32 $0xFFFFFE00  }
0x26: {  	[tilespmem:s18], [sflag:$0x1] =	stream.indirect.gather [hbm4b:s4+s17], $0x20, s19, s17, $0xb8;
	[tilespmem:$0x1CC00] =	vst v63  }
0x27: {  	s24 =	simm.s32 $0x18880  }
0x28: {  	[tilespmem:s20], [sflag:$0x1] =	stream.indirect.gather [hbm4b:s4+s17], $0x20, s24, s17, $0xb8;
	[tilespmem:$0x1CC00] =	vst v63  }
0x29: {  	s12 =	rddreg [dreg:$0x8]  }
0x2a: {  	[tilespmem:s21], [sflag:$0x4] =	stream.linear.gather [hbm4b:s12+s0], $0x200, $0x38;
	[tilespmem:$0x1CC00] =	vst v63  }
0x2b: {  	_ =	swait.ge [sflag:s22], $0x200  }
0x2c: {  	[sflag:s22] =	ssyncset.done $0x0  }
0x2d: {  	[sflag:s22] =	ssyncadd.s32 $0xFFFFFE00  }
0x2e: {  	[tilespmem:s23], [sflag:$0x2] =	stream.indirect.gather [hbm4b:s4+s17], $0x20, s21, s17, $0xb8;
	[tilespmem:$0x1CC00] =	vst v63  }
0x2f: {  	_ = 	snop  }
0x30: {  	[tilespmem:s26], [sflag:$0x2] =	stream.indirect.gather [hbm4b:s4+s17], $0x20, s25, s17, $0xb8;
	[tilespmem:$0x1CC00] =	vst v63  }
0x31: {  	_ =	swait.ge [sflag:s28], $0x1000  }
0x32: {  	[sflag:s28] =	ssyncset.done $0x0  }
0x33: {  	[sflag:s28] =	ssyncadd.s32 $0xFFFFF000  }
0x34: {  	[spmem:s1] =	stream.indirect.scatter.add.bf16 [tilespmem:s18], [sflag:$0x5], $0x20, s29, s17, $0xb8;
	[tilespmem:$0x1CC00] =	vst v63  }
0x35: {  	_ =	swait.ge [sflag:s28], $0x1000  }
0x36: {  	[sflag:s28] =	ssyncset.done $0x0  }
0x37: {  	[sflag:s28] =	ssyncadd.s32 $0xFFFFF000  }
0x38: {  	[spmem:s1] =	stream.indirect.scatter.add.bf16 [tilespmem:s20], [sflag:$0x5], $0x20, s30, s17, $0xb8;
	[tilespmem:$0x1CC00] =	vst v63  }
0x39: {  	s14 =	rddreg [dreg:$0xa]  }
0x3a: {  	[tilespmem:s19], [sflag:$0x3] =	stream.linear.gather [hbm4b:s14+s0], $0x200, $0x38;
	[tilespmem:$0x1CC00] =	vst v63  }
0x3b: {  	_ =	swait.ge [sflag:s31], $0x1000  }
0x3c: {  	[sflag:s31] =	ssyncset.done $0x0  }
0x3d: {  	[sflag:s31] =	ssyncadd.s32 $0xFFFFF000  }
0x3e: {  	_ =	swait.ge [sflag:s31], $0x1000  }
0x3f: {  	[sflag:s31] =	ssyncset.done $0x0  }
0x40: {  	s16 =	simm.s32 $0x3;
	[sflag:s31] =	ssyncadd.s32 $0xFFFFF000  }
0x41: {  	_ =	swait.ge [sflag:s16], $0x200  }
0x42: {  	[sflag:s16] =	ssyncset.done $0x0  }
0x43: {  	[sflag:s16] =	ssyncadd.s32 $0xFFFFFE00  }
0x44: {  	[tilespmem:s18], [sflag:$0x1] =	stream.indirect.gather [hbm4b:s4+s17], $0x20, s19, s17, $0xb8;
	[tilespmem:$0x1CC00] =	vst v63  }
0x45: {  	_ = 	snop  }
0x46: {  	[tilespmem:s20], [sflag:$0x1] =	stream.indirect.gather [hbm4b:s4+s17], $0x20, s24, s17, $0xb8;
	[tilespmem:$0x1CC00] =	vst v63  }
0x47: {  	_ =	swait.ge [sflag:s2], $0x1000  }
0x48: {  	[sflag:s2] =	ssyncset.done $0x0  }
0x49: {  	[sflag:s2] =	ssyncadd.s32 $0xFFFFF000  }
0x4a: {  	[spmem:s1] =	stream.indirect.scatter.add.bf16 [tilespmem:s23], [sflag:$0x6], $0x20, s5, s17, $0xb8;
	[tilespmem:$0x1CC00] =	vst v63  }
0x4b: {  	_ =	swait.ge [sflag:s2], $0x1000  }
0x4c: {  	[sflag:s2] =	ssyncset.done $0x0  }
0x4d: {  	[sflag:s2] =	ssyncadd.s32 $0xFFFFF000  }
0x4e: {  	[spmem:s1] =	stream.indirect.scatter.add.bf16 [tilespmem:s26], [sflag:$0x6], $0x20, s9, s17, $0xb8;
	[tilespmem:$0x1CC00] =	vst v63  }
0x4f: {  	s19 =	rddreg [dreg:$0xb]  }
0x50: {  	[tilespmem:s21], [sflag:$0x4] =	stream.linear.gather [hbm4b:s19+s0], $0x200, $0x38;
	[tilespmem:$0x1CC00] =	vst v63  }
0x51: {  	_ =	swait.ge [sflag:s10], $0x1000  }
0x52: {  	[sflag:s10] =	ssyncset.done $0x0  }
0x53: {  	[sflag:s10] =	ssyncadd.s32 $0xFFFFF000  }
0x54: {  	_ =	swait.ge [sflag:s10], $0x1000  }
0x55: {  	[sflag:s10] =	ssyncset.done $0x0  }
0x56: {  	[sflag:s10] =	ssyncadd.s32 $0xFFFFF000  }
0x57: {  	_ =	swait.ge [sflag:s22], $0x200  }
0x58: {  	[sflag:s22] =	ssyncset.done $0x0  }
0x59: {  	[sflag:s22] =	ssyncadd.s32 $0xFFFFFE00  }
0x5a: {  	[tilespmem:s23], [sflag:$0x2] =	stream.indirect.gather [hbm4b:s4+s17], $0x20, s21, s17, $0xb8;
	[tilespmem:$0x1CC00] =	vst v63  }
0x5b: {  	_ = 	snop  }
0x5c: {  	[tilespmem:s26], [sflag:$0x2] =	stream.indirect.gather [hbm4b:s4+s17], $0x20, s25, s17, $0xb8;
	[tilespmem:$0x1CC00] =	vst v63  }
0x5d: {  	_ =	swait.ge [sflag:s28], $0x1000  }
0x5e: {  	[sflag:s28] =	ssyncset.done $0x0  }
0x5f: {  	[sflag:s28] =	ssyncadd.s32 $0xFFFFF000  }
0x60: {  	[spmem:s1] =	stream.indirect.scatter.add.bf16 [tilespmem:s18], [sflag:$0x5], $0x20, s29, s17, $0xb8;
	[tilespmem:$0x1CC00] =	vst v63  }
0x61: {  	s24 =	sadd.s32 $0xFFFFFFFF, s13;
	_ =	swait.ge [sflag:s28], $0x1000  }
0x62: {  	p0 =	sge.u32 s24, s6;
	[sflag:s28] =	ssyncset.done $0x0  }
0x63: {  	s3 =	simm.s32 @!p0 $0x18800;
	s0 =	rddreg [dreg:$0x4];
	[sflag:s28] =	ssyncadd.s32 $0xFFFFF000  }
0x64: {  	[spmem:s1] =	stream.indirect.scatter.add.bf16 [tilespmem:s20], [sflag:$0x5], $0x20, s30, s17, $0xb8;
	[tilespmem:$0x1CC00] =	vst v63  }
0x65: {  	s8 =	simm.s32 @!p0 $0x5;
	s12 =	simm.s32 @!p0 $0x0;
	s0 =	sadd.s32 @!p0 $0x0, s0  }
0x66: {  	[tilespmem:s3], [sflag:$0x3] =	stream.linear.gather @!p0 [hbm4b:s0+s12], $0x200, $0x38;
	[tilespmem:$0x1CC00] =	vst v63  }
0x67: {  	_ =	swait.ge @!p0 [sflag:s8], $0x1000  }
0x68: {  	[sflag:s8] =	ssyncset.done @!p0 $0x0  }
0x69: {  	[sflag:s8] =	ssyncadd.s32 @!p0 $0xFFFFF000  }
0x6a: {  	_ =	swait.ge @!p0 [sflag:s8], $0x1000  }
0x6b: {  	[sflag:s8] =	ssyncset.done @!p0 $0x0  }
0x6c: {  	s0 =	simm.s32 @!p0 $0x3;
	[sflag:s8] =	ssyncadd.s32 @!p0 $0xFFFFF000  }
0x6d: {  	_ =	swait.ge @!p0 [sflag:s0], $0x200  }
0x6e: {  	[sflag:s0] =	ssyncset.done @!p0 $0x0  }
0x6f: {  	s12 =	simm.s32 @!p0 $0x18C00;
	s8 =	simm.s32 @!p0 $0x80;
	[sflag:s0] =	ssyncadd.s32 @!p0 $0xFFFFFE00  }
0x70: {  	[tilespmem:s12], [sflag:$0x1] =	stream.indirect.gather @!p0 [hbm4b:s4+s8], $0x20, s3, s8, $0xb8;
	[tilespmem:$0x1CC00] =	vst v63  }
0x71: {  	s0 =	simm.s32 @!p0 $0x18880;
	s3 =	simm.s32 @!p0 $0x19C00  }
0x72: {  	[tilespmem:s3], [sflag:$0x1] =	stream.indirect.gather @!p0 [hbm4b:s4+s8], $0x20, s0, s8, $0xb8;
	[tilespmem:$0x1CC00] =	vst v63  }
0x73: {  	_ =	swait.ge [sflag:s2], $0x1000  }
0x74: {  	[sflag:s2] =	ssyncset.done $0x0  }
0x75: {  	p1 =	sge.u32 s13, s6;
	[sflag:s2] =	ssyncadd.s32 $0xFFFFF000  }
0x76: {  	[spmem:s1] =	stream.indirect.scatter.add.bf16 [tilespmem:s23], [sflag:$0x6], $0x20, s5, s17, $0xb8;
	[tilespmem:$0x1CC00] =	vst v63  }
0x77: {  	s19 =	sadd.s32 $0x2, s13;
	s12 =	simm.s32 $0x80;
	_ =	swait.ge [sflag:s2], $0x1000  }
0x78: {  	s0 =	simm.s32 @!p1 $0x0;
	s3 =	simm.s32 @!p1 $0x18A00;
	[sflag:s2] =	ssyncset.done $0x0  }
0x79: {  	s8 =	simm.s32 $0x0;
	s24 =	rddreg [dreg:$0x3];
	[sflag:s2] =	ssyncadd.s32 $0xFFFFF000  }
.LBB2_2:
0x7a: {  	[spmem:s1] =	stream.indirect.scatter.add.bf16 [tilespmem:s26], [sflag:$0x6], $0x20, s9, s17, $0xb8;
	[tilespmem:$0x1CC00] =	vst v63  }
0x7b: {  	s24 =	sadd.s32 @!p1 s8, s24  }
0x7c: {  	[tilespmem:s3], [sflag:$0x4] =	stream.linear.gather @!p1 [hbm4b:s24+s0], $0x200, $0x38;
	[tilespmem:$0x1CC00] =	vst v63  }
0x7d: {  	_ =	swait.ge [sflag:s10], $0x1000  }
0x7e: {  	[sflag:s10] =	ssyncset.done $0x0  }
0x7f: {  	[sflag:s10] =	ssyncadd.s32 $0xFFFFF000  }
0x80: {  	_ =	swait.ge [sflag:s10], $0x1000  }
0x81: {  	[sflag:s10] =	ssyncset.done $0x0  }
0x82: {  	[sflag:s10] =	ssyncadd.s32 $0xFFFFF000  }
0x83: {  	_ =	swait.ge [sflag:s22], $0x200  }
0x84: {  	[sflag:s22] =	ssyncset.done $0x0  }
0x85: {  	[sflag:s22] =	ssyncadd.s32 $0xFFFFFE00  }
0x86: {  	[tilespmem:s23], [sflag:$0x2] =	stream.indirect.gather [hbm4b:s4+s17], $0x20, s21, s17, $0xb8;
	[tilespmem:$0x1CC00] =	vst v63  }
0x87: {  	_ = 	snop  }
0x88: {  	[tilespmem:s26], [sflag:$0x2] =	stream.indirect.gather [hbm4b:s4+s17], $0x20, s25, s17, $0xb8;
	[tilespmem:$0x1CC00] =	vst v63  }
0x89: {  	_ =	swait.ge [sflag:s28], $0x1000  }
0x8a: {  	[sflag:s28] =	ssyncset.done $0x0  }
0x8b: {  	[sflag:s28] =	ssyncadd.s32 $0xFFFFF000  }
0x8c: {  	[spmem:s1] =	stream.indirect.scatter.add.bf16 [tilespmem:s18], [sflag:$0x5], $0x20, s29, s17, $0xb8;
	[tilespmem:$0x1CC00] =	vst v63  }
0x8d: {  	s16 =	sadd.s32 $0xFFFFFFFF, s19;
	_ =	swait.ge [sflag:s28], $0x1000  }
0x8e: {  	s8 =	smov.u32 s12;
	p1 =	sge.u32 s16, s6;
	[sflag:s28] =	ssyncset.done $0x0  }
0x8f: {  	s3 =	simm.s32 @!p1 $0x18800;
	s0 =	rddreg [dreg:$0x4];
	[sflag:s28] =	ssyncadd.s32 $0xFFFFF000  }
0x90: {  	[spmem:s1] =	stream.indirect.scatter.add.bf16 [tilespmem:s20], [sflag:$0x5], $0x20, s30, s17, $0xb8;
	[tilespmem:$0x1CC00] =	vst v63  }
0x91: {  	s7 =	simm.s32 @!p1 $0x5;
	s16 =	simm.s32 @!p1 $0x0;
	s0 =	sadd.s32 @!p1 s8, s0  }
0x92: {  	[tilespmem:s3], [sflag:$0x3] =	stream.linear.gather @!p1 [hbm4b:s0+s16], $0x200, $0x38;
	[tilespmem:$0x1CC00] =	vst v63  }
0x93: {  	_ =	swait.ge @!p1 [sflag:s7], $0x1000  }
0x94: {  	[sflag:s7] =	ssyncset.done @!p1 $0x0  }
0x95: {  	[sflag:s7] =	ssyncadd.s32 @!p1 $0xFFFFF000  }
0x96: {  	_ =	swait.ge @!p1 [sflag:s7], $0x1000  }
0x97: {  	[sflag:s7] =	ssyncset.done @!p1 $0x0  }
0x98: {  	s0 =	simm.s32 @!p1 $0x3;
	[sflag:s7] =	ssyncadd.s32 @!p1 $0xFFFFF000  }
0x99: {  	_ =	swait.ge @!p1 [sflag:s0], $0x200  }
0x9a: {  	[sflag:s0] =	ssyncset.done @!p1 $0x0  }
0x9b: {  	s16 =	simm.s32 @!p1 $0x18C00;
	s7 =	simm.s32 @!p1 $0x80;
	[sflag:s0] =	ssyncadd.s32 @!p1 $0xFFFFFE00  }
0x9c: {  	[tilespmem:s16], [sflag:$0x1] =	stream.indirect.gather @!p1 [hbm4b:s4+s7], $0x20, s3, s7, $0xb8;
	[tilespmem:$0x1CC00] =	vst v63  }
0x9d: {  	s14 =	simm.s32 @!p1 $0x19C00;
	s0 =	simm.s32 @!p1 $0x18880  }
0x9e: {  	[tilespmem:s14], [sflag:$0x1] =	stream.indirect.gather @!p1 [hbm4b:s4+s7], $0x20, s0, s7, $0xb8;
	[tilespmem:$0x1CC00] =	vst v63  }
0x9f: {  	s12 =	sadd.s32 $0x80, s12;
	_ =	swait.ge [sflag:s2], $0x1000  }
0xa0: {  	p0 =	sne.s32 s12, $0x1880;
	[sflag:s2] =	ssyncset.done $0x0  }
.Ltmp0:
0xa1: {  	s24 =	smov.u32 s19;
	[sflag:s2] =	ssyncadd.s32 $0xFFFFF000;
	(pc) =	sbr.rel @p0 .LBB2_2-.Ltmp0, $4  }
0xa2: {  	[spmem:s1] =	stream.indirect.scatter.add.bf16 [tilespmem:s23], [sflag:$0x6], $0x20, s5, s17, $0xb8;
	[tilespmem:$0x1CC00] =	vst v63  }
0xa3: {  	p1 =	sge.u32 s24, s6;
	_ =	swait.ge [sflag:s2], $0x1000  }
0xa4: {  	s19 =	sadd.s32 $0x2, s19;
	s0 =	simm.s32 @!p1 $0x0;
	[sflag:s2] =	ssyncset.done $0x0  }
0xa5: {  	s3 =	simm.s32 @!p1 $0x18A00;
	s24 =	rddreg [dreg:$0x3];
	[sflag:s2] =	ssyncadd.s32 $0xFFFFF000  }
0xa6: {  	[spmem:s1] =	stream.indirect.scatter.add.bf16 [tilespmem:s26], [sflag:$0x6], $0x20, s9, s17, $0xb8;
	[tilespmem:$0x1CC00] =	vst v63  }
0xa7: {  	s7 =	sadd.s32 @!p1 s8, s24  }
0xa8: {  	[tilespmem:s3], [sflag:$0x4] =	stream.linear.gather @!p1 [hbm4b:s7+s0], $0x200, $0x38;
	[tilespmem:$0x1CC00] =	vst v63  }
0xa9: {  	_ =	swait.ge [sflag:s31], $0x1000  }
0xaa: {  	[sflag:s31] =	ssyncset.done $0x0  }
0xab: {  	[sflag:s31] =	ssyncadd.s32 $0xFFFFF000  }
0xac: {  	_ =	swait.ge [sflag:s31], $0x1000  }
0xad: {  	[sflag:s31] =	ssyncset.done $0x0  }
0xae: {  	[sflag:s31] =	ssyncadd.s32 $0xFFFFF000  }
0xaf: {  	_ =	swait.ge [sflag:s10], $0x1000  }
0xb0: {  	[sflag:s10] =	ssyncset.done $0x0  }
0xb1: {  	[sflag:s10] =	ssyncadd.s32 $0xFFFFF000  }
0xb2: {  	_ =	swait.ge [sflag:s10], $0x1000  }
0xb3: {  	[sflag:s10] =	ssyncset.done $0x0  }
0xb4: {  	[sflag:s10] =	ssyncadd.s32 $0xFFFFF000  }
0xb5: {  	[bflag:$0x0] =	sbarrier.arrive $0xFFFF  }
0xb6: {  	s7 =	rddreg [dreg:$0x6]  }
0xb7: {  	s8 =	rddreg [dreg:$0xc]  }
0xb8: {  	s19 =	rddreg [dreg:$0xd]  }
0xb9: {  	[hbm:s19], [sflag:s7] =	dma.local [spmem:s8], $0x3100  }
0xba: {  	_ =	swait.ge [sflag:s15], $0x3100  }
0xbb: {  	s11 =	sadd.s32 $0x1, s11;
	s24 =	rddreg [dreg:$0x9]  }
0xbc: {  	p0 =	sne.s32 s11, s24  }
.Ltmp1:
0xbd: {  	_ = 	snop;
	(pc) =	sbr.rel @p0 .LBB2_1-.Ltmp1, $3  }
0xbe: {  	_ =	sdelay $0x1  }
0xbf: {  	[sflag:s15] =	ssyncset.done $0x0  }
0xc0: {  	[sflag:s15] =	ssyncadd.s32 $0xFFFFCF00  }
0xc1: {  	_ =	sfence.sel $0x180000  }
0xc2: {  	[bflag:$0x0] =	sbarrier.arrive $0xFFFF  }
0xc3: {  	_ =	strace $0x90000047  }
0xc4: {  	s0 =	stileid.u32;
	[bflag:$0x2] =	sbarrier.arrive $0xFFFF  }
0xc5: {  	p0 =	sne.s32 s0, $0x0;
	s0 =	rddreg [dreg:$0x2]  }
0xc6: {  	s0 =	sadd.s32 @!p0 $0x100000, s0  }
0xc7: {  	[sflag:s0] =	ssyncadd.tile.s32 @!p0 $0x1;
	_ =	shalt  }
.Lfunc_end2:
_tile_overlayer_lowered:
.L_overlay_start_2:
0xc8: {  	(tag) =	ssettag $0x2  }
0xc9: {  	s0 =	rddreg [dreg:$0x0];
	s2 =	stileid.u32  }
0xca: {  	s1 =	rddreg [dreg:$0x1];
	p0 =	sne.s32 s2, $0x0  }
0xcb: {  	s3 =	rddreg [dreg:$0x2];
	[bflag:$0x3] =	sbarrier.arrive $0xFFFF;
	s2 =	simm.s32 @!p0 $0x1C07  }
0xcc: {  	[timem:s3], [sflag:s2] =	dma.local @!p0 [hbm:s0], s1  }
0xcd: {  	s0 =	simm.s32 @!p0 $0x7  }
0xce: {  	_ =	swait.ge @!p0 [sflag:s0], s1  }
0xcf: {  	s1 =	ssub.s32 @!p0 $0x0, s1;
	[sflag:s0] =	ssyncset.done @!p0 $0x0  }
0xd0: {  	[sflag:s0] =	ssyncadd.s32 @!p0 s1  }
0xd1: {  	[bflag:$0x3] =	sbarrier.arrive $0xFFFF  }
0xd2: {  	_ =	shalt  }

</sc_bundles>
